<compile_context>
chip_gen: v7x
topology: tpu7x:2x2x1
jax: 0.10.2.dev20260603
libtpu: 0.0.44.dev20260713+nightly
codegen_flags: <defaults>
</compile_context>

<pallas_src>
import jax
import jax.numpy as jnp
from jax import lax
from jax.experimental import pallas as pl
from jax.experimental.pallas import tpu as pltpu
from jax.experimental.pallas import tpu_sc as plsc

ND = 4
DC = 128
TB = 128
TW = 136

_DNUMS = lax.GatherDimensionNumbers(
    offset_dims=(), collapsed_slice_dims=(0,), start_index_map=(0,))


def _bcast(vec, j):
    jf = jnp.full((16,), j, jnp.int32)
    return lax.gather(vec, jf[:, None], _DNUMS, (1,),
                      mode=lax.GatherScatterMode.PROMISE_IN_BOUNDS)


def _body(num_chunks, num_t, step, cx, bp, olv, out, bp_v, idx_v, val_v,
          ol_v, tbl0, tbl1, out0, out1, isem0, isem1, osem0, osem1):
    cid = lax.axis_index("c")
    sid = lax.axis_index("s")
    wid = sid * 2 + cid
    b = wid // ND
    dc = wid % ND
    iota = lax.iota(jnp.int32, 16)
    tbls = (tbl0, tbl1)
    outs = (out0, out1)
    isems = (isem0, isem1)
    osems = (osem0, osem1)
    nblk = num_t // TB

    pltpu.async_copy(cx.at[b, pl.ds(0, TW), pl.ds(dc * DC, DC)],
                     tbl0.at[pl.ds(0, TW), :], isem0)
    pltpu.sync_copy(bp.at[b], bp_v)
    pltpu.sync_copy(olv, ol_v)
    ol_vec = ol_v[...]

    def pass1(g, carry):
        a = bp_v[pl.ds(g * 16, 16)]
        mb = a > 0.5
        m = mb.astype(jnp.int32)
        cs = plsc.cumsum(m) + carry
        idx_v[pl.ds(g * 16, 16)] = cs - 1
        return carry + plsc.all_reduce_population_count(mb)

    total_v = lax.fori_loop(0, num_t // 16, pass1,
                            jnp.zeros((16,), jnp.int32))
    no_bound = total_v < 1

    def pass2(g, _):
        t0 = g * 16
        tvec = iota + t0
        ib = idx_v[pl.ds(t0, 16)]
        ieven = jnp.minimum(tvec // step, num_chunks - 1)
        valb = (ib >= 0) & (ib < num_chunks)
        idxf = jnp.where(no_bound, ieven,
                         jnp.clip(ib, 0, num_chunks - 1))
        valf = (no_bound | valb) & (tvec < ol_vec)
        idx_v[pl.ds(t0, 16)] = idxf
        val_v[pl.ds(t0, 16)] = valf.astype(jnp.int32)
        return 0

    lax.fori_loop(0, num_t // 16, pass2, 0)

    zero = jnp.zeros((16,), jnp.float32)
    for k in range(8):
        tbl0[TW, pl.ds(k * 16, 16)] = zero
        tbl1[TW, pl.ds(k * 16, 16)] = zero

    dbase = dc * DC

    def rbase_of(blk):
        head = idx_v[pl.ds(blk * TB, 16)]
        return jnp.minimum((jnp.min(head) // 8) * 8, num_chunks - TW)

    def in_src(rbase):
        return cx.at[b, pl.ds(rbase, TW), pl.ds(dbase, DC)]

    def ema_block(t0, rbase, tbl, outb, s):
        def group_body(g, s):
            tg = t0 + g * 16
            tvec = iota + tg
            ib = idx_v[pl.ds(tg, 16)]
            vb = val_v[pl.ds(tg, 16)]
            ab = bp_v[pl.ds(tg, 16)]
            ab = jnp.where(tvec == 0, jnp.float32(1.0), ab)
            loc = jnp.where(vb > 0, ib - rbase, jnp.int32(TW))
            row = g * 16
            for sg in range(4):
                ev = []
                for j in range(sg * 4, sg * 4 + 4):
                    rb = _bcast(loc, j)
                    ev.append([plsc.load_gather(tbl, [rb, iota + k * 16])
                               for k in range(8)])
                for jj, j in enumerate(range(sg * 4, sg * 4 + 4)):
                    aj = _bcast(ab, j)
                    snew = []
                    for k in range(8):
                        sk = s[k] + aj * (ev[jj][k] - s[k])
                        outb[row + j, pl.ds(k * 16, 16)] = sk
                        snew.append(sk)
                    s = tuple(snew)
            return s

        return lax.fori_loop(0, TB // 16, group_body, s)

    def pair_body(p, s):
        for par in range(2):
            blk = 2 * p + par
            t0 = blk * TB

            @pl.when(blk < nblk - 1)
            def _():
                nrb = rbase_of(blk + 1)
                pltpu.async_copy(in_src(nrb),
                                 tbls[par ^ 1].at[pl.ds(0, TW), :],
                                 isems[par ^ 1])

            rbase = rbase_of(blk)
            pltpu.make_async_copy(in_src(rbase),
                                  tbls[par].at[pl.ds(0, TW), :],
                                  isems[par]).wait()

            @pl.when(blk >= 2)
            def _():
                pltpu.make_async_copy(
                    outs[par], out.at[b, pl.ds(t0, TB), pl.ds(dbase, DC)],
                    osems[par]).wait()

            s = ema_block(t0, rbase, tbls[par], outs[par], s)

            pltpu.async_copy(outs[par],
                             out.at[b, pl.ds(t0, TB), pl.ds(dbase, DC)],
                             osems[par])
        return s

    s0 = tuple(jnp.zeros((16,), jnp.float32) for _ in range(8))
    lax.fori_loop(0, nblk // 2, pair_body, s0)

    for par in range(2):
        t0 = (nblk - 2 + par) * TB
        pltpu.make_async_copy(
            outs[par], out.at[b, pl.ds(t0, TB), pl.ds(dbase, DC)],
            osems[par]).wait()


def kernel(compressed_x, boundary_probs, original_length):
    nb, num_chunks, d = compressed_x.shape
    num_t = boundary_probs.shape[1]
    step = max(num_t // num_chunks, 1)
    olv = jnp.full((16,), original_length, jnp.int32)
    mesh = plsc.VectorSubcoreMesh(core_axis_name="c", subcore_axis_name="s")
    body = lambda *refs: _body(num_chunks, num_t, step, *refs)
    out = pl.kernel(
        body,
        out_type=jax.ShapeDtypeStruct((nb, num_t, d), jnp.float32),
        mesh=mesh,
        compiler_params=pltpu.CompilerParams(needs_layout_passes=False),
        scratch_types=[
            pltpu.VMEM((num_t,), jnp.float32),
            pltpu.VMEM((num_t,), jnp.int32),
            pltpu.VMEM((num_t,), jnp.int32),
            pltpu.VMEM((16,), jnp.int32),
            pltpu.VMEM((TW + 1, DC), jnp.float32),
            pltpu.VMEM((TW + 1, DC), jnp.float32),
            pltpu.VMEM((TB, DC), jnp.float32),
            pltpu.VMEM((TB, DC), jnp.float32),
            pltpu.SemaphoreType.DMA,
            pltpu.SemaphoreType.DMA,
            pltpu.SemaphoreType.DMA,
            pltpu.SemaphoreType.DMA,
        ],
    )(compressed_x, boundary_probs, olv)
    return out

# --- scband reference (transcript-rebuilt; emitter-appended) ---
"""Pipeline reference for scband-smoothing-layer-2293512536845 (READ-ONLY COPY).

The authoritative reference and input builder live on the scoring server;
editing this copy changes nothing except your own understanding.
"""

import jax, jax.numpy as jnp
import numpy as np


def setup_inputs(seed: int = 0) -> dict:
    key = jax.random.key(seed)
    k1, k2 = jax.random.split(key)
    compressed_x = jax.random.normal(k1, (8, 1024, 512), dtype=jnp.float32)
    boundary_probs = jax.random.uniform(k2, (8, 2048), dtype=jnp.float32)
    return {
        "compressed_x": compressed_x,
        "boundary_probs": boundary_probs,
        "original_length": 2048,
    }


def _expand(compressed_x, boundary_probs, original_length):
    B, num_chunks, d = compressed_x.shape
    L = boundary_probs.shape[1]
    mask = boundary_probs > 0.5  # (B, L)
    # chunk index for each position in the boundary-driven case:
    # number of boundaries at positions <= t, minus 1 (positions before the
    # first boundary get -1 -> left as zeros, matching the torch loop).
    cum = jnp.cumsum(mask.astype(jnp.int32), axis=1)
    idx_boundary = cum - 1  # (B, L)
    # fallback even chunking when a row has no boundaries
    t = jnp.arange(L)
    step = L // num_chunks
    idx_even = t // max(step, 1)  # (L,)
    has_boundary = jnp.any(mask, axis=1, keepdims=True)  # (B, 1)
    idx = jnp.where(has_boundary, idx_boundary, idx_even[None, :])  # (B, L)
    # positions with idx < 0 (before first boundary) or idx >= num_chunks
    # (torch loop stops assigning once chunk_idx hits num_chunks) stay zero
    valid = (idx >= 0) & (idx < num_chunks) & (t[None, :] < original_length)
    idx_c = jnp.clip(idx, 0, num_chunks - 1)
    idx_full = jnp.broadcast_to(idx_c[:, :, None], (B, L, d))
    gathered = jnp.take_along_axis(compressed_x, idx_full, axis=1)  # (B, L, d)
    expanded = jnp.where(valid[:, :, None], gathered, jnp.zeros((), gathered.dtype))
    return expanded


def reference(compressed_x, boundary_probs, original_length):
    expanded = _expand(compressed_x, boundary_probs, original_length)  # (B, L, d)
    # causal exponential smoothing:
    # smoothed[0] = expanded[0]
    # smoothed[t] = alpha_t * expanded[t] + (1 - alpha_t) * smoothed[t-1]
    init = expanded[:, 0, :]  # (B, d)
    es = jnp.swapaxes(expanded[:, 1:, :], 0, 1)  # (L-1, B, d)
    als = jnp.swapaxes(boundary_probs[:, 1:], 0, 1)  # (L-1, B)

    def scan_fn(carry, inp):
        e_t, a_t = inp
        a = a_t[:, None]
        s = a * e_t + (1.0 - a) * carry
        return s, s

    _, ys = jax.lax.scan(scan_fn, init, (es, als))  # (L-1, B, d)
    smoothed = jnp.concatenate([init[:, None, :], jnp.swapaxes(ys, 0, 1)], axis=1)
    return smoothed

if __name__ == "__main__":
    import jax
    _d = setup_inputs()
    print(jax.jit(kernel)(*tuple(_d.values())))

</pallas_src>

<mosaic_0001>
#map = affine_map<(d0, d1) -> (0, 0, 0)>
#map1 = affine_map<(d0, d1) -> (0, 0)>
#map2 = affine_map<(d0, d1) -> (0)>
module attributes {stable_mosaic.version = 14 : i64} {
  func.func @_lambda_(%arg0: i32, %arg1: i32, %arg2: memref<8x1024x512xf32, #tpu.memory_space<hbm>>, %arg3: memref<8x2048xf32, #tpu.memory_space<hbm>>, %arg4: memref<16xi32, #tpu.memory_space<hbm>>, %arg5: memref<8x2048x512xf32, #tpu.memory_space<hbm>>, %arg6: memref<2048xf32, #tpu.memory_space<vmem>>, %arg7: memref<2048xi32, #tpu.memory_space<vmem>>, %arg8: memref<2048xi32, #tpu.memory_space<vmem>>, %arg9: memref<16xi32, #tpu.memory_space<vmem>>, %arg10: memref<137x128xf32, #tpu.memory_space<vmem>>, %arg11: memref<137x128xf32, #tpu.memory_space<vmem>>, %arg12: memref<128x128xf32, #tpu.memory_space<vmem>>, %arg13: memref<128x128xf32, #tpu.memory_space<vmem>>, %arg14: memref<!tpu.dma_semaphore, #tpu.memory_space<semaphore_mem>>, %arg15: memref<!tpu.dma_semaphore, #tpu.memory_space<semaphore_mem>>, %arg16: memref<!tpu.dma_semaphore, #tpu.memory_space<semaphore_mem>>, %arg17: memref<!tpu.dma_semaphore, #tpu.memory_space<semaphore_mem>>) attributes {dimension_semantics = [#tpu.dimension_semantics<core_parallel>, #tpu.dimension_semantics<subcore_parallel>], iteration_bounds = array<i64: 2, 16>, scalar_prefetch = 0 : i64, scratch_operands = 12 : i64, tpu.core_type = #tpu.core_type<sc_vector_subcore>, window_params = [{transform_indices = #map}, {transform_indices = #map1}, {transform_indices = #map2}, {transform_indices = #map}]} {
    %mul3A = arith.constant 2 : i32
    %mul3A_0 = arith.muli %arg1, %mul3A : i32
    %add3A = arith.addi %mul3A_0, %arg0 : i32
    %jit3A = arith.constant 4 : i32
    %div3A = arith.divsi %add3A, %jit3A : i32
    %sign3A = arith.constant 0 : i32
    %sign3A_1 = arith.cmpi sgt, %add3A, %sign3A : i32
    %sign3A_2 = arith.extui %sign3A_1 : i1 to i32
    %sign3A_3 = arith.constant 0 : i32
    %sign3A_4 = arith.cmpi slt, %add3A, %sign3A_3 : i32
    %sign3A_5 = arith.extui %sign3A_4 : i1 to i32
    %sign3A_6 = arith.subi %sign3A_2, %sign3A_5 : i32
    %sign3A_7 = arith.constant 0 : i32
    %sign3A_8 = arith.cmpi sgt, %jit3A, %sign3A_7 : i32
    %sign3A_9 = arith.extui %sign3A_8 : i1 to i32
    %sign3A_10 = arith.constant 0 : i32
    %sign3A_11 = arith.cmpi slt, %jit3A, %sign3A_10 : i32
    %sign3A_12 = arith.extui %sign3A_11 : i1 to i32
    %sign3A_13 = arith.subi %sign3A_9, %sign3A_12 : i32
    %ne3A = arith.cmpi ne, %sign3A_6, %sign3A_13 : i32
    %rem3A = arith.remsi %add3A, %jit3A : i32
    %ne3A_14 = arith.constant 0 : i32
    %ne3A_15 = arith.cmpi ne, %rem3A, %ne3A_14 : i32
    %and3A = arith.andi %ne3A, %ne3A_15 : i1
    %sub3A = arith.constant 1 : i32
    %sub3A_16 = arith.subi %div3A, %sub3A : i32
    %select_n3A = arith.select %and3A, %sub3A_16, %div3A : i32
    %jit3A_17 = arith.constant 4 : i32
    %eq3A = arith.constant 0 : i32
    %eq3A_18 = arith.cmpi eq, %jit3A_17, %eq3A : i32
    %jit3A_19 = arith.constant 1 : i32
    %select_n3A_20 = arith.select %eq3A_18, %jit3A_19, %jit3A_17 : i32
    %rem3A_21 = arith.remsi %add3A, %select_n3A_20 : i32
    %ne3A_22 = arith.constant 0 : i32
    %ne3A_23 = arith.cmpi ne, %rem3A_21, %ne3A_22 : i32
    %lt3A = arith.constant 0 : i32
    %lt3A_24 = arith.cmpi slt, %rem3A_21, %lt3A : i32
    %lt3A_25 = arith.constant 0 : i32
    %lt3A_26 = arith.cmpi slt, %select_n3A_20, %lt3A_25 : i32
    %ne3A_27 = arith.xori %lt3A_24, %lt3A_26 : i1
    %and3A_28 = arith.andi %ne3A_27, %ne3A_23 : i1
    %add3A_29 = arith.addi %rem3A_21, %select_n3A_20 : i32
    %select_n3A_30 = arith.select %and3A_28, %add3A_29, %rem3A_21 : i32
    %iota3A = tpu.iota {dimensions = array<i32: 0>} : vector<16xi32>
    %mul3A_31 = arith.constant 128 : i32
    %mul3A_32 = arith.muli %select_n3A_30, %mul3A_31 : i32
    %dma_start3A = arith.constant 0 : i32
    %dma_start3A_33 = arith.constant 0 : i32
    %dma_start3A_34 = tpu.memref_slice %arg10[%dma_start3A, %dma_start3A_33] : memref<137x128xf32, #tpu.memory_space<vmem>> -> memref<136x128xf32, #tpu.memory_space<vmem>>
    %dma_start3A_35 = arith.constant 0 : i32
    %dma_start3A_36 = tpu.memref_slice %arg2[%select_n3A, %dma_start3A_35, %mul3A_32] : memref<8x1024x512xf32, #tpu.memory_space<hbm>> -> memref<1x136x128xf32, #tpu.memory_space<hbm>>
    %dma_start3A_37 = tpu.memref_squeeze %dma_start3A_36 : memref<1x136x128xf32, #tpu.memory_space<hbm>> -> memref<136x128xf32, #tpu.memory_space<hbm>>
    %dma_start3A_38 = arith.constant 0 : i32
    %dma_start3A_39 = arith.constant 0 : i32
    %dma_start3A_40 = tpu.memref_slice %arg10[%dma_start3A_38, %dma_start3A_39] : memref<137x128xf32, #tpu.memory_space<vmem>> -> memref<136x128xf32, #tpu.memory_space<vmem>>
    %dma_start3A_41 = arith.constant 0 : i32
    %dma_start3A_42 = tpu.memref_slice %arg2[%select_n3A, %dma_start3A_41, %mul3A_32] : memref<8x1024x512xf32, #tpu.memory_space<hbm>> -> memref<1x136x128xf32, #tpu.memory_space<hbm>>
    %dma_start3A_43 = tpu.memref_squeeze %dma_start3A_42 : memref<1x136x128xf32, #tpu.memory_space<hbm>> -> memref<136x128xf32, #tpu.memory_space<hbm>>
    tpu.enqueue_dma source(%dma_start3A_43 : memref<136x128xf32, #tpu.memory_space<hbm>>) target(%dma_start3A_40 : memref<136x128xf32, #tpu.memory_space<vmem>>) target_semaphore(%arg14 : memref<!tpu.dma_semaphore, #tpu.memory_space<semaphore_mem>>)
    "tpu.region"() ({
      %run_scoped3A = tpu.sem_alloc : memref<!tpu.dma_semaphore, #tpu.memory_space<semaphore_mem>>
      %dma_start3A_161 = arith.constant 0 : i32
      %dma_start3A_162 = tpu.memref_slice %arg3[%select_n3A, %dma_start3A_161] : memref<8x2048xf32, #tpu.memory_space<hbm>> -> memref<1x2048xf32, #tpu.memory_space<hbm>>
      %dma_start3A_163 = tpu.memref_squeeze %dma_start3A_162 : memref<1x2048xf32, #tpu.memory_space<hbm>> -> memref<2048xf32, #tpu.memory_space<hbm>>
      %dma_start3A_164 = arith.constant 0 : i32
      %dma_start3A_165 = tpu.memref_slice %arg3[%select_n3A, %dma_start3A_164] : memref<8x2048xf32, #tpu.memory_space<hbm>> -> memref<1x2048xf32, #tpu.memory_space<hbm>>
      %dma_start3A_166 = tpu.memref_squeeze %dma_start3A_165 : memref<1x2048xf32, #tpu.memory_space<hbm>> -> memref<2048xf32, #tpu.memory_space<hbm>>
      tpu.enqueue_dma source(%dma_start3A_166 : memref<2048xf32, #tpu.memory_space<hbm>>) target(%arg6 : memref<2048xf32, #tpu.memory_space<vmem>>) target_semaphore(%run_scoped3A : memref<!tpu.dma_semaphore, #tpu.memory_space<semaphore_mem>>)
      %dma_wait3A_167 = arith.constant 0 : i32
      %dma_wait3A_168 = tpu.memref_slice %arg3[%select_n3A, %dma_wait3A_167] : memref<8x2048xf32, #tpu.memory_space<hbm>> -> memref<1x2048xf32, #tpu.memory_space<hbm>>
      %dma_wait3A_169 = tpu.memref_squeeze %dma_wait3A_168 : memref<1x2048xf32, #tpu.memory_space<hbm>> -> memref<2048xf32, #tpu.memory_space<hbm>>
      %dma_wait3A_170 = arith.constant 0 : i32
      %dma_wait3A_171 = tpu.memref_slice %arg3[%select_n3A, %dma_wait3A_170] : memref<8x2048xf32, #tpu.memory_space<hbm>> -> memref<1x2048xf32, #tpu.memory_space<hbm>>
      %dma_wait3A_172 = tpu.memref_squeeze %dma_wait3A_171 : memref<1x2048xf32, #tpu.memory_space<hbm>> -> memref<2048xf32, #tpu.memory_space<hbm>>
      tpu.wait_dma2 semaphore(%run_scoped3A : memref<!tpu.dma_semaphore, #tpu.memory_space<semaphore_mem>>) src(%dma_wait3A_172 : memref<2048xf32, #tpu.memory_space<hbm>>) dst(%arg6 : memref<2048xf32, #tpu.memory_space<vmem>>)
      tpu.yield
    }) : () -> ()
    "tpu.region"() ({
      %run_scoped3A = tpu.sem_alloc : memref<!tpu.dma_semaphore, #tpu.memory_space<semaphore_mem>>
      tpu.enqueue_dma source(%arg4 : memref<16xi32, #tpu.memory_space<hbm>>) target(%arg9 : memref<16xi32, #tpu.memory_space<vmem>>) target_semaphore(%run_scoped3A : memref<!tpu.dma_semaphore, #tpu.memory_space<semaphore_mem>>)
      tpu.wait_dma2 semaphore(%run_scoped3A : memref<!tpu.dma_semaphore, #tpu.memory_space<semaphore_mem>>) src(%arg4 : memref<16xi32, #tpu.memory_space<hbm>>) dst(%arg9 : memref<16xi32, #tpu.memory_space<vmem>>)
      tpu.yield
    }) : () -> ()
    %get3A = arith.constant 0 : index
    %get3A_44 = tpu.vector_load %arg9[%get3A] {strides = array<i32>} : memref<16xi32, #tpu.memory_space<vmem>>, vector<16xi32>,
    %broadcast_in_dim3A = arith.constant 0 : i32
    %broadcast_in_dim3A_45 = vector.broadcast %broadcast_in_dim3A : i32 to vector<16xi32>
    %scan3A = arith.constant 0 : i32
    %scan3A_46 = arith.constant 128 : i32
    %scan3A_47 = arith.addi %scan3A, %scan3A_46 : i32
    %scan3A_48 = arith.constant 1 : i32
    %scan3A_49 = scf.for %scan3A_161 = %scan3A to %scan3A_47 step %scan3A_48 iter_args(%scan3A_162 = %broadcast_in_dim3A_45) -> (vector<16xi32>)  : i32 {
      %mul3A_163 = arith.constant 16 : i32
      %mul3A_164 = arith.muli %scan3A_161, %mul3A_163 : i32
      %get3A_165 = arith.index_cast %mul3A_164 : i32 to index
      %get3A_166 = tpu.vector_load %arg6[%get3A_165] {strides = array<i32>} : memref<2048xf32, #tpu.memory_space<vmem>>, vector<16xf32>,
      %gt3A = arith.constant 5.000000e-01 : f32
      %gt3A_167 = vector.broadcast %gt3A : f32 to vector<16xf32>
      %gt3A_168 = arith.cmpf ogt, %get3A_166, %gt3A_167 : vector<16xf32>
      %convert_element_type3A = arith.extui %gt3A_168 : vector<16xi1> to vector<16xi32>
      %broadcast_in_dim3A_169 = arith.constant true
      %broadcast_in_dim3A_170 = vector.broadcast %broadcast_in_dim3A_169 : i1 to vector<16xi1>
      %masked_cumsum3A = tpu.scan <sum>, %convert_element_type3A masked %broadcast_in_dim3A_170 : vector<16xi32>, vector<16xi1> -> vector<16xi32>
      %add3A_171 = arith.addi %masked_cumsum3A, %scan3A_162 : vector<16xi32>
      %sub3A_172 = arith.constant 1 : i32
      %sub3A_173 = vector.broadcast %sub3A_172 : i32 to vector<16xi32>
      %sub3A_174 = arith.subi %add3A_171, %sub3A_173 : vector<16xi32>
      %mul3A_175 = arith.constant 16 : i32
      %mul3A_176 = arith.muli %scan3A_161, %mul3A_175 : i32
      %swap3A_177 = arith.index_cast %mul3A_176 : i32 to index
      %swap3A_178 = tpu.vector_load %arg7[%swap3A_177] {strides = array<i32>} : memref<2048xi32, #tpu.memory_space<vmem>>, vector<16xi32>,
      tpu.vector_store %arg7[%swap3A_177], %sub3A_174 {strides = array<i32>} : memref<2048xi32, #tpu.memory_space<vmem>>, vector<16xi32>,
      %all_reduce_population_count3A = tpu.all_reduce %gt3A_168 {dim = 0 : i64, kind = #tpu.reduction_kind<sum>} : vector<16xi1> -> vector<16xi32>
      %add3A_179 = arith.addi %scan3A_162, %all_reduce_population_count3A : vector<16xi32>
      scf.yield %add3A_179 : vector<16xi32>
    }
    %scan3A_50 = arith.constant 128 : i32
    %lt3A_51 = arith.constant 1 : i32
    %lt3A_52 = vector.broadcast %lt3A_51 : i32 to vector<16xi32>
    %lt3A_53 = arith.cmpi slt, %scan3A_49, %lt3A_52 : vector<16xi32>
    %scan3A_54 = arith.constant 0 : i32
    %scan3A_55 = arith.constant 0 : i32
    %scan3A_56 = arith.constant 128 : i32
    %scan3A_57 = arith.addi %scan3A_55, %scan3A_56 : i32
    %scan3A_58 = arith.constant 1 : i32
    %scan3A_59 = scf.for %scan3A_161 = %scan3A_55 to %scan3A_57 step %scan3A_58 iter_args(%scan3A_162 = %scan3A_54) -> (i32)  : i32 {
      %mul3A_163 = arith.constant 16 : i32
      %mul3A_164 = arith.muli %scan3A_161, %mul3A_163 : i32
      %add3A_165 = vector.broadcast %mul3A_164 : i32 to vector<16xi32>
      %add3A_166 = arith.addi %iota3A, %add3A_165 : vector<16xi32>
      %get3A_167 = arith.index_cast %mul3A_164 : i32 to index
      %get3A_168 = tpu.vector_load %arg7[%get3A_167] {strides = array<i32>} : memref<2048xi32, #tpu.memory_space<vmem>>, vector<16xi32>,
      %jit3A_169 = arith.constant 2 : i32
      %div3A_170 = vector.broadcast %jit3A_169 : i32 to vector<16xi32>
      %div3A_171 = arith.divsi %add3A_166, %div3A_170 : vector<16xi32>
      %sign3A_172 = arith.constant 0 : i32
      %sign3A_173 = vector.broadcast %sign3A_172 : i32 to vector<16xi32>
      %sign3A_174 = arith.cmpi sgt, %add3A_166, %sign3A_173 : vector<16xi32>
      %sign3A_175 = arith.extui %sign3A_174 : vector<16xi1> to vector<16xi32>
      %sign3A_176 = arith.constant 0 : i32
      %sign3A_177 = vector.broadcast %sign3A_176 : i32 to vector<16xi32>
      %sign3A_178 = arith.cmpi slt, %add3A_166, %sign3A_177 : vector<16xi32>
      %sign3A_179 = arith.extui %sign3A_178 : vector<16xi1> to vector<16xi32>
      %sign3A_180 = arith.subi %sign3A_175, %sign3A_179 : vector<16xi32>
      %sign3A_181 = arith.constant 0 : i32
      %sign3A_182 = arith.cmpi sgt, %jit3A_169, %sign3A_181 : i32
      %sign3A_183 = arith.extui %sign3A_182 : i1 to i32
      %sign3A_184 = arith.constant 0 : i32
      %sign3A_185 = arith.cmpi slt, %jit3A_169, %sign3A_184 : i32
      %sign3A_186 = arith.extui %sign3A_185 : i1 to i32
      %sign3A_187 = arith.subi %sign3A_183, %sign3A_186 : i32
      %ne3A_188 = vector.broadcast %sign3A_187 : i32 to vector<16xi32>
      %ne3A_189 = arith.cmpi ne, %sign3A_180, %ne3A_188 : vector<16xi32>
      %rem3A_190 = vector.broadcast %jit3A_169 : i32 to vector<16xi32>
      %rem3A_191 = arith.remsi %add3A_166, %rem3A_190 : vector<16xi32>
      %ne3A_192 = arith.constant 0 : i32
      %ne3A_193 = vector.broadcast %ne3A_192 : i32 to vector<16xi32>
      %ne3A_194 = arith.cmpi ne, %rem3A_191, %ne3A_193 : vector<16xi32>
      %and3A_195 = arith.andi %ne3A_189, %ne3A_194 : vector<16xi1>
      %sub3A_196 = arith.constant 1 : i32
      %sub3A_197 = vector.broadcast %sub3A_196 : i32 to vector<16xi32>
      %sub3A_198 = arith.subi %div3A_171, %sub3A_197 : vector<16xi32>
      %select_n3A_199 = arith.select %and3A_195, %sub3A_198, %div3A_171 : vector<16xi1>, vector<16xi32>
      %min3A = arith.constant 1023 : i32
      %min3A_200 = vector.broadcast %min3A : i32 to vector<16xi32>
      %min3A_201 = arith.minsi %select_n3A_199, %min3A_200 : vector<16xi32>
      %ge3A = arith.constant 0 : i32
      %ge3A_202 = vector.broadcast %ge3A : i32 to vector<16xi32>
      %ge3A_203 = arith.cmpi sge, %get3A_168, %ge3A_202 : vector<16xi32>
      %lt3A_204 = arith.constant 1024 : i32
      %lt3A_205 = vector.broadcast %lt3A_204 : i32 to vector<16xi32>
      %lt3A_206 = arith.cmpi slt, %get3A_168, %lt3A_205 : vector<16xi32>
      %and3A_207 = arith.andi %ge3A_203, %lt3A_206 : vector<16xi1>
      %jit3A_208 = arith.constant 0 : i32
      %jit3A_209 = arith.constant 1023 : i32
      %max3A = vector.broadcast %jit3A_208 : i32 to vector<16xi32>
      %max3A_210 = arith.maxsi %max3A, %get3A_168 : vector<16xi32>
      %min3A_211 = vector.broadcast %jit3A_209 : i32 to vector<16xi32>
      %min3A_212 = arith.minsi %min3A_211, %max3A_210 : vector<16xi32>
      %select_n3A_213 = arith.select %lt3A_53, %min3A_201, %min3A_212 : vector<16xi1>, vector<16xi32>
      %or3A = arith.ori %lt3A_53, %and3A_207 : vector<16xi1>
      %lt3A_214 = arith.cmpi slt, %add3A_166, %get3A_44 : vector<16xi32>
      %and3A_215 = arith.andi %or3A, %lt3A_214 : vector<16xi1>
      %swap3A_216 = arith.index_cast %mul3A_164 : i32 to index
      %swap3A_217 = tpu.vector_load %arg7[%swap3A_216] {strides = array<i32>} : memref<2048xi32, #tpu.memory_space<vmem>>, vector<16xi32>,
      tpu.vector_store %arg7[%swap3A_216], %select_n3A_213 {strides = array<i32>} : memref<2048xi32, #tpu.memory_space<vmem>>, vector<16xi32>,
      %convert_element_type3A = arith.extui %and3A_215 : vector<16xi1> to vector<16xi32>
      %swap3A_218 = arith.index_cast %mul3A_164 : i32 to index
      %swap3A_219 = tpu.vector_load %arg8[%swap3A_218] {strides = array<i32>} : memref<2048xi32, #tpu.memory_space<vmem>>, vector<16xi32>,
      tpu.vector_store %arg8[%swap3A_218], %convert_element_type3A {strides = array<i32>} : memref<2048xi32, #tpu.memory_space<vmem>>, vector<16xi32>,
      %scan3A_220 = arith.constant 0 : i32
      scf.yield %scan3A_220 : i32
    }
    %scan3A_60 = arith.constant 128 : i32
    %broadcast_in_dim3A_61 = arith.constant 0.000000e+00 : f32
    %broadcast_in_dim3A_62 = vector.broadcast %broadcast_in_dim3A_61 : f32 to vector<16xf32>
    %swap3A = arith.constant 136 : i32
    %swap3A_63 = arith.index_cast %swap3A : i32 to index
    %swap3A_64 = arith.constant 0 : index
    %swap3A_65 = tpu.vector_load %arg10[%swap3A_63, %swap3A_64] {strides = array<i32>} : memref<137x128xf32, #tpu.memory_space<vmem>>, vector<16xf32>,
    tpu.vector_store %arg10[%swap3A_63, %swap3A_64], %broadcast_in_dim3A_62 {strides = array<i32>} : memref<137x128xf32, #tpu.memory_space<vmem>>, vector<16xf32>,
    %swap3A_66 = arith.constant 136 : i32
    %swap3A_67 = arith.index_cast %swap3A_66 : i32 to index
    %swap3A_68 = arith.constant 0 : index
    %swap3A_69 = tpu.vector_load %arg11[%swap3A_67, %swap3A_68] {strides = array<i32>} : memref<137x128xf32, #tpu.memory_space<vmem>>, vector<16xf32>,
    tpu.vector_store %arg11[%swap3A_67, %swap3A_68], %broadcast_in_dim3A_62 {strides = array<i32>} : memref<137x128xf32, #tpu.memory_space<vmem>>, vector<16xf32>,
    %swap3A_70 = arith.constant 136 : i32
    %swap3A_71 = arith.index_cast %swap3A_70 : i32 to index
    %swap3A_72 = arith.constant 16 : index
    %swap3A_73 = tpu.vector_load %arg10[%swap3A_71, %swap3A_72] {strides = array<i32>} : memref<137x128xf32, #tpu.memory_space<vmem>>, vector<16xf32>,
    tpu.vector_store %arg10[%swap3A_71, %swap3A_72], %broadcast_in_dim3A_62 {strides = array<i32>} : memref<137x128xf32, #tpu.memory_space<vmem>>, vector<16xf32>,
    %swap3A_74 = arith.constant 136 : i32
    %swap3A_75 = arith.index_cast %swap3A_74 : i32 to index
    %swap3A_76 = arith.constant 16 : index
    %swap3A_77 = tpu.vector_load %arg11[%swap3A_75, %swap3A_76] {strides = array<i32>} : memref<137x128xf32, #tpu.memory_space<vmem>>, vector<16xf32>,
    tpu.vector_store %arg11[%swap3A_75, %swap3A_76], %broadcast_in_dim3A_62 {strides = array<i32>} : memref<137x128xf32, #tpu.memory_space<vmem>>, vector<16xf32>,
    %swap3A_78 = arith.constant 136 : i32
    %swap3A_79 = arith.index_cast %swap3A_78 : i32 to index
    %swap3A_80 = arith.constant 32 : index
    %swap3A_81 = tpu.vector_load %arg10[%swap3A_79, %swap3A_80] {strides = array<i32>} : memref<137x128xf32, #tpu.memory_space<vmem>>, vector<16xf32>,
    tpu.vector_store %arg10[%swap3A_79, %swap3A_80], %broadcast_in_dim3A_62 {strides = array<i32>} : memref<137x128xf32, #tpu.memory_space<vmem>>, vector<16xf32>,
    %swap3A_82 = arith.constant 136 : i32
    %swap3A_83 = arith.index_cast %swap3A_82 : i32 to index
    %swap3A_84 = arith.constant 32 : index
    %swap3A_85 = tpu.vector_load %arg11[%swap3A_83, %swap3A_84] {strides = array<i32>} : memref<137x128xf32, #tpu.memory_space<vmem>>, vector<16xf32>,
    tpu.vector_store %arg11[%swap3A_83, %swap3A_84], %broadcast_in_dim3A_62 {strides = array<i32>} : memref<137x128xf32, #tpu.memory_space<vmem>>, vector<16xf32>,
    %swap3A_86 = arith.constant 136 : i32
    %swap3A_87 = arith.index_cast %swap3A_86 : i32 to index
    %swap3A_88 = arith.constant 48 : index
    %swap3A_89 = tpu.vector_load %arg10[%swap3A_87, %swap3A_88] {strides = array<i32>} : memref<137x128xf32, #tpu.memory_space<vmem>>, vector<16xf32>,
    tpu.vector_store %arg10[%swap3A_87, %swap3A_88], %broadcast_in_dim3A_62 {strides = array<i32>} : memref<137x128xf32, #tpu.memory_space<vmem>>, vector<16xf32>,
    %swap3A_90 = arith.constant 136 : i32
    %swap3A_91 = arith.index_cast %swap3A_90 : i32 to index
    %swap3A_92 = arith.constant 48 : index
    %swap3A_93 = tpu.vector_load %arg11[%swap3A_91, %swap3A_92] {strides = array<i32>} : memref<137x128xf32, #tpu.memory_space<vmem>>, vector<16xf32>,
    tpu.vector_store %arg11[%swap3A_91, %swap3A_92], %broadcast_in_dim3A_62 {strides = array<i32>} : memref<137x128xf32, #tpu.memory_space<vmem>>, vector<16xf32>,
    %swap3A_94 = arith.constant 136 : i32
    %swap3A_95 = arith.index_cast %swap3A_94 : i32 to index
    %swap3A_96 = arith.constant 64 : index
    %swap3A_97 = tpu.vector_load %arg10[%swap3A_95, %swap3A_96] {strides = array<i32>} : memref<137x128xf32, #tpu.memory_space<vmem>>, vector<16xf32>,
    tpu.vector_store %arg10[%swap3A_95, %swap3A_96], %broadcast_in_dim3A_62 {strides = array<i32>} : memref<137x128xf32, #tpu.memory_space<vmem>>, vector<16xf32>,
    %swap3A_98 = arith.constant 136 : i32
    %swap3A_99 = arith.index_cast %swap3A_98 : i32 to index
    %swap3A_100 = arith.constant 64 : index
    %swap3A_101 = tpu.vector_load %arg11[%swap3A_99, %swap3A_100] {strides = array<i32>} : memref<137x128xf32, #tpu.memory_space<vmem>>, vector<16xf32>,
    tpu.vector_store %arg11[%swap3A_99, %swap3A_100], %broadcast_in_dim3A_62 {strides = array<i32>} : memref<137x128xf32, #tpu.memory_space<vmem>>, vector<16xf32>,
    %swap3A_102 = arith.constant 136 : i32
    %swap3A_103 = arith.index_cast %swap3A_102 : i32 to index
    %swap3A_104 = arith.constant 80 : index
    %swap3A_105 = tpu.vector_load %arg10[%swap3A_103, %swap3A_104] {strides = array<i32>} : memref<137x128xf32, #tpu.memory_space<vmem>>, vector<16xf32>,
    tpu.vector_store %arg10[%swap3A_103, %swap3A_104], %broadcast_in_dim3A_62 {strides = array<i32>} : memref<137x128xf32, #tpu.memory_space<vmem>>, vector<16xf32>,
    %swap3A_106 = arith.constant 136 : i32
    %swap3A_107 = arith.index_cast %swap3A_106 : i32 to index
    %swap3A_108 = arith.constant 80 : index
    %swap3A_109 = tpu.vector_load %arg11[%swap3A_107, %swap3A_108] {strides = array<i32>} : memref<137x128xf32, #tpu.memory_space<vmem>>, vector<16xf32>,
    tpu.vector_store %arg11[%swap3A_107, %swap3A_108], %broadcast_in_dim3A_62 {strides = array<i32>} : memref<137x128xf32, #tpu.memory_space<vmem>>, vector<16xf32>,
    %swap3A_110 = arith.constant 136 : i32
    %swap3A_111 = arith.index_cast %swap3A_110 : i32 to index
    %swap3A_112 = arith.constant 96 : index
    %swap3A_113 = tpu.vector_load %arg10[%swap3A_111, %swap3A_112] {strides = array<i32>} : memref<137x128xf32, #tpu.memory_space<vmem>>, vector<16xf32>,
    tpu.vector_store %arg10[%swap3A_111, %swap3A_112], %broadcast_in_dim3A_62 {strides = array<i32>} : memref<137x128xf32, #tpu.memory_space<vmem>>, vector<16xf32>,
    %swap3A_114 = arith.constant 136 : i32
    %swap3A_115 = arith.index_cast %swap3A_114 : i32 to index
    %swap3A_116 = arith.constant 96 : index
    %swap3A_117 = tpu.vector_load %arg11[%swap3A_115, %swap3A_116] {strides = array<i32>} : memref<137x128xf32, #tpu.memory_space<vmem>>, vector<16xf32>,
    tpu.vector_store %arg11[%swap3A_115, %swap3A_116], %broadcast_in_dim3A_62 {strides = array<i32>} : memref<137x128xf32, #tpu.memory_space<vmem>>, vector<16xf32>,
    %swap3A_118 = arith.constant 136 : i32
    %swap3A_119 = arith.index_cast %swap3A_118 : i32 to index
    %swap3A_120 = arith.constant 112 : index
    %swap3A_121 = tpu.vector_load %arg10[%swap3A_119, %swap3A_120] {strides = array<i32>} : memref<137x128xf32, #tpu.memory_space<vmem>>, vector<16xf32>,
    tpu.vector_store %arg10[%swap3A_119, %swap3A_120], %broadcast_in_dim3A_62 {strides = array<i32>} : memref<137x128xf32, #tpu.memory_space<vmem>>, vector<16xf32>,
    %swap3A_122 = arith.constant 136 : i32
    %swap3A_123 = arith.index_cast %swap3A_122 : i32 to index
    %swap3A_124 = arith.constant 112 : index
    %swap3A_125 = tpu.vector_load %arg11[%swap3A_123, %swap3A_124] {strides = array<i32>} : memref<137x128xf32, #tpu.memory_space<vmem>>, vector<16xf32>,
    tpu.vector_store %arg11[%swap3A_123, %swap3A_124], %broadcast_in_dim3A_62 {strides = array<i32>} : memref<137x128xf32, #tpu.memory_space<vmem>>, vector<16xf32>,
    %mul3A_126 = arith.constant 128 : i32
    %mul3A_127 = arith.muli %select_n3A_30, %mul3A_126 : i32
    %broadcast_in_dim3A_128 = arith.constant 0.000000e+00 : f32
    %broadcast_in_dim3A_129 = vector.broadcast %broadcast_in_dim3A_128 : f32 to vector<16xf32>
    %broadcast_in_dim3A_130 = arith.constant 0.000000e+00 : f32
    %broadcast_in_dim3A_131 = vector.broadcast %broadcast_in_dim3A_130 : f32 to vector<16xf32>
    %broadcast_in_dim3A_132 = arith.constant 0.000000e+00 : f32
    %broadcast_in_dim3A_133 = vector.broadcast %broadcast_in_dim3A_132 : f32 to vector<16xf32>
    %broadcast_in_dim3A_134 = arith.constant 0.000000e+00 : f32
    %broadcast_in_dim3A_135 = vector.broadcast %broadcast_in_dim3A_134 : f32 to vector<16xf32>
    %broadcast_in_dim3A_136 = arith.constant 0.000000e+00 : f32
    %broadcast_in_dim3A_137 = vector.broadcast %broadcast_in_dim3A_136 : f32 to vector<16xf32>
    %broadcast_in_dim3A_138 = arith.constant 0.000000e+00 : f32
    %broadcast_in_dim3A_139 = vector.broadcast %broadcast_in_dim3A_138 : f32 to vector<16xf32>
    %broadcast_in_dim3A_140 = arith.constant 0.000000e+00 : f32
    %broadcast_in_dim3A_141 = vector.broadcast %broadcast_in_dim3A_140 : f32 to vector<16xf32>
    %broadcast_in_dim3A_142 = arith.constant 0.000000e+00 : f32
    %broadcast_in_dim3A_143 = vector.broadcast %broadcast_in_dim3A_142 : f32 to vector<16xf32>
    %scan3A_144 = arith.constant 0 : i32
    %scan3A_145 = arith.constant 8 : i32
    %scan3A_146 = arith.addi %scan3A_144, %scan3A_145 : i32
    %scan3A_147 = arith.constant 1 : i32
    %scan3A_148:8 = scf.for %scan3A_161 = %scan3A_144 to %scan3A_146 step %scan3A_147 iter_args(%scan3A_162 = %broadcast_in_dim3A_129, %scan3A_163 = %broadcast_in_dim3A_131, %scan3A_164 = %broadcast_in_dim3A_133, %scan3A_165 = %broadcast_in_dim3A_135, %scan3A_166 = %broadcast_in_dim3A_137, %scan3A_167 = %broadcast_in_dim3A_139, %scan3A_168 = %broadcast_in_dim3A_141, %scan3A_169 = %broadcast_in_dim3A_143) -> (vector<16xf32>, vector<16xf32>, vector<16xf32>, vector<16xf32>, vector<16xf32>, vector<16xf32>, vector<16xf32>, vector<16xf32>)  : i32 {
      %mul3A_170 = arith.constant 2 : i32
      %mul3A_171 = arith.muli %mul3A_170, %scan3A_161 : i32
      %add3A_172 = arith.constant 0 : i32
      %add3A_173 = arith.addi %mul3A_171, %add3A_172 : i32
      %mul3A_174 = arith.constant 128 : i32
      %mul3A_175 = arith.muli %add3A_173, %mul3A_174 : i32
      %lt3A_176 = arith.constant 15 : i32
      %lt3A_177 = arith.cmpi slt, %add3A_173, %lt3A_176 : i32
      %convert_element_type3A = arith.extui %lt3A_177 : i1 to i32
      %cond3A = arith.constant 0 : i32
      %cond3A_178 = arith.cmpi ne, %convert_element_type3A, %cond3A : i32
      scf.if %cond3A_178 {
        %add3A_317 = arith.constant 1 : i32
        %add3A_318 = arith.addi %add3A_173, %add3A_317 : i32
        %mul3A_319 = arith.constant 128 : i32
        %mul3A_320 = arith.muli %add3A_318, %mul3A_319 : i32
        %get3A_321 = arith.index_cast %mul3A_320 : i32 to index
        %get3A_322 = tpu.vector_load %arg7[%get3A_321] {strides = array<i32>} : memref<2048xi32, #tpu.memory_space<vmem>>, vector<16xi32>,
        %reduce_min3A_323 = arith.constant true
        %reduce_min3A_324 = vector.broadcast %reduce_min3A_323 : i1 to vector<16xi1>
        %reduce_min3A_325 = arith.constant -2147483648 : i32
        %reduce_min3A_326 = vector.broadcast %reduce_min3A_325 : i32 to vector<16xi32>
        %reduce_min3A_327 = arith.xori %get3A_322, %reduce_min3A_326 : vector<16xi32>
        %reduce_min3A_328 = tpu.scan <min>, %reduce_min3A_327 masked %reduce_min3A_324 : vector<16xi32>, vector<16xi1> -> vector<16xi32>
        %reduce_min3A_329 = arith.xori %reduce_min3A_328, %reduce_min3A_326 : vector<16xi32>
        %reduce_min3A_330 = vector.extract %reduce_min3A_329[15] : i32 from vector<16xi32>
        %jit3A_331 = arith.constant 8 : i32
        %div3A_332 = arith.divsi %reduce_min3A_330, %jit3A_331 : i32
        %sign3A_333 = arith.constant 0 : i32
        %sign3A_334 = arith.cmpi sgt, %reduce_min3A_330, %sign3A_333 : i32
        %sign3A_335 = arith.extui %sign3A_334 : i1 to i32
        %sign3A_336 = arith.constant 0 : i32
        %sign3A_337 = arith.cmpi slt, %reduce_min3A_330, %sign3A_336 : i32
        %sign3A_338 = arith.extui %sign3A_337 : i1 to i32
        %sign3A_339 = arith.subi %sign3A_335, %sign3A_338 : i32
        %sign3A_340 = arith.constant 0 : i32
        %sign3A_341 = arith.cmpi sgt, %jit3A_331, %sign3A_340 : i32
        %sign3A_342 = arith.extui %sign3A_341 : i1 to i32
        %sign3A_343 = arith.constant 0 : i32
        %sign3A_344 = arith.cmpi slt, %jit3A_331, %sign3A_343 : i32
        %sign3A_345 = arith.extui %sign3A_344 : i1 to i32
        %sign3A_346 = arith.subi %sign3A_342, %sign3A_345 : i32
        %ne3A_347 = arith.cmpi ne, %sign3A_339, %sign3A_346 : i32
        %rem3A_348 = arith.remsi %reduce_min3A_330, %jit3A_331 : i32
        %ne3A_349 = arith.constant 0 : i32
        %ne3A_350 = arith.cmpi ne, %rem3A_348, %ne3A_349 : i32
        %and3A_351 = arith.andi %ne3A_347, %ne3A_350 : i1
        %sub3A_352 = arith.constant 1 : i32
        %sub3A_353 = arith.subi %div3A_332, %sub3A_352 : i32
        %select_n3A_354 = arith.select %and3A_351, %sub3A_353, %div3A_332 : i32
        %mul3A_355 = arith.constant 8 : i32
        %mul3A_356 = arith.muli %select_n3A_354, %mul3A_355 : i32
        %min3A_357 = arith.constant 888 : i32
        %min3A_358 = arith.minsi %mul3A_356, %min3A_357 : i32
        %dma_start3A_359 = arith.constant 0 : i32
        %dma_start3A_360 = arith.constant 0 : i32
        %dma_start3A_361 = tpu.memref_slice %arg11[%dma_start3A_359, %dma_start3A_360] : memref<137x128xf32, #tpu.memory_space<vmem>> -> memref<136x128xf32, #tpu.memory_space<vmem>>
        %dma_start3A_362 = tpu.memref_slice %arg2[%select_n3A, %min3A_358, %mul3A_127] : memref<8x1024x512xf32, #tpu.memory_space<hbm>> -> memref<1x136x128xf32, #tpu.memory_space<hbm>>
        %dma_start3A_363 = tpu.memref_squeeze %dma_start3A_362 : memref<1x136x128xf32, #tpu.memory_space<hbm>> -> memref<136x128xf32, #tpu.memory_space<hbm>>
        %dma_start3A_364 = arith.constant 0 : i32
        %dma_start3A_365 = arith.constant 0 : i32
        %dma_start3A_366 = tpu.memref_slice %arg11[%dma_start3A_364, %dma_start3A_365] : memref<137x128xf32, #tpu.memory_space<vmem>> -> memref<136x128xf32, #tpu.memory_space<vmem>>
        %dma_start3A_367 = tpu.memref_slice %arg2[%select_n3A, %min3A_358, %mul3A_127] : memref<8x1024x512xf32, #tpu.memory_space<hbm>> -> memref<1x136x128xf32, #tpu.memory_space<hbm>>
        %dma_start3A_368 = tpu.memref_squeeze %dma_start3A_367 : memref<1x136x128xf32, #tpu.memory_space<hbm>> -> memref<136x128xf32, #tpu.memory_space<hbm>>
        tpu.enqueue_dma source(%dma_start3A_368 : memref<136x128xf32, #tpu.memory_space<hbm>>) target(%dma_start3A_366 : memref<136x128xf32, #tpu.memory_space<vmem>>) target_semaphore(%arg15 : memref<!tpu.dma_semaphore, #tpu.memory_space<semaphore_mem>>)
      } else {
      }
      %mul3A_179 = arith.constant 128 : i32
      %mul3A_180 = arith.muli %add3A_173, %mul3A_179 : i32
      %get3A_181 = arith.index_cast %mul3A_180 : i32 to index
      %get3A_182 = tpu.vector_load %arg7[%get3A_181] {strides = array<i32>} : memref<2048xi32, #tpu.memory_space<vmem>>, vector<16xi32>,
      %reduce_min3A = arith.constant true
      %reduce_min3A_183 = vector.broadcast %reduce_min3A : i1 to vector<16xi1>
      %reduce_min3A_184 = arith.constant -2147483648 : i32
      %reduce_min3A_185 = vector.broadcast %reduce_min3A_184 : i32 to vector<16xi32>
      %reduce_min3A_186 = arith.xori %get3A_182, %reduce_min3A_185 : vector<16xi32>
      %reduce_min3A_187 = tpu.scan <min>, %reduce_min3A_186 masked %reduce_min3A_183 : vector<16xi32>, vector<16xi1> -> vector<16xi32>
      %reduce_min3A_188 = arith.xori %reduce_min3A_187, %reduce_min3A_185 : vector<16xi32>
      %reduce_min3A_189 = vector.extract %reduce_min3A_188[15] : i32 from vector<16xi32>
      %jit3A_190 = arith.constant 8 : i32
      %div3A_191 = arith.divsi %reduce_min3A_189, %jit3A_190 : i32
      %sign3A_192 = arith.constant 0 : i32
      %sign3A_193 = arith.cmpi sgt, %reduce_min3A_189, %sign3A_192 : i32
      %sign3A_194 = arith.extui %sign3A_193 : i1 to i32
      %sign3A_195 = arith.constant 0 : i32
      %sign3A_196 = arith.cmpi slt, %reduce_min3A_189, %sign3A_195 : i32
      %sign3A_197 = arith.extui %sign3A_196 : i1 to i32
      %sign3A_198 = arith.subi %sign3A_194, %sign3A_197 : i32
      %sign3A_199 = arith.constant 0 : i32
      %sign3A_200 = arith.cmpi sgt, %jit3A_190, %sign3A_199 : i32
      %sign3A_201 = arith.extui %sign3A_200 : i1 to i32
      %sign3A_202 = arith.constant 0 : i32
      %sign3A_203 = arith.cmpi slt, %jit3A_190, %sign3A_202 : i32
      %sign3A_204 = arith.extui %sign3A_203 : i1 to i32
      %sign3A_205 = arith.subi %sign3A_201, %sign3A_204 : i32
      %ne3A_206 = arith.cmpi ne, %sign3A_198, %sign3A_205 : i32
      %rem3A_207 = arith.remsi %reduce_min3A_189, %jit3A_190 : i32
      %ne3A_208 = arith.constant 0 : i32
      %ne3A_209 = arith.cmpi ne, %rem3A_207, %ne3A_208 : i32
      %and3A_210 = arith.andi %ne3A_206, %ne3A_209 : i1
      %sub3A_211 = arith.constant 1 : i32
      %sub3A_212 = arith.subi %div3A_191, %sub3A_211 : i32
      %select_n3A_213 = arith.select %and3A_210, %sub3A_212, %div3A_191 : i32
      %mul3A_214 = arith.constant 8 : i32
      %mul3A_215 = arith.muli %select_n3A_213, %mul3A_214 : i32
      %min3A = arith.constant 888 : i32
      %min3A_216 = arith.minsi %mul3A_215, %min3A : i32
      %dma_wait3A_217 = arith.constant 0 : i32
      %dma_wait3A_218 = arith.constant 0 : i32
      %dma_wait3A_219 = tpu.memref_slice %arg10[%dma_wait3A_217, %dma_wait3A_218] : memref<137x128xf32, #tpu.memory_space<vmem>> -> memref<136x128xf32, #tpu.memory_space<vmem>>
      %dma_wait3A_220 = tpu.memref_slice %arg2[%select_n3A, %min3A_216, %mul3A_127] : memref<8x1024x512xf32, #tpu.memory_space<hbm>> -> memref<1x136x128xf32, #tpu.memory_space<hbm>>
      %dma_wait3A_221 = tpu.memref_squeeze %dma_wait3A_220 : memref<1x136x128xf32, #tpu.memory_space<hbm>> -> memref<136x128xf32, #tpu.memory_space<hbm>>
      %dma_wait3A_222 = arith.constant 0 : i32
      %dma_wait3A_223 = arith.constant 0 : i32
      %dma_wait3A_224 = tpu.memref_slice %arg10[%dma_wait3A_222, %dma_wait3A_223] : memref<137x128xf32, #tpu.memory_space<vmem>> -> memref<136x128xf32, #tpu.memory_space<vmem>>
      %dma_wait3A_225 = tpu.memref_slice %arg2[%select_n3A, %min3A_216, %mul3A_127] : memref<8x1024x512xf32, #tpu.memory_space<hbm>> -> memref<1x136x128xf32, #tpu.memory_space<hbm>>
      %dma_wait3A_226 = tpu.memref_squeeze %dma_wait3A_225 : memref<1x136x128xf32, #tpu.memory_space<hbm>> -> memref<136x128xf32, #tpu.memory_space<hbm>>
      tpu.wait_dma2 semaphore(%arg14 : memref<!tpu.dma_semaphore, #tpu.memory_space<semaphore_mem>>) src(%dma_wait3A_226 : memref<136x128xf32, #tpu.memory_space<hbm>>) dst(%dma_wait3A_224 : memref<136x128xf32, #tpu.memory_space<vmem>>)
      %ge3A = arith.constant 2 : i32
      %ge3A_227 = arith.cmpi sge, %add3A_173, %ge3A : i32
      %convert_element_type3A_228 = arith.extui %ge3A_227 : i1 to i32
      %cond3A_229 = arith.constant 0 : i32
      %cond3A_230 = arith.cmpi ne, %convert_element_type3A_228, %cond3A_229 : i32
      scf.if %cond3A_230 {
        %dma_wait3A_317 = tpu.memref_slice %arg5[%select_n3A, %mul3A_175, %mul3A_127] : memref<8x2048x512xf32, #tpu.memory_space<hbm>> -> memref<1x128x128xf32, #tpu.memory_space<hbm>>
        %dma_wait3A_318 = tpu.memref_squeeze %dma_wait3A_317 : memref<1x128x128xf32, #tpu.memory_space<hbm>> -> memref<128x128xf32, #tpu.memory_space<hbm>>
        %dma_wait3A_319 = tpu.memref_slice %arg5[%select_n3A, %mul3A_175, %mul3A_127] : memref<8x2048x512xf32, #tpu.memory_space<hbm>> -> memref<1x128x128xf32, #tpu.memory_space<hbm>>
        %dma_wait3A_320 = tpu.memref_squeeze %dma_wait3A_319 : memref<1x128x128xf32, #tpu.memory_space<hbm>> -> memref<128x128xf32, #tpu.memory_space<hbm>>
        tpu.wait_dma2 semaphore(%arg16 : memref<!tpu.dma_semaphore, #tpu.memory_space<semaphore_mem>>) src(%arg12 : memref<128x128xf32, #tpu.memory_space<vmem>>) dst(%dma_wait3A_320 : memref<128x128xf32, #tpu.memory_space<hbm>>)
      } else {
      }
      %scan3A_231 = arith.constant 0 : i32
      %scan3A_232 = arith.constant 8 : i32
      %scan3A_233 = arith.addi %scan3A_231, %scan3A_232 : i32
      %scan3A_234 = arith.constant 1 : i32
      %scan3A_235:8 = scf.for %scan3A_317 = %scan3A_231 to %scan3A_233 step %scan3A_234 iter_args(%scan3A_318 = %scan3A_162, %scan3A_319 = %scan3A_163, %scan3A_320 = %scan3A_164, %scan3A_321 = %scan3A_165, %scan3A_322 = %scan3A_166, %scan3A_323 = %scan3A_167, %scan3A_324 = %scan3A_168, %scan3A_325 = %scan3A_169) -> (vector<16xf32>, vector<16xf32>, vector<16xf32>, vector<16xf32>, vector<16xf32>, vector<16xf32>, vector<16xf32>, vector<16xf32>)  : i32 {
        %mul3A_326 = arith.constant 16 : i32
        %mul3A_327 = arith.muli %scan3A_317, %mul3A_326 : i32
        %add3A_328 = arith.addi %mul3A_175, %mul3A_327 : i32
        %add3A_329 = vector.broadcast %add3A_328 : i32 to vector<16xi32>
        %add3A_330 = arith.addi %iota3A, %add3A_329 : vector<16xi32>
        %get3A_331 = arith.index_cast %add3A_328 : i32 to index
        %get3A_332 = tpu.vector_load %arg7[%get3A_331] {strides = array<i32>} : memref<2048xi32, #tpu.memory_space<vmem>>, vector<16xi32>,
        %get3A_333 = arith.index_cast %add3A_328 : i32 to index
        %get3A_334 = tpu.vector_load %arg8[%get3A_333] {strides = array<i32>} : memref<2048xi32, #tpu.memory_space<vmem>>, vector<16xi32>,
        %get3A_335 = arith.index_cast %add3A_328 : i32 to index
        %get3A_336 = tpu.vector_load %arg6[%get3A_335] {strides = array<i32>} : memref<2048xf32, #tpu.memory_space<vmem>>, vector<16xf32>,
        %eq3A_337 = arith.constant 0 : i32
        %eq3A_338 = vector.broadcast %eq3A_337 : i32 to vector<16xi32>
        %eq3A_339 = arith.cmpi eq, %add3A_330, %eq3A_338 : vector<16xi32>
        %jit3A_340 = arith.constant 1.000000e+00 : f32
        %broadcast_in_dim3A_341 = vector.broadcast %jit3A_340 : f32 to vector<16xf32>
        %select_n3A_342 = arith.select %eq3A_339, %broadcast_in_dim3A_341, %get3A_336 : vector<16xi1>, vector<16xf32>
        %gt3A = arith.constant 0 : i32
        %gt3A_343 = vector.broadcast %gt3A : i32 to vector<16xi32>
        %gt3A_344 = arith.cmpi sgt, %get3A_334, %gt3A_343 : vector<16xi32>
        %sub3A_345 = vector.broadcast %min3A_216 : i32 to vector<16xi32>
        %sub3A_346 = arith.subi %get3A_332, %sub3A_345 : vector<16xi32>
        %jit3A_347 = arith.constant 136 : i32
        %broadcast_in_dim3A_348 = vector.broadcast %jit3A_347 : i32 to vector<16xi32>
        %select_n3A_349 = arith.select %gt3A_344, %sub3A_346, %broadcast_in_dim3A_348 : vector<16xi1>, vector<16xi32>
        %mul3A_350 = arith.constant 16 : i32
        %mul3A_351 = arith.muli %scan3A_317, %mul3A_350 : i32
        %broadcast_in_dim3A_352 = arith.constant 0 : i32
        %broadcast_in_dim3A_353 = vector.broadcast %broadcast_in_dim3A_352 : i32 to vector<16xi32>
        %broadcast_in_dim3A_354 = vector.shape_cast %broadcast_in_dim3A_353 : vector<16xi32> to vector<16x1xi32>
        %gather3A = vector.shape_cast %broadcast_in_dim3A_354 : vector<16x1xi32> to vector<16xi32>
        %gather3A_355 = tpu.dynamic_gather %select_n3A_349[%gather3A] in [0] : vector<16xi32>, vector<16xi32> -> vector<16xi32>
        %add3A_356 = arith.constant 0 : i32
        %add3A_357 = vector.broadcast %add3A_356 : i32 to vector<16xi32>
        %add3A_358 = arith.addi %iota3A, %add3A_357 : vector<16xi32>
        %gather3A_359 = tpu.vector_load_idx %arg10[%gather3A_355, %add3A_358] : memref<137x128xf32, #tpu.memory_space<vmem>>[vector<16xi32>, vector<16xi32>], vector<16xf32>,
        %add3A_360 = arith.constant 16 : i32
        %add3A_361 = vector.broadcast %add3A_360 : i32 to vector<16xi32>
        %add3A_362 = arith.addi %iota3A, %add3A_361 : vector<16xi32>
        %gather3A_363 = tpu.vector_load_idx %arg10[%gather3A_355, %add3A_362] : memref<137x128xf32, #tpu.memory_space<vmem>>[vector<16xi32>, vector<16xi32>], vector<16xf32>,
        %add3A_364 = arith.constant 32 : i32
        %add3A_365 = vector.broadcast %add3A_364 : i32 to vector<16xi32>
        %add3A_366 = arith.addi %iota3A, %add3A_365 : vector<16xi32>
        %gather3A_367 = tpu.vector_load_idx %arg10[%gather3A_355, %add3A_366] : memref<137x128xf32, #tpu.memory_space<vmem>>[vector<16xi32>, vector<16xi32>], vector<16xf32>,
        %add3A_368 = arith.constant 48 : i32
        %add3A_369 = vector.broadcast %add3A_368 : i32 to vector<16xi32>
        %add3A_370 = arith.addi %iota3A, %add3A_369 : vector<16xi32>
        %gather3A_371 = tpu.vector_load_idx %arg10[%gather3A_355, %add3A_370] : memref<137x128xf32, #tpu.memory_space<vmem>>[vector<16xi32>, vector<16xi32>], vector<16xf32>,
        %add3A_372 = arith.constant 64 : i32
        %add3A_373 = vector.broadcast %add3A_372 : i32 to vector<16xi32>
        %add3A_374 = arith.addi %iota3A, %add3A_373 : vector<16xi32>
        %gather3A_375 = tpu.vector_load_idx %arg10[%gather3A_355, %add3A_374] : memref<137x128xf32, #tpu.memory_space<vmem>>[vector<16xi32>, vector<16xi32>], vector<16xf32>,
        %add3A_376 = arith.constant 80 : i32
        %add3A_377 = vector.broadcast %add3A_376 : i32 to vector<16xi32>
        %add3A_378 = arith.addi %iota3A, %add3A_377 : vector<16xi32>
        %gather3A_379 = tpu.vector_load_idx %arg10[%gather3A_355, %add3A_378] : memref<137x128xf32, #tpu.memory_space<vmem>>[vector<16xi32>, vector<16xi32>], vector<16xf32>,
        %add3A_380 = arith.constant 96 : i32
        %add3A_381 = vector.broadcast %add3A_380 : i32 to vector<16xi32>
        %add3A_382 = arith.addi %iota3A, %add3A_381 : vector<16xi32>
        %gather3A_383 = tpu.vector_load_idx %arg10[%gather3A_355, %add3A_382] : memref<137x128xf32, #tpu.memory_space<vmem>>[vector<16xi32>, vector<16xi32>], vector<16xf32>,
        %add3A_384 = arith.constant 112 : i32
        %add3A_385 = vector.broadcast %add3A_384 : i32 to vector<16xi32>
        %add3A_386 = arith.addi %iota3A, %add3A_385 : vector<16xi32>
        %gather3A_387 = tpu.vector_load_idx %arg10[%gather3A_355, %add3A_386] : memref<137x128xf32, #tpu.memory_space<vmem>>[vector<16xi32>, vector<16xi32>], vector<16xf32>,
        %broadcast_in_dim3A_388 = arith.constant 1 : i32
        %broadcast_in_dim3A_389 = vector.broadcast %broadcast_in_dim3A_388 : i32 to vector<16xi32>
        %broadcast_in_dim3A_390 = vector.shape_cast %broadcast_in_dim3A_389 : vector<16xi32> to vector<16x1xi32>
        %gather3A_391 = vector.shape_cast %broadcast_in_dim3A_390 : vector<16x1xi32> to vector<16xi32>
        %gather3A_392 = tpu.dynamic_gather %select_n3A_349[%gather3A_391] in [0] : vector<16xi32>, vector<16xi32> -> vector<16xi32>
        %add3A_393 = arith.constant 0 : i32
        %add3A_394 = vector.broadcast %add3A_393 : i32 to vector<16xi32>
        %add3A_395 = arith.addi %iota3A, %add3A_394 : vector<16xi32>
        %gather3A_396 = tpu.vector_load_idx %arg10[%gather3A_392, %add3A_395] : memref<137x128xf32, #tpu.memory_space<vmem>>[vector<16xi32>, vector<16xi32>], vector<16xf32>,
        %add3A_397 = arith.constant 16 : i32
        %add3A_398 = vector.broadcast %add3A_397 : i32 to vector<16xi32>
        %add3A_399 = arith.addi %iota3A, %add3A_398 : vector<16xi32>
        %gather3A_400 = tpu.vector_load_idx %arg10[%gather3A_392, %add3A_399] : memref<137x128xf32, #tpu.memory_space<vmem>>[vector<16xi32>, vector<16xi32>], vector<16xf32>,
        %add3A_401 = arith.constant 32 : i32
        %add3A_402 = vector.broadcast %add3A_401 : i32 to vector<16xi32>
        %add3A_403 = arith.addi %iota3A, %add3A_402 : vector<16xi32>
        %gather3A_404 = tpu.vector_load_idx %arg10[%gather3A_392, %add3A_403] : memref<137x128xf32, #tpu.memory_space<vmem>>[vector<16xi32>, vector<16xi32>], vector<16xf32>,
        %add3A_405 = arith.constant 48 : i32
        %add3A_406 = vector.broadcast %add3A_405 : i32 to vector<16xi32>
        %add3A_407 = arith.addi %iota3A, %add3A_406 : vector<16xi32>
        %gather3A_408 = tpu.vector_load_idx %arg10[%gather3A_392, %add3A_407] : memref<137x128xf32, #tpu.memory_space<vmem>>[vector<16xi32>, vector<16xi32>], vector<16xf32>,
        %add3A_409 = arith.constant 64 : i32
        %add3A_410 = vector.broadcast %add3A_409 : i32 to vector<16xi32>
        %add3A_411 = arith.addi %iota3A, %add3A_410 : vector<16xi32>
        %gather3A_412 = tpu.vector_load_idx %arg10[%gather3A_392, %add3A_411] : memref<137x128xf32, #tpu.memory_space<vmem>>[vector<16xi32>, vector<16xi32>], vector<16xf32>,
        %add3A_413 = arith.constant 80 : i32
        %add3A_414 = vector.broadcast %add3A_413 : i32 to vector<16xi32>
        %add3A_415 = arith.addi %iota3A, %add3A_414 : vector<16xi32>
        %gather3A_416 = tpu.vector_load_idx %arg10[%gather3A_392, %add3A_415] : memref<137x128xf32, #tpu.memory_space<vmem>>[vector<16xi32>, vector<16xi32>], vector<16xf32>,
        %add3A_417 = arith.constant 96 : i32
        %add3A_418 = vector.broadcast %add3A_417 : i32 to vector<16xi32>
        %add3A_419 = arith.addi %iota3A, %add3A_418 : vector<16xi32>
        %gather3A_420 = tpu.vector_load_idx %arg10[%gather3A_392, %add3A_419] : memref<137x128xf32, #tpu.memory_space<vmem>>[vector<16xi32>, vector<16xi32>], vector<16xf32>,
        %add3A_421 = arith.constant 112 : i32
        %add3A_422 = vector.broadcast %add3A_421 : i32 to vector<16xi32>
        %add3A_423 = arith.addi %iota3A, %add3A_422 : vector<16xi32>
        %gather3A_424 = tpu.vector_load_idx %arg10[%gather3A_392, %add3A_423] : memref<137x128xf32, #tpu.memory_space<vmem>>[vector<16xi32>, vector<16xi32>], vector<16xf32>,
        %broadcast_in_dim3A_425 = arith.constant 2 : i32
        %broadcast_in_dim3A_426 = vector.broadcast %broadcast_in_dim3A_425 : i32 to vector<16xi32>
        %broadcast_in_dim3A_427 = vector.shape_cast %broadcast_in_dim3A_426 : vector<16xi32> to vector<16x1xi32>
        %gather3A_428 = vector.shape_cast %broadcast_in_dim3A_427 : vector<16x1xi32> to vector<16xi32>
        %gather3A_429 = tpu.dynamic_gather %select_n3A_349[%gather3A_428] in [0] : vector<16xi32>, vector<16xi32> -> vector<16xi32>
        %add3A_430 = arith.constant 0 : i32
        %add3A_431 = vector.broadcast %add3A_430 : i32 to vector<16xi32>
        %add3A_432 = arith.addi %iota3A, %add3A_431 : vector<16xi32>
        %gather3A_433 = tpu.vector_load_idx %arg10[%gather3A_429, %add3A_432] : memref<137x128xf32, #tpu.memory_space<vmem>>[vector<16xi32>, vector<16xi32>], vector<16xf32>,
        %add3A_434 = arith.constant 16 : i32
        %add3A_435 = vector.broadcast %add3A_434 : i32 to vector<16xi32>
        %add3A_436 = arith.addi %iota3A, %add3A_435 : vector<16xi32>
        %gather3A_437 = tpu.vector_load_idx %arg10[%gather3A_429, %add3A_436] : memref<137x128xf32, #tpu.memory_space<vmem>>[vector<16xi32>, vector<16xi32>], vector<16xf32>,
        %add3A_438 = arith.constant 32 : i32
        %add3A_439 = vector.broadcast %add3A_438 : i32 to vector<16xi32>
        %add3A_440 = arith.addi %iota3A, %add3A_439 : vector<16xi32>
        %gather3A_441 = tpu.vector_load_idx %arg10[%gather3A_429, %add3A_440] : memref<137x128xf32, #tpu.memory_space<vmem>>[vector<16xi32>, vector<16xi32>], vector<16xf32>,
        %add3A_442 = arith.constant 48 : i32
        %add3A_443 = vector.broadcast %add3A_442 : i32 to vector<16xi32>
        %add3A_444 = arith.addi %iota3A, %add3A_443 : vector<16xi32>
        %gather3A_445 = tpu.vector_load_idx %arg10[%gather3A_429, %add3A_444] : memref<137x128xf32, #tpu.memory_space<vmem>>[vector<16xi32>, vector<16xi32>], vector<16xf32>,
        %add3A_446 = arith.constant 64 : i32
        %add3A_447 = vector.broadcast %add3A_446 : i32 to vector<16xi32>
        %add3A_448 = arith.addi %iota3A, %add3A_447 : vector<16xi32>
        %gather3A_449 = tpu.vector_load_idx %arg10[%gather3A_429, %add3A_448] : memref<137x128xf32, #tpu.memory_space<vmem>>[vector<16xi32>, vector<16xi32>], vector<16xf32>,
        %add3A_450 = arith.constant 80 : i32
        %add3A_451 = vector.broadcast %add3A_450 : i32 to vector<16xi32>
        %add3A_452 = arith.addi %iota3A, %add3A_451 : vector<16xi32>
        %gather3A_453 = tpu.vector_load_idx %arg10[%gather3A_429, %add3A_452] : memref<137x128xf32, #tpu.memory_space<vmem>>[vector<16xi32>, vector<16xi32>], vector<16xf32>,
        %add3A_454 = arith.constant 96 : i32
        %add3A_455 = vector.broadcast %add3A_454 : i32 to vector<16xi32>
        %add3A_456 = arith.addi %iota3A, %add3A_455 : vector<16xi32>
        %gather3A_457 = tpu.vector_load_idx %arg10[%gather3A_429, %add3A_456] : memref<137x128xf32, #tpu.memory_space<vmem>>[vector<16xi32>, vector<16xi32>], vector<16xf32>,
        %add3A_458 = arith.constant 112 : i32
        %add3A_459 = vector.broadcast %add3A_458 : i32 to vector<16xi32>
        %add3A_460 = arith.addi %iota3A, %add3A_459 : vector<16xi32>
        %gather3A_461 = tpu.vector_load_idx %arg10[%gather3A_429, %add3A_460] : memref<137x128xf32, #tpu.memory_space<vmem>>[vector<16xi32>, vector<16xi32>], vector<16xf32>,
        %broadcast_in_dim3A_462 = arith.constant 3 : i32
        %broadcast_in_dim3A_463 = vector.broadcast %broadcast_in_dim3A_462 : i32 to vector<16xi32>
        %broadcast_in_dim3A_464 = vector.shape_cast %broadcast_in_dim3A_463 : vector<16xi32> to vector<16x1xi32>
        %gather3A_465 = vector.shape_cast %broadcast_in_dim3A_464 : vector<16x1xi32> to vector<16xi32>
        %gather3A_466 = tpu.dynamic_gather %select_n3A_349[%gather3A_465] in [0] : vector<16xi32>, vector<16xi32> -> vector<16xi32>
        %add3A_467 = arith.constant 0 : i32
        %add3A_468 = vector.broadcast %add3A_467 : i32 to vector<16xi32>
        %add3A_469 = arith.addi %iota3A, %add3A_468 : vector<16xi32>
        %gather3A_470 = tpu.vector_load_idx %arg10[%gather3A_466, %add3A_469] : memref<137x128xf32, #tpu.memory_space<vmem>>[vector<16xi32>, vector<16xi32>], vector<16xf32>,
        %add3A_471 = arith.constant 16 : i32
        %add3A_472 = vector.broadcast %add3A_471 : i32 to vector<16xi32>
        %add3A_473 = arith.addi %iota3A, %add3A_472 : vector<16xi32>
        %gather3A_474 = tpu.vector_load_idx %arg10[%gather3A_466, %add3A_473] : memref<137x128xf32, #tpu.memory_space<vmem>>[vector<16xi32>, vector<16xi32>], vector<16xf32>,
        %add3A_475 = arith.constant 32 : i32
        %add3A_476 = vector.broadcast %add3A_475 : i32 to vector<16xi32>
        %add3A_477 = arith.addi %iota3A, %add3A_476 : vector<16xi32>
        %gather3A_478 = tpu.vector_load_idx %arg10[%gather3A_466, %add3A_477] : memref<137x128xf32, #tpu.memory_space<vmem>>[vector<16xi32>, vector<16xi32>], vector<16xf32>,
        %add3A_479 = arith.constant 48 : i32
        %add3A_480 = vector.broadcast %add3A_479 : i32 to vector<16xi32>
        %add3A_481 = arith.addi %iota3A, %add3A_480 : vector<16xi32>
        %gather3A_482 = tpu.vector_load_idx %arg10[%gather3A_466, %add3A_481] : memref<137x128xf32, #tpu.memory_space<vmem>>[vector<16xi32>, vector<16xi32>], vector<16xf32>,
        %add3A_483 = arith.constant 64 : i32
        %add3A_484 = vector.broadcast %add3A_483 : i32 to vector<16xi32>
        %add3A_485 = arith.addi %iota3A, %add3A_484 : vector<16xi32>
        %gather3A_486 = tpu.vector_load_idx %arg10[%gather3A_466, %add3A_485] : memref<137x128xf32, #tpu.memory_space<vmem>>[vector<16xi32>, vector<16xi32>], vector<16xf32>,
        %add3A_487 = arith.constant 80 : i32
        %add3A_488 = vector.broadcast %add3A_487 : i32 to vector<16xi32>
        %add3A_489 = arith.addi %iota3A, %add3A_488 : vector<16xi32>
        %gather3A_490 = tpu.vector_load_idx %arg10[%gather3A_466, %add3A_489] : memref<137x128xf32, #tpu.memory_space<vmem>>[vector<16xi32>, vector<16xi32>], vector<16xf32>,
        %add3A_491 = arith.constant 96 : i32
        %add3A_492 = vector.broadcast %add3A_491 : i32 to vector<16xi32>
        %add3A_493 = arith.addi %iota3A, %add3A_492 : vector<16xi32>
        %gather3A_494 = tpu.vector_load_idx %arg10[%gather3A_466, %add3A_493] : memref<137x128xf32, #tpu.memory_space<vmem>>[vector<16xi32>, vector<16xi32>], vector<16xf32>,
        %add3A_495 = arith.constant 112 : i32
        %add3A_496 = vector.broadcast %add3A_495 : i32 to vector<16xi32>
        %add3A_497 = arith.addi %iota3A, %add3A_496 : vector<16xi32>
        %gather3A_498 = tpu.vector_load_idx %arg10[%gather3A_466, %add3A_497] : memref<137x128xf32, #tpu.memory_space<vmem>>[vector<16xi32>, vector<16xi32>], vector<16xf32>,
        %broadcast_in_dim3A_499 = arith.constant 0 : i32
        %broadcast_in_dim3A_500 = vector.broadcast %broadcast_in_dim3A_499 : i32 to vector<16xi32>
        %broadcast_in_dim3A_501 = vector.shape_cast %broadcast_in_dim3A_500 : vector<16xi32> to vector<16x1xi32>
        %gather3A_502 = vector.shape_cast %broadcast_in_dim3A_501 : vector<16x1xi32> to vector<16xi32>
        %gather3A_503 = tpu.dynamic_gather %select_n3A_342[%gather3A_502] in [0] : vector<16xf32>, vector<16xi32> -> vector<16xf32>
        %sub3A_504 = arith.subf %gather3A_359, %scan3A_318 : vector<16xf32>
        %mul3A_505 = arith.mulf %gather3A_503, %sub3A_504 : vector<16xf32>
        %add3A_506 = arith.addf %scan3A_318, %mul3A_505 : vector<16xf32>
        %add3A_507 = arith.constant 0 : i32
        %add3A_508 = arith.addi %mul3A_351, %add3A_507 : i32
        %swap3A_509 = arith.index_cast %add3A_508 : i32 to index
        %swap3A_510 = arith.constant 0 : index
        %swap3A_511 = tpu.vector_load %arg12[%swap3A_509, %swap3A_510] {strides = array<i32>} : memref<128x128xf32, #tpu.memory_space<vmem>>, vector<16xf32>,
        tpu.vector_store %arg12[%swap3A_509, %swap3A_510], %add3A_506 {strides = array<i32>} : memref<128x128xf32, #tpu.memory_space<vmem>>, vector<16xf32>,
        %sub3A_512 = arith.subf %gather3A_363, %scan3A_319 : vector<16xf32>
        %mul3A_513 = arith.mulf %gather3A_503, %sub3A_512 : vector<16xf32>
        %add3A_514 = arith.addf %scan3A_319, %mul3A_513 : vector<16xf32>
        %add3A_515 = arith.constant 0 : i32
        %add3A_516 = arith.addi %mul3A_351, %add3A_515 : i32
        %swap3A_517 = arith.index_cast %add3A_516 : i32 to index
        %swap3A_518 = arith.constant 16 : index
        %swap3A_519 = tpu.vector_load %arg12[%swap3A_517, %swap3A_518] {strides = array<i32>} : memref<128x128xf32, #tpu.memory_space<vmem>>, vector<16xf32>,
        tpu.vector_store %arg12[%swap3A_517, %swap3A_518], %add3A_514 {strides = array<i32>} : memref<128x128xf32, #tpu.memory_space<vmem>>, vector<16xf32>,
        %sub3A_520 = arith.subf %gather3A_367, %scan3A_320 : vector<16xf32>
        %mul3A_521 = arith.mulf %gather3A_503, %sub3A_520 : vector<16xf32>
        %add3A_522 = arith.addf %scan3A_320, %mul3A_521 : vector<16xf32>
        %add3A_523 = arith.constant 0 : i32
        %add3A_524 = arith.addi %mul3A_351, %add3A_523 : i32
        %swap3A_525 = arith.index_cast %add3A_524 : i32 to index
        %swap3A_526 = arith.constant 32 : index
        %swap3A_527 = tpu.vector_load %arg12[%swap3A_525, %swap3A_526] {strides = array<i32>} : memref<128x128xf32, #tpu.memory_space<vmem>>, vector<16xf32>,
        tpu.vector_store %arg12[%swap3A_525, %swap3A_526], %add3A_522 {strides = array<i32>} : memref<128x128xf32, #tpu.memory_space<vmem>>, vector<16xf32>,
        %sub3A_528 = arith.subf %gather3A_371, %scan3A_321 : vector<16xf32>
        %mul3A_529 = arith.mulf %gather3A_503, %sub3A_528 : vector<16xf32>
        %add3A_530 = arith.addf %scan3A_321, %mul3A_529 : vector<16xf32>
        %add3A_531 = arith.constant 0 : i32
        %add3A_532 = arith.addi %mul3A_351, %add3A_531 : i32
        %swap3A_533 = arith.index_cast %add3A_532 : i32 to index
        %swap3A_534 = arith.constant 48 : index
        %swap3A_535 = tpu.vector_load %arg12[%swap3A_533, %swap3A_534] {strides = array<i32>} : memref<128x128xf32, #tpu.memory_space<vmem>>, vector<16xf32>,
        tpu.vector_store %arg12[%swap3A_533, %swap3A_534], %add3A_530 {strides = array<i32>} : memref<128x128xf32, #tpu.memory_space<vmem>>, vector<16xf32>,
        %sub3A_536 = arith.subf %gather3A_375, %scan3A_322 : vector<16xf32>
        %mul3A_537 = arith.mulf %gather3A_503, %sub3A_536 : vector<16xf32>
        %add3A_538 = arith.addf %scan3A_322, %mul3A_537 : vector<16xf32>
        %add3A_539 = arith.constant 0 : i32
        %add3A_540 = arith.addi %mul3A_351, %add3A_539 : i32
        %swap3A_541 = arith.index_cast %add3A_540 : i32 to index
        %swap3A_542 = arith.constant 64 : index
        %swap3A_543 = tpu.vector_load %arg12[%swap3A_541, %swap3A_542] {strides = array<i32>} : memref<128x128xf32, #tpu.memory_space<vmem>>, vector<16xf32>,
        tpu.vector_store %arg12[%swap3A_541, %swap3A_542], %add3A_538 {strides = array<i32>} : memref<128x128xf32, #tpu.memory_space<vmem>>, vector<16xf32>,
        %sub3A_544 = arith.subf %gather3A_379, %scan3A_323 : vector<16xf32>
        %mul3A_545 = arith.mulf %gather3A_503, %sub3A_544 : vector<16xf32>
        %add3A_546 = arith.addf %scan3A_323, %mul3A_545 : vector<16xf32>
        %add3A_547 = arith.constant 0 : i32
        %add3A_548 = arith.addi %mul3A_351, %add3A_547 : i32
        %swap3A_549 = arith.index_cast %add3A_548 : i32 to index
        %swap3A_550 = arith.constant 80 : index
        %swap3A_551 = tpu.vector_load %arg12[%swap3A_549, %swap3A_550] {strides = array<i32>} : memref<128x128xf32, #tpu.memory_space<vmem>>, vector<16xf32>,
        tpu.vector_store %arg12[%swap3A_549, %swap3A_550], %add3A_546 {strides = array<i32>} : memref<128x128xf32, #tpu.memory_space<vmem>>, vector<16xf32>,
        %sub3A_552 = arith.subf %gather3A_383, %scan3A_324 : vector<16xf32>
        %mul3A_553 = arith.mulf %gather3A_503, %sub3A_552 : vector<16xf32>
        %add3A_554 = arith.addf %scan3A_324, %mul3A_553 : vector<16xf32>
        %add3A_555 = arith.constant 0 : i32
        %add3A_556 = arith.addi %mul3A_351, %add3A_555 : i32
        %swap3A_557 = arith.index_cast %add3A_556 : i32 to index
        %swap3A_558 = arith.constant 96 : index
        %swap3A_559 = tpu.vector_load %arg12[%swap3A_557, %swap3A_558] {strides = array<i32>} : memref<128x128xf32, #tpu.memory_space<vmem>>, vector<16xf32>,
        tpu.vector_store %arg12[%swap3A_557, %swap3A_558], %add3A_554 {strides = array<i32>} : memref<128x128xf32, #tpu.memory_space<vmem>>, vector<16xf32>,
        %sub3A_560 = arith.subf %gather3A_387, %scan3A_325 : vector<16xf32>
        %mul3A_561 = arith.mulf %gather3A_503, %sub3A_560 : vector<16xf32>
        %add3A_562 = arith.addf %scan3A_325, %mul3A_561 : vector<16xf32>
        %add3A_563 = arith.constant 0 : i32
        %add3A_564 = arith.addi %mul3A_351, %add3A_563 : i32
        %swap3A_565 = arith.index_cast %add3A_564 : i32 to index
        %swap3A_566 = arith.constant 112 : index
        %swap3A_567 = tpu.vector_load %arg12[%swap3A_565, %swap3A_566] {strides = array<i32>} : memref<128x128xf32, #tpu.memory_space<vmem>>, vector<16xf32>,
        tpu.vector_store %arg12[%swap3A_565, %swap3A_566], %add3A_562 {strides = array<i32>} : memref<128x128xf32, #tpu.memory_space<vmem>>, vector<16xf32>,
        %broadcast_in_dim3A_568 = arith.constant 1 : i32
        %broadcast_in_dim3A_569 = vector.broadcast %broadcast_in_dim3A_568 : i32 to vector<16xi32>
        %broadcast_in_dim3A_570 = vector.shape_cast %broadcast_in_dim3A_569 : vector<16xi32> to vector<16x1xi32>
        %gather3A_571 = vector.shape_cast %broadcast_in_dim3A_570 : vector<16x1xi32> to vector<16xi32>
        %gather3A_572 = tpu.dynamic_gather %select_n3A_342[%gather3A_571] in [0] : vector<16xf32>, vector<16xi32> -> vector<16xf32>
        %sub3A_573 = arith.subf %gather3A_396, %add3A_506 : vector<16xf32>
        %mul3A_574 = arith.mulf %gather3A_572, %sub3A_573 : vector<16xf32>
        %add3A_575 = arith.addf %add3A_506, %mul3A_574 : vector<16xf32>
        %add3A_576 = arith.constant 1 : i32
        %add3A_577 = arith.addi %mul3A_351, %add3A_576 : i32
        %swap3A_578 = arith.index_cast %add3A_577 : i32 to index
        %swap3A_579 = arith.constant 0 : index
        %swap3A_580 = tpu.vector_load %arg12[%swap3A_578, %swap3A_579] {strides = array<i32>} : memref<128x128xf32, #tpu.memory_space<vmem>>, vector<16xf32>,
        tpu.vector_store %arg12[%swap3A_578, %swap3A_579], %add3A_575 {strides = array<i32>} : memref<128x128xf32, #tpu.memory_space<vmem>>, vector<16xf32>,
        %sub3A_581 = arith.subf %gather3A_400, %add3A_514 : vector<16xf32>
        %mul3A_582 = arith.mulf %gather3A_572, %sub3A_581 : vector<16xf32>
        %add3A_583 = arith.addf %add3A_514, %mul3A_582 : vector<16xf32>
        %add3A_584 = arith.constant 1 : i32
        %add3A_585 = arith.addi %mul3A_351, %add3A_584 : i32
        %swap3A_586 = arith.index_cast %add3A_585 : i32 to index
        %swap3A_587 = arith.constant 16 : index
        %swap3A_588 = tpu.vector_load %arg12[%swap3A_586, %swap3A_587] {strides = array<i32>} : memref<128x128xf32, #tpu.memory_space<vmem>>, vector<16xf32>,
        tpu.vector_store %arg12[%swap3A_586, %swap3A_587], %add3A_583 {strides = array<i32>} : memref<128x128xf32, #tpu.memory_space<vmem>>, vector<16xf32>,
        %sub3A_589 = arith.subf %gather3A_404, %add3A_522 : vector<16xf32>
        %mul3A_590 = arith.mulf %gather3A_572, %sub3A_589 : vector<16xf32>
        %add3A_591 = arith.addf %add3A_522, %mul3A_590 : vector<16xf32>
        %add3A_592 = arith.constant 1 : i32
        %add3A_593 = arith.addi %mul3A_351, %add3A_592 : i32
        %swap3A_594 = arith.index_cast %add3A_593 : i32 to index
        %swap3A_595 = arith.constant 32 : index
        %swap3A_596 = tpu.vector_load %arg12[%swap3A_594, %swap3A_595] {strides = array<i32>} : memref<128x128xf32, #tpu.memory_space<vmem>>, vector<16xf32>,
        tpu.vector_store %arg12[%swap3A_594, %swap3A_595], %add3A_591 {strides = array<i32>} : memref<128x128xf32, #tpu.memory_space<vmem>>, vector<16xf32>,
        %sub3A_597 = arith.subf %gather3A_408, %add3A_530 : vector<16xf32>
        %mul3A_598 = arith.mulf %gather3A_572, %sub3A_597 : vector<16xf32>
        %add3A_599 = arith.addf %add3A_530, %mul3A_598 : vector<16xf32>
        %add3A_600 = arith.constant 1 : i32
        %add3A_601 = arith.addi %mul3A_351, %add3A_600 : i32
        %swap3A_602 = arith.index_cast %add3A_601 : i32 to index
        %swap3A_603 = arith.constant 48 : index
        %swap3A_604 = tpu.vector_load %arg12[%swap3A_602, %swap3A_603] {strides = array<i32>} : memref<128x128xf32, #tpu.memory_space<vmem>>, vector<16xf32>,
        tpu.vector_store %arg12[%swap3A_602, %swap3A_603], %add3A_599 {strides = array<i32>} : memref<128x128xf32, #tpu.memory_space<vmem>>, vector<16xf32>,
        %sub3A_605 = arith.subf %gather3A_412, %add3A_538 : vector<16xf32>
        %mul3A_606 = arith.mulf %gather3A_572, %sub3A_605 : vector<16xf32>
        %add3A_607 = arith.addf %add3A_538, %mul3A_606 : vector<16xf32>
        %add3A_608 = arith.constant 1 : i32
        %add3A_609 = arith.addi %mul3A_351, %add3A_608 : i32
        %swap3A_610 = arith.index_cast %add3A_609 : i32 to index
        %swap3A_611 = arith.constant 64 : index
        %swap3A_612 = tpu.vector_load %arg12[%swap3A_610, %swap3A_611] {strides = array<i32>} : memref<128x128xf32, #tpu.memory_space<vmem>>, vector<16xf32>,
        tpu.vector_store %arg12[%swap3A_610, %swap3A_611], %add3A_607 {strides = array<i32>} : memref<128x128xf32, #tpu.memory_space<vmem>>, vector<16xf32>,
        %sub3A_613 = arith.subf %gather3A_416, %add3A_546 : vector<16xf32>
        %mul3A_614 = arith.mulf %gather3A_572, %sub3A_613 : vector<16xf32>
        %add3A_615 = arith.addf %add3A_546, %mul3A_614 : vector<16xf32>
        %add3A_616 = arith.constant 1 : i32
        %add3A_617 = arith.addi %mul3A_351, %add3A_616 : i32
        %swap3A_618 = arith.index_cast %add3A_617 : i32 to index
        %swap3A_619 = arith.constant 80 : index
        %swap3A_620 = tpu.vector_load %arg12[%swap3A_618, %swap3A_619] {strides = array<i32>} : memref<128x128xf32, #tpu.memory_space<vmem>>, vector<16xf32>,
        tpu.vector_store %arg12[%swap3A_618, %swap3A_619], %add3A_615 {strides = array<i32>} : memref<128x128xf32, #tpu.memory_space<vmem>>, vector<16xf32>,
        %sub3A_621 = arith.subf %gather3A_420, %add3A_554 : vector<16xf32>
        %mul3A_622 = arith.mulf %gather3A_572, %sub3A_621 : vector<16xf32>
        %add3A_623 = arith.addf %add3A_554, %mul3A_622 : vector<16xf32>
        %add3A_624 = arith.constant 1 : i32
        %add3A_625 = arith.addi %mul3A_351, %add3A_624 : i32
        %swap3A_626 = arith.index_cast %add3A_625 : i32 to index
        %swap3A_627 = arith.constant 96 : index
        %swap3A_628 = tpu.vector_load %arg12[%swap3A_626, %swap3A_627] {strides = array<i32>} : memref<128x128xf32, #tpu.memory_space<vmem>>, vector<16xf32>,
        tpu.vector_store %arg12[%swap3A_626, %swap3A_627], %add3A_623 {strides = array<i32>} : memref<128x128xf32, #tpu.memory_space<vmem>>, vector<16xf32>,
        %sub3A_629 = arith.subf %gather3A_424, %add3A_562 : vector<16xf32>
        %mul3A_630 = arith.mulf %gather3A_572, %sub3A_629 : vector<16xf32>
        %add3A_631 = arith.addf %add3A_562, %mul3A_630 : vector<16xf32>
        %add3A_632 = arith.constant 1 : i32
        %add3A_633 = arith.addi %mul3A_351, %add3A_632 : i32
        %swap3A_634 = arith.index_cast %add3A_633 : i32 to index
        %swap3A_635 = arith.constant 112 : index
        %swap3A_636 = tpu.vector_load %arg12[%swap3A_634, %swap3A_635] {strides = array<i32>} : memref<128x128xf32, #tpu.memory_space<vmem>>, vector<16xf32>,
        tpu.vector_store %arg12[%swap3A_634, %swap3A_635], %add3A_631 {strides = array<i32>} : memref<128x128xf32, #tpu.memory_space<vmem>>, vector<16xf32>,
        %broadcast_in_dim3A_637 = arith.constant 2 : i32
        %broadcast_in_dim3A_638 = vector.broadcast %broadcast_in_dim3A_637 : i32 to vector<16xi32>
        %broadcast_in_dim3A_639 = vector.shape_cast %broadcast_in_dim3A_638 : vector<16xi32> to vector<16x1xi32>
        %gather3A_640 = vector.shape_cast %broadcast_in_dim3A_639 : vector<16x1xi32> to vector<16xi32>
        %gather3A_641 = tpu.dynamic_gather %select_n3A_342[%gather3A_640] in [0] : vector<16xf32>, vector<16xi32> -> vector<16xf32>
        %sub3A_642 = arith.subf %gather3A_433, %add3A_575 : vector<16xf32>
        %mul3A_643 = arith.mulf %gather3A_641, %sub3A_642 : vector<16xf32>
        %add3A_644 = arith.addf %add3A_575, %mul3A_643 : vector<16xf32>
        %add3A_645 = arith.constant 2 : i32
        %add3A_646 = arith.addi %mul3A_351, %add3A_645 : i32
        %swap3A_647 = arith.index_cast %add3A_646 : i32 to index
        %swap3A_648 = arith.constant 0 : index
        %swap3A_649 = tpu.vector_load %arg12[%swap3A_647, %swap3A_648] {strides = array<i32>} : memref<128x128xf32, #tpu.memory_space<vmem>>, vector<16xf32>,
        tpu.vector_store %arg12[%swap3A_647, %swap3A_648], %add3A_644 {strides = array<i32>} : memref<128x128xf32, #tpu.memory_space<vmem>>, vector<16xf32>,
        %sub3A_650 = arith.subf %gather3A_437, %add3A_583 : vector<16xf32>
        %mul3A_651 = arith.mulf %gather3A_641, %sub3A_650 : vector<16xf32>
        %add3A_652 = arith.addf %add3A_583, %mul3A_651 : vector<16xf32>
        %add3A_653 = arith.constant 2 : i32
        %add3A_654 = arith.addi %mul3A_351, %add3A_653 : i32
        %swap3A_655 = arith.index_cast %add3A_654 : i32 to index
        %swap3A_656 = arith.constant 16 : index
        %swap3A_657 = tpu.vector_load %arg12[%swap3A_655, %swap3A_656] {strides = array<i32>} : memref<128x128xf32, #tpu.memory_space<vmem>>, vector<16xf32>,
        tpu.vector_store %arg12[%swap3A_655, %swap3A_656], %add3A_652 {strides = array<i32>} : memref<128x128xf32, #tpu.memory_space<vmem>>, vector<16xf32>,
        %sub3A_658 = arith.subf %gather3A_441, %add3A_591 : vector<16xf32>
        %mul3A_659 = arith.mulf %gather3A_641, %sub3A_658 : vector<16xf32>
        %add3A_660 = arith.addf %add3A_591, %mul3A_659 : vector<16xf32>
        %add3A_661 = arith.constant 2 : i32
        %add3A_662 = arith.addi %mul3A_351, %add3A_661 : i32
        %swap3A_663 = arith.index_cast %add3A_662 : i32 to index
        %swap3A_664 = arith.constant 32 : index
        %swap3A_665 = tpu.vector_load %arg12[%swap3A_663, %swap3A_664] {strides = array<i32>} : memref<128x128xf32, #tpu.memory_space<vmem>>, vector<16xf32>,
        tpu.vector_store %arg12[%swap3A_663, %swap3A_664], %add3A_660 {strides = array<i32>} : memref<128x128xf32, #tpu.memory_space<vmem>>, vector<16xf32>,
        %sub3A_666 = arith.subf %gather3A_445, %add3A_599 : vector<16xf32>
        %mul3A_667 = arith.mulf %gather3A_641, %sub3A_666 : vector<16xf32>
        %add3A_668 = arith.addf %add3A_599, %mul3A_667 : vector<16xf32>
        %add3A_669 = arith.constant 2 : i32
        %add3A_670 = arith.addi %mul3A_351, %add3A_669 : i32
        %swap3A_671 = arith.index_cast %add3A_670 : i32 to index
        %swap3A_672 = arith.constant 48 : index
        %swap3A_673 = tpu.vector_load %arg12[%swap3A_671, %swap3A_672] {strides = array<i32>} : memref<128x128xf32, #tpu.memory_space<vmem>>, vector<16xf32>,
        tpu.vector_store %arg12[%swap3A_671, %swap3A_672], %add3A_668 {strides = array<i32>} : memref<128x128xf32, #tpu.memory_space<vmem>>, vector<16xf32>,
        %sub3A_674 = arith.subf %gather3A_449, %add3A_607 : vector<16xf32>
        %mul3A_675 = arith.mulf %gather3A_641, %sub3A_674 : vector<16xf32>
        %add3A_676 = arith.addf %add3A_607, %mul3A_675 : vector<16xf32>
        %add3A_677 = arith.constant 2 : i32
        %add3A_678 = arith.addi %mul3A_351, %add3A_677 : i32
        %swap3A_679 = arith.index_cast %add3A_678 : i32 to index
        %swap3A_680 = arith.constant 64 : index
        %swap3A_681 = tpu.vector_load %arg12[%swap3A_679, %swap3A_680] {strides = array<i32>} : memref<128x128xf32, #tpu.memory_space<vmem>>, vector<16xf32>,
        tpu.vector_store %arg12[%swap3A_679, %swap3A_680], %add3A_676 {strides = array<i32>} : memref<128x128xf32, #tpu.memory_space<vmem>>, vector<16xf32>,
        %sub3A_682 = arith.subf %gather3A_453, %add3A_615 : vector<16xf32>
        %mul3A_683 = arith.mulf %gather3A_641, %sub3A_682 : vector<16xf32>
        %add3A_684 = arith.addf %add3A_615, %mul3A_683 : vector<16xf32>
        %add3A_685 = arith.constant 2 : i32
        %add3A_686 = arith.addi %mul3A_351, %add3A_685 : i32
        %swap3A_687 = arith.index_cast %add3A_686 : i32 to index
        %swap3A_688 = arith.constant 80 : index
        %swap3A_689 = tpu.vector_load %arg12[%swap3A_687, %swap3A_688] {strides = array<i32>} : memref<128x128xf32, #tpu.memory_space<vmem>>, vector<16xf32>,
        tpu.vector_store %arg12[%swap3A_687, %swap3A_688], %add3A_684 {strides = array<i32>} : memref<128x128xf32, #tpu.memory_space<vmem>>, vector<16xf32>,
        %sub3A_690 = arith.subf %gather3A_457, %add3A_623 : vector<16xf32>
        %mul3A_691 = arith.mulf %gather3A_641, %sub3A_690 : vector<16xf32>
        %add3A_692 = arith.addf %add3A_623, %mul3A_691 : vector<16xf32>
        %add3A_693 = arith.constant 2 : i32
        %add3A_694 = arith.addi %mul3A_351, %add3A_693 : i32
        %swap3A_695 = arith.index_cast %add3A_694 : i32 to index
        %swap3A_696 = arith.constant 96 : index
        %swap3A_697 = tpu.vector_load %arg12[%swap3A_695, %swap3A_696] {strides = array<i32>} : memref<128x128xf32, #tpu.memory_space<vmem>>, vector<16xf32>,
        tpu.vector_store %arg12[%swap3A_695, %swap3A_696], %add3A_692 {strides = array<i32>} : memref<128x128xf32, #tpu.memory_space<vmem>>, vector<16xf32>,
        %sub3A_698 = arith.subf %gather3A_461, %add3A_631 : vector<16xf32>
        %mul3A_699 = arith.mulf %gather3A_641, %sub3A_698 : vector<16xf32>
        %add3A_700 = arith.addf %add3A_631, %mul3A_699 : vector<16xf32>
        %add3A_701 = arith.constant 2 : i32
        %add3A_702 = arith.addi %mul3A_351, %add3A_701 : i32
        %swap3A_703 = arith.index_cast %add3A_702 : i32 to index
        %swap3A_704 = arith.constant 112 : index
        %swap3A_705 = tpu.vector_load %arg12[%swap3A_703, %swap3A_704] {strides = array<i32>} : memref<128x128xf32, #tpu.memory_space<vmem>>, vector<16xf32>,
        tpu.vector_store %arg12[%swap3A_703, %swap3A_704], %add3A_700 {strides = array<i32>} : memref<128x128xf32, #tpu.memory_space<vmem>>, vector<16xf32>,
        %broadcast_in_dim3A_706 = arith.constant 3 : i32
        %broadcast_in_dim3A_707 = vector.broadcast %broadcast_in_dim3A_706 : i32 to vector<16xi32>
        %broadcast_in_dim3A_708 = vector.shape_cast %broadcast_in_dim3A_707 : vector<16xi32> to vector<16x1xi32>
        %gather3A_709 = vector.shape_cast %broadcast_in_dim3A_708 : vector<16x1xi32> to vector<16xi32>
        %gather3A_710 = tpu.dynamic_gather %select_n3A_342[%gather3A_709] in [0] : vector<16xf32>, vector<16xi32> -> vector<16xf32>
        %sub3A_711 = arith.subf %gather3A_470, %add3A_644 : vector<16xf32>
        %mul3A_712 = arith.mulf %gather3A_710, %sub3A_711 : vector<16xf32>
        %add3A_713 = arith.addf %add3A_644, %mul3A_712 : vector<16xf32>
        %add3A_714 = arith.constant 3 : i32
        %add3A_715 = arith.addi %mul3A_351, %add3A_714 : i32
        %swap3A_716 = arith.index_cast %add3A_715 : i32 to index
        %swap3A_717 = arith.constant 0 : index
        %swap3A_718 = tpu.vector_load %arg12[%swap3A_716, %swap3A_717] {strides = array<i32>} : memref<128x128xf32, #tpu.memory_space<vmem>>, vector<16xf32>,
        tpu.vector_store %arg12[%swap3A_716, %swap3A_717], %add3A_713 {strides = array<i32>} : memref<128x128xf32, #tpu.memory_space<vmem>>, vector<16xf32>,
        %sub3A_719 = arith.subf %gather3A_474, %add3A_652 : vector<16xf32>
        %mul3A_720 = arith.mulf %gather3A_710, %sub3A_719 : vector<16xf32>
        %add3A_721 = arith.addf %add3A_652, %mul3A_720 : vector<16xf32>
        %add3A_722 = arith.constant 3 : i32
        %add3A_723 = arith.addi %mul3A_351, %add3A_722 : i32
        %swap3A_724 = arith.index_cast %add3A_723 : i32 to index
        %swap3A_725 = arith.constant 16 : index
        %swap3A_726 = tpu.vector_load %arg12[%swap3A_724, %swap3A_725] {strides = array<i32>} : memref<128x128xf32, #tpu.memory_space<vmem>>, vector<16xf32>,
        tpu.vector_store %arg12[%swap3A_724, %swap3A_725], %add3A_721 {strides = array<i32>} : memref<128x128xf32, #tpu.memory_space<vmem>>, vector<16xf32>,
        %sub3A_727 = arith.subf %gather3A_478, %add3A_660 : vector<16xf32>
        %mul3A_728 = arith.mulf %gather3A_710, %sub3A_727 : vector<16xf32>
        %add3A_729 = arith.addf %add3A_660, %mul3A_728 : vector<16xf32>
        %add3A_730 = arith.constant 3 : i32
        %add3A_731 = arith.addi %mul3A_351, %add3A_730 : i32
        %swap3A_732 = arith.index_cast %add3A_731 : i32 to index
        %swap3A_733 = arith.constant 32 : index
        %swap3A_734 = tpu.vector_load %arg12[%swap3A_732, %swap3A_733] {strides = array<i32>} : memref<128x128xf32, #tpu.memory_space<vmem>>, vector<16xf32>,
        tpu.vector_store %arg12[%swap3A_732, %swap3A_733], %add3A_729 {strides = array<i32>} : memref<128x128xf32, #tpu.memory_space<vmem>>, vector<16xf32>,
        %sub3A_735 = arith.subf %gather3A_482, %add3A_668 : vector<16xf32>
        %mul3A_736 = arith.mulf %gather3A_710, %sub3A_735 : vector<16xf32>
        %add3A_737 = arith.addf %add3A_668, %mul3A_736 : vector<16xf32>
        %add3A_738 = arith.constant 3 : i32
        %add3A_739 = arith.addi %mul3A_351, %add3A_738 : i32
        %swap3A_740 = arith.index_cast %add3A_739 : i32 to index
        %swap3A_741 = arith.constant 48 : index
        %swap3A_742 = tpu.vector_load %arg12[%swap3A_740, %swap3A_741] {strides = array<i32>} : memref<128x128xf32, #tpu.memory_space<vmem>>, vector<16xf32>,
        tpu.vector_store %arg12[%swap3A_740, %swap3A_741], %add3A_737 {strides = array<i32>} : memref<128x128xf32, #tpu.memory_space<vmem>>, vector<16xf32>,
        %sub3A_743 = arith.subf %gather3A_486, %add3A_676 : vector<16xf32>
        %mul3A_744 = arith.mulf %gather3A_710, %sub3A_743 : vector<16xf32>
        %add3A_745 = arith.addf %add3A_676, %mul3A_744 : vector<16xf32>
        %add3A_746 = arith.constant 3 : i32
        %add3A_747 = arith.addi %mul3A_351, %add3A_746 : i32
        %swap3A_748 = arith.index_cast %add3A_747 : i32 to index
        %swap3A_749 = arith.constant 64 : index
        %swap3A_750 = tpu.vector_load %arg12[%swap3A_748, %swap3A_749] {strides = array<i32>} : memref<128x128xf32, #tpu.memory_space<vmem>>, vector<16xf32>,
        tpu.vector_store %arg12[%swap3A_748, %swap3A_749], %add3A_745 {strides = array<i32>} : memref<128x128xf32, #tpu.memory_space<vmem>>, vector<16xf32>,
        %sub3A_751 = arith.subf %gather3A_490, %add3A_684 : vector<16xf32>
        %mul3A_752 = arith.mulf %gather3A_710, %sub3A_751 : vector<16xf32>
        %add3A_753 = arith.addf %add3A_684, %mul3A_752 : vector<16xf32>
        %add3A_754 = arith.constant 3 : i32
        %add3A_755 = arith.addi %mul3A_351, %add3A_754 : i32
        %swap3A_756 = arith.index_cast %add3A_755 : i32 to index
        %swap3A_757 = arith.constant 80 : index
        %swap3A_758 = tpu.vector_load %arg12[%swap3A_756, %swap3A_757] {strides = array<i32>} : memref<128x128xf32, #tpu.memory_space<vmem>>, vector<16xf32>,
        tpu.vector_store %arg12[%swap3A_756, %swap3A_757], %add3A_753 {strides = array<i32>} : memref<128x128xf32, #tpu.memory_space<vmem>>, vector<16xf32>,
        %sub3A_759 = arith.subf %gather3A_494, %add3A_692 : vector<16xf32>
        %mul3A_760 = arith.mulf %gather3A_710, %sub3A_759 : vector<16xf32>
        %add3A_761 = arith.addf %add3A_692, %mul3A_760 : vector<16xf32>
        %add3A_762 = arith.constant 3 : i32
        %add3A_763 = arith.addi %mul3A_351, %add3A_762 : i32
        %swap3A_764 = arith.index_cast %add3A_763 : i32 to index
        %swap3A_765 = arith.constant 96 : index
        %swap3A_766 = tpu.vector_load %arg12[%swap3A_764, %swap3A_765] {strides = array<i32>} : memref<128x128xf32, #tpu.memory_space<vmem>>, vector<16xf32>,
        tpu.vector_store %arg12[%swap3A_764, %swap3A_765], %add3A_761 {strides = array<i32>} : memref<128x128xf32, #tpu.memory_space<vmem>>, vector<16xf32>,
        %sub3A_767 = arith.subf %gather3A_498, %add3A_700 : vector<16xf32>
        %mul3A_768 = arith.mulf %gather3A_710, %sub3A_767 : vector<16xf32>
        %add3A_769 = arith.addf %add3A_700, %mul3A_768 : vector<16xf32>
        %add3A_770 = arith.constant 3 : i32
        %add3A_771 = arith.addi %mul3A_351, %add3A_770 : i32
        %swap3A_772 = arith.index_cast %add3A_771 : i32 to index
        %swap3A_773 = arith.constant 112 : index
        %swap3A_774 = tpu.vector_load %arg12[%swap3A_772, %swap3A_773] {strides = array<i32>} : memref<128x128xf32, #tpu.memory_space<vmem>>, vector<16xf32>,
        tpu.vector_store %arg12[%swap3A_772, %swap3A_773], %add3A_769 {strides = array<i32>} : memref<128x128xf32, #tpu.memory_space<vmem>>, vector<16xf32>,
        %broadcast_in_dim3A_775 = arith.constant 4 : i32
        %broadcast_in_dim3A_776 = vector.broadcast %broadcast_in_dim3A_775 : i32 to vector<16xi32>
        %broadcast_in_dim3A_777 = vector.shape_cast %broadcast_in_dim3A_776 : vector<16xi32> to vector<16x1xi32>
        %gather3A_778 = vector.shape_cast %broadcast_in_dim3A_777 : vector<16x1xi32> to vector<16xi32>
        %gather3A_779 = tpu.dynamic_gather %select_n3A_349[%gather3A_778] in [0] : vector<16xi32>, vector<16xi32> -> vector<16xi32>
        %add3A_780 = arith.constant 0 : i32
        %add3A_781 = vector.broadcast %add3A_780 : i32 to vector<16xi32>
        %add3A_782 = arith.addi %iota3A, %add3A_781 : vector<16xi32>
        %gather3A_783 = tpu.vector_load_idx %arg10[%gather3A_779, %add3A_782] : memref<137x128xf32, #tpu.memory_space<vmem>>[vector<16xi32>, vector<16xi32>], vector<16xf32>,
        %add3A_784 = arith.constant 16 : i32
        %add3A_785 = vector.broadcast %add3A_784 : i32 to vector<16xi32>
        %add3A_786 = arith.addi %iota3A, %add3A_785 : vector<16xi32>
        %gather3A_787 = tpu.vector_load_idx %arg10[%gather3A_779, %add3A_786] : memref<137x128xf32, #tpu.memory_space<vmem>>[vector<16xi32>, vector<16xi32>], vector<16xf32>,
        %add3A_788 = arith.constant 32 : i32
        %add3A_789 = vector.broadcast %add3A_788 : i32 to vector<16xi32>
        %add3A_790 = arith.addi %iota3A, %add3A_789 : vector<16xi32>
        %gather3A_791 = tpu.vector_load_idx %arg10[%gather3A_779, %add3A_790] : memref<137x128xf32, #tpu.memory_space<vmem>>[vector<16xi32>, vector<16xi32>], vector<16xf32>,
        %add3A_792 = arith.constant 48 : i32
        %add3A_793 = vector.broadcast %add3A_792 : i32 to vector<16xi32>
        %add3A_794 = arith.addi %iota3A, %add3A_793 : vector<16xi32>
        %gather3A_795 = tpu.vector_load_idx %arg10[%gather3A_779, %add3A_794] : memref<137x128xf32, #tpu.memory_space<vmem>>[vector<16xi32>, vector<16xi32>], vector<16xf32>,
        %add3A_796 = arith.constant 64 : i32
        %add3A_797 = vector.broadcast %add3A_796 : i32 to vector<16xi32>
        %add3A_798 = arith.addi %iota3A, %add3A_797 : vector<16xi32>
        %gather3A_799 = tpu.vector_load_idx %arg10[%gather3A_779, %add3A_798] : memref<137x128xf32, #tpu.memory_space<vmem>>[vector<16xi32>, vector<16xi32>], vector<16xf32>,
        %add3A_800 = arith.constant 80 : i32
        %add3A_801 = vector.broadcast %add3A_800 : i32 to vector<16xi32>
        %add3A_802 = arith.addi %iota3A, %add3A_801 : vector<16xi32>
        %gather3A_803 = tpu.vector_load_idx %arg10[%gather3A_779, %add3A_802] : memref<137x128xf32, #tpu.memory_space<vmem>>[vector<16xi32>, vector<16xi32>], vector<16xf32>,
        %add3A_804 = arith.constant 96 : i32
        %add3A_805 = vector.broadcast %add3A_804 : i32 to vector<16xi32>
        %add3A_806 = arith.addi %iota3A, %add3A_805 : vector<16xi32>
        %gather3A_807 = tpu.vector_load_idx %arg10[%gather3A_779, %add3A_806] : memref<137x128xf32, #tpu.memory_space<vmem>>[vector<16xi32>, vector<16xi32>], vector<16xf32>,
        %add3A_808 = arith.constant 112 : i32
        %add3A_809 = vector.broadcast %add3A_808 : i32 to vector<16xi32>
        %add3A_810 = arith.addi %iota3A, %add3A_809 : vector<16xi32>
        %gather3A_811 = tpu.vector_load_idx %arg10[%gather3A_779, %add3A_810] : memref<137x128xf32, #tpu.memory_space<vmem>>[vector<16xi32>, vector<16xi32>], vector<16xf32>,
        %broadcast_in_dim3A_812 = arith.constant 5 : i32
        %broadcast_in_dim3A_813 = vector.broadcast %broadcast_in_dim3A_812 : i32 to vector<16xi32>
        %broadcast_in_dim3A_814 = vector.shape_cast %broadcast_in_dim3A_813 : vector<16xi32> to vector<16x1xi32>
        %gather3A_815 = vector.shape_cast %broadcast_in_dim3A_814 : vector<16x1xi32> to vector<16xi32>
        %gather3A_816 = tpu.dynamic_gather %select_n3A_349[%gather3A_815] in [0] : vector<16xi32>, vector<16xi32> -> vector<16xi32>
        %add3A_817 = arith.constant 0 : i32
        %add3A_818 = vector.broadcast %add3A_817 : i32 to vector<16xi32>
        %add3A_819 = arith.addi %iota3A, %add3A_818 : vector<16xi32>
        %gather3A_820 = tpu.vector_load_idx %arg10[%gather3A_816, %add3A_819] : memref<137x128xf32, #tpu.memory_space<vmem>>[vector<16xi32>, vector<16xi32>], vector<16xf32>,
        %add3A_821 = arith.constant 16 : i32
        %add3A_822 = vector.broadcast %add3A_821 : i32 to vector<16xi32>
        %add3A_823 = arith.addi %iota3A, %add3A_822 : vector<16xi32>
        %gather3A_824 = tpu.vector_load_idx %arg10[%gather3A_816, %add3A_823] : memref<137x128xf32, #tpu.memory_space<vmem>>[vector<16xi32>, vector<16xi32>], vector<16xf32>,
        %add3A_825 = arith.constant 32 : i32
        %add3A_826 = vector.broadcast %add3A_825 : i32 to vector<16xi32>
        %add3A_827 = arith.addi %iota3A, %add3A_826 : vector<16xi32>
        %gather3A_828 = tpu.vector_load_idx %arg10[%gather3A_816, %add3A_827] : memref<137x128xf32, #tpu.memory_space<vmem>>[vector<16xi32>, vector<16xi32>], vector<16xf32>,
        %add3A_829 = arith.constant 48 : i32
        %add3A_830 = vector.broadcast %add3A_829 : i32 to vector<16xi32>
        %add3A_831 = arith.addi %iota3A, %add3A_830 : vector<16xi32>
        %gather3A_832 = tpu.vector_load_idx %arg10[%gather3A_816, %add3A_831] : memref<137x128xf32, #tpu.memory_space<vmem>>[vector<16xi32>, vector<16xi32>], vector<16xf32>,
        %add3A_833 = arith.constant 64 : i32
        %add3A_834 = vector.broadcast %add3A_833 : i32 to vector<16xi32>
        %add3A_835 = arith.addi %iota3A, %add3A_834 : vector<16xi32>
        %gather3A_836 = tpu.vector_load_idx %arg10[%gather3A_816, %add3A_835] : memref<137x128xf32, #tpu.memory_space<vmem>>[vector<16xi32>, vector<16xi32>], vector<16xf32>,
        %add3A_837 = arith.constant 80 : i32
        %add3A_838 = vector.broadcast %add3A_837 : i32 to vector<16xi32>
        %add3A_839 = arith.addi %iota3A, %add3A_838 : vector<16xi32>
        %gather3A_840 = tpu.vector_load_idx %arg10[%gather3A_816, %add3A_839] : memref<137x128xf32, #tpu.memory_space<vmem>>[vector<16xi32>, vector<16xi32>], vector<16xf32>,
        %add3A_841 = arith.constant 96 : i32
        %add3A_842 = vector.broadcast %add3A_841 : i32 to vector<16xi32>
        %add3A_843 = arith.addi %iota3A, %add3A_842 : vector<16xi32>
        %gather3A_844 = tpu.vector_load_idx %arg10[%gather3A_816, %add3A_843] : memref<137x128xf32, #tpu.memory_space<vmem>>[vector<16xi32>, vector<16xi32>], vector<16xf32>,
        %add3A_845 = arith.constant 112 : i32
        %add3A_846 = vector.broadcast %add3A_845 : i32 to vector<16xi32>
        %add3A_847 = arith.addi %iota3A, %add3A_846 : vector<16xi32>
        %gather3A_848 = tpu.vector_load_idx %arg10[%gather3A_816, %add3A_847] : memref<137x128xf32, #tpu.memory_space<vmem>>[vector<16xi32>, vector<16xi32>], vector<16xf32>,
        %broadcast_in_dim3A_849 = arith.constant 6 : i32
        %broadcast_in_dim3A_850 = vector.broadcast %broadcast_in_dim3A_849 : i32 to vector<16xi32>
        %broadcast_in_dim3A_851 = vector.shape_cast %broadcast_in_dim3A_850 : vector<16xi32> to vector<16x1xi32>
        %gather3A_852 = vector.shape_cast %broadcast_in_dim3A_851 : vector<16x1xi32> to vector<16xi32>
        %gather3A_853 = tpu.dynamic_gather %select_n3A_349[%gather3A_852] in [0] : vector<16xi32>, vector<16xi32> -> vector<16xi32>
        %add3A_854 = arith.constant 0 : i32
        %add3A_855 = vector.broadcast %add3A_854 : i32 to vector<16xi32>
        %add3A_856 = arith.addi %iota3A, %add3A_855 : vector<16xi32>
        %gather3A_857 = tpu.vector_load_idx %arg10[%gather3A_853, %add3A_856] : memref<137x128xf32, #tpu.memory_space<vmem>>[vector<16xi32>, vector<16xi32>], vector<16xf32>,
        %add3A_858 = arith.constant 16 : i32
        %add3A_859 = vector.broadcast %add3A_858 : i32 to vector<16xi32>
        %add3A_860 = arith.addi %iota3A, %add3A_859 : vector<16xi32>
        %gather3A_861 = tpu.vector_load_idx %arg10[%gather3A_853, %add3A_860] : memref<137x128xf32, #tpu.memory_space<vmem>>[vector<16xi32>, vector<16xi32>], vector<16xf32>,
        %add3A_862 = arith.constant 32 : i32
        %add3A_863 = vector.broadcast %add3A_862 : i32 to vector<16xi32>
        %add3A_864 = arith.addi %iota3A, %add3A_863 : vector<16xi32>
        %gather3A_865 = tpu.vector_load_idx %arg10[%gather3A_853, %add3A_864] : memref<137x128xf32, #tpu.memory_space<vmem>>[vector<16xi32>, vector<16xi32>], vector<16xf32>,
        %add3A_866 = arith.constant 48 : i32
        %add3A_867 = vector.broadcast %add3A_866 : i32 to vector<16xi32>
        %add3A_868 = arith.addi %iota3A, %add3A_867 : vector<16xi32>
        %gather3A_869 = tpu.vector_load_idx %arg10[%gather3A_853, %add3A_868] : memref<137x128xf32, #tpu.memory_space<vmem>>[vector<16xi32>, vector<16xi32>], vector<16xf32>,
        %add3A_870 = arith.constant 64 : i32
        %add3A_871 = vector.broadcast %add3A_870 : i32 to vector<16xi32>
        %add3A_872 = arith.addi %iota3A, %add3A_871 : vector<16xi32>
        %gather3A_873 = tpu.vector_load_idx %arg10[%gather3A_853, %add3A_872] : memref<137x128xf32, #tpu.memory_space<vmem>>[vector<16xi32>, vector<16xi32>], vector<16xf32>,
        %add3A_874 = arith.constant 80 : i32
        %add3A_875 = vector.broadcast %add3A_874 : i32 to vector<16xi32>
        %add3A_876 = arith.addi %iota3A, %add3A_875 : vector<16xi32>
        %gather3A_877 = tpu.vector_load_idx %arg10[%gather3A_853, %add3A_876] : memref<137x128xf32, #tpu.memory_space<vmem>>[vector<16xi32>, vector<16xi32>], vector<16xf32>,
        %add3A_878 = arith.constant 96 : i32
        %add3A_879 = vector.broadcast %add3A_878 : i32 to vector<16xi32>
        %add3A_880 = arith.addi %iota3A, %add3A_879 : vector<16xi32>
        %gather3A_881 = tpu.vector_load_idx %arg10[%gather3A_853, %add3A_880] : memref<137x128xf32, #tpu.memory_space<vmem>>[vector<16xi32>, vector<16xi32>], vector<16xf32>,
        %add3A_882 = arith.constant 112 : i32
        %add3A_883 = vector.broadcast %add3A_882 : i32 to vector<16xi32>
        %add3A_884 = arith.addi %iota3A, %add3A_883 : vector<16xi32>
        %gather3A_885 = tpu.vector_load_idx %arg10[%gather3A_853, %add3A_884] : memref<137x128xf32, #tpu.memory_space<vmem>>[vector<16xi32>, vector<16xi32>], vector<16xf32>,
        %broadcast_in_dim3A_886 = arith.constant 7 : i32
        %broadcast_in_dim3A_887 = vector.broadcast %broadcast_in_dim3A_886 : i32 to vector<16xi32>
        %broadcast_in_dim3A_888 = vector.shape_cast %broadcast_in_dim3A_887 : vector<16xi32> to vector<16x1xi32>
        %gather3A_889 = vector.shape_cast %broadcast_in_dim3A_888 : vector<16x1xi32> to vector<16xi32>
        %gather3A_890 = tpu.dynamic_gather %select_n3A_349[%gather3A_889] in [0] : vector<16xi32>, vector<16xi32> -> vector<16xi32>
        %add3A_891 = arith.constant 0 : i32
        %add3A_892 = vector.broadcast %add3A_891 : i32 to vector<16xi32>
        %add3A_893 = arith.addi %iota3A, %add3A_892 : vector<16xi32>
        %gather3A_894 = tpu.vector_load_idx %arg10[%gather3A_890, %add3A_893] : memref<137x128xf32, #tpu.memory_space<vmem>>[vector<16xi32>, vector<16xi32>], vector<16xf32>,
        %add3A_895 = arith.constant 16 : i32
        %add3A_896 = vector.broadcast %add3A_895 : i32 to vector<16xi32>
        %add3A_897 = arith.addi %iota3A, %add3A_896 : vector<16xi32>
        %gather3A_898 = tpu.vector_load_idx %arg10[%gather3A_890, %add3A_897] : memref<137x128xf32, #tpu.memory_space<vmem>>[vector<16xi32>, vector<16xi32>], vector<16xf32>,
        %add3A_899 = arith.constant 32 : i32
        %add3A_900 = vector.broadcast %add3A_899 : i32 to vector<16xi32>
        %add3A_901 = arith.addi %iota3A, %add3A_900 : vector<16xi32>
        %gather3A_902 = tpu.vector_load_idx %arg10[%gather3A_890, %add3A_901] : memref<137x128xf32, #tpu.memory_space<vmem>>[vector<16xi32>, vector<16xi32>], vector<16xf32>,
        %add3A_903 = arith.constant 48 : i32
        %add3A_904 = vector.broadcast %add3A_903 : i32 to vector<16xi32>
        %add3A_905 = arith.addi %iota3A, %add3A_904 : vector<16xi32>
        %gather3A_906 = tpu.vector_load_idx %arg10[%gather3A_890, %add3A_905] : memref<137x128xf32, #tpu.memory_space<vmem>>[vector<16xi32>, vector<16xi32>], vector<16xf32>,
        %add3A_907 = arith.constant 64 : i32
        %add3A_908 = vector.broadcast %add3A_907 : i32 to vector<16xi32>
        %add3A_909 = arith.addi %iota3A, %add3A_908 : vector<16xi32>
        %gather3A_910 = tpu.vector_load_idx %arg10[%gather3A_890, %add3A_909] : memref<137x128xf32, #tpu.memory_space<vmem>>[vector<16xi32>, vector<16xi32>], vector<16xf32>,
        %add3A_911 = arith.constant 80 : i32
        %add3A_912 = vector.broadcast %add3A_911 : i32 to vector<16xi32>
        %add3A_913 = arith.addi %iota3A, %add3A_912 : vector<16xi32>
        %gather3A_914 = tpu.vector_load_idx %arg10[%gather3A_890, %add3A_913] : memref<137x128xf32, #tpu.memory_space<vmem>>[vector<16xi32>, vector<16xi32>], vector<16xf32>,
        %add3A_915 = arith.constant 96 : i32
        %add3A_916 = vector.broadcast %add3A_915 : i32 to vector<16xi32>
        %add3A_917 = arith.addi %iota3A, %add3A_916 : vector<16xi32>
        %gather3A_918 = tpu.vector_load_idx %arg10[%gather3A_890, %add3A_917] : memref<137x128xf32, #tpu.memory_space<vmem>>[vector<16xi32>, vector<16xi32>], vector<16xf32>,
        %add3A_919 = arith.constant 112 : i32
        %add3A_920 = vector.broadcast %add3A_919 : i32 to vector<16xi32>
        %add3A_921 = arith.addi %iota3A, %add3A_920 : vector<16xi32>
        %gather3A_922 = tpu.vector_load_idx %arg10[%gather3A_890, %add3A_921] : memref<137x128xf32, #tpu.memory_space<vmem>>[vector<16xi32>, vector<16xi32>], vector<16xf32>,
        %broadcast_in_dim3A_923 = arith.constant 4 : i32
        %broadcast_in_dim3A_924 = vector.broadcast %broadcast_in_dim3A_923 : i32 to vector<16xi32>
        %broadcast_in_dim3A_925 = vector.shape_cast %broadcast_in_dim3A_924 : vector<16xi32> to vector<16x1xi32>
        %gather3A_926 = vector.shape_cast %broadcast_in_dim3A_925 : vector<16x1xi32> to vector<16xi32>
        %gather3A_927 = tpu.dynamic_gather %select_n3A_342[%gather3A_926] in [0] : vector<16xf32>, vector<16xi32> -> vector<16xf32>
        %sub3A_928 = arith.subf %gather3A_783, %add3A_713 : vector<16xf32>
        %mul3A_929 = arith.mulf %gather3A_927, %sub3A_928 : vector<16xf32>
        %add3A_930 = arith.addf %add3A_713, %mul3A_929 : vector<16xf32>
        %add3A_931 = arith.constant 4 : i32
        %add3A_932 = arith.addi %mul3A_351, %add3A_931 : i32
        %swap3A_933 = arith.index_cast %add3A_932 : i32 to index
        %swap3A_934 = arith.constant 0 : index
        %swap3A_935 = tpu.vector_load %arg12[%swap3A_933, %swap3A_934] {strides = array<i32>} : memref<128x128xf32, #tpu.memory_space<vmem>>, vector<16xf32>,
        tpu.vector_store %arg12[%swap3A_933, %swap3A_934], %add3A_930 {strides = array<i32>} : memref<128x128xf32, #tpu.memory_space<vmem>>, vector<16xf32>,
        %sub3A_936 = arith.subf %gather3A_787, %add3A_721 : vector<16xf32>
        %mul3A_937 = arith.mulf %gather3A_927, %sub3A_936 : vector<16xf32>
        %add3A_938 = arith.addf %add3A_721, %mul3A_937 : vector<16xf32>
        %add3A_939 = arith.constant 4 : i32
        %add3A_940 = arith.addi %mul3A_351, %add3A_939 : i32
        %swap3A_941 = arith.index_cast %add3A_940 : i32 to index
        %swap3A_942 = arith.constant 16 : index
        %swap3A_943 = tpu.vector_load %arg12[%swap3A_941, %swap3A_942] {strides = array<i32>} : memref<128x128xf32, #tpu.memory_space<vmem>>, vector<16xf32>,
        tpu.vector_store %arg12[%swap3A_941, %swap3A_942], %add3A_938 {strides = array<i32>} : memref<128x128xf32, #tpu.memory_space<vmem>>, vector<16xf32>,
        %sub3A_944 = arith.subf %gather3A_791, %add3A_729 : vector<16xf32>
        %mul3A_945 = arith.mulf %gather3A_927, %sub3A_944 : vector<16xf32>
        %add3A_946 = arith.addf %add3A_729, %mul3A_945 : vector<16xf32>
        %add3A_947 = arith.constant 4 : i32
        %add3A_948 = arith.addi %mul3A_351, %add3A_947 : i32
        %swap3A_949 = arith.index_cast %add3A_948 : i32 to index
        %swap3A_950 = arith.constant 32 : index
        %swap3A_951 = tpu.vector_load %arg12[%swap3A_949, %swap3A_950] {strides = array<i32>} : memref<128x128xf32, #tpu.memory_space<vmem>>, vector<16xf32>,
        tpu.vector_store %arg12[%swap3A_949, %swap3A_950], %add3A_946 {strides = array<i32>} : memref<128x128xf32, #tpu.memory_space<vmem>>, vector<16xf32>,
        %sub3A_952 = arith.subf %gather3A_795, %add3A_737 : vector<16xf32>
        %mul3A_953 = arith.mulf %gather3A_927, %sub3A_952 : vector<16xf32>
        %add3A_954 = arith.addf %add3A_737, %mul3A_953 : vector<16xf32>
        %add3A_955 = arith.constant 4 : i32
        %add3A_956 = arith.addi %mul3A_351, %add3A_955 : i32
        %swap3A_957 = arith.index_cast %add3A_956 : i32 to index
        %swap3A_958 = arith.constant 48 : index
        %swap3A_959 = tpu.vector_load %arg12[%swap3A_957, %swap3A_958] {strides = array<i32>} : memref<128x128xf32, #tpu.memory_space<vmem>>, vector<16xf32>,
        tpu.vector_store %arg12[%swap3A_957, %swap3A_958], %add3A_954 {strides = array<i32>} : memref<128x128xf32, #tpu.memory_space<vmem>>, vector<16xf32>,
        %sub3A_960 = arith.subf %gather3A_799, %add3A_745 : vector<16xf32>
        %mul3A_961 = arith.mulf %gather3A_927, %sub3A_960 : vector<16xf32>
        %add3A_962 = arith.addf %add3A_745, %mul3A_961 : vector<16xf32>
        %add3A_963 = arith.constant 4 : i32
        %add3A_964 = arith.addi %mul3A_351, %add3A_963 : i32
        %swap3A_965 = arith.index_cast %add3A_964 : i32 to index
        %swap3A_966 = arith.constant 64 : index
        %swap3A_967 = tpu.vector_load %arg12[%swap3A_965, %swap3A_966] {strides = array<i32>} : memref<128x128xf32, #tpu.memory_space<vmem>>, vector<16xf32>,
        tpu.vector_store %arg12[%swap3A_965, %swap3A_966], %add3A_962 {strides = array<i32>} : memref<128x128xf32, #tpu.memory_space<vmem>>, vector<16xf32>,
        %sub3A_968 = arith.subf %gather3A_803, %add3A_753 : vector<16xf32>
        %mul3A_969 = arith.mulf %gather3A_927, %sub3A_968 : vector<16xf32>
        %add3A_970 = arith.addf %add3A_753, %mul3A_969 : vector<16xf32>
        %add3A_971 = arith.constant 4 : i32
        %add3A_972 = arith.addi %mul3A_351, %add3A_971 : i32
        %swap3A_973 = arith.index_cast %add3A_972 : i32 to index
        %swap3A_974 = arith.constant 80 : index
        %swap3A_975 = tpu.vector_load %arg12[%swap3A_973, %swap3A_974] {strides = array<i32>} : memref<128x128xf32, #tpu.memory_space<vmem>>, vector<16xf32>,
        tpu.vector_store %arg12[%swap3A_973, %swap3A_974], %add3A_970 {strides = array<i32>} : memref<128x128xf32, #tpu.memory_space<vmem>>, vector<16xf32>,
        %sub3A_976 = arith.subf %gather3A_807, %add3A_761 : vector<16xf32>
        %mul3A_977 = arith.mulf %gather3A_927, %sub3A_976 : vector<16xf32>
        %add3A_978 = arith.addf %add3A_761, %mul3A_977 : vector<16xf32>
        %add3A_979 = arith.constant 4 : i32
        %add3A_980 = arith.addi %mul3A_351, %add3A_979 : i32
        %swap3A_981 = arith.index_cast %add3A_980 : i32 to index
        %swap3A_982 = arith.constant 96 : index
        %swap3A_983 = tpu.vector_load %arg12[%swap3A_981, %swap3A_982] {strides = array<i32>} : memref<128x128xf32, #tpu.memory_space<vmem>>, vector<16xf32>,
        tpu.vector_store %arg12[%swap3A_981, %swap3A_982], %add3A_978 {strides = array<i32>} : memref<128x128xf32, #tpu.memory_space<vmem>>, vector<16xf32>,
        %sub3A_984 = arith.subf %gather3A_811, %add3A_769 : vector<16xf32>
        %mul3A_985 = arith.mulf %gather3A_927, %sub3A_984 : vector<16xf32>
        %add3A_986 = arith.addf %add3A_769, %mul3A_985 : vector<16xf32>
        %add3A_987 = arith.constant 4 : i32
        %add3A_988 = arith.addi %mul3A_351, %add3A_987 : i32
        %swap3A_989 = arith.index_cast %add3A_988 : i32 to index
        %swap3A_990 = arith.constant 112 : index
        %swap3A_991 = tpu.vector_load %arg12[%swap3A_989, %swap3A_990] {strides = array<i32>} : memref<128x128xf32, #tpu.memory_space<vmem>>, vector<16xf32>,
        tpu.vector_store %arg12[%swap3A_989, %swap3A_990], %add3A_986 {strides = array<i32>} : memref<128x128xf32, #tpu.memory_space<vmem>>, vector<16xf32>,
        %broadcast_in_dim3A_992 = arith.constant 5 : i32
        %broadcast_in_dim3A_993 = vector.broadcast %broadcast_in_dim3A_992 : i32 to vector<16xi32>
        %broadcast_in_dim3A_994 = vector.shape_cast %broadcast_in_dim3A_993 : vector<16xi32> to vector<16x1xi32>
        %gather3A_995 = vector.shape_cast %broadcast_in_dim3A_994 : vector<16x1xi32> to vector<16xi32>
        %gather3A_996 = tpu.dynamic_gather %select_n3A_342[%gather3A_995] in [0] : vector<16xf32>, vector<16xi32> -> vector<16xf32>
        %sub3A_997 = arith.subf %gather3A_820, %add3A_930 : vector<16xf32>
        %mul3A_998 = arith.mulf %gather3A_996, %sub3A_997 : vector<16xf32>
        %add3A_999 = arith.addf %add3A_930, %mul3A_998 : vector<16xf32>
        %add3A_1000 = arith.constant 5 : i32
        %add3A_1001 = arith.addi %mul3A_351, %add3A_1000 : i32
        %swap3A_1002 = arith.index_cast %add3A_1001 : i32 to index
        %swap3A_1003 = arith.constant 0 : index
        %swap3A_1004 = tpu.vector_load %arg12[%swap3A_1002, %swap3A_1003] {strides = array<i32>} : memref<128x128xf32, #tpu.memory_space<vmem>>, vector<16xf32>,
        tpu.vector_store %arg12[%swap3A_1002, %swap3A_1003], %add3A_999 {strides = array<i32>} : memref<128x128xf32, #tpu.memory_space<vmem>>, vector<16xf32>,
        %sub3A_1005 = arith.subf %gather3A_824, %add3A_938 : vector<16xf32>
        %mul3A_1006 = arith.mulf %gather3A_996, %sub3A_1005 : vector<16xf32>
        %add3A_1007 = arith.addf %add3A_938, %mul3A_1006 : vector<16xf32>
        %add3A_1008 = arith.constant 5 : i32
        %add3A_1009 = arith.addi %mul3A_351, %add3A_1008 : i32
        %swap3A_1010 = arith.index_cast %add3A_1009 : i32 to index
        %swap3A_1011 = arith.constant 16 : index
        %swap3A_1012 = tpu.vector_load %arg12[%swap3A_1010, %swap3A_1011] {strides = array<i32>} : memref<128x128xf32, #tpu.memory_space<vmem>>, vector<16xf32>,
        tpu.vector_store %arg12[%swap3A_1010, %swap3A_1011], %add3A_1007 {strides = array<i32>} : memref<128x128xf32, #tpu.memory_space<vmem>>, vector<16xf32>,
        %sub3A_1013 = arith.subf %gather3A_828, %add3A_946 : vector<16xf32>
        %mul3A_1014 = arith.mulf %gather3A_996, %sub3A_1013 : vector<16xf32>
        %add3A_1015 = arith.addf %add3A_946, %mul3A_1014 : vector<16xf32>
        %add3A_1016 = arith.constant 5 : i32
        %add3A_1017 = arith.addi %mul3A_351, %add3A_1016 : i32
        %swap3A_1018 = arith.index_cast %add3A_1017 : i32 to index
        %swap3A_1019 = arith.constant 32 : index
        %swap3A_1020 = tpu.vector_load %arg12[%swap3A_1018, %swap3A_1019] {strides = array<i32>} : memref<128x128xf32, #tpu.memory_space<vmem>>, vector<16xf32>,
        tpu.vector_store %arg12[%swap3A_1018, %swap3A_1019], %add3A_1015 {strides = array<i32>} : memref<128x128xf32, #tpu.memory_space<vmem>>, vector<16xf32>,
        %sub3A_1021 = arith.subf %gather3A_832, %add3A_954 : vector<16xf32>
        %mul3A_1022 = arith.mulf %gather3A_996, %sub3A_1021 : vector<16xf32>
        %add3A_1023 = arith.addf %add3A_954, %mul3A_1022 : vector<16xf32>
        %add3A_1024 = arith.constant 5 : i32
        %add3A_1025 = arith.addi %mul3A_351, %add3A_1024 : i32
        %swap3A_1026 = arith.index_cast %add3A_1025 : i32 to index
        %swap3A_1027 = arith.constant 48 : index
        %swap3A_1028 = tpu.vector_load %arg12[%swap3A_1026, %swap3A_1027] {strides = array<i32>} : memref<128x128xf32, #tpu.memory_space<vmem>>, vector<16xf32>,
        tpu.vector_store %arg12[%swap3A_1026, %swap3A_1027], %add3A_1023 {strides = array<i32>} : memref<128x128xf32, #tpu.memory_space<vmem>>, vector<16xf32>,
        %sub3A_1029 = arith.subf %gather3A_836, %add3A_962 : vector<16xf32>
        %mul3A_1030 = arith.mulf %gather3A_996, %sub3A_1029 : vector<16xf32>
        %add3A_1031 = arith.addf %add3A_962, %mul3A_1030 : vector<16xf32>
        %add3A_1032 = arith.constant 5 : i32
        %add3A_1033 = arith.addi %mul3A_351, %add3A_1032 : i32
        %swap3A_1034 = arith.index_cast %add3A_1033 : i32 to index
        %swap3A_1035 = arith.constant 64 : index
        %swap3A_1036 = tpu.vector_load %arg12[%swap3A_1034, %swap3A_1035] {strides = array<i32>} : memref<128x128xf32, #tpu.memory_space<vmem>>, vector<16xf32>,
        tpu.vector_store %arg12[%swap3A_1034, %swap3A_1035], %add3A_1031 {strides = array<i32>} : memref<128x128xf32, #tpu.memory_space<vmem>>, vector<16xf32>,
        %sub3A_1037 = arith.subf %gather3A_840, %add3A_970 : vector<16xf32>
        %mul3A_1038 = arith.mulf %gather3A_996, %sub3A_1037 : vector<16xf32>
        %add3A_1039 = arith.addf %add3A_970, %mul3A_1038 : vector<16xf32>
        %add3A_1040 = arith.constant 5 : i32
        %add3A_1041 = arith.addi %mul3A_351, %add3A_1040 : i32
        %swap3A_1042 = arith.index_cast %add3A_1041 : i32 to index
        %swap3A_1043 = arith.constant 80 : index
        %swap3A_1044 = tpu.vector_load %arg12[%swap3A_1042, %swap3A_1043] {strides = array<i32>} : memref<128x128xf32, #tpu.memory_space<vmem>>, vector<16xf32>,
        tpu.vector_store %arg12[%swap3A_1042, %swap3A_1043], %add3A_1039 {strides = array<i32>} : memref<128x128xf32, #tpu.memory_space<vmem>>, vector<16xf32>,
        %sub3A_1045 = arith.subf %gather3A_844, %add3A_978 : vector<16xf32>
        %mul3A_1046 = arith.mulf %gather3A_996, %sub3A_1045 : vector<16xf32>
        %add3A_1047 = arith.addf %add3A_978, %mul3A_1046 : vector<16xf32>
        %add3A_1048 = arith.constant 5 : i32
        %add3A_1049 = arith.addi %mul3A_351, %add3A_1048 : i32
        %swap3A_1050 = arith.index_cast %add3A_1049 : i32 to index
        %swap3A_1051 = arith.constant 96 : index
        %swap3A_1052 = tpu.vector_load %arg12[%swap3A_1050, %swap3A_1051] {strides = array<i32>} : memref<128x128xf32, #tpu.memory_space<vmem>>, vector<16xf32>,
        tpu.vector_store %arg12[%swap3A_1050, %swap3A_1051], %add3A_1047 {strides = array<i32>} : memref<128x128xf32, #tpu.memory_space<vmem>>, vector<16xf32>,
        %sub3A_1053 = arith.subf %gather3A_848, %add3A_986 : vector<16xf32>
        %mul3A_1054 = arith.mulf %gather3A_996, %sub3A_1053 : vector<16xf32>
        %add3A_1055 = arith.addf %add3A_986, %mul3A_1054 : vector<16xf32>
        %add3A_1056 = arith.constant 5 : i32
        %add3A_1057 = arith.addi %mul3A_351, %add3A_1056 : i32
        %swap3A_1058 = arith.index_cast %add3A_1057 : i32 to index
        %swap3A_1059 = arith.constant 112 : index
        %swap3A_1060 = tpu.vector_load %arg12[%swap3A_1058, %swap3A_1059] {strides = array<i32>} : memref<128x128xf32, #tpu.memory_space<vmem>>, vector<16xf32>,
        tpu.vector_store %arg12[%swap3A_1058, %swap3A_1059], %add3A_1055 {strides = array<i32>} : memref<128x128xf32, #tpu.memory_space<vmem>>, vector<16xf32>,
        %broadcast_in_dim3A_1061 = arith.constant 6 : i32
        %broadcast_in_dim3A_1062 = vector.broadcast %broadcast_in_dim3A_1061 : i32 to vector<16xi32>
        %broadcast_in_dim3A_1063 = vector.shape_cast %broadcast_in_dim3A_1062 : vector<16xi32> to vector<16x1xi32>
        %gather3A_1064 = vector.shape_cast %broadcast_in_dim3A_1063 : vector<16x1xi32> to vector<16xi32>
        %gather3A_1065 = tpu.dynamic_gather %select_n3A_342[%gather3A_1064] in [0] : vector<16xf32>, vector<16xi32> -> vector<16xf32>
        %sub3A_1066 = arith.subf %gather3A_857, %add3A_999 : vector<16xf32>
        %mul3A_1067 = arith.mulf %gather3A_1065, %sub3A_1066 : vector<16xf32>
        %add3A_1068 = arith.addf %add3A_999, %mul3A_1067 : vector<16xf32>
        %add3A_1069 = arith.constant 6 : i32
        %add3A_1070 = arith.addi %mul3A_351, %add3A_1069 : i32
        %swap3A_1071 = arith.index_cast %add3A_1070 : i32 to index
        %swap3A_1072 = arith.constant 0 : index
        %swap3A_1073 = tpu.vector_load %arg12[%swap3A_1071, %swap3A_1072] {strides = array<i32>} : memref<128x128xf32, #tpu.memory_space<vmem>>, vector<16xf32>,
        tpu.vector_store %arg12[%swap3A_1071, %swap3A_1072], %add3A_1068 {strides = array<i32>} : memref<128x128xf32, #tpu.memory_space<vmem>>, vector<16xf32>,
        %sub3A_1074 = arith.subf %gather3A_861, %add3A_1007 : vector<16xf32>
        %mul3A_1075 = arith.mulf %gather3A_1065, %sub3A_1074 : vector<16xf32>
        %add3A_1076 = arith.addf %add3A_1007, %mul3A_1075 : vector<16xf32>
        %add3A_1077 = arith.constant 6 : i32
        %add3A_1078 = arith.addi %mul3A_351, %add3A_1077 : i32
        %swap3A_1079 = arith.index_cast %add3A_1078 : i32 to index
        %swap3A_1080 = arith.constant 16 : index
        %swap3A_1081 = tpu.vector_load %arg12[%swap3A_1079, %swap3A_1080] {strides = array<i32>} : memref<128x128xf32, #tpu.memory_space<vmem>>, vector<16xf32>,
        tpu.vector_store %arg12[%swap3A_1079, %swap3A_1080], %add3A_1076 {strides = array<i32>} : memref<128x128xf32, #tpu.memory_space<vmem>>, vector<16xf32>,
        %sub3A_1082 = arith.subf %gather3A_865, %add3A_1015 : vector<16xf32>
        %mul3A_1083 = arith.mulf %gather3A_1065, %sub3A_1082 : vector<16xf32>
        %add3A_1084 = arith.addf %add3A_1015, %mul3A_1083 : vector<16xf32>
        %add3A_1085 = arith.constant 6 : i32
        %add3A_1086 = arith.addi %mul3A_351, %add3A_1085 : i32
        %swap3A_1087 = arith.index_cast %add3A_1086 : i32 to index
        %swap3A_1088 = arith.constant 32 : index
        %swap3A_1089 = tpu.vector_load %arg12[%swap3A_1087, %swap3A_1088] {strides = array<i32>} : memref<128x128xf32, #tpu.memory_space<vmem>>, vector<16xf32>,
        tpu.vector_store %arg12[%swap3A_1087, %swap3A_1088], %add3A_1084 {strides = array<i32>} : memref<128x128xf32, #tpu.memory_space<vmem>>, vector<16xf32>,
        %sub3A_1090 = arith.subf %gather3A_869, %add3A_1023 : vector<16xf32>
        %mul3A_1091 = arith.mulf %gather3A_1065, %sub3A_1090 : vector<16xf32>
        %add3A_1092 = arith.addf %add3A_1023, %mul3A_1091 : vector<16xf32>
        %add3A_1093 = arith.constant 6 : i32
        %add3A_1094 = arith.addi %mul3A_351, %add3A_1093 : i32
        %swap3A_1095 = arith.index_cast %add3A_1094 : i32 to index
        %swap3A_1096 = arith.constant 48 : index
        %swap3A_1097 = tpu.vector_load %arg12[%swap3A_1095, %swap3A_1096] {strides = array<i32>} : memref<128x128xf32, #tpu.memory_space<vmem>>, vector<16xf32>,
        tpu.vector_store %arg12[%swap3A_1095, %swap3A_1096], %add3A_1092 {strides = array<i32>} : memref<128x128xf32, #tpu.memory_space<vmem>>, vector<16xf32>,
        %sub3A_1098 = arith.subf %gather3A_873, %add3A_1031 : vector<16xf32>
        %mul3A_1099 = arith.mulf %gather3A_1065, %sub3A_1098 : vector<16xf32>
        %add3A_1100 = arith.addf %add3A_1031, %mul3A_1099 : vector<16xf32>
        %add3A_1101 = arith.constant 6 : i32
        %add3A_1102 = arith.addi %mul3A_351, %add3A_1101 : i32
        %swap3A_1103 = arith.index_cast %add3A_1102 : i32 to index
        %swap3A_1104 = arith.constant 64 : index
        %swap3A_1105 = tpu.vector_load %arg12[%swap3A_1103, %swap3A_1104] {strides = array<i32>} : memref<128x128xf32, #tpu.memory_space<vmem>>, vector<16xf32>,
        tpu.vector_store %arg12[%swap3A_1103, %swap3A_1104], %add3A_1100 {strides = array<i32>} : memref<128x128xf32, #tpu.memory_space<vmem>>, vector<16xf32>,
        %sub3A_1106 = arith.subf %gather3A_877, %add3A_1039 : vector<16xf32>
        %mul3A_1107 = arith.mulf %gather3A_1065, %sub3A_1106 : vector<16xf32>
        %add3A_1108 = arith.addf %add3A_1039, %mul3A_1107 : vector<16xf32>
        %add3A_1109 = arith.constant 6 : i32
        %add3A_1110 = arith.addi %mul3A_351, %add3A_1109 : i32
        %swap3A_1111 = arith.index_cast %add3A_1110 : i32 to index
        %swap3A_1112 = arith.constant 80 : index
        %swap3A_1113 = tpu.vector_load %arg12[%swap3A_1111, %swap3A_1112] {strides = array<i32>} : memref<128x128xf32, #tpu.memory_space<vmem>>, vector<16xf32>,
        tpu.vector_store %arg12[%swap3A_1111, %swap3A_1112], %add3A_1108 {strides = array<i32>} : memref<128x128xf32, #tpu.memory_space<vmem>>, vector<16xf32>,
        %sub3A_1114 = arith.subf %gather3A_881, %add3A_1047 : vector<16xf32>
        %mul3A_1115 = arith.mulf %gather3A_1065, %sub3A_1114 : vector<16xf32>
        %add3A_1116 = arith.addf %add3A_1047, %mul3A_1115 : vector<16xf32>
        %add3A_1117 = arith.constant 6 : i32
        %add3A_1118 = arith.addi %mul3A_351, %add3A_1117 : i32
        %swap3A_1119 = arith.index_cast %add3A_1118 : i32 to index
        %swap3A_1120 = arith.constant 96 : index
        %swap3A_1121 = tpu.vector_load %arg12[%swap3A_1119, %swap3A_1120] {strides = array<i32>} : memref<128x128xf32, #tpu.memory_space<vmem>>, vector<16xf32>,
        tpu.vector_store %arg12[%swap3A_1119, %swap3A_1120], %add3A_1116 {strides = array<i32>} : memref<128x128xf32, #tpu.memory_space<vmem>>, vector<16xf32>,
        %sub3A_1122 = arith.subf %gather3A_885, %add3A_1055 : vector<16xf32>
        %mul3A_1123 = arith.mulf %gather3A_1065, %sub3A_1122 : vector<16xf32>
        %add3A_1124 = arith.addf %add3A_1055, %mul3A_1123 : vector<16xf32>
        %add3A_1125 = arith.constant 6 : i32
        %add3A_1126 = arith.addi %mul3A_351, %add3A_1125 : i32
        %swap3A_1127 = arith.index_cast %add3A_1126 : i32 to index
        %swap3A_1128 = arith.constant 112 : index
        %swap3A_1129 = tpu.vector_load %arg12[%swap3A_1127, %swap3A_1128] {strides = array<i32>} : memref<128x128xf32, #tpu.memory_space<vmem>>, vector<16xf32>,
        tpu.vector_store %arg12[%swap3A_1127, %swap3A_1128], %add3A_1124 {strides = array<i32>} : memref<128x128xf32, #tpu.memory_space<vmem>>, vector<16xf32>,
        %broadcast_in_dim3A_1130 = arith.constant 7 : i32
        %broadcast_in_dim3A_1131 = vector.broadcast %broadcast_in_dim3A_1130 : i32 to vector<16xi32>
        %broadcast_in_dim3A_1132 = vector.shape_cast %broadcast_in_dim3A_1131 : vector<16xi32> to vector<16x1xi32>
        %gather3A_1133 = vector.shape_cast %broadcast_in_dim3A_1132 : vector<16x1xi32> to vector<16xi32>
        %gather3A_1134 = tpu.dynamic_gather %select_n3A_342[%gather3A_1133] in [0] : vector<16xf32>, vector<16xi32> -> vector<16xf32>
        %sub3A_1135 = arith.subf %gather3A_894, %add3A_1068 : vector<16xf32>
        %mul3A_1136 = arith.mulf %gather3A_1134, %sub3A_1135 : vector<16xf32>
        %add3A_1137 = arith.addf %add3A_1068, %mul3A_1136 : vector<16xf32>
        %add3A_1138 = arith.constant 7 : i32
        %add3A_1139 = arith.addi %mul3A_351, %add3A_1138 : i32
        %swap3A_1140 = arith.index_cast %add3A_1139 : i32 to index
        %swap3A_1141 = arith.constant 0 : index
        %swap3A_1142 = tpu.vector_load %arg12[%swap3A_1140, %swap3A_1141] {strides = array<i32>} : memref<128x128xf32, #tpu.memory_space<vmem>>, vector<16xf32>,
        tpu.vector_store %arg12[%swap3A_1140, %swap3A_1141], %add3A_1137 {strides = array<i32>} : memref<128x128xf32, #tpu.memory_space<vmem>>, vector<16xf32>,
        %sub3A_1143 = arith.subf %gather3A_898, %add3A_1076 : vector<16xf32>
        %mul3A_1144 = arith.mulf %gather3A_1134, %sub3A_1143 : vector<16xf32>
        %add3A_1145 = arith.addf %add3A_1076, %mul3A_1144 : vector<16xf32>
        %add3A_1146 = arith.constant 7 : i32
        %add3A_1147 = arith.addi %mul3A_351, %add3A_1146 : i32
        %swap3A_1148 = arith.index_cast %add3A_1147 : i32 to index
        %swap3A_1149 = arith.constant 16 : index
        %swap3A_1150 = tpu.vector_load %arg12[%swap3A_1148, %swap3A_1149] {strides = array<i32>} : memref<128x128xf32, #tpu.memory_space<vmem>>, vector<16xf32>,
        tpu.vector_store %arg12[%swap3A_1148, %swap3A_1149], %add3A_1145 {strides = array<i32>} : memref<128x128xf32, #tpu.memory_space<vmem>>, vector<16xf32>,
        %sub3A_1151 = arith.subf %gather3A_902, %add3A_1084 : vector<16xf32>
        %mul3A_1152 = arith.mulf %gather3A_1134, %sub3A_1151 : vector<16xf32>
        %add3A_1153 = arith.addf %add3A_1084, %mul3A_1152 : vector<16xf32>
        %add3A_1154 = arith.constant 7 : i32
        %add3A_1155 = arith.addi %mul3A_351, %add3A_1154 : i32
        %swap3A_1156 = arith.index_cast %add3A_1155 : i32 to index
        %swap3A_1157 = arith.constant 32 : index
        %swap3A_1158 = tpu.vector_load %arg12[%swap3A_1156, %swap3A_1157] {strides = array<i32>} : memref<128x128xf32, #tpu.memory_space<vmem>>, vector<16xf32>,
        tpu.vector_store %arg12[%swap3A_1156, %swap3A_1157], %add3A_1153 {strides = array<i32>} : memref<128x128xf32, #tpu.memory_space<vmem>>, vector<16xf32>,
        %sub3A_1159 = arith.subf %gather3A_906, %add3A_1092 : vector<16xf32>
        %mul3A_1160 = arith.mulf %gather3A_1134, %sub3A_1159 : vector<16xf32>
        %add3A_1161 = arith.addf %add3A_1092, %mul3A_1160 : vector<16xf32>
        %add3A_1162 = arith.constant 7 : i32
        %add3A_1163 = arith.addi %mul3A_351, %add3A_1162 : i32
        %swap3A_1164 = arith.index_cast %add3A_1163 : i32 to index
        %swap3A_1165 = arith.constant 48 : index
        %swap3A_1166 = tpu.vector_load %arg12[%swap3A_1164, %swap3A_1165] {strides = array<i32>} : memref<128x128xf32, #tpu.memory_space<vmem>>, vector<16xf32>,
        tpu.vector_store %arg12[%swap3A_1164, %swap3A_1165], %add3A_1161 {strides = array<i32>} : memref<128x128xf32, #tpu.memory_space<vmem>>, vector<16xf32>,
        %sub3A_1167 = arith.subf %gather3A_910, %add3A_1100 : vector<16xf32>
        %mul3A_1168 = arith.mulf %gather3A_1134, %sub3A_1167 : vector<16xf32>
        %add3A_1169 = arith.addf %add3A_1100, %mul3A_1168 : vector<16xf32>
        %add3A_1170 = arith.constant 7 : i32
        %add3A_1171 = arith.addi %mul3A_351, %add3A_1170 : i32
        %swap3A_1172 = arith.index_cast %add3A_1171 : i32 to index
        %swap3A_1173 = arith.constant 64 : index
        %swap3A_1174 = tpu.vector_load %arg12[%swap3A_1172, %swap3A_1173] {strides = array<i32>} : memref<128x128xf32, #tpu.memory_space<vmem>>, vector<16xf32>,
        tpu.vector_store %arg12[%swap3A_1172, %swap3A_1173], %add3A_1169 {strides = array<i32>} : memref<128x128xf32, #tpu.memory_space<vmem>>, vector<16xf32>,
        %sub3A_1175 = arith.subf %gather3A_914, %add3A_1108 : vector<16xf32>
        %mul3A_1176 = arith.mulf %gather3A_1134, %sub3A_1175 : vector<16xf32>
        %add3A_1177 = arith.addf %add3A_1108, %mul3A_1176 : vector<16xf32>
        %add3A_1178 = arith.constant 7 : i32
        %add3A_1179 = arith.addi %mul3A_351, %add3A_1178 : i32
        %swap3A_1180 = arith.index_cast %add3A_1179 : i32 to index
        %swap3A_1181 = arith.constant 80 : index
        %swap3A_1182 = tpu.vector_load %arg12[%swap3A_1180, %swap3A_1181] {strides = array<i32>} : memref<128x128xf32, #tpu.memory_space<vmem>>, vector<16xf32>,
        tpu.vector_store %arg12[%swap3A_1180, %swap3A_1181], %add3A_1177 {strides = array<i32>} : memref<128x128xf32, #tpu.memory_space<vmem>>, vector<16xf32>,
        %sub3A_1183 = arith.subf %gather3A_918, %add3A_1116 : vector<16xf32>
        %mul3A_1184 = arith.mulf %gather3A_1134, %sub3A_1183 : vector<16xf32>
        %add3A_1185 = arith.addf %add3A_1116, %mul3A_1184 : vector<16xf32>
        %add3A_1186 = arith.constant 7 : i32
        %add3A_1187 = arith.addi %mul3A_351, %add3A_1186 : i32
        %swap3A_1188 = arith.index_cast %add3A_1187 : i32 to index
        %swap3A_1189 = arith.constant 96 : index
        %swap3A_1190 = tpu.vector_load %arg12[%swap3A_1188, %swap3A_1189] {strides = array<i32>} : memref<128x128xf32, #tpu.memory_space<vmem>>, vector<16xf32>,
        tpu.vector_store %arg12[%swap3A_1188, %swap3A_1189], %add3A_1185 {strides = array<i32>} : memref<128x128xf32, #tpu.memory_space<vmem>>, vector<16xf32>,
        %sub3A_1191 = arith.subf %gather3A_922, %add3A_1124 : vector<16xf32>
        %mul3A_1192 = arith.mulf %gather3A_1134, %sub3A_1191 : vector<16xf32>
        %add3A_1193 = arith.addf %add3A_1124, %mul3A_1192 : vector<16xf32>
        %add3A_1194 = arith.constant 7 : i32
        %add3A_1195 = arith.addi %mul3A_351, %add3A_1194 : i32
        %swap3A_1196 = arith.index_cast %add3A_1195 : i32 to index
        %swap3A_1197 = arith.constant 112 : index
        %swap3A_1198 = tpu.vector_load %arg12[%swap3A_1196, %swap3A_1197] {strides = array<i32>} : memref<128x128xf32, #tpu.memory_space<vmem>>, vector<16xf32>,
        tpu.vector_store %arg12[%swap3A_1196, %swap3A_1197], %add3A_1193 {strides = array<i32>} : memref<128x128xf32, #tpu.memory_space<vmem>>, vector<16xf32>,
        %broadcast_in_dim3A_1199 = arith.constant 8 : i32
        %broadcast_in_dim3A_1200 = vector.broadcast %broadcast_in_dim3A_1199 : i32 to vector<16xi32>
        %broadcast_in_dim3A_1201 = vector.shape_cast %broadcast_in_dim3A_1200 : vector<16xi32> to vector<16x1xi32>
        %gather3A_1202 = vector.shape_cast %broadcast_in_dim3A_1201 : vector<16x1xi32> to vector<16xi32>
        %gather3A_1203 = tpu.dynamic_gather %select_n3A_349[%gather3A_1202] in [0] : vector<16xi32>, vector<16xi32> -> vector<16xi32>
        %add3A_1204 = arith.constant 0 : i32
        %add3A_1205 = vector.broadcast %add3A_1204 : i32 to vector<16xi32>
        %add3A_1206 = arith.addi %iota3A, %add3A_1205 : vector<16xi32>
        %gather3A_1207 = tpu.vector_load_idx %arg10[%gather3A_1203, %add3A_1206] : memref<137x128xf32, #tpu.memory_space<vmem>>[vector<16xi32>, vector<16xi32>], vector<16xf32>,
        %add3A_1208 = arith.constant 16 : i32
        %add3A_1209 = vector.broadcast %add3A_1208 : i32 to vector<16xi32>
        %add3A_1210 = arith.addi %iota3A, %add3A_1209 : vector<16xi32>
        %gather3A_1211 = tpu.vector_load_idx %arg10[%gather3A_1203, %add3A_1210] : memref<137x128xf32, #tpu.memory_space<vmem>>[vector<16xi32>, vector<16xi32>], vector<16xf32>,
        %add3A_1212 = arith.constant 32 : i32
        %add3A_1213 = vector.broadcast %add3A_1212 : i32 to vector<16xi32>
        %add3A_1214 = arith.addi %iota3A, %add3A_1213 : vector<16xi32>
        %gather3A_1215 = tpu.vector_load_idx %arg10[%gather3A_1203, %add3A_1214] : memref<137x128xf32, #tpu.memory_space<vmem>>[vector<16xi32>, vector<16xi32>], vector<16xf32>,
        %add3A_1216 = arith.constant 48 : i32
        %add3A_1217 = vector.broadcast %add3A_1216 : i32 to vector<16xi32>
        %add3A_1218 = arith.addi %iota3A, %add3A_1217 : vector<16xi32>
        %gather3A_1219 = tpu.vector_load_idx %arg10[%gather3A_1203, %add3A_1218] : memref<137x128xf32, #tpu.memory_space<vmem>>[vector<16xi32>, vector<16xi32>], vector<16xf32>,
        %add3A_1220 = arith.constant 64 : i32
        %add3A_1221 = vector.broadcast %add3A_1220 : i32 to vector<16xi32>
        %add3A_1222 = arith.addi %iota3A, %add3A_1221 : vector<16xi32>
        %gather3A_1223 = tpu.vector_load_idx %arg10[%gather3A_1203, %add3A_1222] : memref<137x128xf32, #tpu.memory_space<vmem>>[vector<16xi32>, vector<16xi32>], vector<16xf32>,
        %add3A_1224 = arith.constant 80 : i32
        %add3A_1225 = vector.broadcast %add3A_1224 : i32 to vector<16xi32>
        %add3A_1226 = arith.addi %iota3A, %add3A_1225 : vector<16xi32>
        %gather3A_1227 = tpu.vector_load_idx %arg10[%gather3A_1203, %add3A_1226] : memref<137x128xf32, #tpu.memory_space<vmem>>[vector<16xi32>, vector<16xi32>], vector<16xf32>,
        %add3A_1228 = arith.constant 96 : i32
        %add3A_1229 = vector.broadcast %add3A_1228 : i32 to vector<16xi32>
        %add3A_1230 = arith.addi %iota3A, %add3A_1229 : vector<16xi32>
        %gather3A_1231 = tpu.vector_load_idx %arg10[%gather3A_1203, %add3A_1230] : memref<137x128xf32, #tpu.memory_space<vmem>>[vector<16xi32>, vector<16xi32>], vector<16xf32>,
        %add3A_1232 = arith.constant 112 : i32
        %add3A_1233 = vector.broadcast %add3A_1232 : i32 to vector<16xi32>
        %add3A_1234 = arith.addi %iota3A, %add3A_1233 : vector<16xi32>
        %gather3A_1235 = tpu.vector_load_idx %arg10[%gather3A_1203, %add3A_1234] : memref<137x128xf32, #tpu.memory_space<vmem>>[vector<16xi32>, vector<16xi32>], vector<16xf32>,
        %broadcast_in_dim3A_1236 = arith.constant 9 : i32
        %broadcast_in_dim3A_1237 = vector.broadcast %broadcast_in_dim3A_1236 : i32 to vector<16xi32>
        %broadcast_in_dim3A_1238 = vector.shape_cast %broadcast_in_dim3A_1237 : vector<16xi32> to vector<16x1xi32>
        %gather3A_1239 = vector.shape_cast %broadcast_in_dim3A_1238 : vector<16x1xi32> to vector<16xi32>
        %gather3A_1240 = tpu.dynamic_gather %select_n3A_349[%gather3A_1239] in [0] : vector<16xi32>, vector<16xi32> -> vector<16xi32>
        %add3A_1241 = arith.constant 0 : i32
        %add3A_1242 = vector.broadcast %add3A_1241 : i32 to vector<16xi32>
        %add3A_1243 = arith.addi %iota3A, %add3A_1242 : vector<16xi32>
        %gather3A_1244 = tpu.vector_load_idx %arg10[%gather3A_1240, %add3A_1243] : memref<137x128xf32, #tpu.memory_space<vmem>>[vector<16xi32>, vector<16xi32>], vector<16xf32>,
        %add3A_1245 = arith.constant 16 : i32
        %add3A_1246 = vector.broadcast %add3A_1245 : i32 to vector<16xi32>
        %add3A_1247 = arith.addi %iota3A, %add3A_1246 : vector<16xi32>
        %gather3A_1248 = tpu.vector_load_idx %arg10[%gather3A_1240, %add3A_1247] : memref<137x128xf32, #tpu.memory_space<vmem>>[vector<16xi32>, vector<16xi32>], vector<16xf32>,
        %add3A_1249 = arith.constant 32 : i32
        %add3A_1250 = vector.broadcast %add3A_1249 : i32 to vector<16xi32>
        %add3A_1251 = arith.addi %iota3A, %add3A_1250 : vector<16xi32>
        %gather3A_1252 = tpu.vector_load_idx %arg10[%gather3A_1240, %add3A_1251] : memref<137x128xf32, #tpu.memory_space<vmem>>[vector<16xi32>, vector<16xi32>], vector<16xf32>,
        %add3A_1253 = arith.constant 48 : i32
        %add3A_1254 = vector.broadcast %add3A_1253 : i32 to vector<16xi32>
        %add3A_1255 = arith.addi %iota3A, %add3A_1254 : vector<16xi32>
        %gather3A_1256 = tpu.vector_load_idx %arg10[%gather3A_1240, %add3A_1255] : memref<137x128xf32, #tpu.memory_space<vmem>>[vector<16xi32>, vector<16xi32>], vector<16xf32>,
        %add3A_1257 = arith.constant 64 : i32
        %add3A_1258 = vector.broadcast %add3A_1257 : i32 to vector<16xi32>
        %add3A_1259 = arith.addi %iota3A, %add3A_1258 : vector<16xi32>
        %gather3A_1260 = tpu.vector_load_idx %arg10[%gather3A_1240, %add3A_1259] : memref<137x128xf32, #tpu.memory_space<vmem>>[vector<16xi32>, vector<16xi32>], vector<16xf32>,
        %add3A_1261 = arith.constant 80 : i32
        %add3A_1262 = vector.broadcast %add3A_1261 : i32 to vector<16xi32>
        %add3A_1263 = arith.addi %iota3A, %add3A_1262 : vector<16xi32>
        %gather3A_1264 = tpu.vector_load_idx %arg10[%gather3A_1240, %add3A_1263] : memref<137x128xf32, #tpu.memory_space<vmem>>[vector<16xi32>, vector<16xi32>], vector<16xf32>,
        %add3A_1265 = arith.constant 96 : i32
        %add3A_1266 = vector.broadcast %add3A_1265 : i32 to vector<16xi32>
        %add3A_1267 = arith.addi %iota3A, %add3A_1266 : vector<16xi32>
        %gather3A_1268 = tpu.vector_load_idx %arg10[%gather3A_1240, %add3A_1267] : memref<137x128xf32, #tpu.memory_space<vmem>>[vector<16xi32>, vector<16xi32>], vector<16xf32>,
        %add3A_1269 = arith.constant 112 : i32
        %add3A_1270 = vector.broadcast %add3A_1269 : i32 to vector<16xi32>
        %add3A_1271 = arith.addi %iota3A, %add3A_1270 : vector<16xi32>
        %gather3A_1272 = tpu.vector_load_idx %arg10[%gather3A_1240, %add3A_1271] : memref<137x128xf32, #tpu.memory_space<vmem>>[vector<16xi32>, vector<16xi32>], vector<16xf32>,
        %broadcast_in_dim3A_1273 = arith.constant 10 : i32
        %broadcast_in_dim3A_1274 = vector.broadcast %broadcast_in_dim3A_1273 : i32 to vector<16xi32>
        %broadcast_in_dim3A_1275 = vector.shape_cast %broadcast_in_dim3A_1274 : vector<16xi32> to vector<16x1xi32>
        %gather3A_1276 = vector.shape_cast %broadcast_in_dim3A_1275 : vector<16x1xi32> to vector<16xi32>
        %gather3A_1277 = tpu.dynamic_gather %select_n3A_349[%gather3A_1276] in [0] : vector<16xi32>, vector<16xi32> -> vector<16xi32>
        %add3A_1278 = arith.constant 0 : i32
        %add3A_1279 = vector.broadcast %add3A_1278 : i32 to vector<16xi32>
        %add3A_1280 = arith.addi %iota3A, %add3A_1279 : vector<16xi32>
        %gather3A_1281 = tpu.vector_load_idx %arg10[%gather3A_1277, %add3A_1280] : memref<137x128xf32, #tpu.memory_space<vmem>>[vector<16xi32>, vector<16xi32>], vector<16xf32>,
        %add3A_1282 = arith.constant 16 : i32
        %add3A_1283 = vector.broadcast %add3A_1282 : i32 to vector<16xi32>
        %add3A_1284 = arith.addi %iota3A, %add3A_1283 : vector<16xi32>
        %gather3A_1285 = tpu.vector_load_idx %arg10[%gather3A_1277, %add3A_1284] : memref<137x128xf32, #tpu.memory_space<vmem>>[vector<16xi32>, vector<16xi32>], vector<16xf32>,
        %add3A_1286 = arith.constant 32 : i32
        %add3A_1287 = vector.broadcast %add3A_1286 : i32 to vector<16xi32>
        %add3A_1288 = arith.addi %iota3A, %add3A_1287 : vector<16xi32>
        %gather3A_1289 = tpu.vector_load_idx %arg10[%gather3A_1277, %add3A_1288] : memref<137x128xf32, #tpu.memory_space<vmem>>[vector<16xi32>, vector<16xi32>], vector<16xf32>,
        %add3A_1290 = arith.constant 48 : i32
        %add3A_1291 = vector.broadcast %add3A_1290 : i32 to vector<16xi32>
        %add3A_1292 = arith.addi %iota3A, %add3A_1291 : vector<16xi32>
        %gather3A_1293 = tpu.vector_load_idx %arg10[%gather3A_1277, %add3A_1292] : memref<137x128xf32, #tpu.memory_space<vmem>>[vector<16xi32>, vector<16xi32>], vector<16xf32>,
        %add3A_1294 = arith.constant 64 : i32
        %add3A_1295 = vector.broadcast %add3A_1294 : i32 to vector<16xi32>
        %add3A_1296 = arith.addi %iota3A, %add3A_1295 : vector<16xi32>
        %gather3A_1297 = tpu.vector_load_idx %arg10[%gather3A_1277, %add3A_1296] : memref<137x128xf32, #tpu.memory_space<vmem>>[vector<16xi32>, vector<16xi32>], vector<16xf32>,
        %add3A_1298 = arith.constant 80 : i32
        %add3A_1299 = vector.broadcast %add3A_1298 : i32 to vector<16xi32>
        %add3A_1300 = arith.addi %iota3A, %add3A_1299 : vector<16xi32>
        %gather3A_1301 = tpu.vector_load_idx %arg10[%gather3A_1277, %add3A_1300] : memref<137x128xf32, #tpu.memory_space<vmem>>[vector<16xi32>, vector<16xi32>], vector<16xf32>,
        %add3A_1302 = arith.constant 96 : i32
        %add3A_1303 = vector.broadcast %add3A_1302 : i32 to vector<16xi32>
        %add3A_1304 = arith.addi %iota3A, %add3A_1303 : vector<16xi32>
        %gather3A_1305 = tpu.vector_load_idx %arg10[%gather3A_1277, %add3A_1304] : memref<137x128xf32, #tpu.memory_space<vmem>>[vector<16xi32>, vector<16xi32>], vector<16xf32>,
        %add3A_1306 = arith.constant 112 : i32
        %add3A_1307 = vector.broadcast %add3A_1306 : i32 to vector<16xi32>
        %add3A_1308 = arith.addi %iota3A, %add3A_1307 : vector<16xi32>
        %gather3A_1309 = tpu.vector_load_idx %arg10[%gather3A_1277, %add3A_1308] : memref<137x128xf32, #tpu.memory_space<vmem>>[vector<16xi32>, vector<16xi32>], vector<16xf32>,
        %broadcast_in_dim3A_1310 = arith.constant 11 : i32
        %broadcast_in_dim3A_1311 = vector.broadcast %broadcast_in_dim3A_1310 : i32 to vector<16xi32>
        %broadcast_in_dim3A_1312 = vector.shape_cast %broadcast_in_dim3A_1311 : vector<16xi32> to vector<16x1xi32>
        %gather3A_1313 = vector.shape_cast %broadcast_in_dim3A_1312 : vector<16x1xi32> to vector<16xi32>
        %gather3A_1314 = tpu.dynamic_gather %select_n3A_349[%gather3A_1313] in [0] : vector<16xi32>, vector<16xi32> -> vector<16xi32>
        %add3A_1315 = arith.constant 0 : i32
        %add3A_1316 = vector.broadcast %add3A_1315 : i32 to vector<16xi32>
        %add3A_1317 = arith.addi %iota3A, %add3A_1316 : vector<16xi32>
        %gather3A_1318 = tpu.vector_load_idx %arg10[%gather3A_1314, %add3A_1317] : memref<137x128xf32, #tpu.memory_space<vmem>>[vector<16xi32>, vector<16xi32>], vector<16xf32>,
        %add3A_1319 = arith.constant 16 : i32
        %add3A_1320 = vector.broadcast %add3A_1319 : i32 to vector<16xi32>
        %add3A_1321 = arith.addi %iota3A, %add3A_1320 : vector<16xi32>
        %gather3A_1322 = tpu.vector_load_idx %arg10[%gather3A_1314, %add3A_1321] : memref<137x128xf32, #tpu.memory_space<vmem>>[vector<16xi32>, vector<16xi32>], vector<16xf32>,
        %add3A_1323 = arith.constant 32 : i32
        %add3A_1324 = vector.broadcast %add3A_1323 : i32 to vector<16xi32>
        %add3A_1325 = arith.addi %iota3A, %add3A_1324 : vector<16xi32>
        %gather3A_1326 = tpu.vector_load_idx %arg10[%gather3A_1314, %add3A_1325] : memref<137x128xf32, #tpu.memory_space<vmem>>[vector<16xi32>, vector<16xi32>], vector<16xf32>,
        %add3A_1327 = arith.constant 48 : i32
        %add3A_1328 = vector.broadcast %add3A_1327 : i32 to vector<16xi32>
        %add3A_1329 = arith.addi %iota3A, %add3A_1328 : vector<16xi32>
        %gather3A_1330 = tpu.vector_load_idx %arg10[%gather3A_1314, %add3A_1329] : memref<137x128xf32, #tpu.memory_space<vmem>>[vector<16xi32>, vector<16xi32>], vector<16xf32>,
        %add3A_1331 = arith.constant 64 : i32
        %add3A_1332 = vector.broadcast %add3A_1331 : i32 to vector<16xi32>
        %add3A_1333 = arith.addi %iota3A, %add3A_1332 : vector<16xi32>
        %gather3A_1334 = tpu.vector_load_idx %arg10[%gather3A_1314, %add3A_1333] : memref<137x128xf32, #tpu.memory_space<vmem>>[vector<16xi32>, vector<16xi32>], vector<16xf32>,
        %add3A_1335 = arith.constant 80 : i32
        %add3A_1336 = vector.broadcast %add3A_1335 : i32 to vector<16xi32>
        %add3A_1337 = arith.addi %iota3A, %add3A_1336 : vector<16xi32>
        %gather3A_1338 = tpu.vector_load_idx %arg10[%gather3A_1314, %add3A_1337] : memref<137x128xf32, #tpu.memory_space<vmem>>[vector<16xi32>, vector<16xi32>], vector<16xf32>,
        %add3A_1339 = arith.constant 96 : i32
        %add3A_1340 = vector.broadcast %add3A_1339 : i32 to vector<16xi32>
        %add3A_1341 = arith.addi %iota3A, %add3A_1340 : vector<16xi32>
        %gather3A_1342 = tpu.vector_load_idx %arg10[%gather3A_1314, %add3A_1341] : memref<137x128xf32, #tpu.memory_space<vmem>>[vector<16xi32>, vector<16xi32>], vector<16xf32>,
        %add3A_1343 = arith.constant 112 : i32
        %add3A_1344 = vector.broadcast %add3A_1343 : i32 to vector<16xi32>
        %add3A_1345 = arith.addi %iota3A, %add3A_1344 : vector<16xi32>
        %gather3A_1346 = tpu.vector_load_idx %arg10[%gather3A_1314, %add3A_1345] : memref<137x128xf32, #tpu.memory_space<vmem>>[vector<16xi32>, vector<16xi32>], vector<16xf32>,
        %broadcast_in_dim3A_1347 = arith.constant 8 : i32
        %broadcast_in_dim3A_1348 = vector.broadcast %broadcast_in_dim3A_1347 : i32 to vector<16xi32>
        %broadcast_in_dim3A_1349 = vector.shape_cast %broadcast_in_dim3A_1348 : vector<16xi32> to vector<16x1xi32>
        %gather3A_1350 = vector.shape_cast %broadcast_in_dim3A_1349 : vector<16x1xi32> to vector<16xi32>
        %gather3A_1351 = tpu.dynamic_gather %select_n3A_342[%gather3A_1350] in [0] : vector<16xf32>, vector<16xi32> -> vector<16xf32>
        %sub3A_1352 = arith.subf %gather3A_1207, %add3A_1137 : vector<16xf32>
        %mul3A_1353 = arith.mulf %gather3A_1351, %sub3A_1352 : vector<16xf32>
        %add3A_1354 = arith.addf %add3A_1137, %mul3A_1353 : vector<16xf32>
        %add3A_1355 = arith.constant 8 : i32
        %add3A_1356 = arith.addi %mul3A_351, %add3A_1355 : i32
        %swap3A_1357 = arith.index_cast %add3A_1356 : i32 to index
        %swap3A_1358 = arith.constant 0 : index
        %swap3A_1359 = tpu.vector_load %arg12[%swap3A_1357, %swap3A_1358] {strides = array<i32>} : memref<128x128xf32, #tpu.memory_space<vmem>>, vector<16xf32>,
        tpu.vector_store %arg12[%swap3A_1357, %swap3A_1358], %add3A_1354 {strides = array<i32>} : memref<128x128xf32, #tpu.memory_space<vmem>>, vector<16xf32>,
        %sub3A_1360 = arith.subf %gather3A_1211, %add3A_1145 : vector<16xf32>
        %mul3A_1361 = arith.mulf %gather3A_1351, %sub3A_1360 : vector<16xf32>
        %add3A_1362 = arith.addf %add3A_1145, %mul3A_1361 : vector<16xf32>
        %add3A_1363 = arith.constant 8 : i32
        %add3A_1364 = arith.addi %mul3A_351, %add3A_1363 : i32
        %swap3A_1365 = arith.index_cast %add3A_1364 : i32 to index
        %swap3A_1366 = arith.constant 16 : index
        %swap3A_1367 = tpu.vector_load %arg12[%swap3A_1365, %swap3A_1366] {strides = array<i32>} : memref<128x128xf32, #tpu.memory_space<vmem>>, vector<16xf32>,
        tpu.vector_store %arg12[%swap3A_1365, %swap3A_1366], %add3A_1362 {strides = array<i32>} : memref<128x128xf32, #tpu.memory_space<vmem>>, vector<16xf32>,
        %sub3A_1368 = arith.subf %gather3A_1215, %add3A_1153 : vector<16xf32>
        %mul3A_1369 = arith.mulf %gather3A_1351, %sub3A_1368 : vector<16xf32>
        %add3A_1370 = arith.addf %add3A_1153, %mul3A_1369 : vector<16xf32>
        %add3A_1371 = arith.constant 8 : i32
        %add3A_1372 = arith.addi %mul3A_351, %add3A_1371 : i32
        %swap3A_1373 = arith.index_cast %add3A_1372 : i32 to index
        %swap3A_1374 = arith.constant 32 : index
        %swap3A_1375 = tpu.vector_load %arg12[%swap3A_1373, %swap3A_1374] {strides = array<i32>} : memref<128x128xf32, #tpu.memory_space<vmem>>, vector<16xf32>,
        tpu.vector_store %arg12[%swap3A_1373, %swap3A_1374], %add3A_1370 {strides = array<i32>} : memref<128x128xf32, #tpu.memory_space<vmem>>, vector<16xf32>,
        %sub3A_1376 = arith.subf %gather3A_1219, %add3A_1161 : vector<16xf32>
        %mul3A_1377 = arith.mulf %gather3A_1351, %sub3A_1376 : vector<16xf32>
        %add3A_1378 = arith.addf %add3A_1161, %mul3A_1377 : vector<16xf32>
        %add3A_1379 = arith.constant 8 : i32
        %add3A_1380 = arith.addi %mul3A_351, %add3A_1379 : i32
        %swap3A_1381 = arith.index_cast %add3A_1380 : i32 to index
        %swap3A_1382 = arith.constant 48 : index
        %swap3A_1383 = tpu.vector_load %arg12[%swap3A_1381, %swap3A_1382] {strides = array<i32>} : memref<128x128xf32, #tpu.memory_space<vmem>>, vector<16xf32>,
        tpu.vector_store %arg12[%swap3A_1381, %swap3A_1382], %add3A_1378 {strides = array<i32>} : memref<128x128xf32, #tpu.memory_space<vmem>>, vector<16xf32>,
        %sub3A_1384 = arith.subf %gather3A_1223, %add3A_1169 : vector<16xf32>
        %mul3A_1385 = arith.mulf %gather3A_1351, %sub3A_1384 : vector<16xf32>
        %add3A_1386 = arith.addf %add3A_1169, %mul3A_1385 : vector<16xf32>
        %add3A_1387 = arith.constant 8 : i32
        %add3A_1388 = arith.addi %mul3A_351, %add3A_1387 : i32
        %swap3A_1389 = arith.index_cast %add3A_1388 : i32 to index
        %swap3A_1390 = arith.constant 64 : index
        %swap3A_1391 = tpu.vector_load %arg12[%swap3A_1389, %swap3A_1390] {strides = array<i32>} : memref<128x128xf32, #tpu.memory_space<vmem>>, vector<16xf32>,
        tpu.vector_store %arg12[%swap3A_1389, %swap3A_1390], %add3A_1386 {strides = array<i32>} : memref<128x128xf32, #tpu.memory_space<vmem>>, vector<16xf32>,
        %sub3A_1392 = arith.subf %gather3A_1227, %add3A_1177 : vector<16xf32>
        %mul3A_1393 = arith.mulf %gather3A_1351, %sub3A_1392 : vector<16xf32>
        %add3A_1394 = arith.addf %add3A_1177, %mul3A_1393 : vector<16xf32>
        %add3A_1395 = arith.constant 8 : i32
        %add3A_1396 = arith.addi %mul3A_351, %add3A_1395 : i32
        %swap3A_1397 = arith.index_cast %add3A_1396 : i32 to index
        %swap3A_1398 = arith.constant 80 : index
        %swap3A_1399 = tpu.vector_load %arg12[%swap3A_1397, %swap3A_1398] {strides = array<i32>} : memref<128x128xf32, #tpu.memory_space<vmem>>, vector<16xf32>,
        tpu.vector_store %arg12[%swap3A_1397, %swap3A_1398], %add3A_1394 {strides = array<i32>} : memref<128x128xf32, #tpu.memory_space<vmem>>, vector<16xf32>,
        %sub3A_1400 = arith.subf %gather3A_1231, %add3A_1185 : vector<16xf32>
        %mul3A_1401 = arith.mulf %gather3A_1351, %sub3A_1400 : vector<16xf32>
        %add3A_1402 = arith.addf %add3A_1185, %mul3A_1401 : vector<16xf32>
        %add3A_1403 = arith.constant 8 : i32
        %add3A_1404 = arith.addi %mul3A_351, %add3A_1403 : i32
        %swap3A_1405 = arith.index_cast %add3A_1404 : i32 to index
        %swap3A_1406 = arith.constant 96 : index
        %swap3A_1407 = tpu.vector_load %arg12[%swap3A_1405, %swap3A_1406] {strides = array<i32>} : memref<128x128xf32, #tpu.memory_space<vmem>>, vector<16xf32>,
        tpu.vector_store %arg12[%swap3A_1405, %swap3A_1406], %add3A_1402 {strides = array<i32>} : memref<128x128xf32, #tpu.memory_space<vmem>>, vector<16xf32>,
        %sub3A_1408 = arith.subf %gather3A_1235, %add3A_1193 : vector<16xf32>
        %mul3A_1409 = arith.mulf %gather3A_1351, %sub3A_1408 : vector<16xf32>
        %add3A_1410 = arith.addf %add3A_1193, %mul3A_1409 : vector<16xf32>
        %add3A_1411 = arith.constant 8 : i32
        %add3A_1412 = arith.addi %mul3A_351, %add3A_1411 : i32
        %swap3A_1413 = arith.index_cast %add3A_1412 : i32 to index
        %swap3A_1414 = arith.constant 112 : index
        %swap3A_1415 = tpu.vector_load %arg12[%swap3A_1413, %swap3A_1414] {strides = array<i32>} : memref<128x128xf32, #tpu.memory_space<vmem>>, vector<16xf32>,
        tpu.vector_store %arg12[%swap3A_1413, %swap3A_1414], %add3A_1410 {strides = array<i32>} : memref<128x128xf32, #tpu.memory_space<vmem>>, vector<16xf32>,
        %broadcast_in_dim3A_1416 = arith.constant 9 : i32
        %broadcast_in_dim3A_1417 = vector.broadcast %broadcast_in_dim3A_1416 : i32 to vector<16xi32>
        %broadcast_in_dim3A_1418 = vector.shape_cast %broadcast_in_dim3A_1417 : vector<16xi32> to vector<16x1xi32>
        %gather3A_1419 = vector.shape_cast %broadcast_in_dim3A_1418 : vector<16x1xi32> to vector<16xi32>
        %gather3A_1420 = tpu.dynamic_gather %select_n3A_342[%gather3A_1419] in [0] : vector<16xf32>, vector<16xi32> -> vector<16xf32>
        %sub3A_1421 = arith.subf %gather3A_1244, %add3A_1354 : vector<16xf32>
        %mul3A_1422 = arith.mulf %gather3A_1420, %sub3A_1421 : vector<16xf32>
        %add3A_1423 = arith.addf %add3A_1354, %mul3A_1422 : vector<16xf32>
        %add3A_1424 = arith.constant 9 : i32
        %add3A_1425 = arith.addi %mul3A_351, %add3A_1424 : i32
        %swap3A_1426 = arith.index_cast %add3A_1425 : i32 to index
        %swap3A_1427 = arith.constant 0 : index
        %swap3A_1428 = tpu.vector_load %arg12[%swap3A_1426, %swap3A_1427] {strides = array<i32>} : memref<128x128xf32, #tpu.memory_space<vmem>>, vector<16xf32>,
        tpu.vector_store %arg12[%swap3A_1426, %swap3A_1427], %add3A_1423 {strides = array<i32>} : memref<128x128xf32, #tpu.memory_space<vmem>>, vector<16xf32>,
        %sub3A_1429 = arith.subf %gather3A_1248, %add3A_1362 : vector<16xf32>
        %mul3A_1430 = arith.mulf %gather3A_1420, %sub3A_1429 : vector<16xf32>
        %add3A_1431 = arith.addf %add3A_1362, %mul3A_1430 : vector<16xf32>
        %add3A_1432 = arith.constant 9 : i32
        %add3A_1433 = arith.addi %mul3A_351, %add3A_1432 : i32
        %swap3A_1434 = arith.index_cast %add3A_1433 : i32 to index
        %swap3A_1435 = arith.constant 16 : index
        %swap3A_1436 = tpu.vector_load %arg12[%swap3A_1434, %swap3A_1435] {strides = array<i32>} : memref<128x128xf32, #tpu.memory_space<vmem>>, vector<16xf32>,
        tpu.vector_store %arg12[%swap3A_1434, %swap3A_1435], %add3A_1431 {strides = array<i32>} : memref<128x128xf32, #tpu.memory_space<vmem>>, vector<16xf32>,
        %sub3A_1437 = arith.subf %gather3A_1252, %add3A_1370 : vector<16xf32>
        %mul3A_1438 = arith.mulf %gather3A_1420, %sub3A_1437 : vector<16xf32>
        %add3A_1439 = arith.addf %add3A_1370, %mul3A_1438 : vector<16xf32>
        %add3A_1440 = arith.constant 9 : i32
        %add3A_1441 = arith.addi %mul3A_351, %add3A_1440 : i32
        %swap3A_1442 = arith.index_cast %add3A_1441 : i32 to index
        %swap3A_1443 = arith.constant 32 : index
        %swap3A_1444 = tpu.vector_load %arg12[%swap3A_1442, %swap3A_1443] {strides = array<i32>} : memref<128x128xf32, #tpu.memory_space<vmem>>, vector<16xf32>,
        tpu.vector_store %arg12[%swap3A_1442, %swap3A_1443], %add3A_1439 {strides = array<i32>} : memref<128x128xf32, #tpu.memory_space<vmem>>, vector<16xf32>,
        %sub3A_1445 = arith.subf %gather3A_1256, %add3A_1378 : vector<16xf32>
        %mul3A_1446 = arith.mulf %gather3A_1420, %sub3A_1445 : vector<16xf32>
        %add3A_1447 = arith.addf %add3A_1378, %mul3A_1446 : vector<16xf32>
        %add3A_1448 = arith.constant 9 : i32
        %add3A_1449 = arith.addi %mul3A_351, %add3A_1448 : i32
        %swap3A_1450 = arith.index_cast %add3A_1449 : i32 to index
        %swap3A_1451 = arith.constant 48 : index
        %swap3A_1452 = tpu.vector_load %arg12[%swap3A_1450, %swap3A_1451] {strides = array<i32>} : memref<128x128xf32, #tpu.memory_space<vmem>>, vector<16xf32>,
        tpu.vector_store %arg12[%swap3A_1450, %swap3A_1451], %add3A_1447 {strides = array<i32>} : memref<128x128xf32, #tpu.memory_space<vmem>>, vector<16xf32>,
        %sub3A_1453 = arith.subf %gather3A_1260, %add3A_1386 : vector<16xf32>
        %mul3A_1454 = arith.mulf %gather3A_1420, %sub3A_1453 : vector<16xf32>
        %add3A_1455 = arith.addf %add3A_1386, %mul3A_1454 : vector<16xf32>
        %add3A_1456 = arith.constant 9 : i32
        %add3A_1457 = arith.addi %mul3A_351, %add3A_1456 : i32
        %swap3A_1458 = arith.index_cast %add3A_1457 : i32 to index
        %swap3A_1459 = arith.constant 64 : index
        %swap3A_1460 = tpu.vector_load %arg12[%swap3A_1458, %swap3A_1459] {strides = array<i32>} : memref<128x128xf32, #tpu.memory_space<vmem>>, vector<16xf32>,
        tpu.vector_store %arg12[%swap3A_1458, %swap3A_1459], %add3A_1455 {strides = array<i32>} : memref<128x128xf32, #tpu.memory_space<vmem>>, vector<16xf32>,
        %sub3A_1461 = arith.subf %gather3A_1264, %add3A_1394 : vector<16xf32>
        %mul3A_1462 = arith.mulf %gather3A_1420, %sub3A_1461 : vector<16xf32>
        %add3A_1463 = arith.addf %add3A_1394, %mul3A_1462 : vector<16xf32>
        %add3A_1464 = arith.constant 9 : i32
        %add3A_1465 = arith.addi %mul3A_351, %add3A_1464 : i32
        %swap3A_1466 = arith.index_cast %add3A_1465 : i32 to index
        %swap3A_1467 = arith.constant 80 : index
        %swap3A_1468 = tpu.vector_load %arg12[%swap3A_1466, %swap3A_1467] {strides = array<i32>} : memref<128x128xf32, #tpu.memory_space<vmem>>, vector<16xf32>,
        tpu.vector_store %arg12[%swap3A_1466, %swap3A_1467], %add3A_1463 {strides = array<i32>} : memref<128x128xf32, #tpu.memory_space<vmem>>, vector<16xf32>,
        %sub3A_1469 = arith.subf %gather3A_1268, %add3A_1402 : vector<16xf32>
        %mul3A_1470 = arith.mulf %gather3A_1420, %sub3A_1469 : vector<16xf32>
        %add3A_1471 = arith.addf %add3A_1402, %mul3A_1470 : vector<16xf32>
        %add3A_1472 = arith.constant 9 : i32
        %add3A_1473 = arith.addi %mul3A_351, %add3A_1472 : i32
        %swap3A_1474 = arith.index_cast %add3A_1473 : i32 to index
        %swap3A_1475 = arith.constant 96 : index
        %swap3A_1476 = tpu.vector_load %arg12[%swap3A_1474, %swap3A_1475] {strides = array<i32>} : memref<128x128xf32, #tpu.memory_space<vmem>>, vector<16xf32>,
        tpu.vector_store %arg12[%swap3A_1474, %swap3A_1475], %add3A_1471 {strides = array<i32>} : memref<128x128xf32, #tpu.memory_space<vmem>>, vector<16xf32>,
        %sub3A_1477 = arith.subf %gather3A_1272, %add3A_1410 : vector<16xf32>
        %mul3A_1478 = arith.mulf %gather3A_1420, %sub3A_1477 : vector<16xf32>
        %add3A_1479 = arith.addf %add3A_1410, %mul3A_1478 : vector<16xf32>
        %add3A_1480 = arith.constant 9 : i32
        %add3A_1481 = arith.addi %mul3A_351, %add3A_1480 : i32
        %swap3A_1482 = arith.index_cast %add3A_1481 : i32 to index
        %swap3A_1483 = arith.constant 112 : index
        %swap3A_1484 = tpu.vector_load %arg12[%swap3A_1482, %swap3A_1483] {strides = array<i32>} : memref<128x128xf32, #tpu.memory_space<vmem>>, vector<16xf32>,
        tpu.vector_store %arg12[%swap3A_1482, %swap3A_1483], %add3A_1479 {strides = array<i32>} : memref<128x128xf32, #tpu.memory_space<vmem>>, vector<16xf32>,
        %broadcast_in_dim3A_1485 = arith.constant 10 : i32
        %broadcast_in_dim3A_1486 = vector.broadcast %broadcast_in_dim3A_1485 : i32 to vector<16xi32>
        %broadcast_in_dim3A_1487 = vector.shape_cast %broadcast_in_dim3A_1486 : vector<16xi32> to vector<16x1xi32>
        %gather3A_1488 = vector.shape_cast %broadcast_in_dim3A_1487 : vector<16x1xi32> to vector<16xi32>
        %gather3A_1489 = tpu.dynamic_gather %select_n3A_342[%gather3A_1488] in [0] : vector<16xf32>, vector<16xi32> -> vector<16xf32>
        %sub3A_1490 = arith.subf %gather3A_1281, %add3A_1423 : vector<16xf32>
        %mul3A_1491 = arith.mulf %gather3A_1489, %sub3A_1490 : vector<16xf32>
        %add3A_1492 = arith.addf %add3A_1423, %mul3A_1491 : vector<16xf32>
        %add3A_1493 = arith.constant 10 : i32
        %add3A_1494 = arith.addi %mul3A_351, %add3A_1493 : i32
        %swap3A_1495 = arith.index_cast %add3A_1494 : i32 to index
        %swap3A_1496 = arith.constant 0 : index
        %swap3A_1497 = tpu.vector_load %arg12[%swap3A_1495, %swap3A_1496] {strides = array<i32>} : memref<128x128xf32, #tpu.memory_space<vmem>>, vector<16xf32>,
        tpu.vector_store %arg12[%swap3A_1495, %swap3A_1496], %add3A_1492 {strides = array<i32>} : memref<128x128xf32, #tpu.memory_space<vmem>>, vector<16xf32>,
        %sub3A_1498 = arith.subf %gather3A_1285, %add3A_1431 : vector<16xf32>
        %mul3A_1499 = arith.mulf %gather3A_1489, %sub3A_1498 : vector<16xf32>
        %add3A_1500 = arith.addf %add3A_1431, %mul3A_1499 : vector<16xf32>
        %add3A_1501 = arith.constant 10 : i32
        %add3A_1502 = arith.addi %mul3A_351, %add3A_1501 : i32
        %swap3A_1503 = arith.index_cast %add3A_1502 : i32 to index
        %swap3A_1504 = arith.constant 16 : index
        %swap3A_1505 = tpu.vector_load %arg12[%swap3A_1503, %swap3A_1504] {strides = array<i32>} : memref<128x128xf32, #tpu.memory_space<vmem>>, vector<16xf32>,
        tpu.vector_store %arg12[%swap3A_1503, %swap3A_1504], %add3A_1500 {strides = array<i32>} : memref<128x128xf32, #tpu.memory_space<vmem>>, vector<16xf32>,
        %sub3A_1506 = arith.subf %gather3A_1289, %add3A_1439 : vector<16xf32>
        %mul3A_1507 = arith.mulf %gather3A_1489, %sub3A_1506 : vector<16xf32>
        %add3A_1508 = arith.addf %add3A_1439, %mul3A_1507 : vector<16xf32>
        %add3A_1509 = arith.constant 10 : i32
        %add3A_1510 = arith.addi %mul3A_351, %add3A_1509 : i32
        %swap3A_1511 = arith.index_cast %add3A_1510 : i32 to index
        %swap3A_1512 = arith.constant 32 : index
        %swap3A_1513 = tpu.vector_load %arg12[%swap3A_1511, %swap3A_1512] {strides = array<i32>} : memref<128x128xf32, #tpu.memory_space<vmem>>, vector<16xf32>,
        tpu.vector_store %arg12[%swap3A_1511, %swap3A_1512], %add3A_1508 {strides = array<i32>} : memref<128x128xf32, #tpu.memory_space<vmem>>, vector<16xf32>,
        %sub3A_1514 = arith.subf %gather3A_1293, %add3A_1447 : vector<16xf32>
        %mul3A_1515 = arith.mulf %gather3A_1489, %sub3A_1514 : vector<16xf32>
        %add3A_1516 = arith.addf %add3A_1447, %mul3A_1515 : vector<16xf32>
        %add3A_1517 = arith.constant 10 : i32
        %add3A_1518 = arith.addi %mul3A_351, %add3A_1517 : i32
        %swap3A_1519 = arith.index_cast %add3A_1518 : i32 to index
        %swap3A_1520 = arith.constant 48 : index
        %swap3A_1521 = tpu.vector_load %arg12[%swap3A_1519, %swap3A_1520] {strides = array<i32>} : memref<128x128xf32, #tpu.memory_space<vmem>>, vector<16xf32>,
        tpu.vector_store %arg12[%swap3A_1519, %swap3A_1520], %add3A_1516 {strides = array<i32>} : memref<128x128xf32, #tpu.memory_space<vmem>>, vector<16xf32>,
        %sub3A_1522 = arith.subf %gather3A_1297, %add3A_1455 : vector<16xf32>
        %mul3A_1523 = arith.mulf %gather3A_1489, %sub3A_1522 : vector<16xf32>
        %add3A_1524 = arith.addf %add3A_1455, %mul3A_1523 : vector<16xf32>
        %add3A_1525 = arith.constant 10 : i32
        %add3A_1526 = arith.addi %mul3A_351, %add3A_1525 : i32
        %swap3A_1527 = arith.index_cast %add3A_1526 : i32 to index
        %swap3A_1528 = arith.constant 64 : index
        %swap3A_1529 = tpu.vector_load %arg12[%swap3A_1527, %swap3A_1528] {strides = array<i32>} : memref<128x128xf32, #tpu.memory_space<vmem>>, vector<16xf32>,
        tpu.vector_store %arg12[%swap3A_1527, %swap3A_1528], %add3A_1524 {strides = array<i32>} : memref<128x128xf32, #tpu.memory_space<vmem>>, vector<16xf32>,
        %sub3A_1530 = arith.subf %gather3A_1301, %add3A_1463 : vector<16xf32>
        %mul3A_1531 = arith.mulf %gather3A_1489, %sub3A_1530 : vector<16xf32>
        %add3A_1532 = arith.addf %add3A_1463, %mul3A_1531 : vector<16xf32>
        %add3A_1533 = arith.constant 10 : i32
        %add3A_1534 = arith.addi %mul3A_351, %add3A_1533 : i32
        %swap3A_1535 = arith.index_cast %add3A_1534 : i32 to index
        %swap3A_1536 = arith.constant 80 : index
        %swap3A_1537 = tpu.vector_load %arg12[%swap3A_1535, %swap3A_1536] {strides = array<i32>} : memref<128x128xf32, #tpu.memory_space<vmem>>, vector<16xf32>,
        tpu.vector_store %arg12[%swap3A_1535, %swap3A_1536], %add3A_1532 {strides = array<i32>} : memref<128x128xf32, #tpu.memory_space<vmem>>, vector<16xf32>,
        %sub3A_1538 = arith.subf %gather3A_1305, %add3A_1471 : vector<16xf32>
        %mul3A_1539 = arith.mulf %gather3A_1489, %sub3A_1538 : vector<16xf32>
        %add3A_1540 = arith.addf %add3A_1471, %mul3A_1539 : vector<16xf32>
        %add3A_1541 = arith.constant 10 : i32
        %add3A_1542 = arith.addi %mul3A_351, %add3A_1541 : i32
        %swap3A_1543 = arith.index_cast %add3A_1542 : i32 to index
        %swap3A_1544 = arith.constant 96 : index
        %swap3A_1545 = tpu.vector_load %arg12[%swap3A_1543, %swap3A_1544] {strides = array<i32>} : memref<128x128xf32, #tpu.memory_space<vmem>>, vector<16xf32>,
        tpu.vector_store %arg12[%swap3A_1543, %swap3A_1544], %add3A_1540 {strides = array<i32>} : memref<128x128xf32, #tpu.memory_space<vmem>>, vector<16xf32>,
        %sub3A_1546 = arith.subf %gather3A_1309, %add3A_1479 : vector<16xf32>
        %mul3A_1547 = arith.mulf %gather3A_1489, %sub3A_1546 : vector<16xf32>
        %add3A_1548 = arith.addf %add3A_1479, %mul3A_1547 : vector<16xf32>
        %add3A_1549 = arith.constant 10 : i32
        %add3A_1550 = arith.addi %mul3A_351, %add3A_1549 : i32
        %swap3A_1551 = arith.index_cast %add3A_1550 : i32 to index
        %swap3A_1552 = arith.constant 112 : index
        %swap3A_1553 = tpu.vector_load %arg12[%swap3A_1551, %swap3A_1552] {strides = array<i32>} : memref<128x128xf32, #tpu.memory_space<vmem>>, vector<16xf32>,
        tpu.vector_store %arg12[%swap3A_1551, %swap3A_1552], %add3A_1548 {strides = array<i32>} : memref<128x128xf32, #tpu.memory_space<vmem>>, vector<16xf32>,
        %broadcast_in_dim3A_1554 = arith.constant 11 : i32
        %broadcast_in_dim3A_1555 = vector.broadcast %broadcast_in_dim3A_1554 : i32 to vector<16xi32>
        %broadcast_in_dim3A_1556 = vector.shape_cast %broadcast_in_dim3A_1555 : vector<16xi32> to vector<16x1xi32>
        %gather3A_1557 = vector.shape_cast %broadcast_in_dim3A_1556 : vector<16x1xi32> to vector<16xi32>
        %gather3A_1558 = tpu.dynamic_gather %select_n3A_342[%gather3A_1557] in [0] : vector<16xf32>, vector<16xi32> -> vector<16xf32>
        %sub3A_1559 = arith.subf %gather3A_1318, %add3A_1492 : vector<16xf32>
        %mul3A_1560 = arith.mulf %gather3A_1558, %sub3A_1559 : vector<16xf32>
        %add3A_1561 = arith.addf %add3A_1492, %mul3A_1560 : vector<16xf32>
        %add3A_1562 = arith.constant 11 : i32
        %add3A_1563 = arith.addi %mul3A_351, %add3A_1562 : i32
        %swap3A_1564 = arith.index_cast %add3A_1563 : i32 to index
        %swap3A_1565 = arith.constant 0 : index
        %swap3A_1566 = tpu.vector_load %arg12[%swap3A_1564, %swap3A_1565] {strides = array<i32>} : memref<128x128xf32, #tpu.memory_space<vmem>>, vector<16xf32>,
        tpu.vector_store %arg12[%swap3A_1564, %swap3A_1565], %add3A_1561 {strides = array<i32>} : memref<128x128xf32, #tpu.memory_space<vmem>>, vector<16xf32>,
        %sub3A_1567 = arith.subf %gather3A_1322, %add3A_1500 : vector<16xf32>
        %mul3A_1568 = arith.mulf %gather3A_1558, %sub3A_1567 : vector<16xf32>
        %add3A_1569 = arith.addf %add3A_1500, %mul3A_1568 : vector<16xf32>
        %add3A_1570 = arith.constant 11 : i32
        %add3A_1571 = arith.addi %mul3A_351, %add3A_1570 : i32
        %swap3A_1572 = arith.index_cast %add3A_1571 : i32 to index
        %swap3A_1573 = arith.constant 16 : index
        %swap3A_1574 = tpu.vector_load %arg12[%swap3A_1572, %swap3A_1573] {strides = array<i32>} : memref<128x128xf32, #tpu.memory_space<vmem>>, vector<16xf32>,
        tpu.vector_store %arg12[%swap3A_1572, %swap3A_1573], %add3A_1569 {strides = array<i32>} : memref<128x128xf32, #tpu.memory_space<vmem>>, vector<16xf32>,
        %sub3A_1575 = arith.subf %gather3A_1326, %add3A_1508 : vector<16xf32>
        %mul3A_1576 = arith.mulf %gather3A_1558, %sub3A_1575 : vector<16xf32>
        %add3A_1577 = arith.addf %add3A_1508, %mul3A_1576 : vector<16xf32>
        %add3A_1578 = arith.constant 11 : i32
        %add3A_1579 = arith.addi %mul3A_351, %add3A_1578 : i32
        %swap3A_1580 = arith.index_cast %add3A_1579 : i32 to index
        %swap3A_1581 = arith.constant 32 : index
        %swap3A_1582 = tpu.vector_load %arg12[%swap3A_1580, %swap3A_1581] {strides = array<i32>} : memref<128x128xf32, #tpu.memory_space<vmem>>, vector<16xf32>,
        tpu.vector_store %arg12[%swap3A_1580, %swap3A_1581], %add3A_1577 {strides = array<i32>} : memref<128x128xf32, #tpu.memory_space<vmem>>, vector<16xf32>,
        %sub3A_1583 = arith.subf %gather3A_1330, %add3A_1516 : vector<16xf32>
        %mul3A_1584 = arith.mulf %gather3A_1558, %sub3A_1583 : vector<16xf32>
        %add3A_1585 = arith.addf %add3A_1516, %mul3A_1584 : vector<16xf32>
        %add3A_1586 = arith.constant 11 : i32
        %add3A_1587 = arith.addi %mul3A_351, %add3A_1586 : i32
        %swap3A_1588 = arith.index_cast %add3A_1587 : i32 to index
        %swap3A_1589 = arith.constant 48 : index
        %swap3A_1590 = tpu.vector_load %arg12[%swap3A_1588, %swap3A_1589] {strides = array<i32>} : memref<128x128xf32, #tpu.memory_space<vmem>>, vector<16xf32>,
        tpu.vector_store %arg12[%swap3A_1588, %swap3A_1589], %add3A_1585 {strides = array<i32>} : memref<128x128xf32, #tpu.memory_space<vmem>>, vector<16xf32>,
        %sub3A_1591 = arith.subf %gather3A_1334, %add3A_1524 : vector<16xf32>
        %mul3A_1592 = arith.mulf %gather3A_1558, %sub3A_1591 : vector<16xf32>
        %add3A_1593 = arith.addf %add3A_1524, %mul3A_1592 : vector<16xf32>
        %add3A_1594 = arith.constant 11 : i32
        %add3A_1595 = arith.addi %mul3A_351, %add3A_1594 : i32
        %swap3A_1596 = arith.index_cast %add3A_1595 : i32 to index
        %swap3A_1597 = arith.constant 64 : index
        %swap3A_1598 = tpu.vector_load %arg12[%swap3A_1596, %swap3A_1597] {strides = array<i32>} : memref<128x128xf32, #tpu.memory_space<vmem>>, vector<16xf32>,
        tpu.vector_store %arg12[%swap3A_1596, %swap3A_1597], %add3A_1593 {strides = array<i32>} : memref<128x128xf32, #tpu.memory_space<vmem>>, vector<16xf32>,
        %sub3A_1599 = arith.subf %gather3A_1338, %add3A_1532 : vector<16xf32>
        %mul3A_1600 = arith.mulf %gather3A_1558, %sub3A_1599 : vector<16xf32>
        %add3A_1601 = arith.addf %add3A_1532, %mul3A_1600 : vector<16xf32>
        %add3A_1602 = arith.constant 11 : i32
        %add3A_1603 = arith.addi %mul3A_351, %add3A_1602 : i32
        %swap3A_1604 = arith.index_cast %add3A_1603 : i32 to index
        %swap3A_1605 = arith.constant 80 : index
        %swap3A_1606 = tpu.vector_load %arg12[%swap3A_1604, %swap3A_1605] {strides = array<i32>} : memref<128x128xf32, #tpu.memory_space<vmem>>, vector<16xf32>,
        tpu.vector_store %arg12[%swap3A_1604, %swap3A_1605], %add3A_1601 {strides = array<i32>} : memref<128x128xf32, #tpu.memory_space<vmem>>, vector<16xf32>,
        %sub3A_1607 = arith.subf %gather3A_1342, %add3A_1540 : vector<16xf32>
        %mul3A_1608 = arith.mulf %gather3A_1558, %sub3A_1607 : vector<16xf32>
        %add3A_1609 = arith.addf %add3A_1540, %mul3A_1608 : vector<16xf32>
        %add3A_1610 = arith.constant 11 : i32
        %add3A_1611 = arith.addi %mul3A_351, %add3A_1610 : i32
        %swap3A_1612 = arith.index_cast %add3A_1611 : i32 to index
        %swap3A_1613 = arith.constant 96 : index
        %swap3A_1614 = tpu.vector_load %arg12[%swap3A_1612, %swap3A_1613] {strides = array<i32>} : memref<128x128xf32, #tpu.memory_space<vmem>>, vector<16xf32>,
        tpu.vector_store %arg12[%swap3A_1612, %swap3A_1613], %add3A_1609 {strides = array<i32>} : memref<128x128xf32, #tpu.memory_space<vmem>>, vector<16xf32>,
        %sub3A_1615 = arith.subf %gather3A_1346, %add3A_1548 : vector<16xf32>
        %mul3A_1616 = arith.mulf %gather3A_1558, %sub3A_1615 : vector<16xf32>
        %add3A_1617 = arith.addf %add3A_1548, %mul3A_1616 : vector<16xf32>
        %add3A_1618 = arith.constant 11 : i32
        %add3A_1619 = arith.addi %mul3A_351, %add3A_1618 : i32
        %swap3A_1620 = arith.index_cast %add3A_1619 : i32 to index
        %swap3A_1621 = arith.constant 112 : index
        %swap3A_1622 = tpu.vector_load %arg12[%swap3A_1620, %swap3A_1621] {strides = array<i32>} : memref<128x128xf32, #tpu.memory_space<vmem>>, vector<16xf32>,
        tpu.vector_store %arg12[%swap3A_1620, %swap3A_1621], %add3A_1617 {strides = array<i32>} : memref<128x128xf32, #tpu.memory_space<vmem>>, vector<16xf32>,
        %broadcast_in_dim3A_1623 = arith.constant 12 : i32
        %broadcast_in_dim3A_1624 = vector.broadcast %broadcast_in_dim3A_1623 : i32 to vector<16xi32>
        %broadcast_in_dim3A_1625 = vector.shape_cast %broadcast_in_dim3A_1624 : vector<16xi32> to vector<16x1xi32>
        %gather3A_1626 = vector.shape_cast %broadcast_in_dim3A_1625 : vector<16x1xi32> to vector<16xi32>
        %gather3A_1627 = tpu.dynamic_gather %select_n3A_349[%gather3A_1626] in [0] : vector<16xi32>, vector<16xi32> -> vector<16xi32>
        %add3A_1628 = arith.constant 0 : i32
        %add3A_1629 = vector.broadcast %add3A_1628 : i32 to vector<16xi32>
        %add3A_1630 = arith.addi %iota3A, %add3A_1629 : vector<16xi32>
        %gather3A_1631 = tpu.vector_load_idx %arg10[%gather3A_1627, %add3A_1630] : memref<137x128xf32, #tpu.memory_space<vmem>>[vector<16xi32>, vector<16xi32>], vector<16xf32>,
        %add3A_1632 = arith.constant 16 : i32
        %add3A_1633 = vector.broadcast %add3A_1632 : i32 to vector<16xi32>
        %add3A_1634 = arith.addi %iota3A, %add3A_1633 : vector<16xi32>
        %gather3A_1635 = tpu.vector_load_idx %arg10[%gather3A_1627, %add3A_1634] : memref<137x128xf32, #tpu.memory_space<vmem>>[vector<16xi32>, vector<16xi32>], vector<16xf32>,
        %add3A_1636 = arith.constant 32 : i32
        %add3A_1637 = vector.broadcast %add3A_1636 : i32 to vector<16xi32>
        %add3A_1638 = arith.addi %iota3A, %add3A_1637 : vector<16xi32>
        %gather3A_1639 = tpu.vector_load_idx %arg10[%gather3A_1627, %add3A_1638] : memref<137x128xf32, #tpu.memory_space<vmem>>[vector<16xi32>, vector<16xi32>], vector<16xf32>,
        %add3A_1640 = arith.constant 48 : i32
        %add3A_1641 = vector.broadcast %add3A_1640 : i32 to vector<16xi32>
        %add3A_1642 = arith.addi %iota3A, %add3A_1641 : vector<16xi32>
        %gather3A_1643 = tpu.vector_load_idx %arg10[%gather3A_1627, %add3A_1642] : memref<137x128xf32, #tpu.memory_space<vmem>>[vector<16xi32>, vector<16xi32>], vector<16xf32>,
        %add3A_1644 = arith.constant 64 : i32
        %add3A_1645 = vector.broadcast %add3A_1644 : i32 to vector<16xi32>
        %add3A_1646 = arith.addi %iota3A, %add3A_1645 : vector<16xi32>
        %gather3A_1647 = tpu.vector_load_idx %arg10[%gather3A_1627, %add3A_1646] : memref<137x128xf32, #tpu.memory_space<vmem>>[vector<16xi32>, vector<16xi32>], vector<16xf32>,
        %add3A_1648 = arith.constant 80 : i32
        %add3A_1649 = vector.broadcast %add3A_1648 : i32 to vector<16xi32>
        %add3A_1650 = arith.addi %iota3A, %add3A_1649 : vector<16xi32>
        %gather3A_1651 = tpu.vector_load_idx %arg10[%gather3A_1627, %add3A_1650] : memref<137x128xf32, #tpu.memory_space<vmem>>[vector<16xi32>, vector<16xi32>], vector<16xf32>,
        %add3A_1652 = arith.constant 96 : i32
        %add3A_1653 = vector.broadcast %add3A_1652 : i32 to vector<16xi32>
        %add3A_1654 = arith.addi %iota3A, %add3A_1653 : vector<16xi32>
        %gather3A_1655 = tpu.vector_load_idx %arg10[%gather3A_1627, %add3A_1654] : memref<137x128xf32, #tpu.memory_space<vmem>>[vector<16xi32>, vector<16xi32>], vector<16xf32>,
        %add3A_1656 = arith.constant 112 : i32
        %add3A_1657 = vector.broadcast %add3A_1656 : i32 to vector<16xi32>
        %add3A_1658 = arith.addi %iota3A, %add3A_1657 : vector<16xi32>
        %gather3A_1659 = tpu.vector_load_idx %arg10[%gather3A_1627, %add3A_1658] : memref<137x128xf32, #tpu.memory_space<vmem>>[vector<16xi32>, vector<16xi32>], vector<16xf32>,
        %broadcast_in_dim3A_1660 = arith.constant 13 : i32
        %broadcast_in_dim3A_1661 = vector.broadcast %broadcast_in_dim3A_1660 : i32 to vector<16xi32>
        %broadcast_in_dim3A_1662 = vector.shape_cast %broadcast_in_dim3A_1661 : vector<16xi32> to vector<16x1xi32>
        %gather3A_1663 = vector.shape_cast %broadcast_in_dim3A_1662 : vector<16x1xi32> to vector<16xi32>
        %gather3A_1664 = tpu.dynamic_gather %select_n3A_349[%gather3A_1663] in [0] : vector<16xi32>, vector<16xi32> -> vector<16xi32>
        %add3A_1665 = arith.constant 0 : i32
        %add3A_1666 = vector.broadcast %add3A_1665 : i32 to vector<16xi32>
        %add3A_1667 = arith.addi %iota3A, %add3A_1666 : vector<16xi32>
        %gather3A_1668 = tpu.vector_load_idx %arg10[%gather3A_1664, %add3A_1667] : memref<137x128xf32, #tpu.memory_space<vmem>>[vector<16xi32>, vector<16xi32>], vector<16xf32>,
        %add3A_1669 = arith.constant 16 : i32
        %add3A_1670 = vector.broadcast %add3A_1669 : i32 to vector<16xi32>
        %add3A_1671 = arith.addi %iota3A, %add3A_1670 : vector<16xi32>
        %gather3A_1672 = tpu.vector_load_idx %arg10[%gather3A_1664, %add3A_1671] : memref<137x128xf32, #tpu.memory_space<vmem>>[vector<16xi32>, vector<16xi32>], vector<16xf32>,
        %add3A_1673 = arith.constant 32 : i32
        %add3A_1674 = vector.broadcast %add3A_1673 : i32 to vector<16xi32>
        %add3A_1675 = arith.addi %iota3A, %add3A_1674 : vector<16xi32>
        %gather3A_1676 = tpu.vector_load_idx %arg10[%gather3A_1664, %add3A_1675] : memref<137x128xf32, #tpu.memory_space<vmem>>[vector<16xi32>, vector<16xi32>], vector<16xf32>,
        %add3A_1677 = arith.constant 48 : i32
        %add3A_1678 = vector.broadcast %add3A_1677 : i32 to vector<16xi32>
        %add3A_1679 = arith.addi %iota3A, %add3A_1678 : vector<16xi32>
        %gather3A_1680 = tpu.vector_load_idx %arg10[%gather3A_1664, %add3A_1679] : memref<137x128xf32, #tpu.memory_space<vmem>>[vector<16xi32>, vector<16xi32>], vector<16xf32>,
        %add3A_1681 = arith.constant 64 : i32
        %add3A_1682 = vector.broadcast %add3A_1681 : i32 to vector<16xi32>
        %add3A_1683 = arith.addi %iota3A, %add3A_1682 : vector<16xi32>
        %gather3A_1684 = tpu.vector_load_idx %arg10[%gather3A_1664, %add3A_1683] : memref<137x128xf32, #tpu.memory_space<vmem>>[vector<16xi32>, vector<16xi32>], vector<16xf32>,
        %add3A_1685 = arith.constant 80 : i32
        %add3A_1686 = vector.broadcast %add3A_1685 : i32 to vector<16xi32>
        %add3A_1687 = arith.addi %iota3A, %add3A_1686 : vector<16xi32>
        %gather3A_1688 = tpu.vector_load_idx %arg10[%gather3A_1664, %add3A_1687] : memref<137x128xf32, #tpu.memory_space<vmem>>[vector<16xi32>, vector<16xi32>], vector<16xf32>,
        %add3A_1689 = arith.constant 96 : i32
        %add3A_1690 = vector.broadcast %add3A_1689 : i32 to vector<16xi32>
        %add3A_1691 = arith.addi %iota3A, %add3A_1690 : vector<16xi32>
        %gather3A_1692 = tpu.vector_load_idx %arg10[%gather3A_1664, %add3A_1691] : memref<137x128xf32, #tpu.memory_space<vmem>>[vector<16xi32>, vector<16xi32>], vector<16xf32>,
        %add3A_1693 = arith.constant 112 : i32
        %add3A_1694 = vector.broadcast %add3A_1693 : i32 to vector<16xi32>
        %add3A_1695 = arith.addi %iota3A, %add3A_1694 : vector<16xi32>
        %gather3A_1696 = tpu.vector_load_idx %arg10[%gather3A_1664, %add3A_1695] : memref<137x128xf32, #tpu.memory_space<vmem>>[vector<16xi32>, vector<16xi32>], vector<16xf32>,
        %broadcast_in_dim3A_1697 = arith.constant 14 : i32
        %broadcast_in_dim3A_1698 = vector.broadcast %broadcast_in_dim3A_1697 : i32 to vector<16xi32>
        %broadcast_in_dim3A_1699 = vector.shape_cast %broadcast_in_dim3A_1698 : vector<16xi32> to vector<16x1xi32>
        %gather3A_1700 = vector.shape_cast %broadcast_in_dim3A_1699 : vector<16x1xi32> to vector<16xi32>
        %gather3A_1701 = tpu.dynamic_gather %select_n3A_349[%gather3A_1700] in [0] : vector<16xi32>, vector<16xi32> -> vector<16xi32>
        %add3A_1702 = arith.constant 0 : i32
        %add3A_1703 = vector.broadcast %add3A_1702 : i32 to vector<16xi32>
        %add3A_1704 = arith.addi %iota3A, %add3A_1703 : vector<16xi32>
        %gather3A_1705 = tpu.vector_load_idx %arg10[%gather3A_1701, %add3A_1704] : memref<137x128xf32, #tpu.memory_space<vmem>>[vector<16xi32>, vector<16xi32>], vector<16xf32>,
        %add3A_1706 = arith.constant 16 : i32
        %add3A_1707 = vector.broadcast %add3A_1706 : i32 to vector<16xi32>
        %add3A_1708 = arith.addi %iota3A, %add3A_1707 : vector<16xi32>
        %gather3A_1709 = tpu.vector_load_idx %arg10[%gather3A_1701, %add3A_1708] : memref<137x128xf32, #tpu.memory_space<vmem>>[vector<16xi32>, vector<16xi32>], vector<16xf32>,
        %add3A_1710 = arith.constant 32 : i32
        %add3A_1711 = vector.broadcast %add3A_1710 : i32 to vector<16xi32>
        %add3A_1712 = arith.addi %iota3A, %add3A_1711 : vector<16xi32>
        %gather3A_1713 = tpu.vector_load_idx %arg10[%gather3A_1701, %add3A_1712] : memref<137x128xf32, #tpu.memory_space<vmem>>[vector<16xi32>, vector<16xi32>], vector<16xf32>,
        %add3A_1714 = arith.constant 48 : i32
        %add3A_1715 = vector.broadcast %add3A_1714 : i32 to vector<16xi32>
        %add3A_1716 = arith.addi %iota3A, %add3A_1715 : vector<16xi32>
        %gather3A_1717 = tpu.vector_load_idx %arg10[%gather3A_1701, %add3A_1716] : memref<137x128xf32, #tpu.memory_space<vmem>>[vector<16xi32>, vector<16xi32>], vector<16xf32>,
        %add3A_1718 = arith.constant 64 : i32
        %add3A_1719 = vector.broadcast %add3A_1718 : i32 to vector<16xi32>
        %add3A_1720 = arith.addi %iota3A, %add3A_1719 : vector<16xi32>
        %gather3A_1721 = tpu.vector_load_idx %arg10[%gather3A_1701, %add3A_1720] : memref<137x128xf32, #tpu.memory_space<vmem>>[vector<16xi32>, vector<16xi32>], vector<16xf32>,
        %add3A_1722 = arith.constant 80 : i32
        %add3A_1723 = vector.broadcast %add3A_1722 : i32 to vector<16xi32>
        %add3A_1724 = arith.addi %iota3A, %add3A_1723 : vector<16xi32>
        %gather3A_1725 = tpu.vector_load_idx %arg10[%gather3A_1701, %add3A_1724] : memref<137x128xf32, #tpu.memory_space<vmem>>[vector<16xi32>, vector<16xi32>], vector<16xf32>,
        %add3A_1726 = arith.constant 96 : i32
        %add3A_1727 = vector.broadcast %add3A_1726 : i32 to vector<16xi32>
        %add3A_1728 = arith.addi %iota3A, %add3A_1727 : vector<16xi32>
        %gather3A_1729 = tpu.vector_load_idx %arg10[%gather3A_1701, %add3A_1728] : memref<137x128xf32, #tpu.memory_space<vmem>>[vector<16xi32>, vector<16xi32>], vector<16xf32>,
        %add3A_1730 = arith.constant 112 : i32
        %add3A_1731 = vector.broadcast %add3A_1730 : i32 to vector<16xi32>
        %add3A_1732 = arith.addi %iota3A, %add3A_1731 : vector<16xi32>
        %gather3A_1733 = tpu.vector_load_idx %arg10[%gather3A_1701, %add3A_1732] : memref<137x128xf32, #tpu.memory_space<vmem>>[vector<16xi32>, vector<16xi32>], vector<16xf32>,
        %broadcast_in_dim3A_1734 = arith.constant 15 : i32
        %broadcast_in_dim3A_1735 = vector.broadcast %broadcast_in_dim3A_1734 : i32 to vector<16xi32>
        %broadcast_in_dim3A_1736 = vector.shape_cast %broadcast_in_dim3A_1735 : vector<16xi32> to vector<16x1xi32>
        %gather3A_1737 = vector.shape_cast %broadcast_in_dim3A_1736 : vector<16x1xi32> to vector<16xi32>
        %gather3A_1738 = tpu.dynamic_gather %select_n3A_349[%gather3A_1737] in [0] : vector<16xi32>, vector<16xi32> -> vector<16xi32>
        %add3A_1739 = arith.constant 0 : i32
        %add3A_1740 = vector.broadcast %add3A_1739 : i32 to vector<16xi32>
        %add3A_1741 = arith.addi %iota3A, %add3A_1740 : vector<16xi32>
        %gather3A_1742 = tpu.vector_load_idx %arg10[%gather3A_1738, %add3A_1741] : memref<137x128xf32, #tpu.memory_space<vmem>>[vector<16xi32>, vector<16xi32>], vector<16xf32>,
        %add3A_1743 = arith.constant 16 : i32
        %add3A_1744 = vector.broadcast %add3A_1743 : i32 to vector<16xi32>
        %add3A_1745 = arith.addi %iota3A, %add3A_1744 : vector<16xi32>
        %gather3A_1746 = tpu.vector_load_idx %arg10[%gather3A_1738, %add3A_1745] : memref<137x128xf32, #tpu.memory_space<vmem>>[vector<16xi32>, vector<16xi32>], vector<16xf32>,
        %add3A_1747 = arith.constant 32 : i32
        %add3A_1748 = vector.broadcast %add3A_1747 : i32 to vector<16xi32>
        %add3A_1749 = arith.addi %iota3A, %add3A_1748 : vector<16xi32>
        %gather3A_1750 = tpu.vector_load_idx %arg10[%gather3A_1738, %add3A_1749] : memref<137x128xf32, #tpu.memory_space<vmem>>[vector<16xi32>, vector<16xi32>], vector<16xf32>,
        %add3A_1751 = arith.constant 48 : i32
        %add3A_1752 = vector.broadcast %add3A_1751 : i32 to vector<16xi32>
        %add3A_1753 = arith.addi %iota3A, %add3A_1752 : vector<16xi32>
        %gather3A_1754 = tpu.vector_load_idx %arg10[%gather3A_1738, %add3A_1753] : memref<137x128xf32, #tpu.memory_space<vmem>>[vector<16xi32>, vector<16xi32>], vector<16xf32>,
        %add3A_1755 = arith.constant 64 : i32
        %add3A_1756 = vector.broadcast %add3A_1755 : i32 to vector<16xi32>
        %add3A_1757 = arith.addi %iota3A, %add3A_1756 : vector<16xi32>
        %gather3A_1758 = tpu.vector_load_idx %arg10[%gather3A_1738, %add3A_1757] : memref<137x128xf32, #tpu.memory_space<vmem>>[vector<16xi32>, vector<16xi32>], vector<16xf32>,
        %add3A_1759 = arith.constant 80 : i32
        %add3A_1760 = vector.broadcast %add3A_1759 : i32 to vector<16xi32>
        %add3A_1761 = arith.addi %iota3A, %add3A_1760 : vector<16xi32>
        %gather3A_1762 = tpu.vector_load_idx %arg10[%gather3A_1738, %add3A_1761] : memref<137x128xf32, #tpu.memory_space<vmem>>[vector<16xi32>, vector<16xi32>], vector<16xf32>,
        %add3A_1763 = arith.constant 96 : i32
        %add3A_1764 = vector.broadcast %add3A_1763 : i32 to vector<16xi32>
        %add3A_1765 = arith.addi %iota3A, %add3A_1764 : vector<16xi32>
        %gather3A_1766 = tpu.vector_load_idx %arg10[%gather3A_1738, %add3A_1765] : memref<137x128xf32, #tpu.memory_space<vmem>>[vector<16xi32>, vector<16xi32>], vector<16xf32>,
        %add3A_1767 = arith.constant 112 : i32
        %add3A_1768 = vector.broadcast %add3A_1767 : i32 to vector<16xi32>
        %add3A_1769 = arith.addi %iota3A, %add3A_1768 : vector<16xi32>
        %gather3A_1770 = tpu.vector_load_idx %arg10[%gather3A_1738, %add3A_1769] : memref<137x128xf32, #tpu.memory_space<vmem>>[vector<16xi32>, vector<16xi32>], vector<16xf32>,
        %broadcast_in_dim3A_1771 = arith.constant 12 : i32
        %broadcast_in_dim3A_1772 = vector.broadcast %broadcast_in_dim3A_1771 : i32 to vector<16xi32>
        %broadcast_in_dim3A_1773 = vector.shape_cast %broadcast_in_dim3A_1772 : vector<16xi32> to vector<16x1xi32>
        %gather3A_1774 = vector.shape_cast %broadcast_in_dim3A_1773 : vector<16x1xi32> to vector<16xi32>
        %gather3A_1775 = tpu.dynamic_gather %select_n3A_342[%gather3A_1774] in [0] : vector<16xf32>, vector<16xi32> -> vector<16xf32>
        %sub3A_1776 = arith.subf %gather3A_1631, %add3A_1561 : vector<16xf32>
        %mul3A_1777 = arith.mulf %gather3A_1775, %sub3A_1776 : vector<16xf32>
        %add3A_1778 = arith.addf %add3A_1561, %mul3A_1777 : vector<16xf32>
        %add3A_1779 = arith.constant 12 : i32
        %add3A_1780 = arith.addi %mul3A_351, %add3A_1779 : i32
        %swap3A_1781 = arith.index_cast %add3A_1780 : i32 to index
        %swap3A_1782 = arith.constant 0 : index
        %swap3A_1783 = tpu.vector_load %arg12[%swap3A_1781, %swap3A_1782] {strides = array<i32>} : memref<128x128xf32, #tpu.memory_space<vmem>>, vector<16xf32>,
        tpu.vector_store %arg12[%swap3A_1781, %swap3A_1782], %add3A_1778 {strides = array<i32>} : memref<128x128xf32, #tpu.memory_space<vmem>>, vector<16xf32>,
        %sub3A_1784 = arith.subf %gather3A_1635, %add3A_1569 : vector<16xf32>
        %mul3A_1785 = arith.mulf %gather3A_1775, %sub3A_1784 : vector<16xf32>
        %add3A_1786 = arith.addf %add3A_1569, %mul3A_1785 : vector<16xf32>
        %add3A_1787 = arith.constant 12 : i32
        %add3A_1788 = arith.addi %mul3A_351, %add3A_1787 : i32
        %swap3A_1789 = arith.index_cast %add3A_1788 : i32 to index
        %swap3A_1790 = arith.constant 16 : index
        %swap3A_1791 = tpu.vector_load %arg12[%swap3A_1789, %swap3A_1790] {strides = array<i32>} : memref<128x128xf32, #tpu.memory_space<vmem>>, vector<16xf32>,
        tpu.vector_store %arg12[%swap3A_1789, %swap3A_1790], %add3A_1786 {strides = array<i32>} : memref<128x128xf32, #tpu.memory_space<vmem>>, vector<16xf32>,
        %sub3A_1792 = arith.subf %gather3A_1639, %add3A_1577 : vector<16xf32>
        %mul3A_1793 = arith.mulf %gather3A_1775, %sub3A_1792 : vector<16xf32>
        %add3A_1794 = arith.addf %add3A_1577, %mul3A_1793 : vector<16xf32>
        %add3A_1795 = arith.constant 12 : i32
        %add3A_1796 = arith.addi %mul3A_351, %add3A_1795 : i32
        %swap3A_1797 = arith.index_cast %add3A_1796 : i32 to index
        %swap3A_1798 = arith.constant 32 : index
        %swap3A_1799 = tpu.vector_load %arg12[%swap3A_1797, %swap3A_1798] {strides = array<i32>} : memref<128x128xf32, #tpu.memory_space<vmem>>, vector<16xf32>,
        tpu.vector_store %arg12[%swap3A_1797, %swap3A_1798], %add3A_1794 {strides = array<i32>} : memref<128x128xf32, #tpu.memory_space<vmem>>, vector<16xf32>,
        %sub3A_1800 = arith.subf %gather3A_1643, %add3A_1585 : vector<16xf32>
        %mul3A_1801 = arith.mulf %gather3A_1775, %sub3A_1800 : vector<16xf32>
        %add3A_1802 = arith.addf %add3A_1585, %mul3A_1801 : vector<16xf32>
        %add3A_1803 = arith.constant 12 : i32
        %add3A_1804 = arith.addi %mul3A_351, %add3A_1803 : i32
        %swap3A_1805 = arith.index_cast %add3A_1804 : i32 to index
        %swap3A_1806 = arith.constant 48 : index
        %swap3A_1807 = tpu.vector_load %arg12[%swap3A_1805, %swap3A_1806] {strides = array<i32>} : memref<128x128xf32, #tpu.memory_space<vmem>>, vector<16xf32>,
        tpu.vector_store %arg12[%swap3A_1805, %swap3A_1806], %add3A_1802 {strides = array<i32>} : memref<128x128xf32, #tpu.memory_space<vmem>>, vector<16xf32>,
        %sub3A_1808 = arith.subf %gather3A_1647, %add3A_1593 : vector<16xf32>
        %mul3A_1809 = arith.mulf %gather3A_1775, %sub3A_1808 : vector<16xf32>
        %add3A_1810 = arith.addf %add3A_1593, %mul3A_1809 : vector<16xf32>
        %add3A_1811 = arith.constant 12 : i32
        %add3A_1812 = arith.addi %mul3A_351, %add3A_1811 : i32
        %swap3A_1813 = arith.index_cast %add3A_1812 : i32 to index
        %swap3A_1814 = arith.constant 64 : index
        %swap3A_1815 = tpu.vector_load %arg12[%swap3A_1813, %swap3A_1814] {strides = array<i32>} : memref<128x128xf32, #tpu.memory_space<vmem>>, vector<16xf32>,
        tpu.vector_store %arg12[%swap3A_1813, %swap3A_1814], %add3A_1810 {strides = array<i32>} : memref<128x128xf32, #tpu.memory_space<vmem>>, vector<16xf32>,
        %sub3A_1816 = arith.subf %gather3A_1651, %add3A_1601 : vector<16xf32>
        %mul3A_1817 = arith.mulf %gather3A_1775, %sub3A_1816 : vector<16xf32>
        %add3A_1818 = arith.addf %add3A_1601, %mul3A_1817 : vector<16xf32>
        %add3A_1819 = arith.constant 12 : i32
        %add3A_1820 = arith.addi %mul3A_351, %add3A_1819 : i32
        %swap3A_1821 = arith.index_cast %add3A_1820 : i32 to index
        %swap3A_1822 = arith.constant 80 : index
        %swap3A_1823 = tpu.vector_load %arg12[%swap3A_1821, %swap3A_1822] {strides = array<i32>} : memref<128x128xf32, #tpu.memory_space<vmem>>, vector<16xf32>,
        tpu.vector_store %arg12[%swap3A_1821, %swap3A_1822], %add3A_1818 {strides = array<i32>} : memref<128x128xf32, #tpu.memory_space<vmem>>, vector<16xf32>,
        %sub3A_1824 = arith.subf %gather3A_1655, %add3A_1609 : vector<16xf32>
        %mul3A_1825 = arith.mulf %gather3A_1775, %sub3A_1824 : vector<16xf32>
        %add3A_1826 = arith.addf %add3A_1609, %mul3A_1825 : vector<16xf32>
        %add3A_1827 = arith.constant 12 : i32
        %add3A_1828 = arith.addi %mul3A_351, %add3A_1827 : i32
        %swap3A_1829 = arith.index_cast %add3A_1828 : i32 to index
        %swap3A_1830 = arith.constant 96 : index
        %swap3A_1831 = tpu.vector_load %arg12[%swap3A_1829, %swap3A_1830] {strides = array<i32>} : memref<128x128xf32, #tpu.memory_space<vmem>>, vector<16xf32>,
        tpu.vector_store %arg12[%swap3A_1829, %swap3A_1830], %add3A_1826 {strides = array<i32>} : memref<128x128xf32, #tpu.memory_space<vmem>>, vector<16xf32>,
        %sub3A_1832 = arith.subf %gather3A_1659, %add3A_1617 : vector<16xf32>
        %mul3A_1833 = arith.mulf %gather3A_1775, %sub3A_1832 : vector<16xf32>
        %add3A_1834 = arith.addf %add3A_1617, %mul3A_1833 : vector<16xf32>
        %add3A_1835 = arith.constant 12 : i32
        %add3A_1836 = arith.addi %mul3A_351, %add3A_1835 : i32
        %swap3A_1837 = arith.index_cast %add3A_1836 : i32 to index
        %swap3A_1838 = arith.constant 112 : index
        %swap3A_1839 = tpu.vector_load %arg12[%swap3A_1837, %swap3A_1838] {strides = array<i32>} : memref<128x128xf32, #tpu.memory_space<vmem>>, vector<16xf32>,
        tpu.vector_store %arg12[%swap3A_1837, %swap3A_1838], %add3A_1834 {strides = array<i32>} : memref<128x128xf32, #tpu.memory_space<vmem>>, vector<16xf32>,
        %broadcast_in_dim3A_1840 = arith.constant 13 : i32
        %broadcast_in_dim3A_1841 = vector.broadcast %broadcast_in_dim3A_1840 : i32 to vector<16xi32>
        %broadcast_in_dim3A_1842 = vector.shape_cast %broadcast_in_dim3A_1841 : vector<16xi32> to vector<16x1xi32>
        %gather3A_1843 = vector.shape_cast %broadcast_in_dim3A_1842 : vector<16x1xi32> to vector<16xi32>
        %gather3A_1844 = tpu.dynamic_gather %select_n3A_342[%gather3A_1843] in [0] : vector<16xf32>, vector<16xi32> -> vector<16xf32>
        %sub3A_1845 = arith.subf %gather3A_1668, %add3A_1778 : vector<16xf32>
        %mul3A_1846 = arith.mulf %gather3A_1844, %sub3A_1845 : vector<16xf32>
        %add3A_1847 = arith.addf %add3A_1778, %mul3A_1846 : vector<16xf32>
        %add3A_1848 = arith.constant 13 : i32
        %add3A_1849 = arith.addi %mul3A_351, %add3A_1848 : i32
        %swap3A_1850 = arith.index_cast %add3A_1849 : i32 to index
        %swap3A_1851 = arith.constant 0 : index
        %swap3A_1852 = tpu.vector_load %arg12[%swap3A_1850, %swap3A_1851] {strides = array<i32>} : memref<128x128xf32, #tpu.memory_space<vmem>>, vector<16xf32>,
        tpu.vector_store %arg12[%swap3A_1850, %swap3A_1851], %add3A_1847 {strides = array<i32>} : memref<128x128xf32, #tpu.memory_space<vmem>>, vector<16xf32>,
        %sub3A_1853 = arith.subf %gather3A_1672, %add3A_1786 : vector<16xf32>
        %mul3A_1854 = arith.mulf %gather3A_1844, %sub3A_1853 : vector<16xf32>
        %add3A_1855 = arith.addf %add3A_1786, %mul3A_1854 : vector<16xf32>
        %add3A_1856 = arith.constant 13 : i32
        %add3A_1857 = arith.addi %mul3A_351, %add3A_1856 : i32
        %swap3A_1858 = arith.index_cast %add3A_1857 : i32 to index
        %swap3A_1859 = arith.constant 16 : index
        %swap3A_1860 = tpu.vector_load %arg12[%swap3A_1858, %swap3A_1859] {strides = array<i32>} : memref<128x128xf32, #tpu.memory_space<vmem>>, vector<16xf32>,
        tpu.vector_store %arg12[%swap3A_1858, %swap3A_1859], %add3A_1855 {strides = array<i32>} : memref<128x128xf32, #tpu.memory_space<vmem>>, vector<16xf32>,
        %sub3A_1861 = arith.subf %gather3A_1676, %add3A_1794 : vector<16xf32>
        %mul3A_1862 = arith.mulf %gather3A_1844, %sub3A_1861 : vector<16xf32>
        %add3A_1863 = arith.addf %add3A_1794, %mul3A_1862 : vector<16xf32>
        %add3A_1864 = arith.constant 13 : i32
        %add3A_1865 = arith.addi %mul3A_351, %add3A_1864 : i32
        %swap3A_1866 = arith.index_cast %add3A_1865 : i32 to index
        %swap3A_1867 = arith.constant 32 : index
        %swap3A_1868 = tpu.vector_load %arg12[%swap3A_1866, %swap3A_1867] {strides = array<i32>} : memref<128x128xf32, #tpu.memory_space<vmem>>, vector<16xf32>,
        tpu.vector_store %arg12[%swap3A_1866, %swap3A_1867], %add3A_1863 {strides = array<i32>} : memref<128x128xf32, #tpu.memory_space<vmem>>, vector<16xf32>,
        %sub3A_1869 = arith.subf %gather3A_1680, %add3A_1802 : vector<16xf32>
        %mul3A_1870 = arith.mulf %gather3A_1844, %sub3A_1869 : vector<16xf32>
        %add3A_1871 = arith.addf %add3A_1802, %mul3A_1870 : vector<16xf32>
        %add3A_1872 = arith.constant 13 : i32
        %add3A_1873 = arith.addi %mul3A_351, %add3A_1872 : i32
        %swap3A_1874 = arith.index_cast %add3A_1873 : i32 to index
        %swap3A_1875 = arith.constant 48 : index
        %swap3A_1876 = tpu.vector_load %arg12[%swap3A_1874, %swap3A_1875] {strides = array<i32>} : memref<128x128xf32, #tpu.memory_space<vmem>>, vector<16xf32>,
        tpu.vector_store %arg12[%swap3A_1874, %swap3A_1875], %add3A_1871 {strides = array<i32>} : memref<128x128xf32, #tpu.memory_space<vmem>>, vector<16xf32>,
        %sub3A_1877 = arith.subf %gather3A_1684, %add3A_1810 : vector<16xf32>
        %mul3A_1878 = arith.mulf %gather3A_1844, %sub3A_1877 : vector<16xf32>
        %add3A_1879 = arith.addf %add3A_1810, %mul3A_1878 : vector<16xf32>
        %add3A_1880 = arith.constant 13 : i32
        %add3A_1881 = arith.addi %mul3A_351, %add3A_1880 : i32
        %swap3A_1882 = arith.index_cast %add3A_1881 : i32 to index
        %swap3A_1883 = arith.constant 64 : index
        %swap3A_1884 = tpu.vector_load %arg12[%swap3A_1882, %swap3A_1883] {strides = array<i32>} : memref<128x128xf32, #tpu.memory_space<vmem>>, vector<16xf32>,
        tpu.vector_store %arg12[%swap3A_1882, %swap3A_1883], %add3A_1879 {strides = array<i32>} : memref<128x128xf32, #tpu.memory_space<vmem>>, vector<16xf32>,
        %sub3A_1885 = arith.subf %gather3A_1688, %add3A_1818 : vector<16xf32>
        %mul3A_1886 = arith.mulf %gather3A_1844, %sub3A_1885 : vector<16xf32>
        %add3A_1887 = arith.addf %add3A_1818, %mul3A_1886 : vector<16xf32>
        %add3A_1888 = arith.constant 13 : i32
        %add3A_1889 = arith.addi %mul3A_351, %add3A_1888 : i32
        %swap3A_1890 = arith.index_cast %add3A_1889 : i32 to index
        %swap3A_1891 = arith.constant 80 : index
        %swap3A_1892 = tpu.vector_load %arg12[%swap3A_1890, %swap3A_1891] {strides = array<i32>} : memref<128x128xf32, #tpu.memory_space<vmem>>, vector<16xf32>,
        tpu.vector_store %arg12[%swap3A_1890, %swap3A_1891], %add3A_1887 {strides = array<i32>} : memref<128x128xf32, #tpu.memory_space<vmem>>, vector<16xf32>,
        %sub3A_1893 = arith.subf %gather3A_1692, %add3A_1826 : vector<16xf32>
        %mul3A_1894 = arith.mulf %gather3A_1844, %sub3A_1893 : vector<16xf32>
        %add3A_1895 = arith.addf %add3A_1826, %mul3A_1894 : vector<16xf32>
        %add3A_1896 = arith.constant 13 : i32
        %add3A_1897 = arith.addi %mul3A_351, %add3A_1896 : i32
        %swap3A_1898 = arith.index_cast %add3A_1897 : i32 to index
        %swap3A_1899 = arith.constant 96 : index
        %swap3A_1900 = tpu.vector_load %arg12[%swap3A_1898, %swap3A_1899] {strides = array<i32>} : memref<128x128xf32, #tpu.memory_space<vmem>>, vector<16xf32>,
        tpu.vector_store %arg12[%swap3A_1898, %swap3A_1899], %add3A_1895 {strides = array<i32>} : memref<128x128xf32, #tpu.memory_space<vmem>>, vector<16xf32>,
        %sub3A_1901 = arith.subf %gather3A_1696, %add3A_1834 : vector<16xf32>
        %mul3A_1902 = arith.mulf %gather3A_1844, %sub3A_1901 : vector<16xf32>
        %add3A_1903 = arith.addf %add3A_1834, %mul3A_1902 : vector<16xf32>
        %add3A_1904 = arith.constant 13 : i32
        %add3A_1905 = arith.addi %mul3A_351, %add3A_1904 : i32
        %swap3A_1906 = arith.index_cast %add3A_1905 : i32 to index
        %swap3A_1907 = arith.constant 112 : index
        %swap3A_1908 = tpu.vector_load %arg12[%swap3A_1906, %swap3A_1907] {strides = array<i32>} : memref<128x128xf32, #tpu.memory_space<vmem>>, vector<16xf32>,
        tpu.vector_store %arg12[%swap3A_1906, %swap3A_1907], %add3A_1903 {strides = array<i32>} : memref<128x128xf32, #tpu.memory_space<vmem>>, vector<16xf32>,
        %broadcast_in_dim3A_1909 = arith.constant 14 : i32
        %broadcast_in_dim3A_1910 = vector.broadcast %broadcast_in_dim3A_1909 : i32 to vector<16xi32>
        %broadcast_in_dim3A_1911 = vector.shape_cast %broadcast_in_dim3A_1910 : vector<16xi32> to vector<16x1xi32>
        %gather3A_1912 = vector.shape_cast %broadcast_in_dim3A_1911 : vector<16x1xi32> to vector<16xi32>
        %gather3A_1913 = tpu.dynamic_gather %select_n3A_342[%gather3A_1912] in [0] : vector<16xf32>, vector<16xi32> -> vector<16xf32>
        %sub3A_1914 = arith.subf %gather3A_1705, %add3A_1847 : vector<16xf32>
        %mul3A_1915 = arith.mulf %gather3A_1913, %sub3A_1914 : vector<16xf32>
        %add3A_1916 = arith.addf %add3A_1847, %mul3A_1915 : vector<16xf32>
        %add3A_1917 = arith.constant 14 : i32
        %add3A_1918 = arith.addi %mul3A_351, %add3A_1917 : i32
        %swap3A_1919 = arith.index_cast %add3A_1918 : i32 to index
        %swap3A_1920 = arith.constant 0 : index
        %swap3A_1921 = tpu.vector_load %arg12[%swap3A_1919, %swap3A_1920] {strides = array<i32>} : memref<128x128xf32, #tpu.memory_space<vmem>>, vector<16xf32>,
        tpu.vector_store %arg12[%swap3A_1919, %swap3A_1920], %add3A_1916 {strides = array<i32>} : memref<128x128xf32, #tpu.memory_space<vmem>>, vector<16xf32>,
        %sub3A_1922 = arith.subf %gather3A_1709, %add3A_1855 : vector<16xf32>
        %mul3A_1923 = arith.mulf %gather3A_1913, %sub3A_1922 : vector<16xf32>
        %add3A_1924 = arith.addf %add3A_1855, %mul3A_1923 : vector<16xf32>
        %add3A_1925 = arith.constant 14 : i32
        %add3A_1926 = arith.addi %mul3A_351, %add3A_1925 : i32
        %swap3A_1927 = arith.index_cast %add3A_1926 : i32 to index
        %swap3A_1928 = arith.constant 16 : index
        %swap3A_1929 = tpu.vector_load %arg12[%swap3A_1927, %swap3A_1928] {strides = array<i32>} : memref<128x128xf32, #tpu.memory_space<vmem>>, vector<16xf32>,
        tpu.vector_store %arg12[%swap3A_1927, %swap3A_1928], %add3A_1924 {strides = array<i32>} : memref<128x128xf32, #tpu.memory_space<vmem>>, vector<16xf32>,
        %sub3A_1930 = arith.subf %gather3A_1713, %add3A_1863 : vector<16xf32>
        %mul3A_1931 = arith.mulf %gather3A_1913, %sub3A_1930 : vector<16xf32>
        %add3A_1932 = arith.addf %add3A_1863, %mul3A_1931 : vector<16xf32>
        %add3A_1933 = arith.constant 14 : i32
        %add3A_1934 = arith.addi %mul3A_351, %add3A_1933 : i32
        %swap3A_1935 = arith.index_cast %add3A_1934 : i32 to index
        %swap3A_1936 = arith.constant 32 : index
        %swap3A_1937 = tpu.vector_load %arg12[%swap3A_1935, %swap3A_1936] {strides = array<i32>} : memref<128x128xf32, #tpu.memory_space<vmem>>, vector<16xf32>,
        tpu.vector_store %arg12[%swap3A_1935, %swap3A_1936], %add3A_1932 {strides = array<i32>} : memref<128x128xf32, #tpu.memory_space<vmem>>, vector<16xf32>,
        %sub3A_1938 = arith.subf %gather3A_1717, %add3A_1871 : vector<16xf32>
        %mul3A_1939 = arith.mulf %gather3A_1913, %sub3A_1938 : vector<16xf32>
        %add3A_1940 = arith.addf %add3A_1871, %mul3A_1939 : vector<16xf32>
        %add3A_1941 = arith.constant 14 : i32
        %add3A_1942 = arith.addi %mul3A_351, %add3A_1941 : i32
        %swap3A_1943 = arith.index_cast %add3A_1942 : i32 to index
        %swap3A_1944 = arith.constant 48 : index
        %swap3A_1945 = tpu.vector_load %arg12[%swap3A_1943, %swap3A_1944] {strides = array<i32>} : memref<128x128xf32, #tpu.memory_space<vmem>>, vector<16xf32>,
        tpu.vector_store %arg12[%swap3A_1943, %swap3A_1944], %add3A_1940 {strides = array<i32>} : memref<128x128xf32, #tpu.memory_space<vmem>>, vector<16xf32>,
        %sub3A_1946 = arith.subf %gather3A_1721, %add3A_1879 : vector<16xf32>
        %mul3A_1947 = arith.mulf %gather3A_1913, %sub3A_1946 : vector<16xf32>
        %add3A_1948 = arith.addf %add3A_1879, %mul3A_1947 : vector<16xf32>
        %add3A_1949 = arith.constant 14 : i32
        %add3A_1950 = arith.addi %mul3A_351, %add3A_1949 : i32
        %swap3A_1951 = arith.index_cast %add3A_1950 : i32 to index
        %swap3A_1952 = arith.constant 64 : index
        %swap3A_1953 = tpu.vector_load %arg12[%swap3A_1951, %swap3A_1952] {strides = array<i32>} : memref<128x128xf32, #tpu.memory_space<vmem>>, vector<16xf32>,
        tpu.vector_store %arg12[%swap3A_1951, %swap3A_1952], %add3A_1948 {strides = array<i32>} : memref<128x128xf32, #tpu.memory_space<vmem>>, vector<16xf32>,
        %sub3A_1954 = arith.subf %gather3A_1725, %add3A_1887 : vector<16xf32>
        %mul3A_1955 = arith.mulf %gather3A_1913, %sub3A_1954 : vector<16xf32>
        %add3A_1956 = arith.addf %add3A_1887, %mul3A_1955 : vector<16xf32>
        %add3A_1957 = arith.constant 14 : i32
        %add3A_1958 = arith.addi %mul3A_351, %add3A_1957 : i32
        %swap3A_1959 = arith.index_cast %add3A_1958 : i32 to index
        %swap3A_1960 = arith.constant 80 : index
        %swap3A_1961 = tpu.vector_load %arg12[%swap3A_1959, %swap3A_1960] {strides = array<i32>} : memref<128x128xf32, #tpu.memory_space<vmem>>, vector<16xf32>,
        tpu.vector_store %arg12[%swap3A_1959, %swap3A_1960], %add3A_1956 {strides = array<i32>} : memref<128x128xf32, #tpu.memory_space<vmem>>, vector<16xf32>,
        %sub3A_1962 = arith.subf %gather3A_1729, %add3A_1895 : vector<16xf32>
        %mul3A_1963 = arith.mulf %gather3A_1913, %sub3A_1962 : vector<16xf32>
        %add3A_1964 = arith.addf %add3A_1895, %mul3A_1963 : vector<16xf32>
        %add3A_1965 = arith.constant 14 : i32
        %add3A_1966 = arith.addi %mul3A_351, %add3A_1965 : i32
        %swap3A_1967 = arith.index_cast %add3A_1966 : i32 to index
        %swap3A_1968 = arith.constant 96 : index
        %swap3A_1969 = tpu.vector_load %arg12[%swap3A_1967, %swap3A_1968] {strides = array<i32>} : memref<128x128xf32, #tpu.memory_space<vmem>>, vector<16xf32>,
        tpu.vector_store %arg12[%swap3A_1967, %swap3A_1968], %add3A_1964 {strides = array<i32>} : memref<128x128xf32, #tpu.memory_space<vmem>>, vector<16xf32>,
        %sub3A_1970 = arith.subf %gather3A_1733, %add3A_1903 : vector<16xf32>
        %mul3A_1971 = arith.mulf %gather3A_1913, %sub3A_1970 : vector<16xf32>
        %add3A_1972 = arith.addf %add3A_1903, %mul3A_1971 : vector<16xf32>
        %add3A_1973 = arith.constant 14 : i32
        %add3A_1974 = arith.addi %mul3A_351, %add3A_1973 : i32
        %swap3A_1975 = arith.index_cast %add3A_1974 : i32 to index
        %swap3A_1976 = arith.constant 112 : index
        %swap3A_1977 = tpu.vector_load %arg12[%swap3A_1975, %swap3A_1976] {strides = array<i32>} : memref<128x128xf32, #tpu.memory_space<vmem>>, vector<16xf32>,
        tpu.vector_store %arg12[%swap3A_1975, %swap3A_1976], %add3A_1972 {strides = array<i32>} : memref<128x128xf32, #tpu.memory_space<vmem>>, vector<16xf32>,
        %broadcast_in_dim3A_1978 = arith.constant 15 : i32
        %broadcast_in_dim3A_1979 = vector.broadcast %broadcast_in_dim3A_1978 : i32 to vector<16xi32>
        %broadcast_in_dim3A_1980 = vector.shape_cast %broadcast_in_dim3A_1979 : vector<16xi32> to vector<16x1xi32>
        %gather3A_1981 = vector.shape_cast %broadcast_in_dim3A_1980 : vector<16x1xi32> to vector<16xi32>
        %gather3A_1982 = tpu.dynamic_gather %select_n3A_342[%gather3A_1981] in [0] : vector<16xf32>, vector<16xi32> -> vector<16xf32>
        %sub3A_1983 = arith.subf %gather3A_1742, %add3A_1916 : vector<16xf32>
        %mul3A_1984 = arith.mulf %gather3A_1982, %sub3A_1983 : vector<16xf32>
        %add3A_1985 = arith.addf %add3A_1916, %mul3A_1984 : vector<16xf32>
        %add3A_1986 = arith.constant 15 : i32
        %add3A_1987 = arith.addi %mul3A_351, %add3A_1986 : i32
        %swap3A_1988 = arith.index_cast %add3A_1987 : i32 to index
        %swap3A_1989 = arith.constant 0 : index
        %swap3A_1990 = tpu.vector_load %arg12[%swap3A_1988, %swap3A_1989] {strides = array<i32>} : memref<128x128xf32, #tpu.memory_space<vmem>>, vector<16xf32>,
        tpu.vector_store %arg12[%swap3A_1988, %swap3A_1989], %add3A_1985 {strides = array<i32>} : memref<128x128xf32, #tpu.memory_space<vmem>>, vector<16xf32>,
        %sub3A_1991 = arith.subf %gather3A_1746, %add3A_1924 : vector<16xf32>
        %mul3A_1992 = arith.mulf %gather3A_1982, %sub3A_1991 : vector<16xf32>
        %add3A_1993 = arith.addf %add3A_1924, %mul3A_1992 : vector<16xf32>
        %add3A_1994 = arith.constant 15 : i32
        %add3A_1995 = arith.addi %mul3A_351, %add3A_1994 : i32
        %swap3A_1996 = arith.index_cast %add3A_1995 : i32 to index
        %swap3A_1997 = arith.constant 16 : index
        %swap3A_1998 = tpu.vector_load %arg12[%swap3A_1996, %swap3A_1997] {strides = array<i32>} : memref<128x128xf32, #tpu.memory_space<vmem>>, vector<16xf32>,
        tpu.vector_store %arg12[%swap3A_1996, %swap3A_1997], %add3A_1993 {strides = array<i32>} : memref<128x128xf32, #tpu.memory_space<vmem>>, vector<16xf32>,
        %sub3A_1999 = arith.subf %gather3A_1750, %add3A_1932 : vector<16xf32>
        %mul3A_2000 = arith.mulf %gather3A_1982, %sub3A_1999 : vector<16xf32>
        %add3A_2001 = arith.addf %add3A_1932, %mul3A_2000 : vector<16xf32>
        %add3A_2002 = arith.constant 15 : i32
        %add3A_2003 = arith.addi %mul3A_351, %add3A_2002 : i32
        %swap3A_2004 = arith.index_cast %add3A_2003 : i32 to index
        %swap3A_2005 = arith.constant 32 : index
        %swap3A_2006 = tpu.vector_load %arg12[%swap3A_2004, %swap3A_2005] {strides = array<i32>} : memref<128x128xf32, #tpu.memory_space<vmem>>, vector<16xf32>,
        tpu.vector_store %arg12[%swap3A_2004, %swap3A_2005], %add3A_2001 {strides = array<i32>} : memref<128x128xf32, #tpu.memory_space<vmem>>, vector<16xf32>,
        %sub3A_2007 = arith.subf %gather3A_1754, %add3A_1940 : vector<16xf32>
        %mul3A_2008 = arith.mulf %gather3A_1982, %sub3A_2007 : vector<16xf32>
        %add3A_2009 = arith.addf %add3A_1940, %mul3A_2008 : vector<16xf32>
        %add3A_2010 = arith.constant 15 : i32
        %add3A_2011 = arith.addi %mul3A_351, %add3A_2010 : i32
        %swap3A_2012 = arith.index_cast %add3A_2011 : i32 to index
        %swap3A_2013 = arith.constant 48 : index
        %swap3A_2014 = tpu.vector_load %arg12[%swap3A_2012, %swap3A_2013] {strides = array<i32>} : memref<128x128xf32, #tpu.memory_space<vmem>>, vector<16xf32>,
        tpu.vector_store %arg12[%swap3A_2012, %swap3A_2013], %add3A_2009 {strides = array<i32>} : memref<128x128xf32, #tpu.memory_space<vmem>>, vector<16xf32>,
        %sub3A_2015 = arith.subf %gather3A_1758, %add3A_1948 : vector<16xf32>
        %mul3A_2016 = arith.mulf %gather3A_1982, %sub3A_2015 : vector<16xf32>
        %add3A_2017 = arith.addf %add3A_1948, %mul3A_2016 : vector<16xf32>
        %add3A_2018 = arith.constant 15 : i32
        %add3A_2019 = arith.addi %mul3A_351, %add3A_2018 : i32
        %swap3A_2020 = arith.index_cast %add3A_2019 : i32 to index
        %swap3A_2021 = arith.constant 64 : index
        %swap3A_2022 = tpu.vector_load %arg12[%swap3A_2020, %swap3A_2021] {strides = array<i32>} : memref<128x128xf32, #tpu.memory_space<vmem>>, vector<16xf32>,
        tpu.vector_store %arg12[%swap3A_2020, %swap3A_2021], %add3A_2017 {strides = array<i32>} : memref<128x128xf32, #tpu.memory_space<vmem>>, vector<16xf32>,
        %sub3A_2023 = arith.subf %gather3A_1762, %add3A_1956 : vector<16xf32>
        %mul3A_2024 = arith.mulf %gather3A_1982, %sub3A_2023 : vector<16xf32>
        %add3A_2025 = arith.addf %add3A_1956, %mul3A_2024 : vector<16xf32>
        %add3A_2026 = arith.constant 15 : i32
        %add3A_2027 = arith.addi %mul3A_351, %add3A_2026 : i32
        %swap3A_2028 = arith.index_cast %add3A_2027 : i32 to index
        %swap3A_2029 = arith.constant 80 : index
        %swap3A_2030 = tpu.vector_load %arg12[%swap3A_2028, %swap3A_2029] {strides = array<i32>} : memref<128x128xf32, #tpu.memory_space<vmem>>, vector<16xf32>,
        tpu.vector_store %arg12[%swap3A_2028, %swap3A_2029], %add3A_2025 {strides = array<i32>} : memref<128x128xf32, #tpu.memory_space<vmem>>, vector<16xf32>,
        %sub3A_2031 = arith.subf %gather3A_1766, %add3A_1964 : vector<16xf32>
        %mul3A_2032 = arith.mulf %gather3A_1982, %sub3A_2031 : vector<16xf32>
        %add3A_2033 = arith.addf %add3A_1964, %mul3A_2032 : vector<16xf32>
        %add3A_2034 = arith.constant 15 : i32
        %add3A_2035 = arith.addi %mul3A_351, %add3A_2034 : i32
        %swap3A_2036 = arith.index_cast %add3A_2035 : i32 to index
        %swap3A_2037 = arith.constant 96 : index
        %swap3A_2038 = tpu.vector_load %arg12[%swap3A_2036, %swap3A_2037] {strides = array<i32>} : memref<128x128xf32, #tpu.memory_space<vmem>>, vector<16xf32>,
        tpu.vector_store %arg12[%swap3A_2036, %swap3A_2037], %add3A_2033 {strides = array<i32>} : memref<128x128xf32, #tpu.memory_space<vmem>>, vector<16xf32>,
        %sub3A_2039 = arith.subf %gather3A_1770, %add3A_1972 : vector<16xf32>
        %mul3A_2040 = arith.mulf %gather3A_1982, %sub3A_2039 : vector<16xf32>
        %add3A_2041 = arith.addf %add3A_1972, %mul3A_2040 : vector<16xf32>
        %add3A_2042 = arith.constant 15 : i32
        %add3A_2043 = arith.addi %mul3A_351, %add3A_2042 : i32
        %swap3A_2044 = arith.index_cast %add3A_2043 : i32 to index
        %swap3A_2045 = arith.constant 112 : index
        %swap3A_2046 = tpu.vector_load %arg12[%swap3A_2044, %swap3A_2045] {strides = array<i32>} : memref<128x128xf32, #tpu.memory_space<vmem>>, vector<16xf32>,
        tpu.vector_store %arg12[%swap3A_2044, %swap3A_2045], %add3A_2041 {strides = array<i32>} : memref<128x128xf32, #tpu.memory_space<vmem>>, vector<16xf32>,
        scf.yield %add3A_1985, %add3A_1993, %add3A_2001, %add3A_2009, %add3A_2017, %add3A_2025, %add3A_2033, %add3A_2041 : vector<16xf32>, vector<16xf32>, vector<16xf32>, vector<16xf32>, vector<16xf32>, vector<16xf32>, vector<16xf32>, vector<16xf32>
      }
      %scan3A_236 = arith.constant 8 : i32
      %dma_start3A_237 = tpu.memref_slice %arg5[%select_n3A, %mul3A_175, %mul3A_127] : memref<8x2048x512xf32, #tpu.memory_space<hbm>> -> memref<1x128x128xf32, #tpu.memory_space<hbm>>
      %dma_start3A_238 = tpu.memref_squeeze %dma_start3A_237 : memref<1x128x128xf32, #tpu.memory_space<hbm>> -> memref<128x128xf32, #tpu.memory_space<hbm>>
      %dma_start3A_239 = tpu.memref_slice %arg5[%select_n3A, %mul3A_175, %mul3A_127] : memref<8x2048x512xf32, #tpu.memory_space<hbm>> -> memref<1x128x128xf32, #tpu.memory_space<hbm>>
      %dma_start3A_240 = tpu.memref_squeeze %dma_start3A_239 : memref<1x128x128xf32, #tpu.memory_space<hbm>> -> memref<128x128xf32, #tpu.memory_space<hbm>>
      tpu.enqueue_dma source(%arg12 : memref<128x128xf32, #tpu.memory_space<vmem>>) target(%dma_start3A_240 : memref<128x128xf32, #tpu.memory_space<hbm>>) target_semaphore(%arg16 : memref<!tpu.dma_semaphore, #tpu.memory_space<semaphore_mem>>)
      %mul3A_241 = arith.constant 2 : i32
      %mul3A_242 = arith.muli %mul3A_241, %scan3A_161 : i32
      %add3A_243 = arith.constant 1 : i32
      %add3A_244 = arith.addi %mul3A_242, %add3A_243 : i32
      %mul3A_245 = arith.constant 128 : i32
      %mul3A_246 = arith.muli %add3A_244, %mul3A_245 : i32
      %lt3A_247 = arith.constant 15 : i32
      %lt3A_248 = arith.cmpi slt, %add3A_244, %lt3A_247 : i32
      %convert_element_type3A_249 = arith.extui %lt3A_248 : i1 to i32
      %cond3A_250 = arith.constant 0 : i32
      %cond3A_251 = arith.cmpi ne, %convert_element_type3A_249, %cond3A_250 : i32
      scf.if %cond3A_251 {
        %add3A_317 = arith.constant 1 : i32
        %add3A_318 = arith.addi %add3A_244, %add3A_317 : i32
        %mul3A_319 = arith.constant 128 : i32
        %mul3A_320 = arith.muli %add3A_318, %mul3A_319 : i32
        %get3A_321 = arith.index_cast %mul3A_320 : i32 to index
        %get3A_322 = tpu.vector_load %arg7[%get3A_321] {strides = array<i32>} : memref<2048xi32, #tpu.memory_space<vmem>>, vector<16xi32>,
        %reduce_min3A_323 = arith.constant true
        %reduce_min3A_324 = vector.broadcast %reduce_min3A_323 : i1 to vector<16xi1>
        %reduce_min3A_325 = arith.constant -2147483648 : i32
        %reduce_min3A_326 = vector.broadcast %reduce_min3A_325 : i32 to vector<16xi32>
        %reduce_min3A_327 = arith.xori %get3A_322, %reduce_min3A_326 : vector<16xi32>
        %reduce_min3A_328 = tpu.scan <min>, %reduce_min3A_327 masked %reduce_min3A_324 : vector<16xi32>, vector<16xi1> -> vector<16xi32>
        %reduce_min3A_329 = arith.xori %reduce_min3A_328, %reduce_min3A_326 : vector<16xi32>
        %reduce_min3A_330 = vector.extract %reduce_min3A_329[15] : i32 from vector<16xi32>
        %jit3A_331 = arith.constant 8 : i32
        %div3A_332 = arith.divsi %reduce_min3A_330, %jit3A_331 : i32
        %sign3A_333 = arith.constant 0 : i32
        %sign3A_334 = arith.cmpi sgt, %reduce_min3A_330, %sign3A_333 : i32
        %sign3A_335 = arith.extui %sign3A_334 : i1 to i32
        %sign3A_336 = arith.constant 0 : i32
        %sign3A_337 = arith.cmpi slt, %reduce_min3A_330, %sign3A_336 : i32
        %sign3A_338 = arith.extui %sign3A_337 : i1 to i32
        %sign3A_339 = arith.subi %sign3A_335, %sign3A_338 : i32
        %sign3A_340 = arith.constant 0 : i32
        %sign3A_341 = arith.cmpi sgt, %jit3A_331, %sign3A_340 : i32
        %sign3A_342 = arith.extui %sign3A_341 : i1 to i32
        %sign3A_343 = arith.constant 0 : i32
        %sign3A_344 = arith.cmpi slt, %jit3A_331, %sign3A_343 : i32
        %sign3A_345 = arith.extui %sign3A_344 : i1 to i32
        %sign3A_346 = arith.subi %sign3A_342, %sign3A_345 : i32
        %ne3A_347 = arith.cmpi ne, %sign3A_339, %sign3A_346 : i32
        %rem3A_348 = arith.remsi %reduce_min3A_330, %jit3A_331 : i32
        %ne3A_349 = arith.constant 0 : i32
        %ne3A_350 = arith.cmpi ne, %rem3A_348, %ne3A_349 : i32
        %and3A_351 = arith.andi %ne3A_347, %ne3A_350 : i1
        %sub3A_352 = arith.constant 1 : i32
        %sub3A_353 = arith.subi %div3A_332, %sub3A_352 : i32
        %select_n3A_354 = arith.select %and3A_351, %sub3A_353, %div3A_332 : i32
        %mul3A_355 = arith.constant 8 : i32
        %mul3A_356 = arith.muli %select_n3A_354, %mul3A_355 : i32
        %min3A_357 = arith.constant 888 : i32
        %min3A_358 = arith.minsi %mul3A_356, %min3A_357 : i32
        %dma_start3A_359 = arith.constant 0 : i32
        %dma_start3A_360 = arith.constant 0 : i32
        %dma_start3A_361 = tpu.memref_slice %arg10[%dma_start3A_359, %dma_start3A_360] : memref<137x128xf32, #tpu.memory_space<vmem>> -> memref<136x128xf32, #tpu.memory_space<vmem>>
        %dma_start3A_362 = tpu.memref_slice %arg2[%select_n3A, %min3A_358, %mul3A_127] : memref<8x1024x512xf32, #tpu.memory_space<hbm>> -> memref<1x136x128xf32, #tpu.memory_space<hbm>>
        %dma_start3A_363 = tpu.memref_squeeze %dma_start3A_362 : memref<1x136x128xf32, #tpu.memory_space<hbm>> -> memref<136x128xf32, #tpu.memory_space<hbm>>
        %dma_start3A_364 = arith.constant 0 : i32
        %dma_start3A_365 = arith.constant 0 : i32
        %dma_start3A_366 = tpu.memref_slice %arg10[%dma_start3A_364, %dma_start3A_365] : memref<137x128xf32, #tpu.memory_space<vmem>> -> memref<136x128xf32, #tpu.memory_space<vmem>>
        %dma_start3A_367 = tpu.memref_slice %arg2[%select_n3A, %min3A_358, %mul3A_127] : memref<8x1024x512xf32, #tpu.memory_space<hbm>> -> memref<1x136x128xf32, #tpu.memory_space<hbm>>
        %dma_start3A_368 = tpu.memref_squeeze %dma_start3A_367 : memref<1x136x128xf32, #tpu.memory_space<hbm>> -> memref<136x128xf32, #tpu.memory_space<hbm>>
        tpu.enqueue_dma source(%dma_start3A_368 : memref<136x128xf32, #tpu.memory_space<hbm>>) target(%dma_start3A_366 : memref<136x128xf32, #tpu.memory_space<vmem>>) target_semaphore(%arg14 : memref<!tpu.dma_semaphore, #tpu.memory_space<semaphore_mem>>)
      } else {
      }
      %mul3A_252 = arith.constant 128 : i32
      %mul3A_253 = arith.muli %add3A_244, %mul3A_252 : i32
      %get3A_254 = arith.index_cast %mul3A_253 : i32 to index
      %get3A_255 = tpu.vector_load %arg7[%get3A_254] {strides = array<i32>} : memref<2048xi32, #tpu.memory_space<vmem>>, vector<16xi32>,
      %reduce_min3A_256 = arith.constant true
      %reduce_min3A_257 = vector.broadcast %reduce_min3A_256 : i1 to vector<16xi1>
      %reduce_min3A_258 = arith.constant -2147483648 : i32
      %reduce_min3A_259 = vector.broadcast %reduce_min3A_258 : i32 to vector<16xi32>
      %reduce_min3A_260 = arith.xori %get3A_255, %reduce_min3A_259 : vector<16xi32>
      %reduce_min3A_261 = tpu.scan <min>, %reduce_min3A_260 masked %reduce_min3A_257 : vector<16xi32>, vector<16xi1> -> vector<16xi32>
      %reduce_min3A_262 = arith.xori %reduce_min3A_261, %reduce_min3A_259 : vector<16xi32>
      %reduce_min3A_263 = vector.extract %reduce_min3A_262[15] : i32 from vector<16xi32>
      %jit3A_264 = arith.constant 8 : i32
      %div3A_265 = arith.divsi %reduce_min3A_263, %jit3A_264 : i32
      %sign3A_266 = arith.constant 0 : i32
      %sign3A_267 = arith.cmpi sgt, %reduce_min3A_263, %sign3A_266 : i32
      %sign3A_268 = arith.extui %sign3A_267 : i1 to i32
      %sign3A_269 = arith.constant 0 : i32
      %sign3A_270 = arith.cmpi slt, %reduce_min3A_263, %sign3A_269 : i32
      %sign3A_271 = arith.extui %sign3A_270 : i1 to i32
      %sign3A_272 = arith.subi %sign3A_268, %sign3A_271 : i32
      %sign3A_273 = arith.constant 0 : i32
      %sign3A_274 = arith.cmpi sgt, %jit3A_264, %sign3A_273 : i32
      %sign3A_275 = arith.extui %sign3A_274 : i1 to i32
      %sign3A_276 = arith.constant 0 : i32
      %sign3A_277 = arith.cmpi slt, %jit3A_264, %sign3A_276 : i32
      %sign3A_278 = arith.extui %sign3A_277 : i1 to i32
      %sign3A_279 = arith.subi %sign3A_275, %sign3A_278 : i32
      %ne3A_280 = arith.cmpi ne, %sign3A_272, %sign3A_279 : i32
      %rem3A_281 = arith.remsi %reduce_min3A_263, %jit3A_264 : i32
      %ne3A_282 = arith.constant 0 : i32
      %ne3A_283 = arith.cmpi ne, %rem3A_281, %ne3A_282 : i32
      %and3A_284 = arith.andi %ne3A_280, %ne3A_283 : i1
      %sub3A_285 = arith.constant 1 : i32
      %sub3A_286 = arith.subi %div3A_265, %sub3A_285 : i32
      %select_n3A_287 = arith.select %and3A_284, %sub3A_286, %div3A_265 : i32
      %mul3A_288 = arith.constant 8 : i32
      %mul3A_289 = arith.muli %select_n3A_287, %mul3A_288 : i32
      %min3A_290 = arith.constant 888 : i32
      %min3A_291 = arith.minsi %mul3A_289, %min3A_290 : i32
      %dma_wait3A_292 = arith.constant 0 : i32
      %dma_wait3A_293 = arith.constant 0 : i32
      %dma_wait3A_294 = tpu.memref_slice %arg11[%dma_wait3A_292, %dma_wait3A_293] : memref<137x128xf32, #tpu.memory_space<vmem>> -> memref<136x128xf32, #tpu.memory_space<vmem>>
      %dma_wait3A_295 = tpu.memref_slice %arg2[%select_n3A, %min3A_291, %mul3A_127] : memref<8x1024x512xf32, #tpu.memory_space<hbm>> -> memref<1x136x128xf32, #tpu.memory_space<hbm>>
      %dma_wait3A_296 = tpu.memref_squeeze %dma_wait3A_295 : memref<1x136x128xf32, #tpu.memory_space<hbm>> -> memref<136x128xf32, #tpu.memory_space<hbm>>
      %dma_wait3A_297 = arith.constant 0 : i32
      %dma_wait3A_298 = arith.constant 0 : i32
      %dma_wait3A_299 = tpu.memref_slice %arg11[%dma_wait3A_297, %dma_wait3A_298] : memref<137x128xf32, #tpu.memory_space<vmem>> -> memref<136x128xf32, #tpu.memory_space<vmem>>
      %dma_wait3A_300 = tpu.memref_slice %arg2[%select_n3A, %min3A_291, %mul3A_127] : memref<8x1024x512xf32, #tpu.memory_space<hbm>> -> memref<1x136x128xf32, #tpu.memory_space<hbm>>
      %dma_wait3A_301 = tpu.memref_squeeze %dma_wait3A_300 : memref<1x136x128xf32, #tpu.memory_space<hbm>> -> memref<136x128xf32, #tpu.memory_space<hbm>>
      tpu.wait_dma2 semaphore(%arg15 : memref<!tpu.dma_semaphore, #tpu.memory_space<semaphore_mem>>) src(%dma_wait3A_301 : memref<136x128xf32, #tpu.memory_space<hbm>>) dst(%dma_wait3A_299 : memref<136x128xf32, #tpu.memory_space<vmem>>)
      %ge3A_302 = arith.constant 2 : i32
      %ge3A_303 = arith.cmpi sge, %add3A_244, %ge3A_302 : i32
      %convert_element_type3A_304 = arith.extui %ge3A_303 : i1 to i32
      %cond3A_305 = arith.constant 0 : i32
      %cond3A_306 = arith.cmpi ne, %convert_element_type3A_304, %cond3A_305 : i32
      scf.if %cond3A_306 {
        %dma_wait3A_317 = tpu.memref_slice %arg5[%select_n3A, %mul3A_246, %mul3A_127] : memref<8x2048x512xf32, #tpu.memory_space<hbm>> -> memref<1x128x128xf32, #tpu.memory_space<hbm>>
        %dma_wait3A_318 = tpu.memref_squeeze %dma_wait3A_317 : memref<1x128x128xf32, #tpu.memory_space<hbm>> -> memref<128x128xf32, #tpu.memory_space<hbm>>
        %dma_wait3A_319 = tpu.memref_slice %arg5[%select_n3A, %mul3A_246, %mul3A_127] : memref<8x2048x512xf32, #tpu.memory_space<hbm>> -> memref<1x128x128xf32, #tpu.memory_space<hbm>>
        %dma_wait3A_320 = tpu.memref_squeeze %dma_wait3A_319 : memref<1x128x128xf32, #tpu.memory_space<hbm>> -> memref<128x128xf32, #tpu.memory_space<hbm>>
        tpu.wait_dma2 semaphore(%arg17 : memref<!tpu.dma_semaphore, #tpu.memory_space<semaphore_mem>>) src(%arg13 : memref<128x128xf32, #tpu.memory_space<vmem>>) dst(%dma_wait3A_320 : memref<128x128xf32, #tpu.memory_space<hbm>>)
      } else {
      }
      %scan3A_307 = arith.constant 0 : i32
      %scan3A_308 = arith.constant 8 : i32
      %scan3A_309 = arith.addi %scan3A_307, %scan3A_308 : i32
      %scan3A_310 = arith.constant 1 : i32
      %scan3A_311:8 = scf.for %scan3A_317 = %scan3A_307 to %scan3A_309 step %scan3A_310 iter_args(%scan3A_318 = %scan3A_235#0, %scan3A_319 = %scan3A_235#1, %scan3A_320 = %scan3A_235#2, %scan3A_321 = %scan3A_235#3, %scan3A_322 = %scan3A_235#4, %scan3A_323 = %scan3A_235#5, %scan3A_324 = %scan3A_235#6, %scan3A_325 = %scan3A_235#7) -> (vector<16xf32>, vector<16xf32>, vector<16xf32>, vector<16xf32>, vector<16xf32>, vector<16xf32>, vector<16xf32>, vector<16xf32>)  : i32 {
        %mul3A_326 = arith.constant 16 : i32
        %mul3A_327 = arith.muli %scan3A_317, %mul3A_326 : i32
        %add3A_328 = arith.addi %mul3A_246, %mul3A_327 : i32
        %add3A_329 = vector.broadcast %add3A_328 : i32 to vector<16xi32>
        %add3A_330 = arith.addi %iota3A, %add3A_329 : vector<16xi32>
        %get3A_331 = arith.index_cast %add3A_328 : i32 to index
        %get3A_332 = tpu.vector_load %arg7[%get3A_331] {strides = array<i32>} : memref<2048xi32, #tpu.memory_space<vmem>>, vector<16xi32>,
        %get3A_333 = arith.index_cast %add3A_328 : i32 to index
        %get3A_334 = tpu.vector_load %arg8[%get3A_333] {strides = array<i32>} : memref<2048xi32, #tpu.memory_space<vmem>>, vector<16xi32>,
        %get3A_335 = arith.index_cast %add3A_328 : i32 to index
        %get3A_336 = tpu.vector_load %arg6[%get3A_335] {strides = array<i32>} : memref<2048xf32, #tpu.memory_space<vmem>>, vector<16xf32>,
        %eq3A_337 = arith.constant 0 : i32
        %eq3A_338 = vector.broadcast %eq3A_337 : i32 to vector<16xi32>
        %eq3A_339 = arith.cmpi eq, %add3A_330, %eq3A_338 : vector<16xi32>
        %jit3A_340 = arith.constant 1.000000e+00 : f32
        %broadcast_in_dim3A_341 = vector.broadcast %jit3A_340 : f32 to vector<16xf32>
        %select_n3A_342 = arith.select %eq3A_339, %broadcast_in_dim3A_341, %get3A_336 : vector<16xi1>, vector<16xf32>
        %gt3A = arith.constant 0 : i32
        %gt3A_343 = vector.broadcast %gt3A : i32 to vector<16xi32>
        %gt3A_344 = arith.cmpi sgt, %get3A_334, %gt3A_343 : vector<16xi32>
        %sub3A_345 = vector.broadcast %min3A_291 : i32 to vector<16xi32>
        %sub3A_346 = arith.subi %get3A_332, %sub3A_345 : vector<16xi32>
        %jit3A_347 = arith.constant 136 : i32
        %broadcast_in_dim3A_348 = vector.broadcast %jit3A_347 : i32 to vector<16xi32>
        %select_n3A_349 = arith.select %gt3A_344, %sub3A_346, %broadcast_in_dim3A_348 : vector<16xi1>, vector<16xi32>
        %mul3A_350 = arith.constant 16 : i32
        %mul3A_351 = arith.muli %scan3A_317, %mul3A_350 : i32
        %broadcast_in_dim3A_352 = arith.constant 0 : i32
        %broadcast_in_dim3A_353 = vector.broadcast %broadcast_in_dim3A_352 : i32 to vector<16xi32>
        %broadcast_in_dim3A_354 = vector.shape_cast %broadcast_in_dim3A_353 : vector<16xi32> to vector<16x1xi32>
        %gather3A = vector.shape_cast %broadcast_in_dim3A_354 : vector<16x1xi32> to vector<16xi32>
        %gather3A_355 = tpu.dynamic_gather %select_n3A_349[%gather3A] in [0] : vector<16xi32>, vector<16xi32> -> vector<16xi32>
        %add3A_356 = arith.constant 0 : i32
        %add3A_357 = vector.broadcast %add3A_356 : i32 to vector<16xi32>
        %add3A_358 = arith.addi %iota3A, %add3A_357 : vector<16xi32>
        %gather3A_359 = tpu.vector_load_idx %arg11[%gather3A_355, %add3A_358] : memref<137x128xf32, #tpu.memory_space<vmem>>[vector<16xi32>, vector<16xi32>], vector<16xf32>,
        %add3A_360 = arith.constant 16 : i32
        %add3A_361 = vector.broadcast %add3A_360 : i32 to vector<16xi32>
        %add3A_362 = arith.addi %iota3A, %add3A_361 : vector<16xi32>
        %gather3A_363 = tpu.vector_load_idx %arg11[%gather3A_355, %add3A_362] : memref<137x128xf32, #tpu.memory_space<vmem>>[vector<16xi32>, vector<16xi32>], vector<16xf32>,
        %add3A_364 = arith.constant 32 : i32
        %add3A_365 = vector.broadcast %add3A_364 : i32 to vector<16xi32>
        %add3A_366 = arith.addi %iota3A, %add3A_365 : vector<16xi32>
        %gather3A_367 = tpu.vector_load_idx %arg11[%gather3A_355, %add3A_366] : memref<137x128xf32, #tpu.memory_space<vmem>>[vector<16xi32>, vector<16xi32>], vector<16xf32>,
        %add3A_368 = arith.constant 48 : i32
        %add3A_369 = vector.broadcast %add3A_368 : i32 to vector<16xi32>
        %add3A_370 = arith.addi %iota3A, %add3A_369 : vector<16xi32>
        %gather3A_371 = tpu.vector_load_idx %arg11[%gather3A_355, %add3A_370] : memref<137x128xf32, #tpu.memory_space<vmem>>[vector<16xi32>, vector<16xi32>], vector<16xf32>,
        %add3A_372 = arith.constant 64 : i32
        %add3A_373 = vector.broadcast %add3A_372 : i32 to vector<16xi32>
        %add3A_374 = arith.addi %iota3A, %add3A_373 : vector<16xi32>
        %gather3A_375 = tpu.vector_load_idx %arg11[%gather3A_355, %add3A_374] : memref<137x128xf32, #tpu.memory_space<vmem>>[vector<16xi32>, vector<16xi32>], vector<16xf32>,
        %add3A_376 = arith.constant 80 : i32
        %add3A_377 = vector.broadcast %add3A_376 : i32 to vector<16xi32>
        %add3A_378 = arith.addi %iota3A, %add3A_377 : vector<16xi32>
        %gather3A_379 = tpu.vector_load_idx %arg11[%gather3A_355, %add3A_378] : memref<137x128xf32, #tpu.memory_space<vmem>>[vector<16xi32>, vector<16xi32>], vector<16xf32>,
        %add3A_380 = arith.constant 96 : i32
        %add3A_381 = vector.broadcast %add3A_380 : i32 to vector<16xi32>
        %add3A_382 = arith.addi %iota3A, %add3A_381 : vector<16xi32>
        %gather3A_383 = tpu.vector_load_idx %arg11[%gather3A_355, %add3A_382] : memref<137x128xf32, #tpu.memory_space<vmem>>[vector<16xi32>, vector<16xi32>], vector<16xf32>,
        %add3A_384 = arith.constant 112 : i32
        %add3A_385 = vector.broadcast %add3A_384 : i32 to vector<16xi32>
        %add3A_386 = arith.addi %iota3A, %add3A_385 : vector<16xi32>
        %gather3A_387 = tpu.vector_load_idx %arg11[%gather3A_355, %add3A_386] : memref<137x128xf32, #tpu.memory_space<vmem>>[vector<16xi32>, vector<16xi32>], vector<16xf32>,
        %broadcast_in_dim3A_388 = arith.constant 1 : i32
        %broadcast_in_dim3A_389 = vector.broadcast %broadcast_in_dim3A_388 : i32 to vector<16xi32>
        %broadcast_in_dim3A_390 = vector.shape_cast %broadcast_in_dim3A_389 : vector<16xi32> to vector<16x1xi32>
        %gather3A_391 = vector.shape_cast %broadcast_in_dim3A_390 : vector<16x1xi32> to vector<16xi32>
        %gather3A_392 = tpu.dynamic_gather %select_n3A_349[%gather3A_391] in [0] : vector<16xi32>, vector<16xi32> -> vector<16xi32>
        %add3A_393 = arith.constant 0 : i32
        %add3A_394 = vector.broadcast %add3A_393 : i32 to vector<16xi32>
        %add3A_395 = arith.addi %iota3A, %add3A_394 : vector<16xi32>
        %gather3A_396 = tpu.vector_load_idx %arg11[%gather3A_392, %add3A_395] : memref<137x128xf32, #tpu.memory_space<vmem>>[vector<16xi32>, vector<16xi32>], vector<16xf32>,
        %add3A_397 = arith.constant 16 : i32
        %add3A_398 = vector.broadcast %add3A_397 : i32 to vector<16xi32>
        %add3A_399 = arith.addi %iota3A, %add3A_398 : vector<16xi32>
        %gather3A_400 = tpu.vector_load_idx %arg11[%gather3A_392, %add3A_399] : memref<137x128xf32, #tpu.memory_space<vmem>>[vector<16xi32>, vector<16xi32>], vector<16xf32>,
        %add3A_401 = arith.constant 32 : i32
        %add3A_402 = vector.broadcast %add3A_401 : i32 to vector<16xi32>
        %add3A_403 = arith.addi %iota3A, %add3A_402 : vector<16xi32>
        %gather3A_404 = tpu.vector_load_idx %arg11[%gather3A_392, %add3A_403] : memref<137x128xf32, #tpu.memory_space<vmem>>[vector<16xi32>, vector<16xi32>], vector<16xf32>,
        %add3A_405 = arith.constant 48 : i32
        %add3A_406 = vector.broadcast %add3A_405 : i32 to vector<16xi32>
        %add3A_407 = arith.addi %iota3A, %add3A_406 : vector<16xi32>
        %gather3A_408 = tpu.vector_load_idx %arg11[%gather3A_392, %add3A_407] : memref<137x128xf32, #tpu.memory_space<vmem>>[vector<16xi32>, vector<16xi32>], vector<16xf32>,
        %add3A_409 = arith.constant 64 : i32
        %add3A_410 = vector.broadcast %add3A_409 : i32 to vector<16xi32>
        %add3A_411 = arith.addi %iota3A, %add3A_410 : vector<16xi32>
        %gather3A_412 = tpu.vector_load_idx %arg11[%gather3A_392, %add3A_411] : memref<137x128xf32, #tpu.memory_space<vmem>>[vector<16xi32>, vector<16xi32>], vector<16xf32>,
        %add3A_413 = arith.constant 80 : i32
        %add3A_414 = vector.broadcast %add3A_413 : i32 to vector<16xi32>
        %add3A_415 = arith.addi %iota3A, %add3A_414 : vector<16xi32>
        %gather3A_416 = tpu.vector_load_idx %arg11[%gather3A_392, %add3A_415] : memref<137x128xf32, #tpu.memory_space<vmem>>[vector<16xi32>, vector<16xi32>], vector<16xf32>,
        %add3A_417 = arith.constant 96 : i32
        %add3A_418 = vector.broadcast %add3A_417 : i32 to vector<16xi32>
        %add3A_419 = arith.addi %iota3A, %add3A_418 : vector<16xi32>
        %gather3A_420 = tpu.vector_load_idx %arg11[%gather3A_392, %add3A_419] : memref<137x128xf32, #tpu.memory_space<vmem>>[vector<16xi32>, vector<16xi32>], vector<16xf32>,
        %add3A_421 = arith.constant 112 : i32
        %add3A_422 = vector.broadcast %add3A_421 : i32 to vector<16xi32>
        %add3A_423 = arith.addi %iota3A, %add3A_422 : vector<16xi32>
        %gather3A_424 = tpu.vector_load_idx %arg11[%gather3A_392, %add3A_423] : memref<137x128xf32, #tpu.memory_space<vmem>>[vector<16xi32>, vector<16xi32>], vector<16xf32>,
        %broadcast_in_dim3A_425 = arith.constant 2 : i32
        %broadcast_in_dim3A_426 = vector.broadcast %broadcast_in_dim3A_425 : i32 to vector<16xi32>
        %broadcast_in_dim3A_427 = vector.shape_cast %broadcast_in_dim3A_426 : vector<16xi32> to vector<16x1xi32>
        %gather3A_428 = vector.shape_cast %broadcast_in_dim3A_427 : vector<16x1xi32> to vector<16xi32>
        %gather3A_429 = tpu.dynamic_gather %select_n3A_349[%gather3A_428] in [0] : vector<16xi32>, vector<16xi32> -> vector<16xi32>
        %add3A_430 = arith.constant 0 : i32
        %add3A_431 = vector.broadcast %add3A_430 : i32 to vector<16xi32>
        %add3A_432 = arith.addi %iota3A, %add3A_431 : vector<16xi32>
        %gather3A_433 = tpu.vector_load_idx %arg11[%gather3A_429, %add3A_432] : memref<137x128xf32, #tpu.memory_space<vmem>>[vector<16xi32>, vector<16xi32>], vector<16xf32>,
        %add3A_434 = arith.constant 16 : i32
        %add3A_435 = vector.broadcast %add3A_434 : i32 to vector<16xi32>
        %add3A_436 = arith.addi %iota3A, %add3A_435 : vector<16xi32>
        %gather3A_437 = tpu.vector_load_idx %arg11[%gather3A_429, %add3A_436] : memref<137x128xf32, #tpu.memory_space<vmem>>[vector<16xi32>, vector<16xi32>], vector<16xf32>,
        %add3A_438 = arith.constant 32 : i32
        %add3A_439 = vector.broadcast %add3A_438 : i32 to vector<16xi32>
        %add3A_440 = arith.addi %iota3A, %add3A_439 : vector<16xi32>
        %gather3A_441 = tpu.vector_load_idx %arg11[%gather3A_429, %add3A_440] : memref<137x128xf32, #tpu.memory_space<vmem>>[vector<16xi32>, vector<16xi32>], vector<16xf32>,
        %add3A_442 = arith.constant 48 : i32
        %add3A_443 = vector.broadcast %add3A_442 : i32 to vector<16xi32>
        %add3A_444 = arith.addi %iota3A, %add3A_443 : vector<16xi32>
        %gather3A_445 = tpu.vector_load_idx %arg11[%gather3A_429, %add3A_444] : memref<137x128xf32, #tpu.memory_space<vmem>>[vector<16xi32>, vector<16xi32>], vector<16xf32>,
        %add3A_446 = arith.constant 64 : i32
        %add3A_447 = vector.broadcast %add3A_446 : i32 to vector<16xi32>
        %add3A_448 = arith.addi %iota3A, %add3A_447 : vector<16xi32>
        %gather3A_449 = tpu.vector_load_idx %arg11[%gather3A_429, %add3A_448] : memref<137x128xf32, #tpu.memory_space<vmem>>[vector<16xi32>, vector<16xi32>], vector<16xf32>,
        %add3A_450 = arith.constant 80 : i32
        %add3A_451 = vector.broadcast %add3A_450 : i32 to vector<16xi32>
        %add3A_452 = arith.addi %iota3A, %add3A_451 : vector<16xi32>
        %gather3A_453 = tpu.vector_load_idx %arg11[%gather3A_429, %add3A_452] : memref<137x128xf32, #tpu.memory_space<vmem>>[vector<16xi32>, vector<16xi32>], vector<16xf32>,
        %add3A_454 = arith.constant 96 : i32
        %add3A_455 = vector.broadcast %add3A_454 : i32 to vector<16xi32>
        %add3A_456 = arith.addi %iota3A, %add3A_455 : vector<16xi32>
        %gather3A_457 = tpu.vector_load_idx %arg11[%gather3A_429, %add3A_456] : memref<137x128xf32, #tpu.memory_space<vmem>>[vector<16xi32>, vector<16xi32>], vector<16xf32>,
        %add3A_458 = arith.constant 112 : i32
        %add3A_459 = vector.broadcast %add3A_458 : i32 to vector<16xi32>
        %add3A_460 = arith.addi %iota3A, %add3A_459 : vector<16xi32>
        %gather3A_461 = tpu.vector_load_idx %arg11[%gather3A_429, %add3A_460] : memref<137x128xf32, #tpu.memory_space<vmem>>[vector<16xi32>, vector<16xi32>], vector<16xf32>,
        %broadcast_in_dim3A_462 = arith.constant 3 : i32
        %broadcast_in_dim3A_463 = vector.broadcast %broadcast_in_dim3A_462 : i32 to vector<16xi32>
        %broadcast_in_dim3A_464 = vector.shape_cast %broadcast_in_dim3A_463 : vector<16xi32> to vector<16x1xi32>
        %gather3A_465 = vector.shape_cast %broadcast_in_dim3A_464 : vector<16x1xi32> to vector<16xi32>
        %gather3A_466 = tpu.dynamic_gather %select_n3A_349[%gather3A_465] in [0] : vector<16xi32>, vector<16xi32> -> vector<16xi32>
        %add3A_467 = arith.constant 0 : i32
        %add3A_468 = vector.broadcast %add3A_467 : i32 to vector<16xi32>
        %add3A_469 = arith.addi %iota3A, %add3A_468 : vector<16xi32>
        %gather3A_470 = tpu.vector_load_idx %arg11[%gather3A_466, %add3A_469] : memref<137x128xf32, #tpu.memory_space<vmem>>[vector<16xi32>, vector<16xi32>], vector<16xf32>,
        %add3A_471 = arith.constant 16 : i32
        %add3A_472 = vector.broadcast %add3A_471 : i32 to vector<16xi32>
        %add3A_473 = arith.addi %iota3A, %add3A_472 : vector<16xi32>
        %gather3A_474 = tpu.vector_load_idx %arg11[%gather3A_466, %add3A_473] : memref<137x128xf32, #tpu.memory_space<vmem>>[vector<16xi32>, vector<16xi32>], vector<16xf32>,
        %add3A_475 = arith.constant 32 : i32
        %add3A_476 = vector.broadcast %add3A_475 : i32 to vector<16xi32>
        %add3A_477 = arith.addi %iota3A, %add3A_476 : vector<16xi32>
        %gather3A_478 = tpu.vector_load_idx %arg11[%gather3A_466, %add3A_477] : memref<137x128xf32, #tpu.memory_space<vmem>>[vector<16xi32>, vector<16xi32>], vector<16xf32>,
        %add3A_479 = arith.constant 48 : i32
        %add3A_480 = vector.broadcast %add3A_479 : i32 to vector<16xi32>
        %add3A_481 = arith.addi %iota3A, %add3A_480 : vector<16xi32>
        %gather3A_482 = tpu.vector_load_idx %arg11[%gather3A_466, %add3A_481] : memref<137x128xf32, #tpu.memory_space<vmem>>[vector<16xi32>, vector<16xi32>], vector<16xf32>,
        %add3A_483 = arith.constant 64 : i32
        %add3A_484 = vector.broadcast %add3A_483 : i32 to vector<16xi32>
        %add3A_485 = arith.addi %iota3A, %add3A_484 : vector<16xi32>
        %gather3A_486 = tpu.vector_load_idx %arg11[%gather3A_466, %add3A_485] : memref<137x128xf32, #tpu.memory_space<vmem>>[vector<16xi32>, vector<16xi32>], vector<16xf32>,
        %add3A_487 = arith.constant 80 : i32
        %add3A_488 = vector.broadcast %add3A_487 : i32 to vector<16xi32>
        %add3A_489 = arith.addi %iota3A, %add3A_488 : vector<16xi32>
        %gather3A_490 = tpu.vector_load_idx %arg11[%gather3A_466, %add3A_489] : memref<137x128xf32, #tpu.memory_space<vmem>>[vector<16xi32>, vector<16xi32>], vector<16xf32>,
        %add3A_491 = arith.constant 96 : i32
        %add3A_492 = vector.broadcast %add3A_491 : i32 to vector<16xi32>
        %add3A_493 = arith.addi %iota3A, %add3A_492 : vector<16xi32>
        %gather3A_494 = tpu.vector_load_idx %arg11[%gather3A_466, %add3A_493] : memref<137x128xf32, #tpu.memory_space<vmem>>[vector<16xi32>, vector<16xi32>], vector<16xf32>,
        %add3A_495 = arith.constant 112 : i32
        %add3A_496 = vector.broadcast %add3A_495 : i32 to vector<16xi32>
        %add3A_497 = arith.addi %iota3A, %add3A_496 : vector<16xi32>
        %gather3A_498 = tpu.vector_load_idx %arg11[%gather3A_466, %add3A_497] : memref<137x128xf32, #tpu.memory_space<vmem>>[vector<16xi32>, vector<16xi32>], vector<16xf32>,
        %broadcast_in_dim3A_499 = arith.constant 0 : i32
        %broadcast_in_dim3A_500 = vector.broadcast %broadcast_in_dim3A_499 : i32 to vector<16xi32>
        %broadcast_in_dim3A_501 = vector.shape_cast %broadcast_in_dim3A_500 : vector<16xi32> to vector<16x1xi32>
        %gather3A_502 = vector.shape_cast %broadcast_in_dim3A_501 : vector<16x1xi32> to vector<16xi32>
        %gather3A_503 = tpu.dynamic_gather %select_n3A_342[%gather3A_502] in [0] : vector<16xf32>, vector<16xi32> -> vector<16xf32>
        %sub3A_504 = arith.subf %gather3A_359, %scan3A_318 : vector<16xf32>
        %mul3A_505 = arith.mulf %gather3A_503, %sub3A_504 : vector<16xf32>
        %add3A_506 = arith.addf %scan3A_318, %mul3A_505 : vector<16xf32>
        %add3A_507 = arith.constant 0 : i32
        %add3A_508 = arith.addi %mul3A_351, %add3A_507 : i32
        %swap3A_509 = arith.index_cast %add3A_508 : i32 to index
        %swap3A_510 = arith.constant 0 : index
        %swap3A_511 = tpu.vector_load %arg13[%swap3A_509, %swap3A_510] {strides = array<i32>} : memref<128x128xf32, #tpu.memory_space<vmem>>, vector<16xf32>,
        tpu.vector_store %arg13[%swap3A_509, %swap3A_510], %add3A_506 {strides = array<i32>} : memref<128x128xf32, #tpu.memory_space<vmem>>, vector<16xf32>,
        %sub3A_512 = arith.subf %gather3A_363, %scan3A_319 : vector<16xf32>
        %mul3A_513 = arith.mulf %gather3A_503, %sub3A_512 : vector<16xf32>
        %add3A_514 = arith.addf %scan3A_319, %mul3A_513 : vector<16xf32>
        %add3A_515 = arith.constant 0 : i32
        %add3A_516 = arith.addi %mul3A_351, %add3A_515 : i32
        %swap3A_517 = arith.index_cast %add3A_516 : i32 to index
        %swap3A_518 = arith.constant 16 : index
        %swap3A_519 = tpu.vector_load %arg13[%swap3A_517, %swap3A_518] {strides = array<i32>} : memref<128x128xf32, #tpu.memory_space<vmem>>, vector<16xf32>,
        tpu.vector_store %arg13[%swap3A_517, %swap3A_518], %add3A_514 {strides = array<i32>} : memref<128x128xf32, #tpu.memory_space<vmem>>, vector<16xf32>,
        %sub3A_520 = arith.subf %gather3A_367, %scan3A_320 : vector<16xf32>
        %mul3A_521 = arith.mulf %gather3A_503, %sub3A_520 : vector<16xf32>
        %add3A_522 = arith.addf %scan3A_320, %mul3A_521 : vector<16xf32>
        %add3A_523 = arith.constant 0 : i32
        %add3A_524 = arith.addi %mul3A_351, %add3A_523 : i32
        %swap3A_525 = arith.index_cast %add3A_524 : i32 to index
        %swap3A_526 = arith.constant 32 : index
        %swap3A_527 = tpu.vector_load %arg13[%swap3A_525, %swap3A_526] {strides = array<i32>} : memref<128x128xf32, #tpu.memory_space<vmem>>, vector<16xf32>,
        tpu.vector_store %arg13[%swap3A_525, %swap3A_526], %add3A_522 {strides = array<i32>} : memref<128x128xf32, #tpu.memory_space<vmem>>, vector<16xf32>,
        %sub3A_528 = arith.subf %gather3A_371, %scan3A_321 : vector<16xf32>
        %mul3A_529 = arith.mulf %gather3A_503, %sub3A_528 : vector<16xf32>
        %add3A_530 = arith.addf %scan3A_321, %mul3A_529 : vector<16xf32>
        %add3A_531 = arith.constant 0 : i32
        %add3A_532 = arith.addi %mul3A_351, %add3A_531 : i32
        %swap3A_533 = arith.index_cast %add3A_532 : i32 to index
        %swap3A_534 = arith.constant 48 : index
        %swap3A_535 = tpu.vector_load %arg13[%swap3A_533, %swap3A_534] {strides = array<i32>} : memref<128x128xf32, #tpu.memory_space<vmem>>, vector<16xf32>,
        tpu.vector_store %arg13[%swap3A_533, %swap3A_534], %add3A_530 {strides = array<i32>} : memref<128x128xf32, #tpu.memory_space<vmem>>, vector<16xf32>,
        %sub3A_536 = arith.subf %gather3A_375, %scan3A_322 : vector<16xf32>
        %mul3A_537 = arith.mulf %gather3A_503, %sub3A_536 : vector<16xf32>
        %add3A_538 = arith.addf %scan3A_322, %mul3A_537 : vector<16xf32>
        %add3A_539 = arith.constant 0 : i32
        %add3A_540 = arith.addi %mul3A_351, %add3A_539 : i32
        %swap3A_541 = arith.index_cast %add3A_540 : i32 to index
        %swap3A_542 = arith.constant 64 : index
        %swap3A_543 = tpu.vector_load %arg13[%swap3A_541, %swap3A_542] {strides = array<i32>} : memref<128x128xf32, #tpu.memory_space<vmem>>, vector<16xf32>,
        tpu.vector_store %arg13[%swap3A_541, %swap3A_542], %add3A_538 {strides = array<i32>} : memref<128x128xf32, #tpu.memory_space<vmem>>, vector<16xf32>,
        %sub3A_544 = arith.subf %gather3A_379, %scan3A_323 : vector<16xf32>
        %mul3A_545 = arith.mulf %gather3A_503, %sub3A_544 : vector<16xf32>
        %add3A_546 = arith.addf %scan3A_323, %mul3A_545 : vector<16xf32>
        %add3A_547 = arith.constant 0 : i32
        %add3A_548 = arith.addi %mul3A_351, %add3A_547 : i32
        %swap3A_549 = arith.index_cast %add3A_548 : i32 to index
        %swap3A_550 = arith.constant 80 : index
        %swap3A_551 = tpu.vector_load %arg13[%swap3A_549, %swap3A_550] {strides = array<i32>} : memref<128x128xf32, #tpu.memory_space<vmem>>, vector<16xf32>,
        tpu.vector_store %arg13[%swap3A_549, %swap3A_550], %add3A_546 {strides = array<i32>} : memref<128x128xf32, #tpu.memory_space<vmem>>, vector<16xf32>,
        %sub3A_552 = arith.subf %gather3A_383, %scan3A_324 : vector<16xf32>
        %mul3A_553 = arith.mulf %gather3A_503, %sub3A_552 : vector<16xf32>
        %add3A_554 = arith.addf %scan3A_324, %mul3A_553 : vector<16xf32>
        %add3A_555 = arith.constant 0 : i32
        %add3A_556 = arith.addi %mul3A_351, %add3A_555 : i32
        %swap3A_557 = arith.index_cast %add3A_556 : i32 to index
        %swap3A_558 = arith.constant 96 : index
        %swap3A_559 = tpu.vector_load %arg13[%swap3A_557, %swap3A_558] {strides = array<i32>} : memref<128x128xf32, #tpu.memory_space<vmem>>, vector<16xf32>,
        tpu.vector_store %arg13[%swap3A_557, %swap3A_558], %add3A_554 {strides = array<i32>} : memref<128x128xf32, #tpu.memory_space<vmem>>, vector<16xf32>,
        %sub3A_560 = arith.subf %gather3A_387, %scan3A_325 : vector<16xf32>
        %mul3A_561 = arith.mulf %gather3A_503, %sub3A_560 : vector<16xf32>
        %add3A_562 = arith.addf %scan3A_325, %mul3A_561 : vector<16xf32>
        %add3A_563 = arith.constant 0 : i32
        %add3A_564 = arith.addi %mul3A_351, %add3A_563 : i32
        %swap3A_565 = arith.index_cast %add3A_564 : i32 to index
        %swap3A_566 = arith.constant 112 : index
        %swap3A_567 = tpu.vector_load %arg13[%swap3A_565, %swap3A_566] {strides = array<i32>} : memref<128x128xf32, #tpu.memory_space<vmem>>, vector<16xf32>,
        tpu.vector_store %arg13[%swap3A_565, %swap3A_566], %add3A_562 {strides = array<i32>} : memref<128x128xf32, #tpu.memory_space<vmem>>, vector<16xf32>,
        %broadcast_in_dim3A_568 = arith.constant 1 : i32
        %broadcast_in_dim3A_569 = vector.broadcast %broadcast_in_dim3A_568 : i32 to vector<16xi32>
        %broadcast_in_dim3A_570 = vector.shape_cast %broadcast_in_dim3A_569 : vector<16xi32> to vector<16x1xi32>
        %gather3A_571 = vector.shape_cast %broadcast_in_dim3A_570 : vector<16x1xi32> to vector<16xi32>
        %gather3A_572 = tpu.dynamic_gather %select_n3A_342[%gather3A_571] in [0] : vector<16xf32>, vector<16xi32> -> vector<16xf32>
        %sub3A_573 = arith.subf %gather3A_396, %add3A_506 : vector<16xf32>
        %mul3A_574 = arith.mulf %gather3A_572, %sub3A_573 : vector<16xf32>
        %add3A_575 = arith.addf %add3A_506, %mul3A_574 : vector<16xf32>
        %add3A_576 = arith.constant 1 : i32
        %add3A_577 = arith.addi %mul3A_351, %add3A_576 : i32
        %swap3A_578 = arith.index_cast %add3A_577 : i32 to index
        %swap3A_579 = arith.constant 0 : index
        %swap3A_580 = tpu.vector_load %arg13[%swap3A_578, %swap3A_579] {strides = array<i32>} : memref<128x128xf32, #tpu.memory_space<vmem>>, vector<16xf32>,
        tpu.vector_store %arg13[%swap3A_578, %swap3A_579], %add3A_575 {strides = array<i32>} : memref<128x128xf32, #tpu.memory_space<vmem>>, vector<16xf32>,
        %sub3A_581 = arith.subf %gather3A_400, %add3A_514 : vector<16xf32>
        %mul3A_582 = arith.mulf %gather3A_572, %sub3A_581 : vector<16xf32>
        %add3A_583 = arith.addf %add3A_514, %mul3A_582 : vector<16xf32>
        %add3A_584 = arith.constant 1 : i32
        %add3A_585 = arith.addi %mul3A_351, %add3A_584 : i32
        %swap3A_586 = arith.index_cast %add3A_585 : i32 to index
        %swap3A_587 = arith.constant 16 : index
        %swap3A_588 = tpu.vector_load %arg13[%swap3A_586, %swap3A_587] {strides = array<i32>} : memref<128x128xf32, #tpu.memory_space<vmem>>, vector<16xf32>,
        tpu.vector_store %arg13[%swap3A_586, %swap3A_587], %add3A_583 {strides = array<i32>} : memref<128x128xf32, #tpu.memory_space<vmem>>, vector<16xf32>,
        %sub3A_589 = arith.subf %gather3A_404, %add3A_522 : vector<16xf32>
        %mul3A_590 = arith.mulf %gather3A_572, %sub3A_589 : vector<16xf32>
        %add3A_591 = arith.addf %add3A_522, %mul3A_590 : vector<16xf32>
        %add3A_592 = arith.constant 1 : i32
        %add3A_593 = arith.addi %mul3A_351, %add3A_592 : i32
        %swap3A_594 = arith.index_cast %add3A_593 : i32 to index
        %swap3A_595 = arith.constant 32 : index
        %swap3A_596 = tpu.vector_load %arg13[%swap3A_594, %swap3A_595] {strides = array<i32>} : memref<128x128xf32, #tpu.memory_space<vmem>>, vector<16xf32>,
        tpu.vector_store %arg13[%swap3A_594, %swap3A_595], %add3A_591 {strides = array<i32>} : memref<128x128xf32, #tpu.memory_space<vmem>>, vector<16xf32>,
        %sub3A_597 = arith.subf %gather3A_408, %add3A_530 : vector<16xf32>
        %mul3A_598 = arith.mulf %gather3A_572, %sub3A_597 : vector<16xf32>
        %add3A_599 = arith.addf %add3A_530, %mul3A_598 : vector<16xf32>
        %add3A_600 = arith.constant 1 : i32
        %add3A_601 = arith.addi %mul3A_351, %add3A_600 : i32
        %swap3A_602 = arith.index_cast %add3A_601 : i32 to index
        %swap3A_603 = arith.constant 48 : index
        %swap3A_604 = tpu.vector_load %arg13[%swap3A_602, %swap3A_603] {strides = array<i32>} : memref<128x128xf32, #tpu.memory_space<vmem>>, vector<16xf32>,
        tpu.vector_store %arg13[%swap3A_602, %swap3A_603], %add3A_599 {strides = array<i32>} : memref<128x128xf32, #tpu.memory_space<vmem>>, vector<16xf32>,
        %sub3A_605 = arith.subf %gather3A_412, %add3A_538 : vector<16xf32>
        %mul3A_606 = arith.mulf %gather3A_572, %sub3A_605 : vector<16xf32>
        %add3A_607 = arith.addf %add3A_538, %mul3A_606 : vector<16xf32>
        %add3A_608 = arith.constant 1 : i32
        %add3A_609 = arith.addi %mul3A_351, %add3A_608 : i32
        %swap3A_610 = arith.index_cast %add3A_609 : i32 to index
        %swap3A_611 = arith.constant 64 : index
        %swap3A_612 = tpu.vector_load %arg13[%swap3A_610, %swap3A_611] {strides = array<i32>} : memref<128x128xf32, #tpu.memory_space<vmem>>, vector<16xf32>,
        tpu.vector_store %arg13[%swap3A_610, %swap3A_611], %add3A_607 {strides = array<i32>} : memref<128x128xf32, #tpu.memory_space<vmem>>, vector<16xf32>,
        %sub3A_613 = arith.subf %gather3A_416, %add3A_546 : vector<16xf32>
        %mul3A_614 = arith.mulf %gather3A_572, %sub3A_613 : vector<16xf32>
        %add3A_615 = arith.addf %add3A_546, %mul3A_614 : vector<16xf32>
        %add3A_616 = arith.constant 1 : i32
        %add3A_617 = arith.addi %mul3A_351, %add3A_616 : i32
        %swap3A_618 = arith.index_cast %add3A_617 : i32 to index
        %swap3A_619 = arith.constant 80 : index
        %swap3A_620 = tpu.vector_load %arg13[%swap3A_618, %swap3A_619] {strides = array<i32>} : memref<128x128xf32, #tpu.memory_space<vmem>>, vector<16xf32>,
        tpu.vector_store %arg13[%swap3A_618, %swap3A_619], %add3A_615 {strides = array<i32>} : memref<128x128xf32, #tpu.memory_space<vmem>>, vector<16xf32>,
        %sub3A_621 = arith.subf %gather3A_420, %add3A_554 : vector<16xf32>
        %mul3A_622 = arith.mulf %gather3A_572, %sub3A_621 : vector<16xf32>
        %add3A_623 = arith.addf %add3A_554, %mul3A_622 : vector<16xf32>
        %add3A_624 = arith.constant 1 : i32
        %add3A_625 = arith.addi %mul3A_351, %add3A_624 : i32
        %swap3A_626 = arith.index_cast %add3A_625 : i32 to index
        %swap3A_627 = arith.constant 96 : index
        %swap3A_628 = tpu.vector_load %arg13[%swap3A_626, %swap3A_627] {strides = array<i32>} : memref<128x128xf32, #tpu.memory_space<vmem>>, vector<16xf32>,
        tpu.vector_store %arg13[%swap3A_626, %swap3A_627], %add3A_623 {strides = array<i32>} : memref<128x128xf32, #tpu.memory_space<vmem>>, vector<16xf32>,
        %sub3A_629 = arith.subf %gather3A_424, %add3A_562 : vector<16xf32>
        %mul3A_630 = arith.mulf %gather3A_572, %sub3A_629 : vector<16xf32>
        %add3A_631 = arith.addf %add3A_562, %mul3A_630 : vector<16xf32>
        %add3A_632 = arith.constant 1 : i32
        %add3A_633 = arith.addi %mul3A_351, %add3A_632 : i32
        %swap3A_634 = arith.index_cast %add3A_633 : i32 to index
        %swap3A_635 = arith.constant 112 : index
        %swap3A_636 = tpu.vector_load %arg13[%swap3A_634, %swap3A_635] {strides = array<i32>} : memref<128x128xf32, #tpu.memory_space<vmem>>, vector<16xf32>,
        tpu.vector_store %arg13[%swap3A_634, %swap3A_635], %add3A_631 {strides = array<i32>} : memref<128x128xf32, #tpu.memory_space<vmem>>, vector<16xf32>,
        %broadcast_in_dim3A_637 = arith.constant 2 : i32
        %broadcast_in_dim3A_638 = vector.broadcast %broadcast_in_dim3A_637 : i32 to vector<16xi32>
        %broadcast_in_dim3A_639 = vector.shape_cast %broadcast_in_dim3A_638 : vector<16xi32> to vector<16x1xi32>
        %gather3A_640 = vector.shape_cast %broadcast_in_dim3A_639 : vector<16x1xi32> to vector<16xi32>
        %gather3A_641 = tpu.dynamic_gather %select_n3A_342[%gather3A_640] in [0] : vector<16xf32>, vector<16xi32> -> vector<16xf32>
        %sub3A_642 = arith.subf %gather3A_433, %add3A_575 : vector<16xf32>
        %mul3A_643 = arith.mulf %gather3A_641, %sub3A_642 : vector<16xf32>
        %add3A_644 = arith.addf %add3A_575, %mul3A_643 : vector<16xf32>
        %add3A_645 = arith.constant 2 : i32
        %add3A_646 = arith.addi %mul3A_351, %add3A_645 : i32
        %swap3A_647 = arith.index_cast %add3A_646 : i32 to index
        %swap3A_648 = arith.constant 0 : index
        %swap3A_649 = tpu.vector_load %arg13[%swap3A_647, %swap3A_648] {strides = array<i32>} : memref<128x128xf32, #tpu.memory_space<vmem>>, vector<16xf32>,
        tpu.vector_store %arg13[%swap3A_647, %swap3A_648], %add3A_644 {strides = array<i32>} : memref<128x128xf32, #tpu.memory_space<vmem>>, vector<16xf32>,
        %sub3A_650 = arith.subf %gather3A_437, %add3A_583 : vector<16xf32>
        %mul3A_651 = arith.mulf %gather3A_641, %sub3A_650 : vector<16xf32>
        %add3A_652 = arith.addf %add3A_583, %mul3A_651 : vector<16xf32>
        %add3A_653 = arith.constant 2 : i32
        %add3A_654 = arith.addi %mul3A_351, %add3A_653 : i32
        %swap3A_655 = arith.index_cast %add3A_654 : i32 to index
        %swap3A_656 = arith.constant 16 : index
        %swap3A_657 = tpu.vector_load %arg13[%swap3A_655, %swap3A_656] {strides = array<i32>} : memref<128x128xf32, #tpu.memory_space<vmem>>, vector<16xf32>,
        tpu.vector_store %arg13[%swap3A_655, %swap3A_656], %add3A_652 {strides = array<i32>} : memref<128x128xf32, #tpu.memory_space<vmem>>, vector<16xf32>,
        %sub3A_658 = arith.subf %gather3A_441, %add3A_591 : vector<16xf32>
        %mul3A_659 = arith.mulf %gather3A_641, %sub3A_658 : vector<16xf32>
        %add3A_660 = arith.addf %add3A_591, %mul3A_659 : vector<16xf32>
        %add3A_661 = arith.constant 2 : i32
        %add3A_662 = arith.addi %mul3A_351, %add3A_661 : i32
        %swap3A_663 = arith.index_cast %add3A_662 : i32 to index
        %swap3A_664 = arith.constant 32 : index
        %swap3A_665 = tpu.vector_load %arg13[%swap3A_663, %swap3A_664] {strides = array<i32>} : memref<128x128xf32, #tpu.memory_space<vmem>>, vector<16xf32>,
        tpu.vector_store %arg13[%swap3A_663, %swap3A_664], %add3A_660 {strides = array<i32>} : memref<128x128xf32, #tpu.memory_space<vmem>>, vector<16xf32>,
        %sub3A_666 = arith.subf %gather3A_445, %add3A_599 : vector<16xf32>
        %mul3A_667 = arith.mulf %gather3A_641, %sub3A_666 : vector<16xf32>
        %add3A_668 = arith.addf %add3A_599, %mul3A_667 : vector<16xf32>
        %add3A_669 = arith.constant 2 : i32
        %add3A_670 = arith.addi %mul3A_351, %add3A_669 : i32
        %swap3A_671 = arith.index_cast %add3A_670 : i32 to index
        %swap3A_672 = arith.constant 48 : index
        %swap3A_673 = tpu.vector_load %arg13[%swap3A_671, %swap3A_672] {strides = array<i32>} : memref<128x128xf32, #tpu.memory_space<vmem>>, vector<16xf32>,
        tpu.vector_store %arg13[%swap3A_671, %swap3A_672], %add3A_668 {strides = array<i32>} : memref<128x128xf32, #tpu.memory_space<vmem>>, vector<16xf32>,
        %sub3A_674 = arith.subf %gather3A_449, %add3A_607 : vector<16xf32>
        %mul3A_675 = arith.mulf %gather3A_641, %sub3A_674 : vector<16xf32>
        %add3A_676 = arith.addf %add3A_607, %mul3A_675 : vector<16xf32>
        %add3A_677 = arith.constant 2 : i32
        %add3A_678 = arith.addi %mul3A_351, %add3A_677 : i32
        %swap3A_679 = arith.index_cast %add3A_678 : i32 to index
        %swap3A_680 = arith.constant 64 : index
        %swap3A_681 = tpu.vector_load %arg13[%swap3A_679, %swap3A_680] {strides = array<i32>} : memref<128x128xf32, #tpu.memory_space<vmem>>, vector<16xf32>,
        tpu.vector_store %arg13[%swap3A_679, %swap3A_680], %add3A_676 {strides = array<i32>} : memref<128x128xf32, #tpu.memory_space<vmem>>, vector<16xf32>,
        %sub3A_682 = arith.subf %gather3A_453, %add3A_615 : vector<16xf32>
        %mul3A_683 = arith.mulf %gather3A_641, %sub3A_682 : vector<16xf32>
        %add3A_684 = arith.addf %add3A_615, %mul3A_683 : vector<16xf32>
        %add3A_685 = arith.constant 2 : i32
        %add3A_686 = arith.addi %mul3A_351, %add3A_685 : i32
        %swap3A_687 = arith.index_cast %add3A_686 : i32 to index
        %swap3A_688 = arith.constant 80 : index
        %swap3A_689 = tpu.vector_load %arg13[%swap3A_687, %swap3A_688] {strides = array<i32>} : memref<128x128xf32, #tpu.memory_space<vmem>>, vector<16xf32>,
        tpu.vector_store %arg13[%swap3A_687, %swap3A_688], %add3A_684 {strides = array<i32>} : memref<128x128xf32, #tpu.memory_space<vmem>>, vector<16xf32>,
        %sub3A_690 = arith.subf %gather3A_457, %add3A_623 : vector<16xf32>
        %mul3A_691 = arith.mulf %gather3A_641, %sub3A_690 : vector<16xf32>
        %add3A_692 = arith.addf %add3A_623, %mul3A_691 : vector<16xf32>
        %add3A_693 = arith.constant 2 : i32
        %add3A_694 = arith.addi %mul3A_351, %add3A_693 : i32
        %swap3A_695 = arith.index_cast %add3A_694 : i32 to index
        %swap3A_696 = arith.constant 96 : index
        %swap3A_697 = tpu.vector_load %arg13[%swap3A_695, %swap3A_696] {strides = array<i32>} : memref<128x128xf32, #tpu.memory_space<vmem>>, vector<16xf32>,
        tpu.vector_store %arg13[%swap3A_695, %swap3A_696], %add3A_692 {strides = array<i32>} : memref<128x128xf32, #tpu.memory_space<vmem>>, vector<16xf32>,
        %sub3A_698 = arith.subf %gather3A_461, %add3A_631 : vector<16xf32>
        %mul3A_699 = arith.mulf %gather3A_641, %sub3A_698 : vector<16xf32>
        %add3A_700 = arith.addf %add3A_631, %mul3A_699 : vector<16xf32>
        %add3A_701 = arith.constant 2 : i32
        %add3A_702 = arith.addi %mul3A_351, %add3A_701 : i32
        %swap3A_703 = arith.index_cast %add3A_702 : i32 to index
        %swap3A_704 = arith.constant 112 : index
        %swap3A_705 = tpu.vector_load %arg13[%swap3A_703, %swap3A_704] {strides = array<i32>} : memref<128x128xf32, #tpu.memory_space<vmem>>, vector<16xf32>,
        tpu.vector_store %arg13[%swap3A_703, %swap3A_704], %add3A_700 {strides = array<i32>} : memref<128x128xf32, #tpu.memory_space<vmem>>, vector<16xf32>,
        %broadcast_in_dim3A_706 = arith.constant 3 : i32
        %broadcast_in_dim3A_707 = vector.broadcast %broadcast_in_dim3A_706 : i32 to vector<16xi32>
        %broadcast_in_dim3A_708 = vector.shape_cast %broadcast_in_dim3A_707 : vector<16xi32> to vector<16x1xi32>
        %gather3A_709 = vector.shape_cast %broadcast_in_dim3A_708 : vector<16x1xi32> to vector<16xi32>
        %gather3A_710 = tpu.dynamic_gather %select_n3A_342[%gather3A_709] in [0] : vector<16xf32>, vector<16xi32> -> vector<16xf32>
        %sub3A_711 = arith.subf %gather3A_470, %add3A_644 : vector<16xf32>
        %mul3A_712 = arith.mulf %gather3A_710, %sub3A_711 : vector<16xf32>
        %add3A_713 = arith.addf %add3A_644, %mul3A_712 : vector<16xf32>
        %add3A_714 = arith.constant 3 : i32
        %add3A_715 = arith.addi %mul3A_351, %add3A_714 : i32
        %swap3A_716 = arith.index_cast %add3A_715 : i32 to index
        %swap3A_717 = arith.constant 0 : index
        %swap3A_718 = tpu.vector_load %arg13[%swap3A_716, %swap3A_717] {strides = array<i32>} : memref<128x128xf32, #tpu.memory_space<vmem>>, vector<16xf32>,
        tpu.vector_store %arg13[%swap3A_716, %swap3A_717], %add3A_713 {strides = array<i32>} : memref<128x128xf32, #tpu.memory_space<vmem>>, vector<16xf32>,
        %sub3A_719 = arith.subf %gather3A_474, %add3A_652 : vector<16xf32>
        %mul3A_720 = arith.mulf %gather3A_710, %sub3A_719 : vector<16xf32>
        %add3A_721 = arith.addf %add3A_652, %mul3A_720 : vector<16xf32>
        %add3A_722 = arith.constant 3 : i32
        %add3A_723 = arith.addi %mul3A_351, %add3A_722 : i32
        %swap3A_724 = arith.index_cast %add3A_723 : i32 to index
        %swap3A_725 = arith.constant 16 : index
        %swap3A_726 = tpu.vector_load %arg13[%swap3A_724, %swap3A_725] {strides = array<i32>} : memref<128x128xf32, #tpu.memory_space<vmem>>, vector<16xf32>,
        tpu.vector_store %arg13[%swap3A_724, %swap3A_725], %add3A_721 {strides = array<i32>} : memref<128x128xf32, #tpu.memory_space<vmem>>, vector<16xf32>,
        %sub3A_727 = arith.subf %gather3A_478, %add3A_660 : vector<16xf32>
        %mul3A_728 = arith.mulf %gather3A_710, %sub3A_727 : vector<16xf32>
        %add3A_729 = arith.addf %add3A_660, %mul3A_728 : vector<16xf32>
        %add3A_730 = arith.constant 3 : i32
        %add3A_731 = arith.addi %mul3A_351, %add3A_730 : i32
        %swap3A_732 = arith.index_cast %add3A_731 : i32 to index
        %swap3A_733 = arith.constant 32 : index
        %swap3A_734 = tpu.vector_load %arg13[%swap3A_732, %swap3A_733] {strides = array<i32>} : memref<128x128xf32, #tpu.memory_space<vmem>>, vector<16xf32>,
        tpu.vector_store %arg13[%swap3A_732, %swap3A_733], %add3A_729 {strides = array<i32>} : memref<128x128xf32, #tpu.memory_space<vmem>>, vector<16xf32>,
        %sub3A_735 = arith.subf %gather3A_482, %add3A_668 : vector<16xf32>
        %mul3A_736 = arith.mulf %gather3A_710, %sub3A_735 : vector<16xf32>
        %add3A_737 = arith.addf %add3A_668, %mul3A_736 : vector<16xf32>
        %add3A_738 = arith.constant 3 : i32
        %add3A_739 = arith.addi %mul3A_351, %add3A_738 : i32
        %swap3A_740 = arith.index_cast %add3A_739 : i32 to index
        %swap3A_741 = arith.constant 48 : index
        %swap3A_742 = tpu.vector_load %arg13[%swap3A_740, %swap3A_741] {strides = array<i32>} : memref<128x128xf32, #tpu.memory_space<vmem>>, vector<16xf32>,
        tpu.vector_store %arg13[%swap3A_740, %swap3A_741], %add3A_737 {strides = array<i32>} : memref<128x128xf32, #tpu.memory_space<vmem>>, vector<16xf32>,
        %sub3A_743 = arith.subf %gather3A_486, %add3A_676 : vector<16xf32>
        %mul3A_744 = arith.mulf %gather3A_710, %sub3A_743 : vector<16xf32>
        %add3A_745 = arith.addf %add3A_676, %mul3A_744 : vector<16xf32>
        %add3A_746 = arith.constant 3 : i32
        %add3A_747 = arith.addi %mul3A_351, %add3A_746 : i32
        %swap3A_748 = arith.index_cast %add3A_747 : i32 to index
        %swap3A_749 = arith.constant 64 : index
        %swap3A_750 = tpu.vector_load %arg13[%swap3A_748, %swap3A_749] {strides = array<i32>} : memref<128x128xf32, #tpu.memory_space<vmem>>, vector<16xf32>,
        tpu.vector_store %arg13[%swap3A_748, %swap3A_749], %add3A_745 {strides = array<i32>} : memref<128x128xf32, #tpu.memory_space<vmem>>, vector<16xf32>,
        %sub3A_751 = arith.subf %gather3A_490, %add3A_684 : vector<16xf32>
        %mul3A_752 = arith.mulf %gather3A_710, %sub3A_751 : vector<16xf32>
        %add3A_753 = arith.addf %add3A_684, %mul3A_752 : vector<16xf32>
        %add3A_754 = arith.constant 3 : i32
        %add3A_755 = arith.addi %mul3A_351, %add3A_754 : i32
        %swap3A_756 = arith.index_cast %add3A_755 : i32 to index
        %swap3A_757 = arith.constant 80 : index
        %swap3A_758 = tpu.vector_load %arg13[%swap3A_756, %swap3A_757] {strides = array<i32>} : memref<128x128xf32, #tpu.memory_space<vmem>>, vector<16xf32>,
        tpu.vector_store %arg13[%swap3A_756, %swap3A_757], %add3A_753 {strides = array<i32>} : memref<128x128xf32, #tpu.memory_space<vmem>>, vector<16xf32>,
        %sub3A_759 = arith.subf %gather3A_494, %add3A_692 : vector<16xf32>
        %mul3A_760 = arith.mulf %gather3A_710, %sub3A_759 : vector<16xf32>
        %add3A_761 = arith.addf %add3A_692, %mul3A_760 : vector<16xf32>
        %add3A_762 = arith.constant 3 : i32
        %add3A_763 = arith.addi %mul3A_351, %add3A_762 : i32
        %swap3A_764 = arith.index_cast %add3A_763 : i32 to index
        %swap3A_765 = arith.constant 96 : index
        %swap3A_766 = tpu.vector_load %arg13[%swap3A_764, %swap3A_765] {strides = array<i32>} : memref<128x128xf32, #tpu.memory_space<vmem>>, vector<16xf32>,
        tpu.vector_store %arg13[%swap3A_764, %swap3A_765], %add3A_761 {strides = array<i32>} : memref<128x128xf32, #tpu.memory_space<vmem>>, vector<16xf32>,
        %sub3A_767 = arith.subf %gather3A_498, %add3A_700 : vector<16xf32>
        %mul3A_768 = arith.mulf %gather3A_710, %sub3A_767 : vector<16xf32>
        %add3A_769 = arith.addf %add3A_700, %mul3A_768 : vector<16xf32>
        %add3A_770 = arith.constant 3 : i32
        %add3A_771 = arith.addi %mul3A_351, %add3A_770 : i32
        %swap3A_772 = arith.index_cast %add3A_771 : i32 to index
        %swap3A_773 = arith.constant 112 : index
        %swap3A_774 = tpu.vector_load %arg13[%swap3A_772, %swap3A_773] {strides = array<i32>} : memref<128x128xf32, #tpu.memory_space<vmem>>, vector<16xf32>,
        tpu.vector_store %arg13[%swap3A_772, %swap3A_773], %add3A_769 {strides = array<i32>} : memref<128x128xf32, #tpu.memory_space<vmem>>, vector<16xf32>,
        %broadcast_in_dim3A_775 = arith.constant 4 : i32
        %broadcast_in_dim3A_776 = vector.broadcast %broadcast_in_dim3A_775 : i32 to vector<16xi32>
        %broadcast_in_dim3A_777 = vector.shape_cast %broadcast_in_dim3A_776 : vector<16xi32> to vector<16x1xi32>
        %gather3A_778 = vector.shape_cast %broadcast_in_dim3A_777 : vector<16x1xi32> to vector<16xi32>
        %gather3A_779 = tpu.dynamic_gather %select_n3A_349[%gather3A_778] in [0] : vector<16xi32>, vector<16xi32> -> vector<16xi32>
        %add3A_780 = arith.constant 0 : i32
        %add3A_781 = vector.broadcast %add3A_780 : i32 to vector<16xi32>
        %add3A_782 = arith.addi %iota3A, %add3A_781 : vector<16xi32>
        %gather3A_783 = tpu.vector_load_idx %arg11[%gather3A_779, %add3A_782] : memref<137x128xf32, #tpu.memory_space<vmem>>[vector<16xi32>, vector<16xi32>], vector<16xf32>,
        %add3A_784 = arith.constant 16 : i32
        %add3A_785 = vector.broadcast %add3A_784 : i32 to vector<16xi32>
        %add3A_786 = arith.addi %iota3A, %add3A_785 : vector<16xi32>
        %gather3A_787 = tpu.vector_load_idx %arg11[%gather3A_779, %add3A_786] : memref<137x128xf32, #tpu.memory_space<vmem>>[vector<16xi32>, vector<16xi32>], vector<16xf32>,
        %add3A_788 = arith.constant 32 : i32
        %add3A_789 = vector.broadcast %add3A_788 : i32 to vector<16xi32>
        %add3A_790 = arith.addi %iota3A, %add3A_789 : vector<16xi32>
        %gather3A_791 = tpu.vector_load_idx %arg11[%gather3A_779, %add3A_790] : memref<137x128xf32, #tpu.memory_space<vmem>>[vector<16xi32>, vector<16xi32>], vector<16xf32>,
        %add3A_792 = arith.constant 48 : i32
        %add3A_793 = vector.broadcast %add3A_792 : i32 to vector<16xi32>
        %add3A_794 = arith.addi %iota3A, %add3A_793 : vector<16xi32>
        %gather3A_795 = tpu.vector_load_idx %arg11[%gather3A_779, %add3A_794] : memref<137x128xf32, #tpu.memory_space<vmem>>[vector<16xi32>, vector<16xi32>], vector<16xf32>,
        %add3A_796 = arith.constant 64 : i32
        %add3A_797 = vector.broadcast %add3A_796 : i32 to vector<16xi32>
        %add3A_798 = arith.addi %iota3A, %add3A_797 : vector<16xi32>
        %gather3A_799 = tpu.vector_load_idx %arg11[%gather3A_779, %add3A_798] : memref<137x128xf32, #tpu.memory_space<vmem>>[vector<16xi32>, vector<16xi32>], vector<16xf32>,
        %add3A_800 = arith.constant 80 : i32
        %add3A_801 = vector.broadcast %add3A_800 : i32 to vector<16xi32>
        %add3A_802 = arith.addi %iota3A, %add3A_801 : vector<16xi32>
        %gather3A_803 = tpu.vector_load_idx %arg11[%gather3A_779, %add3A_802] : memref<137x128xf32, #tpu.memory_space<vmem>>[vector<16xi32>, vector<16xi32>], vector<16xf32>,
        %add3A_804 = arith.constant 96 : i32
        %add3A_805 = vector.broadcast %add3A_804 : i32 to vector<16xi32>
        %add3A_806 = arith.addi %iota3A, %add3A_805 : vector<16xi32>
        %gather3A_807 = tpu.vector_load_idx %arg11[%gather3A_779, %add3A_806] : memref<137x128xf32, #tpu.memory_space<vmem>>[vector<16xi32>, vector<16xi32>], vector<16xf32>,
        %add3A_808 = arith.constant 112 : i32
        %add3A_809 = vector.broadcast %add3A_808 : i32 to vector<16xi32>
        %add3A_810 = arith.addi %iota3A, %add3A_809 : vector<16xi32>
        %gather3A_811 = tpu.vector_load_idx %arg11[%gather3A_779, %add3A_810] : memref<137x128xf32, #tpu.memory_space<vmem>>[vector<16xi32>, vector<16xi32>], vector<16xf32>,
        %broadcast_in_dim3A_812 = arith.constant 5 : i32
        %broadcast_in_dim3A_813 = vector.broadcast %broadcast_in_dim3A_812 : i32 to vector<16xi32>
        %broadcast_in_dim3A_814 = vector.shape_cast %broadcast_in_dim3A_813 : vector<16xi32> to vector<16x1xi32>
        %gather3A_815 = vector.shape_cast %broadcast_in_dim3A_814 : vector<16x1xi32> to vector<16xi32>
        %gather3A_816 = tpu.dynamic_gather %select_n3A_349[%gather3A_815] in [0] : vector<16xi32>, vector<16xi32> -> vector<16xi32>
        %add3A_817 = arith.constant 0 : i32
        %add3A_818 = vector.broadcast %add3A_817 : i32 to vector<16xi32>
        %add3A_819 = arith.addi %iota3A, %add3A_818 : vector<16xi32>
        %gather3A_820 = tpu.vector_load_idx %arg11[%gather3A_816, %add3A_819] : memref<137x128xf32, #tpu.memory_space<vmem>>[vector<16xi32>, vector<16xi32>], vector<16xf32>,
        %add3A_821 = arith.constant 16 : i32
        %add3A_822 = vector.broadcast %add3A_821 : i32 to vector<16xi32>
        %add3A_823 = arith.addi %iota3A, %add3A_822 : vector<16xi32>
        %gather3A_824 = tpu.vector_load_idx %arg11[%gather3A_816, %add3A_823] : memref<137x128xf32, #tpu.memory_space<vmem>>[vector<16xi32>, vector<16xi32>], vector<16xf32>,
        %add3A_825 = arith.constant 32 : i32
        %add3A_826 = vector.broadcast %add3A_825 : i32 to vector<16xi32>
        %add3A_827 = arith.addi %iota3A, %add3A_826 : vector<16xi32>
        %gather3A_828 = tpu.vector_load_idx %arg11[%gather3A_816, %add3A_827] : memref<137x128xf32, #tpu.memory_space<vmem>>[vector<16xi32>, vector<16xi32>], vector<16xf32>,
        %add3A_829 = arith.constant 48 : i32
        %add3A_830 = vector.broadcast %add3A_829 : i32 to vector<16xi32>
        %add3A_831 = arith.addi %iota3A, %add3A_830 : vector<16xi32>
        %gather3A_832 = tpu.vector_load_idx %arg11[%gather3A_816, %add3A_831] : memref<137x128xf32, #tpu.memory_space<vmem>>[vector<16xi32>, vector<16xi32>], vector<16xf32>,
        %add3A_833 = arith.constant 64 : i32
        %add3A_834 = vector.broadcast %add3A_833 : i32 to vector<16xi32>
        %add3A_835 = arith.addi %iota3A, %add3A_834 : vector<16xi32>
        %gather3A_836 = tpu.vector_load_idx %arg11[%gather3A_816, %add3A_835] : memref<137x128xf32, #tpu.memory_space<vmem>>[vector<16xi32>, vector<16xi32>], vector<16xf32>,
        %add3A_837 = arith.constant 80 : i32
        %add3A_838 = vector.broadcast %add3A_837 : i32 to vector<16xi32>
        %add3A_839 = arith.addi %iota3A, %add3A_838 : vector<16xi32>
        %gather3A_840 = tpu.vector_load_idx %arg11[%gather3A_816, %add3A_839] : memref<137x128xf32, #tpu.memory_space<vmem>>[vector<16xi32>, vector<16xi32>], vector<16xf32>,
        %add3A_841 = arith.constant 96 : i32
        %add3A_842 = vector.broadcast %add3A_841 : i32 to vector<16xi32>
        %add3A_843 = arith.addi %iota3A, %add3A_842 : vector<16xi32>
        %gather3A_844 = tpu.vector_load_idx %arg11[%gather3A_816, %add3A_843] : memref<137x128xf32, #tpu.memory_space<vmem>>[vector<16xi32>, vector<16xi32>], vector<16xf32>,
        %add3A_845 = arith.constant 112 : i32
        %add3A_846 = vector.broadcast %add3A_845 : i32 to vector<16xi32>
        %add3A_847 = arith.addi %iota3A, %add3A_846 : vector<16xi32>
        %gather3A_848 = tpu.vector_load_idx %arg11[%gather3A_816, %add3A_847] : memref<137x128xf32, #tpu.memory_space<vmem>>[vector<16xi32>, vector<16xi32>], vector<16xf32>,
        %broadcast_in_dim3A_849 = arith.constant 6 : i32
        %broadcast_in_dim3A_850 = vector.broadcast %broadcast_in_dim3A_849 : i32 to vector<16xi32>
        %broadcast_in_dim3A_851 = vector.shape_cast %broadcast_in_dim3A_850 : vector<16xi32> to vector<16x1xi32>
        %gather3A_852 = vector.shape_cast %broadcast_in_dim3A_851 : vector<16x1xi32> to vector<16xi32>
        %gather3A_853 = tpu.dynamic_gather %select_n3A_349[%gather3A_852] in [0] : vector<16xi32>, vector<16xi32> -> vector<16xi32>
        %add3A_854 = arith.constant 0 : i32
        %add3A_855 = vector.broadcast %add3A_854 : i32 to vector<16xi32>
        %add3A_856 = arith.addi %iota3A, %add3A_855 : vector<16xi32>
        %gather3A_857 = tpu.vector_load_idx %arg11[%gather3A_853, %add3A_856] : memref<137x128xf32, #tpu.memory_space<vmem>>[vector<16xi32>, vector<16xi32>], vector<16xf32>,
        %add3A_858 = arith.constant 16 : i32
        %add3A_859 = vector.broadcast %add3A_858 : i32 to vector<16xi32>
        %add3A_860 = arith.addi %iota3A, %add3A_859 : vector<16xi32>
        %gather3A_861 = tpu.vector_load_idx %arg11[%gather3A_853, %add3A_860] : memref<137x128xf32, #tpu.memory_space<vmem>>[vector<16xi32>, vector<16xi32>], vector<16xf32>,
        %add3A_862 = arith.constant 32 : i32
        %add3A_863 = vector.broadcast %add3A_862 : i32 to vector<16xi32>
        %add3A_864 = arith.addi %iota3A, %add3A_863 : vector<16xi32>
        %gather3A_865 = tpu.vector_load_idx %arg11[%gather3A_853, %add3A_864] : memref<137x128xf32, #tpu.memory_space<vmem>>[vector<16xi32>, vector<16xi32>], vector<16xf32>,
        %add3A_866 = arith.constant 48 : i32
        %add3A_867 = vector.broadcast %add3A_866 : i32 to vector<16xi32>
        %add3A_868 = arith.addi %iota3A, %add3A_867 : vector<16xi32>
        %gather3A_869 = tpu.vector_load_idx %arg11[%gather3A_853, %add3A_868] : memref<137x128xf32, #tpu.memory_space<vmem>>[vector<16xi32>, vector<16xi32>], vector<16xf32>,
        %add3A_870 = arith.constant 64 : i32
        %add3A_871 = vector.broadcast %add3A_870 : i32 to vector<16xi32>
        %add3A_872 = arith.addi %iota3A, %add3A_871 : vector<16xi32>
        %gather3A_873 = tpu.vector_load_idx %arg11[%gather3A_853, %add3A_872] : memref<137x128xf32, #tpu.memory_space<vmem>>[vector<16xi32>, vector<16xi32>], vector<16xf32>,
        %add3A_874 = arith.constant 80 : i32
        %add3A_875 = vector.broadcast %add3A_874 : i32 to vector<16xi32>
        %add3A_876 = arith.addi %iota3A, %add3A_875 : vector<16xi32>
        %gather3A_877 = tpu.vector_load_idx %arg11[%gather3A_853, %add3A_876] : memref<137x128xf32, #tpu.memory_space<vmem>>[vector<16xi32>, vector<16xi32>], vector<16xf32>,
        %add3A_878 = arith.constant 96 : i32
        %add3A_879 = vector.broadcast %add3A_878 : i32 to vector<16xi32>
        %add3A_880 = arith.addi %iota3A, %add3A_879 : vector<16xi32>
        %gather3A_881 = tpu.vector_load_idx %arg11[%gather3A_853, %add3A_880] : memref<137x128xf32, #tpu.memory_space<vmem>>[vector<16xi32>, vector<16xi32>], vector<16xf32>,
        %add3A_882 = arith.constant 112 : i32
        %add3A_883 = vector.broadcast %add3A_882 : i32 to vector<16xi32>
        %add3A_884 = arith.addi %iota3A, %add3A_883 : vector<16xi32>
        %gather3A_885 = tpu.vector_load_idx %arg11[%gather3A_853, %add3A_884] : memref<137x128xf32, #tpu.memory_space<vmem>>[vector<16xi32>, vector<16xi32>], vector<16xf32>,
        %broadcast_in_dim3A_886 = arith.constant 7 : i32
        %broadcast_in_dim3A_887 = vector.broadcast %broadcast_in_dim3A_886 : i32 to vector<16xi32>
        %broadcast_in_dim3A_888 = vector.shape_cast %broadcast_in_dim3A_887 : vector<16xi32> to vector<16x1xi32>
        %gather3A_889 = vector.shape_cast %broadcast_in_dim3A_888 : vector<16x1xi32> to vector<16xi32>
        %gather3A_890 = tpu.dynamic_gather %select_n3A_349[%gather3A_889] in [0] : vector<16xi32>, vector<16xi32> -> vector<16xi32>
        %add3A_891 = arith.constant 0 : i32
        %add3A_892 = vector.broadcast %add3A_891 : i32 to vector<16xi32>
        %add3A_893 = arith.addi %iota3A, %add3A_892 : vector<16xi32>
        %gather3A_894 = tpu.vector_load_idx %arg11[%gather3A_890, %add3A_893] : memref<137x128xf32, #tpu.memory_space<vmem>>[vector<16xi32>, vector<16xi32>], vector<16xf32>,
        %add3A_895 = arith.constant 16 : i32
        %add3A_896 = vector.broadcast %add3A_895 : i32 to vector<16xi32>
        %add3A_897 = arith.addi %iota3A, %add3A_896 : vector<16xi32>
        %gather3A_898 = tpu.vector_load_idx %arg11[%gather3A_890, %add3A_897] : memref<137x128xf32, #tpu.memory_space<vmem>>[vector<16xi32>, vector<16xi32>], vector<16xf32>,
        %add3A_899 = arith.constant 32 : i32
        %add3A_900 = vector.broadcast %add3A_899 : i32 to vector<16xi32>
        %add3A_901 = arith.addi %iota3A, %add3A_900 : vector<16xi32>
        %gather3A_902 = tpu.vector_load_idx %arg11[%gather3A_890, %add3A_901] : memref<137x128xf32, #tpu.memory_space<vmem>>[vector<16xi32>, vector<16xi32>], vector<16xf32>,
        %add3A_903 = arith.constant 48 : i32
        %add3A_904 = vector.broadcast %add3A_903 : i32 to vector<16xi32>
        %add3A_905 = arith.addi %iota3A, %add3A_904 : vector<16xi32>
        %gather3A_906 = tpu.vector_load_idx %arg11[%gather3A_890, %add3A_905] : memref<137x128xf32, #tpu.memory_space<vmem>>[vector<16xi32>, vector<16xi32>], vector<16xf32>,
        %add3A_907 = arith.constant 64 : i32
        %add3A_908 = vector.broadcast %add3A_907 : i32 to vector<16xi32>
        %add3A_909 = arith.addi %iota3A, %add3A_908 : vector<16xi32>
        %gather3A_910 = tpu.vector_load_idx %arg11[%gather3A_890, %add3A_909] : memref<137x128xf32, #tpu.memory_space<vmem>>[vector<16xi32>, vector<16xi32>], vector<16xf32>,
        %add3A_911 = arith.constant 80 : i32
        %add3A_912 = vector.broadcast %add3A_911 : i32 to vector<16xi32>
        %add3A_913 = arith.addi %iota3A, %add3A_912 : vector<16xi32>
        %gather3A_914 = tpu.vector_load_idx %arg11[%gather3A_890, %add3A_913] : memref<137x128xf32, #tpu.memory_space<vmem>>[vector<16xi32>, vector<16xi32>], vector<16xf32>,
        %add3A_915 = arith.constant 96 : i32
        %add3A_916 = vector.broadcast %add3A_915 : i32 to vector<16xi32>
        %add3A_917 = arith.addi %iota3A, %add3A_916 : vector<16xi32>
        %gather3A_918 = tpu.vector_load_idx %arg11[%gather3A_890, %add3A_917] : memref<137x128xf32, #tpu.memory_space<vmem>>[vector<16xi32>, vector<16xi32>], vector<16xf32>,
        %add3A_919 = arith.constant 112 : i32
        %add3A_920 = vector.broadcast %add3A_919 : i32 to vector<16xi32>
        %add3A_921 = arith.addi %iota3A, %add3A_920 : vector<16xi32>
        %gather3A_922 = tpu.vector_load_idx %arg11[%gather3A_890, %add3A_921] : memref<137x128xf32, #tpu.memory_space<vmem>>[vector<16xi32>, vector<16xi32>], vector<16xf32>,
        %broadcast_in_dim3A_923 = arith.constant 4 : i32
        %broadcast_in_dim3A_924 = vector.broadcast %broadcast_in_dim3A_923 : i32 to vector<16xi32>
        %broadcast_in_dim3A_925 = vector.shape_cast %broadcast_in_dim3A_924 : vector<16xi32> to vector<16x1xi32>
        %gather3A_926 = vector.shape_cast %broadcast_in_dim3A_925 : vector<16x1xi32> to vector<16xi32>
        %gather3A_927 = tpu.dynamic_gather %select_n3A_342[%gather3A_926] in [0] : vector<16xf32>, vector<16xi32> -> vector<16xf32>
        %sub3A_928 = arith.subf %gather3A_783, %add3A_713 : vector<16xf32>
        %mul3A_929 = arith.mulf %gather3A_927, %sub3A_928 : vector<16xf32>
        %add3A_930 = arith.addf %add3A_713, %mul3A_929 : vector<16xf32>
        %add3A_931 = arith.constant 4 : i32
        %add3A_932 = arith.addi %mul3A_351, %add3A_931 : i32
        %swap3A_933 = arith.index_cast %add3A_932 : i32 to index
        %swap3A_934 = arith.constant 0 : index
        %swap3A_935 = tpu.vector_load %arg13[%swap3A_933, %swap3A_934] {strides = array<i32>} : memref<128x128xf32, #tpu.memory_space<vmem>>, vector<16xf32>,
        tpu.vector_store %arg13[%swap3A_933, %swap3A_934], %add3A_930 {strides = array<i32>} : memref<128x128xf32, #tpu.memory_space<vmem>>, vector<16xf32>,
        %sub3A_936 = arith.subf %gather3A_787, %add3A_721 : vector<16xf32>
        %mul3A_937 = arith.mulf %gather3A_927, %sub3A_936 : vector<16xf32>
        %add3A_938 = arith.addf %add3A_721, %mul3A_937 : vector<16xf32>
        %add3A_939 = arith.constant 4 : i32
        %add3A_940 = arith.addi %mul3A_351, %add3A_939 : i32
        %swap3A_941 = arith.index_cast %add3A_940 : i32 to index
        %swap3A_942 = arith.constant 16 : index
        %swap3A_943 = tpu.vector_load %arg13[%swap3A_941, %swap3A_942] {strides = array<i32>} : memref<128x128xf32, #tpu.memory_space<vmem>>, vector<16xf32>,
        tpu.vector_store %arg13[%swap3A_941, %swap3A_942], %add3A_938 {strides = array<i32>} : memref<128x128xf32, #tpu.memory_space<vmem>>, vector<16xf32>,
        %sub3A_944 = arith.subf %gather3A_791, %add3A_729 : vector<16xf32>
        %mul3A_945 = arith.mulf %gather3A_927, %sub3A_944 : vector<16xf32>
        %add3A_946 = arith.addf %add3A_729, %mul3A_945 : vector<16xf32>
        %add3A_947 = arith.constant 4 : i32
        %add3A_948 = arith.addi %mul3A_351, %add3A_947 : i32
        %swap3A_949 = arith.index_cast %add3A_948 : i32 to index
        %swap3A_950 = arith.constant 32 : index
        %swap3A_951 = tpu.vector_load %arg13[%swap3A_949, %swap3A_950] {strides = array<i32>} : memref<128x128xf32, #tpu.memory_space<vmem>>, vector<16xf32>,
        tpu.vector_store %arg13[%swap3A_949, %swap3A_950], %add3A_946 {strides = array<i32>} : memref<128x128xf32, #tpu.memory_space<vmem>>, vector<16xf32>,
        %sub3A_952 = arith.subf %gather3A_795, %add3A_737 : vector<16xf32>
        %mul3A_953 = arith.mulf %gather3A_927, %sub3A_952 : vector<16xf32>
        %add3A_954 = arith.addf %add3A_737, %mul3A_953 : vector<16xf32>
        %add3A_955 = arith.constant 4 : i32
        %add3A_956 = arith.addi %mul3A_351, %add3A_955 : i32
        %swap3A_957 = arith.index_cast %add3A_956 : i32 to index
        %swap3A_958 = arith.constant 48 : index
        %swap3A_959 = tpu.vector_load %arg13[%swap3A_957, %swap3A_958] {strides = array<i32>} : memref<128x128xf32, #tpu.memory_space<vmem>>, vector<16xf32>,
        tpu.vector_store %arg13[%swap3A_957, %swap3A_958], %add3A_954 {strides = array<i32>} : memref<128x128xf32, #tpu.memory_space<vmem>>, vector<16xf32>,
        %sub3A_960 = arith.subf %gather3A_799, %add3A_745 : vector<16xf32>
        %mul3A_961 = arith.mulf %gather3A_927, %sub3A_960 : vector<16xf32>
        %add3A_962 = arith.addf %add3A_745, %mul3A_961 : vector<16xf32>
        %add3A_963 = arith.constant 4 : i32
        %add3A_964 = arith.addi %mul3A_351, %add3A_963 : i32
        %swap3A_965 = arith.index_cast %add3A_964 : i32 to index
        %swap3A_966 = arith.constant 64 : index
        %swap3A_967 = tpu.vector_load %arg13[%swap3A_965, %swap3A_966] {strides = array<i32>} : memref<128x128xf32, #tpu.memory_space<vmem>>, vector<16xf32>,
        tpu.vector_store %arg13[%swap3A_965, %swap3A_966], %add3A_962 {strides = array<i32>} : memref<128x128xf32, #tpu.memory_space<vmem>>, vector<16xf32>,
        %sub3A_968 = arith.subf %gather3A_803, %add3A_753 : vector<16xf32>
        %mul3A_969 = arith.mulf %gather3A_927, %sub3A_968 : vector<16xf32>
        %add3A_970 = arith.addf %add3A_753, %mul3A_969 : vector<16xf32>
        %add3A_971 = arith.constant 4 : i32
        %add3A_972 = arith.addi %mul3A_351, %add3A_971 : i32
        %swap3A_973 = arith.index_cast %add3A_972 : i32 to index
        %swap3A_974 = arith.constant 80 : index
        %swap3A_975 = tpu.vector_load %arg13[%swap3A_973, %swap3A_974] {strides = array<i32>} : memref<128x128xf32, #tpu.memory_space<vmem>>, vector<16xf32>,
        tpu.vector_store %arg13[%swap3A_973, %swap3A_974], %add3A_970 {strides = array<i32>} : memref<128x128xf32, #tpu.memory_space<vmem>>, vector<16xf32>,
        %sub3A_976 = arith.subf %gather3A_807, %add3A_761 : vector<16xf32>
        %mul3A_977 = arith.mulf %gather3A_927, %sub3A_976 : vector<16xf32>
        %add3A_978 = arith.addf %add3A_761, %mul3A_977 : vector<16xf32>
        %add3A_979 = arith.constant 4 : i32
        %add3A_980 = arith.addi %mul3A_351, %add3A_979 : i32
        %swap3A_981 = arith.index_cast %add3A_980 : i32 to index
        %swap3A_982 = arith.constant 96 : index
        %swap3A_983 = tpu.vector_load %arg13[%swap3A_981, %swap3A_982] {strides = array<i32>} : memref<128x128xf32, #tpu.memory_space<vmem>>, vector<16xf32>,
        tpu.vector_store %arg13[%swap3A_981, %swap3A_982], %add3A_978 {strides = array<i32>} : memref<128x128xf32, #tpu.memory_space<vmem>>, vector<16xf32>,
        %sub3A_984 = arith.subf %gather3A_811, %add3A_769 : vector<16xf32>
        %mul3A_985 = arith.mulf %gather3A_927, %sub3A_984 : vector<16xf32>
        %add3A_986 = arith.addf %add3A_769, %mul3A_985 : vector<16xf32>
        %add3A_987 = arith.constant 4 : i32
        %add3A_988 = arith.addi %mul3A_351, %add3A_987 : i32
        %swap3A_989 = arith.index_cast %add3A_988 : i32 to index
        %swap3A_990 = arith.constant 112 : index
        %swap3A_991 = tpu.vector_load %arg13[%swap3A_989, %swap3A_990] {strides = array<i32>} : memref<128x128xf32, #tpu.memory_space<vmem>>, vector<16xf32>,
        tpu.vector_store %arg13[%swap3A_989, %swap3A_990], %add3A_986 {strides = array<i32>} : memref<128x128xf32, #tpu.memory_space<vmem>>, vector<16xf32>,
        %broadcast_in_dim3A_992 = arith.constant 5 : i32
        %broadcast_in_dim3A_993 = vector.broadcast %broadcast_in_dim3A_992 : i32 to vector<16xi32>
        %broadcast_in_dim3A_994 = vector.shape_cast %broadcast_in_dim3A_993 : vector<16xi32> to vector<16x1xi32>
        %gather3A_995 = vector.shape_cast %broadcast_in_dim3A_994 : vector<16x1xi32> to vector<16xi32>
        %gather3A_996 = tpu.dynamic_gather %select_n3A_342[%gather3A_995] in [0] : vector<16xf32>, vector<16xi32> -> vector<16xf32>
        %sub3A_997 = arith.subf %gather3A_820, %add3A_930 : vector<16xf32>
        %mul3A_998 = arith.mulf %gather3A_996, %sub3A_997 : vector<16xf32>
        %add3A_999 = arith.addf %add3A_930, %mul3A_998 : vector<16xf32>
        %add3A_1000 = arith.constant 5 : i32
        %add3A_1001 = arith.addi %mul3A_351, %add3A_1000 : i32
        %swap3A_1002 = arith.index_cast %add3A_1001 : i32 to index
        %swap3A_1003 = arith.constant 0 : index
        %swap3A_1004 = tpu.vector_load %arg13[%swap3A_1002, %swap3A_1003] {strides = array<i32>} : memref<128x128xf32, #tpu.memory_space<vmem>>, vector<16xf32>,
        tpu.vector_store %arg13[%swap3A_1002, %swap3A_1003], %add3A_999 {strides = array<i32>} : memref<128x128xf32, #tpu.memory_space<vmem>>, vector<16xf32>,
        %sub3A_1005 = arith.subf %gather3A_824, %add3A_938 : vector<16xf32>
        %mul3A_1006 = arith.mulf %gather3A_996, %sub3A_1005 : vector<16xf32>
        %add3A_1007 = arith.addf %add3A_938, %mul3A_1006 : vector<16xf32>
        %add3A_1008 = arith.constant 5 : i32
        %add3A_1009 = arith.addi %mul3A_351, %add3A_1008 : i32
        %swap3A_1010 = arith.index_cast %add3A_1009 : i32 to index
        %swap3A_1011 = arith.constant 16 : index
        %swap3A_1012 = tpu.vector_load %arg13[%swap3A_1010, %swap3A_1011] {strides = array<i32>} : memref<128x128xf32, #tpu.memory_space<vmem>>, vector<16xf32>,
        tpu.vector_store %arg13[%swap3A_1010, %swap3A_1011], %add3A_1007 {strides = array<i32>} : memref<128x128xf32, #tpu.memory_space<vmem>>, vector<16xf32>,
        %sub3A_1013 = arith.subf %gather3A_828, %add3A_946 : vector<16xf32>
        %mul3A_1014 = arith.mulf %gather3A_996, %sub3A_1013 : vector<16xf32>
        %add3A_1015 = arith.addf %add3A_946, %mul3A_1014 : vector<16xf32>
        %add3A_1016 = arith.constant 5 : i32
        %add3A_1017 = arith.addi %mul3A_351, %add3A_1016 : i32
        %swap3A_1018 = arith.index_cast %add3A_1017 : i32 to index
        %swap3A_1019 = arith.constant 32 : index
        %swap3A_1020 = tpu.vector_load %arg13[%swap3A_1018, %swap3A_1019] {strides = array<i32>} : memref<128x128xf32, #tpu.memory_space<vmem>>, vector<16xf32>,
        tpu.vector_store %arg13[%swap3A_1018, %swap3A_1019], %add3A_1015 {strides = array<i32>} : memref<128x128xf32, #tpu.memory_space<vmem>>, vector<16xf32>,
        %sub3A_1021 = arith.subf %gather3A_832, %add3A_954 : vector<16xf32>
        %mul3A_1022 = arith.mulf %gather3A_996, %sub3A_1021 : vector<16xf32>
        %add3A_1023 = arith.addf %add3A_954, %mul3A_1022 : vector<16xf32>
        %add3A_1024 = arith.constant 5 : i32
        %add3A_1025 = arith.addi %mul3A_351, %add3A_1024 : i32
        %swap3A_1026 = arith.index_cast %add3A_1025 : i32 to index
        %swap3A_1027 = arith.constant 48 : index
        %swap3A_1028 = tpu.vector_load %arg13[%swap3A_1026, %swap3A_1027] {strides = array<i32>} : memref<128x128xf32, #tpu.memory_space<vmem>>, vector<16xf32>,
        tpu.vector_store %arg13[%swap3A_1026, %swap3A_1027], %add3A_1023 {strides = array<i32>} : memref<128x128xf32, #tpu.memory_space<vmem>>, vector<16xf32>,
        %sub3A_1029 = arith.subf %gather3A_836, %add3A_962 : vector<16xf32>
        %mul3A_1030 = arith.mulf %gather3A_996, %sub3A_1029 : vector<16xf32>
        %add3A_1031 = arith.addf %add3A_962, %mul3A_1030 : vector<16xf32>
        %add3A_1032 = arith.constant 5 : i32
        %add3A_1033 = arith.addi %mul3A_351, %add3A_1032 : i32
        %swap3A_1034 = arith.index_cast %add3A_1033 : i32 to index
        %swap3A_1035 = arith.constant 64 : index
        %swap3A_1036 = tpu.vector_load %arg13[%swap3A_1034, %swap3A_1035] {strides = array<i32>} : memref<128x128xf32, #tpu.memory_space<vmem>>, vector<16xf32>,
        tpu.vector_store %arg13[%swap3A_1034, %swap3A_1035], %add3A_1031 {strides = array<i32>} : memref<128x128xf32, #tpu.memory_space<vmem>>, vector<16xf32>,
        %sub3A_1037 = arith.subf %gather3A_840, %add3A_970 : vector<16xf32>
        %mul3A_1038 = arith.mulf %gather3A_996, %sub3A_1037 : vector<16xf32>
        %add3A_1039 = arith.addf %add3A_970, %mul3A_1038 : vector<16xf32>
        %add3A_1040 = arith.constant 5 : i32
        %add3A_1041 = arith.addi %mul3A_351, %add3A_1040 : i32
        %swap3A_1042 = arith.index_cast %add3A_1041 : i32 to index
        %swap3A_1043 = arith.constant 80 : index
        %swap3A_1044 = tpu.vector_load %arg13[%swap3A_1042, %swap3A_1043] {strides = array<i32>} : memref<128x128xf32, #tpu.memory_space<vmem>>, vector<16xf32>,
        tpu.vector_store %arg13[%swap3A_1042, %swap3A_1043], %add3A_1039 {strides = array<i32>} : memref<128x128xf32, #tpu.memory_space<vmem>>, vector<16xf32>,
        %sub3A_1045 = arith.subf %gather3A_844, %add3A_978 : vector<16xf32>
        %mul3A_1046 = arith.mulf %gather3A_996, %sub3A_1045 : vector<16xf32>
        %add3A_1047 = arith.addf %add3A_978, %mul3A_1046 : vector<16xf32>
        %add3A_1048 = arith.constant 5 : i32
        %add3A_1049 = arith.addi %mul3A_351, %add3A_1048 : i32
        %swap3A_1050 = arith.index_cast %add3A_1049 : i32 to index
        %swap3A_1051 = arith.constant 96 : index
        %swap3A_1052 = tpu.vector_load %arg13[%swap3A_1050, %swap3A_1051] {strides = array<i32>} : memref<128x128xf32, #tpu.memory_space<vmem>>, vector<16xf32>,
        tpu.vector_store %arg13[%swap3A_1050, %swap3A_1051], %add3A_1047 {strides = array<i32>} : memref<128x128xf32, #tpu.memory_space<vmem>>, vector<16xf32>,
        %sub3A_1053 = arith.subf %gather3A_848, %add3A_986 : vector<16xf32>
        %mul3A_1054 = arith.mulf %gather3A_996, %sub3A_1053 : vector<16xf32>
        %add3A_1055 = arith.addf %add3A_986, %mul3A_1054 : vector<16xf32>
        %add3A_1056 = arith.constant 5 : i32
        %add3A_1057 = arith.addi %mul3A_351, %add3A_1056 : i32
        %swap3A_1058 = arith.index_cast %add3A_1057 : i32 to index
        %swap3A_1059 = arith.constant 112 : index
        %swap3A_1060 = tpu.vector_load %arg13[%swap3A_1058, %swap3A_1059] {strides = array<i32>} : memref<128x128xf32, #tpu.memory_space<vmem>>, vector<16xf32>,
        tpu.vector_store %arg13[%swap3A_1058, %swap3A_1059], %add3A_1055 {strides = array<i32>} : memref<128x128xf32, #tpu.memory_space<vmem>>, vector<16xf32>,
        %broadcast_in_dim3A_1061 = arith.constant 6 : i32
        %broadcast_in_dim3A_1062 = vector.broadcast %broadcast_in_dim3A_1061 : i32 to vector<16xi32>
        %broadcast_in_dim3A_1063 = vector.shape_cast %broadcast_in_dim3A_1062 : vector<16xi32> to vector<16x1xi32>
        %gather3A_1064 = vector.shape_cast %broadcast_in_dim3A_1063 : vector<16x1xi32> to vector<16xi32>
        %gather3A_1065 = tpu.dynamic_gather %select_n3A_342[%gather3A_1064] in [0] : vector<16xf32>, vector<16xi32> -> vector<16xf32>
        %sub3A_1066 = arith.subf %gather3A_857, %add3A_999 : vector<16xf32>
        %mul3A_1067 = arith.mulf %gather3A_1065, %sub3A_1066 : vector<16xf32>
        %add3A_1068 = arith.addf %add3A_999, %mul3A_1067 : vector<16xf32>
        %add3A_1069 = arith.constant 6 : i32
        %add3A_1070 = arith.addi %mul3A_351, %add3A_1069 : i32
        %swap3A_1071 = arith.index_cast %add3A_1070 : i32 to index
        %swap3A_1072 = arith.constant 0 : index
        %swap3A_1073 = tpu.vector_load %arg13[%swap3A_1071, %swap3A_1072] {strides = array<i32>} : memref<128x128xf32, #tpu.memory_space<vmem>>, vector<16xf32>,
        tpu.vector_store %arg13[%swap3A_1071, %swap3A_1072], %add3A_1068 {strides = array<i32>} : memref<128x128xf32, #tpu.memory_space<vmem>>, vector<16xf32>,
        %sub3A_1074 = arith.subf %gather3A_861, %add3A_1007 : vector<16xf32>
        %mul3A_1075 = arith.mulf %gather3A_1065, %sub3A_1074 : vector<16xf32>
        %add3A_1076 = arith.addf %add3A_1007, %mul3A_1075 : vector<16xf32>
        %add3A_1077 = arith.constant 6 : i32
        %add3A_1078 = arith.addi %mul3A_351, %add3A_1077 : i32
        %swap3A_1079 = arith.index_cast %add3A_1078 : i32 to index
        %swap3A_1080 = arith.constant 16 : index
        %swap3A_1081 = tpu.vector_load %arg13[%swap3A_1079, %swap3A_1080] {strides = array<i32>} : memref<128x128xf32, #tpu.memory_space<vmem>>, vector<16xf32>,
        tpu.vector_store %arg13[%swap3A_1079, %swap3A_1080], %add3A_1076 {strides = array<i32>} : memref<128x128xf32, #tpu.memory_space<vmem>>, vector<16xf32>,
        %sub3A_1082 = arith.subf %gather3A_865, %add3A_1015 : vector<16xf32>
        %mul3A_1083 = arith.mulf %gather3A_1065, %sub3A_1082 : vector<16xf32>
        %add3A_1084 = arith.addf %add3A_1015, %mul3A_1083 : vector<16xf32>
        %add3A_1085 = arith.constant 6 : i32
        %add3A_1086 = arith.addi %mul3A_351, %add3A_1085 : i32
        %swap3A_1087 = arith.index_cast %add3A_1086 : i32 to index
        %swap3A_1088 = arith.constant 32 : index
        %swap3A_1089 = tpu.vector_load %arg13[%swap3A_1087, %swap3A_1088] {strides = array<i32>} : memref<128x128xf32, #tpu.memory_space<vmem>>, vector<16xf32>,
        tpu.vector_store %arg13[%swap3A_1087, %swap3A_1088], %add3A_1084 {strides = array<i32>} : memref<128x128xf32, #tpu.memory_space<vmem>>, vector<16xf32>,
        %sub3A_1090 = arith.subf %gather3A_869, %add3A_1023 : vector<16xf32>
        %mul3A_1091 = arith.mulf %gather3A_1065, %sub3A_1090 : vector<16xf32>
        %add3A_1092 = arith.addf %add3A_1023, %mul3A_1091 : vector<16xf32>
        %add3A_1093 = arith.constant 6 : i32
        %add3A_1094 = arith.addi %mul3A_351, %add3A_1093 : i32
        %swap3A_1095 = arith.index_cast %add3A_1094 : i32 to index
        %swap3A_1096 = arith.constant 48 : index
        %swap3A_1097 = tpu.vector_load %arg13[%swap3A_1095, %swap3A_1096] {strides = array<i32>} : memref<128x128xf32, #tpu.memory_space<vmem>>, vector<16xf32>,
        tpu.vector_store %arg13[%swap3A_1095, %swap3A_1096], %add3A_1092 {strides = array<i32>} : memref<128x128xf32, #tpu.memory_space<vmem>>, vector<16xf32>,
        %sub3A_1098 = arith.subf %gather3A_873, %add3A_1031 : vector<16xf32>
        %mul3A_1099 = arith.mulf %gather3A_1065, %sub3A_1098 : vector<16xf32>
        %add3A_1100 = arith.addf %add3A_1031, %mul3A_1099 : vector<16xf32>
        %add3A_1101 = arith.constant 6 : i32
        %add3A_1102 = arith.addi %mul3A_351, %add3A_1101 : i32
        %swap3A_1103 = arith.index_cast %add3A_1102 : i32 to index
        %swap3A_1104 = arith.constant 64 : index
        %swap3A_1105 = tpu.vector_load %arg13[%swap3A_1103, %swap3A_1104] {strides = array<i32>} : memref<128x128xf32, #tpu.memory_space<vmem>>, vector<16xf32>,
        tpu.vector_store %arg13[%swap3A_1103, %swap3A_1104], %add3A_1100 {strides = array<i32>} : memref<128x128xf32, #tpu.memory_space<vmem>>, vector<16xf32>,
        %sub3A_1106 = arith.subf %gather3A_877, %add3A_1039 : vector<16xf32>
        %mul3A_1107 = arith.mulf %gather3A_1065, %sub3A_1106 : vector<16xf32>
        %add3A_1108 = arith.addf %add3A_1039, %mul3A_1107 : vector<16xf32>
        %add3A_1109 = arith.constant 6 : i32
        %add3A_1110 = arith.addi %mul3A_351, %add3A_1109 : i32
        %swap3A_1111 = arith.index_cast %add3A_1110 : i32 to index
        %swap3A_1112 = arith.constant 80 : index
        %swap3A_1113 = tpu.vector_load %arg13[%swap3A_1111, %swap3A_1112] {strides = array<i32>} : memref<128x128xf32, #tpu.memory_space<vmem>>, vector<16xf32>,
        tpu.vector_store %arg13[%swap3A_1111, %swap3A_1112], %add3A_1108 {strides = array<i32>} : memref<128x128xf32, #tpu.memory_space<vmem>>, vector<16xf32>,
        %sub3A_1114 = arith.subf %gather3A_881, %add3A_1047 : vector<16xf32>
        %mul3A_1115 = arith.mulf %gather3A_1065, %sub3A_1114 : vector<16xf32>
        %add3A_1116 = arith.addf %add3A_1047, %mul3A_1115 : vector<16xf32>
        %add3A_1117 = arith.constant 6 : i32
        %add3A_1118 = arith.addi %mul3A_351, %add3A_1117 : i32
        %swap3A_1119 = arith.index_cast %add3A_1118 : i32 to index
        %swap3A_1120 = arith.constant 96 : index
        %swap3A_1121 = tpu.vector_load %arg13[%swap3A_1119, %swap3A_1120] {strides = array<i32>} : memref<128x128xf32, #tpu.memory_space<vmem>>, vector<16xf32>,
        tpu.vector_store %arg13[%swap3A_1119, %swap3A_1120], %add3A_1116 {strides = array<i32>} : memref<128x128xf32, #tpu.memory_space<vmem>>, vector<16xf32>,
        %sub3A_1122 = arith.subf %gather3A_885, %add3A_1055 : vector<16xf32>
        %mul3A_1123 = arith.mulf %gather3A_1065, %sub3A_1122 : vector<16xf32>
        %add3A_1124 = arith.addf %add3A_1055, %mul3A_1123 : vector<16xf32>
        %add3A_1125 = arith.constant 6 : i32
        %add3A_1126 = arith.addi %mul3A_351, %add3A_1125 : i32
        %swap3A_1127 = arith.index_cast %add3A_1126 : i32 to index
        %swap3A_1128 = arith.constant 112 : index
        %swap3A_1129 = tpu.vector_load %arg13[%swap3A_1127, %swap3A_1128] {strides = array<i32>} : memref<128x128xf32, #tpu.memory_space<vmem>>, vector<16xf32>,
        tpu.vector_store %arg13[%swap3A_1127, %swap3A_1128], %add3A_1124 {strides = array<i32>} : memref<128x128xf32, #tpu.memory_space<vmem>>, vector<16xf32>,
        %broadcast_in_dim3A_1130 = arith.constant 7 : i32
        %broadcast_in_dim3A_1131 = vector.broadcast %broadcast_in_dim3A_1130 : i32 to vector<16xi32>
        %broadcast_in_dim3A_1132 = vector.shape_cast %broadcast_in_dim3A_1131 : vector<16xi32> to vector<16x1xi32>
        %gather3A_1133 = vector.shape_cast %broadcast_in_dim3A_1132 : vector<16x1xi32> to vector<16xi32>
        %gather3A_1134 = tpu.dynamic_gather %select_n3A_342[%gather3A_1133] in [0] : vector<16xf32>, vector<16xi32> -> vector<16xf32>
        %sub3A_1135 = arith.subf %gather3A_894, %add3A_1068 : vector<16xf32>
        %mul3A_1136 = arith.mulf %gather3A_1134, %sub3A_1135 : vector<16xf32>
        %add3A_1137 = arith.addf %add3A_1068, %mul3A_1136 : vector<16xf32>
        %add3A_1138 = arith.constant 7 : i32
        %add3A_1139 = arith.addi %mul3A_351, %add3A_1138 : i32
        %swap3A_1140 = arith.index_cast %add3A_1139 : i32 to index
        %swap3A_1141 = arith.constant 0 : index
        %swap3A_1142 = tpu.vector_load %arg13[%swap3A_1140, %swap3A_1141] {strides = array<i32>} : memref<128x128xf32, #tpu.memory_space<vmem>>, vector<16xf32>,
        tpu.vector_store %arg13[%swap3A_1140, %swap3A_1141], %add3A_1137 {strides = array<i32>} : memref<128x128xf32, #tpu.memory_space<vmem>>, vector<16xf32>,
        %sub3A_1143 = arith.subf %gather3A_898, %add3A_1076 : vector<16xf32>
        %mul3A_1144 = arith.mulf %gather3A_1134, %sub3A_1143 : vector<16xf32>
        %add3A_1145 = arith.addf %add3A_1076, %mul3A_1144 : vector<16xf32>
        %add3A_1146 = arith.constant 7 : i32
        %add3A_1147 = arith.addi %mul3A_351, %add3A_1146 : i32
        %swap3A_1148 = arith.index_cast %add3A_1147 : i32 to index
        %swap3A_1149 = arith.constant 16 : index
        %swap3A_1150 = tpu.vector_load %arg13[%swap3A_1148, %swap3A_1149] {strides = array<i32>} : memref<128x128xf32, #tpu.memory_space<vmem>>, vector<16xf32>,
        tpu.vector_store %arg13[%swap3A_1148, %swap3A_1149], %add3A_1145 {strides = array<i32>} : memref<128x128xf32, #tpu.memory_space<vmem>>, vector<16xf32>,
        %sub3A_1151 = arith.subf %gather3A_902, %add3A_1084 : vector<16xf32>
        %mul3A_1152 = arith.mulf %gather3A_1134, %sub3A_1151 : vector<16xf32>
        %add3A_1153 = arith.addf %add3A_1084, %mul3A_1152 : vector<16xf32>
        %add3A_1154 = arith.constant 7 : i32
        %add3A_1155 = arith.addi %mul3A_351, %add3A_1154 : i32
        %swap3A_1156 = arith.index_cast %add3A_1155 : i32 to index
        %swap3A_1157 = arith.constant 32 : index
        %swap3A_1158 = tpu.vector_load %arg13[%swap3A_1156, %swap3A_1157] {strides = array<i32>} : memref<128x128xf32, #tpu.memory_space<vmem>>, vector<16xf32>,
        tpu.vector_store %arg13[%swap3A_1156, %swap3A_1157], %add3A_1153 {strides = array<i32>} : memref<128x128xf32, #tpu.memory_space<vmem>>, vector<16xf32>,
        %sub3A_1159 = arith.subf %gather3A_906, %add3A_1092 : vector<16xf32>
        %mul3A_1160 = arith.mulf %gather3A_1134, %sub3A_1159 : vector<16xf32>
        %add3A_1161 = arith.addf %add3A_1092, %mul3A_1160 : vector<16xf32>
        %add3A_1162 = arith.constant 7 : i32
        %add3A_1163 = arith.addi %mul3A_351, %add3A_1162 : i32
        %swap3A_1164 = arith.index_cast %add3A_1163 : i32 to index
        %swap3A_1165 = arith.constant 48 : index
        %swap3A_1166 = tpu.vector_load %arg13[%swap3A_1164, %swap3A_1165] {strides = array<i32>} : memref<128x128xf32, #tpu.memory_space<vmem>>, vector<16xf32>,
        tpu.vector_store %arg13[%swap3A_1164, %swap3A_1165], %add3A_1161 {strides = array<i32>} : memref<128x128xf32, #tpu.memory_space<vmem>>, vector<16xf32>,
        %sub3A_1167 = arith.subf %gather3A_910, %add3A_1100 : vector<16xf32>
        %mul3A_1168 = arith.mulf %gather3A_1134, %sub3A_1167 : vector<16xf32>
        %add3A_1169 = arith.addf %add3A_1100, %mul3A_1168 : vector<16xf32>
        %add3A_1170 = arith.constant 7 : i32
        %add3A_1171 = arith.addi %mul3A_351, %add3A_1170 : i32
        %swap3A_1172 = arith.index_cast %add3A_1171 : i32 to index
        %swap3A_1173 = arith.constant 64 : index
        %swap3A_1174 = tpu.vector_load %arg13[%swap3A_1172, %swap3A_1173] {strides = array<i32>} : memref<128x128xf32, #tpu.memory_space<vmem>>, vector<16xf32>,
        tpu.vector_store %arg13[%swap3A_1172, %swap3A_1173], %add3A_1169 {strides = array<i32>} : memref<128x128xf32, #tpu.memory_space<vmem>>, vector<16xf32>,
        %sub3A_1175 = arith.subf %gather3A_914, %add3A_1108 : vector<16xf32>
        %mul3A_1176 = arith.mulf %gather3A_1134, %sub3A_1175 : vector<16xf32>
        %add3A_1177 = arith.addf %add3A_1108, %mul3A_1176 : vector<16xf32>
        %add3A_1178 = arith.constant 7 : i32
        %add3A_1179 = arith.addi %mul3A_351, %add3A_1178 : i32
        %swap3A_1180 = arith.index_cast %add3A_1179 : i32 to index
        %swap3A_1181 = arith.constant 80 : index
        %swap3A_1182 = tpu.vector_load %arg13[%swap3A_1180, %swap3A_1181] {strides = array<i32>} : memref<128x128xf32, #tpu.memory_space<vmem>>, vector<16xf32>,
        tpu.vector_store %arg13[%swap3A_1180, %swap3A_1181], %add3A_1177 {strides = array<i32>} : memref<128x128xf32, #tpu.memory_space<vmem>>, vector<16xf32>,
        %sub3A_1183 = arith.subf %gather3A_918, %add3A_1116 : vector<16xf32>
        %mul3A_1184 = arith.mulf %gather3A_1134, %sub3A_1183 : vector<16xf32>
        %add3A_1185 = arith.addf %add3A_1116, %mul3A_1184 : vector<16xf32>
        %add3A_1186 = arith.constant 7 : i32
        %add3A_1187 = arith.addi %mul3A_351, %add3A_1186 : i32
        %swap3A_1188 = arith.index_cast %add3A_1187 : i32 to index
        %swap3A_1189 = arith.constant 96 : index
        %swap3A_1190 = tpu.vector_load %arg13[%swap3A_1188, %swap3A_1189] {strides = array<i32>} : memref<128x128xf32, #tpu.memory_space<vmem>>, vector<16xf32>,
        tpu.vector_store %arg13[%swap3A_1188, %swap3A_1189], %add3A_1185 {strides = array<i32>} : memref<128x128xf32, #tpu.memory_space<vmem>>, vector<16xf32>,
        %sub3A_1191 = arith.subf %gather3A_922, %add3A_1124 : vector<16xf32>
        %mul3A_1192 = arith.mulf %gather3A_1134, %sub3A_1191 : vector<16xf32>
        %add3A_1193 = arith.addf %add3A_1124, %mul3A_1192 : vector<16xf32>
        %add3A_1194 = arith.constant 7 : i32
        %add3A_1195 = arith.addi %mul3A_351, %add3A_1194 : i32
        %swap3A_1196 = arith.index_cast %add3A_1195 : i32 to index
        %swap3A_1197 = arith.constant 112 : index
        %swap3A_1198 = tpu.vector_load %arg13[%swap3A_1196, %swap3A_1197] {strides = array<i32>} : memref<128x128xf32, #tpu.memory_space<vmem>>, vector<16xf32>,
        tpu.vector_store %arg13[%swap3A_1196, %swap3A_1197], %add3A_1193 {strides = array<i32>} : memref<128x128xf32, #tpu.memory_space<vmem>>, vector<16xf32>,
        %broadcast_in_dim3A_1199 = arith.constant 8 : i32
        %broadcast_in_dim3A_1200 = vector.broadcast %broadcast_in_dim3A_1199 : i32 to vector<16xi32>
        %broadcast_in_dim3A_1201 = vector.shape_cast %broadcast_in_dim3A_1200 : vector<16xi32> to vector<16x1xi32>
        %gather3A_1202 = vector.shape_cast %broadcast_in_dim3A_1201 : vector<16x1xi32> to vector<16xi32>
        %gather3A_1203 = tpu.dynamic_gather %select_n3A_349[%gather3A_1202] in [0] : vector<16xi32>, vector<16xi32> -> vector<16xi32>
        %add3A_1204 = arith.constant 0 : i32
        %add3A_1205 = vector.broadcast %add3A_1204 : i32 to vector<16xi32>
        %add3A_1206 = arith.addi %iota3A, %add3A_1205 : vector<16xi32>
        %gather3A_1207 = tpu.vector_load_idx %arg11[%gather3A_1203, %add3A_1206] : memref<137x128xf32, #tpu.memory_space<vmem>>[vector<16xi32>, vector<16xi32>], vector<16xf32>,
        %add3A_1208 = arith.constant 16 : i32
        %add3A_1209 = vector.broadcast %add3A_1208 : i32 to vector<16xi32>
        %add3A_1210 = arith.addi %iota3A, %add3A_1209 : vector<16xi32>
        %gather3A_1211 = tpu.vector_load_idx %arg11[%gather3A_1203, %add3A_1210] : memref<137x128xf32, #tpu.memory_space<vmem>>[vector<16xi32>, vector<16xi32>], vector<16xf32>,
        %add3A_1212 = arith.constant 32 : i32
        %add3A_1213 = vector.broadcast %add3A_1212 : i32 to vector<16xi32>
        %add3A_1214 = arith.addi %iota3A, %add3A_1213 : vector<16xi32>
        %gather3A_1215 = tpu.vector_load_idx %arg11[%gather3A_1203, %add3A_1214] : memref<137x128xf32, #tpu.memory_space<vmem>>[vector<16xi32>, vector<16xi32>], vector<16xf32>,
        %add3A_1216 = arith.constant 48 : i32
        %add3A_1217 = vector.broadcast %add3A_1216 : i32 to vector<16xi32>
        %add3A_1218 = arith.addi %iota3A, %add3A_1217 : vector<16xi32>
        %gather3A_1219 = tpu.vector_load_idx %arg11[%gather3A_1203, %add3A_1218] : memref<137x128xf32, #tpu.memory_space<vmem>>[vector<16xi32>, vector<16xi32>], vector<16xf32>,
        %add3A_1220 = arith.constant 64 : i32
        %add3A_1221 = vector.broadcast %add3A_1220 : i32 to vector<16xi32>
        %add3A_1222 = arith.addi %iota3A, %add3A_1221 : vector<16xi32>
        %gather3A_1223 = tpu.vector_load_idx %arg11[%gather3A_1203, %add3A_1222] : memref<137x128xf32, #tpu.memory_space<vmem>>[vector<16xi32>, vector<16xi32>], vector<16xf32>,
        %add3A_1224 = arith.constant 80 : i32
        %add3A_1225 = vector.broadcast %add3A_1224 : i32 to vector<16xi32>
        %add3A_1226 = arith.addi %iota3A, %add3A_1225 : vector<16xi32>
        %gather3A_1227 = tpu.vector_load_idx %arg11[%gather3A_1203, %add3A_1226] : memref<137x128xf32, #tpu.memory_space<vmem>>[vector<16xi32>, vector<16xi32>], vector<16xf32>,
        %add3A_1228 = arith.constant 96 : i32
        %add3A_1229 = vector.broadcast %add3A_1228 : i32 to vector<16xi32>
        %add3A_1230 = arith.addi %iota3A, %add3A_1229 : vector<16xi32>
        %gather3A_1231 = tpu.vector_load_idx %arg11[%gather3A_1203, %add3A_1230] : memref<137x128xf32, #tpu.memory_space<vmem>>[vector<16xi32>, vector<16xi32>], vector<16xf32>,
        %add3A_1232 = arith.constant 112 : i32
        %add3A_1233 = vector.broadcast %add3A_1232 : i32 to vector<16xi32>
        %add3A_1234 = arith.addi %iota3A, %add3A_1233 : vector<16xi32>
        %gather3A_1235 = tpu.vector_load_idx %arg11[%gather3A_1203, %add3A_1234] : memref<137x128xf32, #tpu.memory_space<vmem>>[vector<16xi32>, vector<16xi32>], vector<16xf32>,
        %broadcast_in_dim3A_1236 = arith.constant 9 : i32
        %broadcast_in_dim3A_1237 = vector.broadcast %broadcast_in_dim3A_1236 : i32 to vector<16xi32>
        %broadcast_in_dim3A_1238 = vector.shape_cast %broadcast_in_dim3A_1237 : vector<16xi32> to vector<16x1xi32>
        %gather3A_1239 = vector.shape_cast %broadcast_in_dim3A_1238 : vector<16x1xi32> to vector<16xi32>
        %gather3A_1240 = tpu.dynamic_gather %select_n3A_349[%gather3A_1239] in [0] : vector<16xi32>, vector<16xi32> -> vector<16xi32>
        %add3A_1241 = arith.constant 0 : i32
        %add3A_1242 = vector.broadcast %add3A_1241 : i32 to vector<16xi32>
        %add3A_1243 = arith.addi %iota3A, %add3A_1242 : vector<16xi32>
        %gather3A_1244 = tpu.vector_load_idx %arg11[%gather3A_1240, %add3A_1243] : memref<137x128xf32, #tpu.memory_space<vmem>>[vector<16xi32>, vector<16xi32>], vector<16xf32>,
        %add3A_1245 = arith.constant 16 : i32
        %add3A_1246 = vector.broadcast %add3A_1245 : i32 to vector<16xi32>
        %add3A_1247 = arith.addi %iota3A, %add3A_1246 : vector<16xi32>
        %gather3A_1248 = tpu.vector_load_idx %arg11[%gather3A_1240, %add3A_1247] : memref<137x128xf32, #tpu.memory_space<vmem>>[vector<16xi32>, vector<16xi32>], vector<16xf32>,
        %add3A_1249 = arith.constant 32 : i32
        %add3A_1250 = vector.broadcast %add3A_1249 : i32 to vector<16xi32>
        %add3A_1251 = arith.addi %iota3A, %add3A_1250 : vector<16xi32>
        %gather3A_1252 = tpu.vector_load_idx %arg11[%gather3A_1240, %add3A_1251] : memref<137x128xf32, #tpu.memory_space<vmem>>[vector<16xi32>, vector<16xi32>], vector<16xf32>,
        %add3A_1253 = arith.constant 48 : i32
        %add3A_1254 = vector.broadcast %add3A_1253 : i32 to vector<16xi32>
        %add3A_1255 = arith.addi %iota3A, %add3A_1254 : vector<16xi32>
        %gather3A_1256 = tpu.vector_load_idx %arg11[%gather3A_1240, %add3A_1255] : memref<137x128xf32, #tpu.memory_space<vmem>>[vector<16xi32>, vector<16xi32>], vector<16xf32>,
        %add3A_1257 = arith.constant 64 : i32
        %add3A_1258 = vector.broadcast %add3A_1257 : i32 to vector<16xi32>
        %add3A_1259 = arith.addi %iota3A, %add3A_1258 : vector<16xi32>
        %gather3A_1260 = tpu.vector_load_idx %arg11[%gather3A_1240, %add3A_1259] : memref<137x128xf32, #tpu.memory_space<vmem>>[vector<16xi32>, vector<16xi32>], vector<16xf32>,
        %add3A_1261 = arith.constant 80 : i32
        %add3A_1262 = vector.broadcast %add3A_1261 : i32 to vector<16xi32>
        %add3A_1263 = arith.addi %iota3A, %add3A_1262 : vector<16xi32>
        %gather3A_1264 = tpu.vector_load_idx %arg11[%gather3A_1240, %add3A_1263] : memref<137x128xf32, #tpu.memory_space<vmem>>[vector<16xi32>, vector<16xi32>], vector<16xf32>,
        %add3A_1265 = arith.constant 96 : i32
        %add3A_1266 = vector.broadcast %add3A_1265 : i32 to vector<16xi32>
        %add3A_1267 = arith.addi %iota3A, %add3A_1266 : vector<16xi32>
        %gather3A_1268 = tpu.vector_load_idx %arg11[%gather3A_1240, %add3A_1267] : memref<137x128xf32, #tpu.memory_space<vmem>>[vector<16xi32>, vector<16xi32>], vector<16xf32>,
        %add3A_1269 = arith.constant 112 : i32
        %add3A_1270 = vector.broadcast %add3A_1269 : i32 to vector<16xi32>
        %add3A_1271 = arith.addi %iota3A, %add3A_1270 : vector<16xi32>
        %gather3A_1272 = tpu.vector_load_idx %arg11[%gather3A_1240, %add3A_1271] : memref<137x128xf32, #tpu.memory_space<vmem>>[vector<16xi32>, vector<16xi32>], vector<16xf32>,
        %broadcast_in_dim3A_1273 = arith.constant 10 : i32
        %broadcast_in_dim3A_1274 = vector.broadcast %broadcast_in_dim3A_1273 : i32 to vector<16xi32>
        %broadcast_in_dim3A_1275 = vector.shape_cast %broadcast_in_dim3A_1274 : vector<16xi32> to vector<16x1xi32>
        %gather3A_1276 = vector.shape_cast %broadcast_in_dim3A_1275 : vector<16x1xi32> to vector<16xi32>
        %gather3A_1277 = tpu.dynamic_gather %select_n3A_349[%gather3A_1276] in [0] : vector<16xi32>, vector<16xi32> -> vector<16xi32>
        %add3A_1278 = arith.constant 0 : i32
        %add3A_1279 = vector.broadcast %add3A_1278 : i32 to vector<16xi32>
        %add3A_1280 = arith.addi %iota3A, %add3A_1279 : vector<16xi32>
        %gather3A_1281 = tpu.vector_load_idx %arg11[%gather3A_1277, %add3A_1280] : memref<137x128xf32, #tpu.memory_space<vmem>>[vector<16xi32>, vector<16xi32>], vector<16xf32>,
        %add3A_1282 = arith.constant 16 : i32
        %add3A_1283 = vector.broadcast %add3A_1282 : i32 to vector<16xi32>
        %add3A_1284 = arith.addi %iota3A, %add3A_1283 : vector<16xi32>
        %gather3A_1285 = tpu.vector_load_idx %arg11[%gather3A_1277, %add3A_1284] : memref<137x128xf32, #tpu.memory_space<vmem>>[vector<16xi32>, vector<16xi32>], vector<16xf32>,
        %add3A_1286 = arith.constant 32 : i32
        %add3A_1287 = vector.broadcast %add3A_1286 : i32 to vector<16xi32>
        %add3A_1288 = arith.addi %iota3A, %add3A_1287 : vector<16xi32>
        %gather3A_1289 = tpu.vector_load_idx %arg11[%gather3A_1277, %add3A_1288] : memref<137x128xf32, #tpu.memory_space<vmem>>[vector<16xi32>, vector<16xi32>], vector<16xf32>,
        %add3A_1290 = arith.constant 48 : i32
        %add3A_1291 = vector.broadcast %add3A_1290 : i32 to vector<16xi32>
        %add3A_1292 = arith.addi %iota3A, %add3A_1291 : vector<16xi32>
        %gather3A_1293 = tpu.vector_load_idx %arg11[%gather3A_1277, %add3A_1292] : memref<137x128xf32, #tpu.memory_space<vmem>>[vector<16xi32>, vector<16xi32>], vector<16xf32>,
        %add3A_1294 = arith.constant 64 : i32
        %add3A_1295 = vector.broadcast %add3A_1294 : i32 to vector<16xi32>
        %add3A_1296 = arith.addi %iota3A, %add3A_1295 : vector<16xi32>
        %gather3A_1297 = tpu.vector_load_idx %arg11[%gather3A_1277, %add3A_1296] : memref<137x128xf32, #tpu.memory_space<vmem>>[vector<16xi32>, vector<16xi32>], vector<16xf32>,
        %add3A_1298 = arith.constant 80 : i32
        %add3A_1299 = vector.broadcast %add3A_1298 : i32 to vector<16xi32>
        %add3A_1300 = arith.addi %iota3A, %add3A_1299 : vector<16xi32>
        %gather3A_1301 = tpu.vector_load_idx %arg11[%gather3A_1277, %add3A_1300] : memref<137x128xf32, #tpu.memory_space<vmem>>[vector<16xi32>, vector<16xi32>], vector<16xf32>,
        %add3A_1302 = arith.constant 96 : i32
        %add3A_1303 = vector.broadcast %add3A_1302 : i32 to vector<16xi32>
        %add3A_1304 = arith.addi %iota3A, %add3A_1303 : vector<16xi32>
        %gather3A_1305 = tpu.vector_load_idx %arg11[%gather3A_1277, %add3A_1304] : memref<137x128xf32, #tpu.memory_space<vmem>>[vector<16xi32>, vector<16xi32>], vector<16xf32>,
        %add3A_1306 = arith.constant 112 : i32
        %add3A_1307 = vector.broadcast %add3A_1306 : i32 to vector<16xi32>
        %add3A_1308 = arith.addi %iota3A, %add3A_1307 : vector<16xi32>
        %gather3A_1309 = tpu.vector_load_idx %arg11[%gather3A_1277, %add3A_1308] : memref<137x128xf32, #tpu.memory_space<vmem>>[vector<16xi32>, vector<16xi32>], vector<16xf32>,
        %broadcast_in_dim3A_1310 = arith.constant 11 : i32
        %broadcast_in_dim3A_1311 = vector.broadcast %broadcast_in_dim3A_1310 : i32 to vector<16xi32>
        %broadcast_in_dim3A_1312 = vector.shape_cast %broadcast_in_dim3A_1311 : vector<16xi32> to vector<16x1xi32>
        %gather3A_1313 = vector.shape_cast %broadcast_in_dim3A_1312 : vector<16x1xi32> to vector<16xi32>
        %gather3A_1314 = tpu.dynamic_gather %select_n3A_349[%gather3A_1313] in [0] : vector<16xi32>, vector<16xi32> -> vector<16xi32>
        %add3A_1315 = arith.constant 0 : i32
        %add3A_1316 = vector.broadcast %add3A_1315 : i32 to vector<16xi32>
        %add3A_1317 = arith.addi %iota3A, %add3A_1316 : vector<16xi32>
        %gather3A_1318 = tpu.vector_load_idx %arg11[%gather3A_1314, %add3A_1317] : memref<137x128xf32, #tpu.memory_space<vmem>>[vector<16xi32>, vector<16xi32>], vector<16xf32>,
        %add3A_1319 = arith.constant 16 : i32
        %add3A_1320 = vector.broadcast %add3A_1319 : i32 to vector<16xi32>
        %add3A_1321 = arith.addi %iota3A, %add3A_1320 : vector<16xi32>
        %gather3A_1322 = tpu.vector_load_idx %arg11[%gather3A_1314, %add3A_1321] : memref<137x128xf32, #tpu.memory_space<vmem>>[vector<16xi32>, vector<16xi32>], vector<16xf32>,
        %add3A_1323 = arith.constant 32 : i32
        %add3A_1324 = vector.broadcast %add3A_1323 : i32 to vector<16xi32>
        %add3A_1325 = arith.addi %iota3A, %add3A_1324 : vector<16xi32>
        %gather3A_1326 = tpu.vector_load_idx %arg11[%gather3A_1314, %add3A_1325] : memref<137x128xf32, #tpu.memory_space<vmem>>[vector<16xi32>, vector<16xi32>], vector<16xf32>,
        %add3A_1327 = arith.constant 48 : i32
        %add3A_1328 = vector.broadcast %add3A_1327 : i32 to vector<16xi32>
        %add3A_1329 = arith.addi %iota3A, %add3A_1328 : vector<16xi32>
        %gather3A_1330 = tpu.vector_load_idx %arg11[%gather3A_1314, %add3A_1329] : memref<137x128xf32, #tpu.memory_space<vmem>>[vector<16xi32>, vector<16xi32>], vector<16xf32>,
        %add3A_1331 = arith.constant 64 : i32
        %add3A_1332 = vector.broadcast %add3A_1331 : i32 to vector<16xi32>
        %add3A_1333 = arith.addi %iota3A, %add3A_1332 : vector<16xi32>
        %gather3A_1334 = tpu.vector_load_idx %arg11[%gather3A_1314, %add3A_1333] : memref<137x128xf32, #tpu.memory_space<vmem>>[vector<16xi32>, vector<16xi32>], vector<16xf32>,
        %add3A_1335 = arith.constant 80 : i32
        %add3A_1336 = vector.broadcast %add3A_1335 : i32 to vector<16xi32>
        %add3A_1337 = arith.addi %iota3A, %add3A_1336 : vector<16xi32>
        %gather3A_1338 = tpu.vector_load_idx %arg11[%gather3A_1314, %add3A_1337] : memref<137x128xf32, #tpu.memory_space<vmem>>[vector<16xi32>, vector<16xi32>], vector<16xf32>,
        %add3A_1339 = arith.constant 96 : i32
        %add3A_1340 = vector.broadcast %add3A_1339 : i32 to vector<16xi32>
        %add3A_1341 = arith.addi %iota3A, %add3A_1340 : vector<16xi32>
        %gather3A_1342 = tpu.vector_load_idx %arg11[%gather3A_1314, %add3A_1341] : memref<137x128xf32, #tpu.memory_space<vmem>>[vector<16xi32>, vector<16xi32>], vector<16xf32>,
        %add3A_1343 = arith.constant 112 : i32
        %add3A_1344 = vector.broadcast %add3A_1343 : i32 to vector<16xi32>
        %add3A_1345 = arith.addi %iota3A, %add3A_1344 : vector<16xi32>
        %gather3A_1346 = tpu.vector_load_idx %arg11[%gather3A_1314, %add3A_1345] : memref<137x128xf32, #tpu.memory_space<vmem>>[vector<16xi32>, vector<16xi32>], vector<16xf32>,
        %broadcast_in_dim3A_1347 = arith.constant 8 : i32
        %broadcast_in_dim3A_1348 = vector.broadcast %broadcast_in_dim3A_1347 : i32 to vector<16xi32>
        %broadcast_in_dim3A_1349 = vector.shape_cast %broadcast_in_dim3A_1348 : vector<16xi32> to vector<16x1xi32>
        %gather3A_1350 = vector.shape_cast %broadcast_in_dim3A_1349 : vector<16x1xi32> to vector<16xi32>
        %gather3A_1351 = tpu.dynamic_gather %select_n3A_342[%gather3A_1350] in [0] : vector<16xf32>, vector<16xi32> -> vector<16xf32>
        %sub3A_1352 = arith.subf %gather3A_1207, %add3A_1137 : vector<16xf32>
        %mul3A_1353 = arith.mulf %gather3A_1351, %sub3A_1352 : vector<16xf32>
        %add3A_1354 = arith.addf %add3A_1137, %mul3A_1353 : vector<16xf32>
        %add3A_1355 = arith.constant 8 : i32
        %add3A_1356 = arith.addi %mul3A_351, %add3A_1355 : i32
        %swap3A_1357 = arith.index_cast %add3A_1356 : i32 to index
        %swap3A_1358 = arith.constant 0 : index
        %swap3A_1359 = tpu.vector_load %arg13[%swap3A_1357, %swap3A_1358] {strides = array<i32>} : memref<128x128xf32, #tpu.memory_space<vmem>>, vector<16xf32>,
        tpu.vector_store %arg13[%swap3A_1357, %swap3A_1358], %add3A_1354 {strides = array<i32>} : memref<128x128xf32, #tpu.memory_space<vmem>>, vector<16xf32>,
        %sub3A_1360 = arith.subf %gather3A_1211, %add3A_1145 : vector<16xf32>
        %mul3A_1361 = arith.mulf %gather3A_1351, %sub3A_1360 : vector<16xf32>
        %add3A_1362 = arith.addf %add3A_1145, %mul3A_1361 : vector<16xf32>
        %add3A_1363 = arith.constant 8 : i32
        %add3A_1364 = arith.addi %mul3A_351, %add3A_1363 : i32
        %swap3A_1365 = arith.index_cast %add3A_1364 : i32 to index
        %swap3A_1366 = arith.constant 16 : index
        %swap3A_1367 = tpu.vector_load %arg13[%swap3A_1365, %swap3A_1366] {strides = array<i32>} : memref<128x128xf32, #tpu.memory_space<vmem>>, vector<16xf32>,
        tpu.vector_store %arg13[%swap3A_1365, %swap3A_1366], %add3A_1362 {strides = array<i32>} : memref<128x128xf32, #tpu.memory_space<vmem>>, vector<16xf32>,
        %sub3A_1368 = arith.subf %gather3A_1215, %add3A_1153 : vector<16xf32>
        %mul3A_1369 = arith.mulf %gather3A_1351, %sub3A_1368 : vector<16xf32>
        %add3A_1370 = arith.addf %add3A_1153, %mul3A_1369 : vector<16xf32>
        %add3A_1371 = arith.constant 8 : i32
        %add3A_1372 = arith.addi %mul3A_351, %add3A_1371 : i32
        %swap3A_1373 = arith.index_cast %add3A_1372 : i32 to index
        %swap3A_1374 = arith.constant 32 : index
        %swap3A_1375 = tpu.vector_load %arg13[%swap3A_1373, %swap3A_1374] {strides = array<i32>} : memref<128x128xf32, #tpu.memory_space<vmem>>, vector<16xf32>,
        tpu.vector_store %arg13[%swap3A_1373, %swap3A_1374], %add3A_1370 {strides = array<i32>} : memref<128x128xf32, #tpu.memory_space<vmem>>, vector<16xf32>,
        %sub3A_1376 = arith.subf %gather3A_1219, %add3A_1161 : vector<16xf32>
        %mul3A_1377 = arith.mulf %gather3A_1351, %sub3A_1376 : vector<16xf32>
        %add3A_1378 = arith.addf %add3A_1161, %mul3A_1377 : vector<16xf32>
        %add3A_1379 = arith.constant 8 : i32
        %add3A_1380 = arith.addi %mul3A_351, %add3A_1379 : i32
        %swap3A_1381 = arith.index_cast %add3A_1380 : i32 to index
        %swap3A_1382 = arith.constant 48 : index
        %swap3A_1383 = tpu.vector_load %arg13[%swap3A_1381, %swap3A_1382] {strides = array<i32>} : memref<128x128xf32, #tpu.memory_space<vmem>>, vector<16xf32>,
        tpu.vector_store %arg13[%swap3A_1381, %swap3A_1382], %add3A_1378 {strides = array<i32>} : memref<128x128xf32, #tpu.memory_space<vmem>>, vector<16xf32>,
        %sub3A_1384 = arith.subf %gather3A_1223, %add3A_1169 : vector<16xf32>
        %mul3A_1385 = arith.mulf %gather3A_1351, %sub3A_1384 : vector<16xf32>
        %add3A_1386 = arith.addf %add3A_1169, %mul3A_1385 : vector<16xf32>
        %add3A_1387 = arith.constant 8 : i32
        %add3A_1388 = arith.addi %mul3A_351, %add3A_1387 : i32
        %swap3A_1389 = arith.index_cast %add3A_1388 : i32 to index
        %swap3A_1390 = arith.constant 64 : index
        %swap3A_1391 = tpu.vector_load %arg13[%swap3A_1389, %swap3A_1390] {strides = array<i32>} : memref<128x128xf32, #tpu.memory_space<vmem>>, vector<16xf32>,
        tpu.vector_store %arg13[%swap3A_1389, %swap3A_1390], %add3A_1386 {strides = array<i32>} : memref<128x128xf32, #tpu.memory_space<vmem>>, vector<16xf32>,
        %sub3A_1392 = arith.subf %gather3A_1227, %add3A_1177 : vector<16xf32>
        %mul3A_1393 = arith.mulf %gather3A_1351, %sub3A_1392 : vector<16xf32>
        %add3A_1394 = arith.addf %add3A_1177, %mul3A_1393 : vector<16xf32>
        %add3A_1395 = arith.constant 8 : i32
        %add3A_1396 = arith.addi %mul3A_351, %add3A_1395 : i32
        %swap3A_1397 = arith.index_cast %add3A_1396 : i32 to index
        %swap3A_1398 = arith.constant 80 : index
        %swap3A_1399 = tpu.vector_load %arg13[%swap3A_1397, %swap3A_1398] {strides = array<i32>} : memref<128x128xf32, #tpu.memory_space<vmem>>, vector<16xf32>,
        tpu.vector_store %arg13[%swap3A_1397, %swap3A_1398], %add3A_1394 {strides = array<i32>} : memref<128x128xf32, #tpu.memory_space<vmem>>, vector<16xf32>,
        %sub3A_1400 = arith.subf %gather3A_1231, %add3A_1185 : vector<16xf32>
        %mul3A_1401 = arith.mulf %gather3A_1351, %sub3A_1400 : vector<16xf32>
        %add3A_1402 = arith.addf %add3A_1185, %mul3A_1401 : vector<16xf32>
        %add3A_1403 = arith.constant 8 : i32
        %add3A_1404 = arith.addi %mul3A_351, %add3A_1403 : i32
        %swap3A_1405 = arith.index_cast %add3A_1404 : i32 to index
        %swap3A_1406 = arith.constant 96 : index
        %swap3A_1407 = tpu.vector_load %arg13[%swap3A_1405, %swap3A_1406] {strides = array<i32>} : memref<128x128xf32, #tpu.memory_space<vmem>>, vector<16xf32>,
        tpu.vector_store %arg13[%swap3A_1405, %swap3A_1406], %add3A_1402 {strides = array<i32>} : memref<128x128xf32, #tpu.memory_space<vmem>>, vector<16xf32>,
        %sub3A_1408 = arith.subf %gather3A_1235, %add3A_1193 : vector<16xf32>
        %mul3A_1409 = arith.mulf %gather3A_1351, %sub3A_1408 : vector<16xf32>
        %add3A_1410 = arith.addf %add3A_1193, %mul3A_1409 : vector<16xf32>
        %add3A_1411 = arith.constant 8 : i32
        %add3A_1412 = arith.addi %mul3A_351, %add3A_1411 : i32
        %swap3A_1413 = arith.index_cast %add3A_1412 : i32 to index
        %swap3A_1414 = arith.constant 112 : index
        %swap3A_1415 = tpu.vector_load %arg13[%swap3A_1413, %swap3A_1414] {strides = array<i32>} : memref<128x128xf32, #tpu.memory_space<vmem>>, vector<16xf32>,
        tpu.vector_store %arg13[%swap3A_1413, %swap3A_1414], %add3A_1410 {strides = array<i32>} : memref<128x128xf32, #tpu.memory_space<vmem>>, vector<16xf32>,
        %broadcast_in_dim3A_1416 = arith.constant 9 : i32
        %broadcast_in_dim3A_1417 = vector.broadcast %broadcast_in_dim3A_1416 : i32 to vector<16xi32>
        %broadcast_in_dim3A_1418 = vector.shape_cast %broadcast_in_dim3A_1417 : vector<16xi32> to vector<16x1xi32>
        %gather3A_1419 = vector.shape_cast %broadcast_in_dim3A_1418 : vector<16x1xi32> to vector<16xi32>
        %gather3A_1420 = tpu.dynamic_gather %select_n3A_342[%gather3A_1419] in [0] : vector<16xf32>, vector<16xi32> -> vector<16xf32>
        %sub3A_1421 = arith.subf %gather3A_1244, %add3A_1354 : vector<16xf32>
        %mul3A_1422 = arith.mulf %gather3A_1420, %sub3A_1421 : vector<16xf32>
        %add3A_1423 = arith.addf %add3A_1354, %mul3A_1422 : vector<16xf32>
        %add3A_1424 = arith.constant 9 : i32
        %add3A_1425 = arith.addi %mul3A_351, %add3A_1424 : i32
        %swap3A_1426 = arith.index_cast %add3A_1425 : i32 to index
        %swap3A_1427 = arith.constant 0 : index
        %swap3A_1428 = tpu.vector_load %arg13[%swap3A_1426, %swap3A_1427] {strides = array<i32>} : memref<128x128xf32, #tpu.memory_space<vmem>>, vector<16xf32>,
        tpu.vector_store %arg13[%swap3A_1426, %swap3A_1427], %add3A_1423 {strides = array<i32>} : memref<128x128xf32, #tpu.memory_space<vmem>>, vector<16xf32>,
        %sub3A_1429 = arith.subf %gather3A_1248, %add3A_1362 : vector<16xf32>
        %mul3A_1430 = arith.mulf %gather3A_1420, %sub3A_1429 : vector<16xf32>
        %add3A_1431 = arith.addf %add3A_1362, %mul3A_1430 : vector<16xf32>
        %add3A_1432 = arith.constant 9 : i32
        %add3A_1433 = arith.addi %mul3A_351, %add3A_1432 : i32
        %swap3A_1434 = arith.index_cast %add3A_1433 : i32 to index
        %swap3A_1435 = arith.constant 16 : index
        %swap3A_1436 = tpu.vector_load %arg13[%swap3A_1434, %swap3A_1435] {strides = array<i32>} : memref<128x128xf32, #tpu.memory_space<vmem>>, vector<16xf32>,
        tpu.vector_store %arg13[%swap3A_1434, %swap3A_1435], %add3A_1431 {strides = array<i32>} : memref<128x128xf32, #tpu.memory_space<vmem>>, vector<16xf32>,
        %sub3A_1437 = arith.subf %gather3A_1252, %add3A_1370 : vector<16xf32>
        %mul3A_1438 = arith.mulf %gather3A_1420, %sub3A_1437 : vector<16xf32>
        %add3A_1439 = arith.addf %add3A_1370, %mul3A_1438 : vector<16xf32>
        %add3A_1440 = arith.constant 9 : i32
        %add3A_1441 = arith.addi %mul3A_351, %add3A_1440 : i32
        %swap3A_1442 = arith.index_cast %add3A_1441 : i32 to index
        %swap3A_1443 = arith.constant 32 : index
        %swap3A_1444 = tpu.vector_load %arg13[%swap3A_1442, %swap3A_1443] {strides = array<i32>} : memref<128x128xf32, #tpu.memory_space<vmem>>, vector<16xf32>,
        tpu.vector_store %arg13[%swap3A_1442, %swap3A_1443], %add3A_1439 {strides = array<i32>} : memref<128x128xf32, #tpu.memory_space<vmem>>, vector<16xf32>,
        %sub3A_1445 = arith.subf %gather3A_1256, %add3A_1378 : vector<16xf32>
        %mul3A_1446 = arith.mulf %gather3A_1420, %sub3A_1445 : vector<16xf32>
        %add3A_1447 = arith.addf %add3A_1378, %mul3A_1446 : vector<16xf32>
        %add3A_1448 = arith.constant 9 : i32
        %add3A_1449 = arith.addi %mul3A_351, %add3A_1448 : i32
        %swap3A_1450 = arith.index_cast %add3A_1449 : i32 to index
        %swap3A_1451 = arith.constant 48 : index
        %swap3A_1452 = tpu.vector_load %arg13[%swap3A_1450, %swap3A_1451] {strides = array<i32>} : memref<128x128xf32, #tpu.memory_space<vmem>>, vector<16xf32>,
        tpu.vector_store %arg13[%swap3A_1450, %swap3A_1451], %add3A_1447 {strides = array<i32>} : memref<128x128xf32, #tpu.memory_space<vmem>>, vector<16xf32>,
        %sub3A_1453 = arith.subf %gather3A_1260, %add3A_1386 : vector<16xf32>
        %mul3A_1454 = arith.mulf %gather3A_1420, %sub3A_1453 : vector<16xf32>
        %add3A_1455 = arith.addf %add3A_1386, %mul3A_1454 : vector<16xf32>
        %add3A_1456 = arith.constant 9 : i32
        %add3A_1457 = arith.addi %mul3A_351, %add3A_1456 : i32
        %swap3A_1458 = arith.index_cast %add3A_1457 : i32 to index
        %swap3A_1459 = arith.constant 64 : index
        %swap3A_1460 = tpu.vector_load %arg13[%swap3A_1458, %swap3A_1459] {strides = array<i32>} : memref<128x128xf32, #tpu.memory_space<vmem>>, vector<16xf32>,
        tpu.vector_store %arg13[%swap3A_1458, %swap3A_1459], %add3A_1455 {strides = array<i32>} : memref<128x128xf32, #tpu.memory_space<vmem>>, vector<16xf32>,
        %sub3A_1461 = arith.subf %gather3A_1264, %add3A_1394 : vector<16xf32>
        %mul3A_1462 = arith.mulf %gather3A_1420, %sub3A_1461 : vector<16xf32>
        %add3A_1463 = arith.addf %add3A_1394, %mul3A_1462 : vector<16xf32>
        %add3A_1464 = arith.constant 9 : i32
        %add3A_1465 = arith.addi %mul3A_351, %add3A_1464 : i32
        %swap3A_1466 = arith.index_cast %add3A_1465 : i32 to index
        %swap3A_1467 = arith.constant 80 : index
        %swap3A_1468 = tpu.vector_load %arg13[%swap3A_1466, %swap3A_1467] {strides = array<i32>} : memref<128x128xf32, #tpu.memory_space<vmem>>, vector<16xf32>,
        tpu.vector_store %arg13[%swap3A_1466, %swap3A_1467], %add3A_1463 {strides = array<i32>} : memref<128x128xf32, #tpu.memory_space<vmem>>, vector<16xf32>,
        %sub3A_1469 = arith.subf %gather3A_1268, %add3A_1402 : vector<16xf32>
        %mul3A_1470 = arith.mulf %gather3A_1420, %sub3A_1469 : vector<16xf32>
        %add3A_1471 = arith.addf %add3A_1402, %mul3A_1470 : vector<16xf32>
        %add3A_1472 = arith.constant 9 : i32
        %add3A_1473 = arith.addi %mul3A_351, %add3A_1472 : i32
        %swap3A_1474 = arith.index_cast %add3A_1473 : i32 to index
        %swap3A_1475 = arith.constant 96 : index
        %swap3A_1476 = tpu.vector_load %arg13[%swap3A_1474, %swap3A_1475] {strides = array<i32>} : memref<128x128xf32, #tpu.memory_space<vmem>>, vector<16xf32>,
        tpu.vector_store %arg13[%swap3A_1474, %swap3A_1475], %add3A_1471 {strides = array<i32>} : memref<128x128xf32, #tpu.memory_space<vmem>>, vector<16xf32>,
        %sub3A_1477 = arith.subf %gather3A_1272, %add3A_1410 : vector<16xf32>
        %mul3A_1478 = arith.mulf %gather3A_1420, %sub3A_1477 : vector<16xf32>
        %add3A_1479 = arith.addf %add3A_1410, %mul3A_1478 : vector<16xf32>
        %add3A_1480 = arith.constant 9 : i32
        %add3A_1481 = arith.addi %mul3A_351, %add3A_1480 : i32
        %swap3A_1482 = arith.index_cast %add3A_1481 : i32 to index
        %swap3A_1483 = arith.constant 112 : index
        %swap3A_1484 = tpu.vector_load %arg13[%swap3A_1482, %swap3A_1483] {strides = array<i32>} : memref<128x128xf32, #tpu.memory_space<vmem>>, vector<16xf32>,
        tpu.vector_store %arg13[%swap3A_1482, %swap3A_1483], %add3A_1479 {strides = array<i32>} : memref<128x128xf32, #tpu.memory_space<vmem>>, vector<16xf32>,
        %broadcast_in_dim3A_1485 = arith.constant 10 : i32
        %broadcast_in_dim3A_1486 = vector.broadcast %broadcast_in_dim3A_1485 : i32 to vector<16xi32>
        %broadcast_in_dim3A_1487 = vector.shape_cast %broadcast_in_dim3A_1486 : vector<16xi32> to vector<16x1xi32>
        %gather3A_1488 = vector.shape_cast %broadcast_in_dim3A_1487 : vector<16x1xi32> to vector<16xi32>
        %gather3A_1489 = tpu.dynamic_gather %select_n3A_342[%gather3A_1488] in [0] : vector<16xf32>, vector<16xi32> -> vector<16xf32>
        %sub3A_1490 = arith.subf %gather3A_1281, %add3A_1423 : vector<16xf32>
        %mul3A_1491 = arith.mulf %gather3A_1489, %sub3A_1490 : vector<16xf32>
        %add3A_1492 = arith.addf %add3A_1423, %mul3A_1491 : vector<16xf32>
        %add3A_1493 = arith.constant 10 : i32
        %add3A_1494 = arith.addi %mul3A_351, %add3A_1493 : i32
        %swap3A_1495 = arith.index_cast %add3A_1494 : i32 to index
        %swap3A_1496 = arith.constant 0 : index
        %swap3A_1497 = tpu.vector_load %arg13[%swap3A_1495, %swap3A_1496] {strides = array<i32>} : memref<128x128xf32, #tpu.memory_space<vmem>>, vector<16xf32>,
        tpu.vector_store %arg13[%swap3A_1495, %swap3A_1496], %add3A_1492 {strides = array<i32>} : memref<128x128xf32, #tpu.memory_space<vmem>>, vector<16xf32>,
        %sub3A_1498 = arith.subf %gather3A_1285, %add3A_1431 : vector<16xf32>
        %mul3A_1499 = arith.mulf %gather3A_1489, %sub3A_1498 : vector<16xf32>
        %add3A_1500 = arith.addf %add3A_1431, %mul3A_1499 : vector<16xf32>
        %add3A_1501 = arith.constant 10 : i32
        %add3A_1502 = arith.addi %mul3A_351, %add3A_1501 : i32
        %swap3A_1503 = arith.index_cast %add3A_1502 : i32 to index
        %swap3A_1504 = arith.constant 16 : index
        %swap3A_1505 = tpu.vector_load %arg13[%swap3A_1503, %swap3A_1504] {strides = array<i32>} : memref<128x128xf32, #tpu.memory_space<vmem>>, vector<16xf32>,
        tpu.vector_store %arg13[%swap3A_1503, %swap3A_1504], %add3A_1500 {strides = array<i32>} : memref<128x128xf32, #tpu.memory_space<vmem>>, vector<16xf32>,
        %sub3A_1506 = arith.subf %gather3A_1289, %add3A_1439 : vector<16xf32>
        %mul3A_1507 = arith.mulf %gather3A_1489, %sub3A_1506 : vector<16xf32>
        %add3A_1508 = arith.addf %add3A_1439, %mul3A_1507 : vector<16xf32>
        %add3A_1509 = arith.constant 10 : i32
        %add3A_1510 = arith.addi %mul3A_351, %add3A_1509 : i32
        %swap3A_1511 = arith.index_cast %add3A_1510 : i32 to index
        %swap3A_1512 = arith.constant 32 : index
        %swap3A_1513 = tpu.vector_load %arg13[%swap3A_1511, %swap3A_1512] {strides = array<i32>} : memref<128x128xf32, #tpu.memory_space<vmem>>, vector<16xf32>,
        tpu.vector_store %arg13[%swap3A_1511, %swap3A_1512], %add3A_1508 {strides = array<i32>} : memref<128x128xf32, #tpu.memory_space<vmem>>, vector<16xf32>,
        %sub3A_1514 = arith.subf %gather3A_1293, %add3A_1447 : vector<16xf32>
        %mul3A_1515 = arith.mulf %gather3A_1489, %sub3A_1514 : vector<16xf32>
        %add3A_1516 = arith.addf %add3A_1447, %mul3A_1515 : vector<16xf32>
        %add3A_1517 = arith.constant 10 : i32
        %add3A_1518 = arith.addi %mul3A_351, %add3A_1517 : i32
        %swap3A_1519 = arith.index_cast %add3A_1518 : i32 to index
        %swap3A_1520 = arith.constant 48 : index
        %swap3A_1521 = tpu.vector_load %arg13[%swap3A_1519, %swap3A_1520] {strides = array<i32>} : memref<128x128xf32, #tpu.memory_space<vmem>>, vector<16xf32>,
        tpu.vector_store %arg13[%swap3A_1519, %swap3A_1520], %add3A_1516 {strides = array<i32>} : memref<128x128xf32, #tpu.memory_space<vmem>>, vector<16xf32>,
        %sub3A_1522 = arith.subf %gather3A_1297, %add3A_1455 : vector<16xf32>
        %mul3A_1523 = arith.mulf %gather3A_1489, %sub3A_1522 : vector<16xf32>
        %add3A_1524 = arith.addf %add3A_1455, %mul3A_1523 : vector<16xf32>
        %add3A_1525 = arith.constant 10 : i32
        %add3A_1526 = arith.addi %mul3A_351, %add3A_1525 : i32
        %swap3A_1527 = arith.index_cast %add3A_1526 : i32 to index
        %swap3A_1528 = arith.constant 64 : index
        %swap3A_1529 = tpu.vector_load %arg13[%swap3A_1527, %swap3A_1528] {strides = array<i32>} : memref<128x128xf32, #tpu.memory_space<vmem>>, vector<16xf32>,
        tpu.vector_store %arg13[%swap3A_1527, %swap3A_1528], %add3A_1524 {strides = array<i32>} : memref<128x128xf32, #tpu.memory_space<vmem>>, vector<16xf32>,
        %sub3A_1530 = arith.subf %gather3A_1301, %add3A_1463 : vector<16xf32>
        %mul3A_1531 = arith.mulf %gather3A_1489, %sub3A_1530 : vector<16xf32>
        %add3A_1532 = arith.addf %add3A_1463, %mul3A_1531 : vector<16xf32>
        %add3A_1533 = arith.constant 10 : i32
        %add3A_1534 = arith.addi %mul3A_351, %add3A_1533 : i32
        %swap3A_1535 = arith.index_cast %add3A_1534 : i32 to index
        %swap3A_1536 = arith.constant 80 : index
        %swap3A_1537 = tpu.vector_load %arg13[%swap3A_1535, %swap3A_1536] {strides = array<i32>} : memref<128x128xf32, #tpu.memory_space<vmem>>, vector<16xf32>,
        tpu.vector_store %arg13[%swap3A_1535, %swap3A_1536], %add3A_1532 {strides = array<i32>} : memref<128x128xf32, #tpu.memory_space<vmem>>, vector<16xf32>,
        %sub3A_1538 = arith.subf %gather3A_1305, %add3A_1471 : vector<16xf32>
        %mul3A_1539 = arith.mulf %gather3A_1489, %sub3A_1538 : vector<16xf32>
        %add3A_1540 = arith.addf %add3A_1471, %mul3A_1539 : vector<16xf32>
        %add3A_1541 = arith.constant 10 : i32
        %add3A_1542 = arith.addi %mul3A_351, %add3A_1541 : i32
        %swap3A_1543 = arith.index_cast %add3A_1542 : i32 to index
        %swap3A_1544 = arith.constant 96 : index
        %swap3A_1545 = tpu.vector_load %arg13[%swap3A_1543, %swap3A_1544] {strides = array<i32>} : memref<128x128xf32, #tpu.memory_space<vmem>>, vector<16xf32>,
        tpu.vector_store %arg13[%swap3A_1543, %swap3A_1544], %add3A_1540 {strides = array<i32>} : memref<128x128xf32, #tpu.memory_space<vmem>>, vector<16xf32>,
        %sub3A_1546 = arith.subf %gather3A_1309, %add3A_1479 : vector<16xf32>
        %mul3A_1547 = arith.mulf %gather3A_1489, %sub3A_1546 : vector<16xf32>
        %add3A_1548 = arith.addf %add3A_1479, %mul3A_1547 : vector<16xf32>
        %add3A_1549 = arith.constant 10 : i32
        %add3A_1550 = arith.addi %mul3A_351, %add3A_1549 : i32
        %swap3A_1551 = arith.index_cast %add3A_1550 : i32 to index
        %swap3A_1552 = arith.constant 112 : index
        %swap3A_1553 = tpu.vector_load %arg13[%swap3A_1551, %swap3A_1552] {strides = array<i32>} : memref<128x128xf32, #tpu.memory_space<vmem>>, vector<16xf32>,
        tpu.vector_store %arg13[%swap3A_1551, %swap3A_1552], %add3A_1548 {strides = array<i32>} : memref<128x128xf32, #tpu.memory_space<vmem>>, vector<16xf32>,
        %broadcast_in_dim3A_1554 = arith.constant 11 : i32
        %broadcast_in_dim3A_1555 = vector.broadcast %broadcast_in_dim3A_1554 : i32 to vector<16xi32>
        %broadcast_in_dim3A_1556 = vector.shape_cast %broadcast_in_dim3A_1555 : vector<16xi32> to vector<16x1xi32>
        %gather3A_1557 = vector.shape_cast %broadcast_in_dim3A_1556 : vector<16x1xi32> to vector<16xi32>
        %gather3A_1558 = tpu.dynamic_gather %select_n3A_342[%gather3A_1557] in [0] : vector<16xf32>, vector<16xi32> -> vector<16xf32>
        %sub3A_1559 = arith.subf %gather3A_1318, %add3A_1492 : vector<16xf32>
        %mul3A_1560 = arith.mulf %gather3A_1558, %sub3A_1559 : vector<16xf32>
        %add3A_1561 = arith.addf %add3A_1492, %mul3A_1560 : vector<16xf32>
        %add3A_1562 = arith.constant 11 : i32
        %add3A_1563 = arith.addi %mul3A_351, %add3A_1562 : i32
        %swap3A_1564 = arith.index_cast %add3A_1563 : i32 to index
        %swap3A_1565 = arith.constant 0 : index
        %swap3A_1566 = tpu.vector_load %arg13[%swap3A_1564, %swap3A_1565] {strides = array<i32>} : memref<128x128xf32, #tpu.memory_space<vmem>>, vector<16xf32>,
        tpu.vector_store %arg13[%swap3A_1564, %swap3A_1565], %add3A_1561 {strides = array<i32>} : memref<128x128xf32, #tpu.memory_space<vmem>>, vector<16xf32>,
        %sub3A_1567 = arith.subf %gather3A_1322, %add3A_1500 : vector<16xf32>
        %mul3A_1568 = arith.mulf %gather3A_1558, %sub3A_1567 : vector<16xf32>
        %add3A_1569 = arith.addf %add3A_1500, %mul3A_1568 : vector<16xf32>
        %add3A_1570 = arith.constant 11 : i32
        %add3A_1571 = arith.addi %mul3A_351, %add3A_1570 : i32
        %swap3A_1572 = arith.index_cast %add3A_1571 : i32 to index
        %swap3A_1573 = arith.constant 16 : index
        %swap3A_1574 = tpu.vector_load %arg13[%swap3A_1572, %swap3A_1573] {strides = array<i32>} : memref<128x128xf32, #tpu.memory_space<vmem>>, vector<16xf32>,
        tpu.vector_store %arg13[%swap3A_1572, %swap3A_1573], %add3A_1569 {strides = array<i32>} : memref<128x128xf32, #tpu.memory_space<vmem>>, vector<16xf32>,
        %sub3A_1575 = arith.subf %gather3A_1326, %add3A_1508 : vector<16xf32>
        %mul3A_1576 = arith.mulf %gather3A_1558, %sub3A_1575 : vector<16xf32>
        %add3A_1577 = arith.addf %add3A_1508, %mul3A_1576 : vector<16xf32>
        %add3A_1578 = arith.constant 11 : i32
        %add3A_1579 = arith.addi %mul3A_351, %add3A_1578 : i32
        %swap3A_1580 = arith.index_cast %add3A_1579 : i32 to index
        %swap3A_1581 = arith.constant 32 : index
        %swap3A_1582 = tpu.vector_load %arg13[%swap3A_1580, %swap3A_1581] {strides = array<i32>} : memref<128x128xf32, #tpu.memory_space<vmem>>, vector<16xf32>,
        tpu.vector_store %arg13[%swap3A_1580, %swap3A_1581], %add3A_1577 {strides = array<i32>} : memref<128x128xf32, #tpu.memory_space<vmem>>, vector<16xf32>,
        %sub3A_1583 = arith.subf %gather3A_1330, %add3A_1516 : vector<16xf32>
        %mul3A_1584 = arith.mulf %gather3A_1558, %sub3A_1583 : vector<16xf32>
        %add3A_1585 = arith.addf %add3A_1516, %mul3A_1584 : vector<16xf32>
        %add3A_1586 = arith.constant 11 : i32
        %add3A_1587 = arith.addi %mul3A_351, %add3A_1586 : i32
        %swap3A_1588 = arith.index_cast %add3A_1587 : i32 to index
        %swap3A_1589 = arith.constant 48 : index
        %swap3A_1590 = tpu.vector_load %arg13[%swap3A_1588, %swap3A_1589] {strides = array<i32>} : memref<128x128xf32, #tpu.memory_space<vmem>>, vector<16xf32>,
        tpu.vector_store %arg13[%swap3A_1588, %swap3A_1589], %add3A_1585 {strides = array<i32>} : memref<128x128xf32, #tpu.memory_space<vmem>>, vector<16xf32>,
        %sub3A_1591 = arith.subf %gather3A_1334, %add3A_1524 : vector<16xf32>
        %mul3A_1592 = arith.mulf %gather3A_1558, %sub3A_1591 : vector<16xf32>
        %add3A_1593 = arith.addf %add3A_1524, %mul3A_1592 : vector<16xf32>
        %add3A_1594 = arith.constant 11 : i32
        %add3A_1595 = arith.addi %mul3A_351, %add3A_1594 : i32
        %swap3A_1596 = arith.index_cast %add3A_1595 : i32 to index
        %swap3A_1597 = arith.constant 64 : index
        %swap3A_1598 = tpu.vector_load %arg13[%swap3A_1596, %swap3A_1597] {strides = array<i32>} : memref<128x128xf32, #tpu.memory_space<vmem>>, vector<16xf32>,
        tpu.vector_store %arg13[%swap3A_1596, %swap3A_1597], %add3A_1593 {strides = array<i32>} : memref<128x128xf32, #tpu.memory_space<vmem>>, vector<16xf32>,
        %sub3A_1599 = arith.subf %gather3A_1338, %add3A_1532 : vector<16xf32>
        %mul3A_1600 = arith.mulf %gather3A_1558, %sub3A_1599 : vector<16xf32>
        %add3A_1601 = arith.addf %add3A_1532, %mul3A_1600 : vector<16xf32>
        %add3A_1602 = arith.constant 11 : i32
        %add3A_1603 = arith.addi %mul3A_351, %add3A_1602 : i32
        %swap3A_1604 = arith.index_cast %add3A_1603 : i32 to index
        %swap3A_1605 = arith.constant 80 : index
        %swap3A_1606 = tpu.vector_load %arg13[%swap3A_1604, %swap3A_1605] {strides = array<i32>} : memref<128x128xf32, #tpu.memory_space<vmem>>, vector<16xf32>,
        tpu.vector_store %arg13[%swap3A_1604, %swap3A_1605], %add3A_1601 {strides = array<i32>} : memref<128x128xf32, #tpu.memory_space<vmem>>, vector<16xf32>,
        %sub3A_1607 = arith.subf %gather3A_1342, %add3A_1540 : vector<16xf32>
        %mul3A_1608 = arith.mulf %gather3A_1558, %sub3A_1607 : vector<16xf32>
        %add3A_1609 = arith.addf %add3A_1540, %mul3A_1608 : vector<16xf32>
        %add3A_1610 = arith.constant 11 : i32
        %add3A_1611 = arith.addi %mul3A_351, %add3A_1610 : i32
        %swap3A_1612 = arith.index_cast %add3A_1611 : i32 to index
        %swap3A_1613 = arith.constant 96 : index
        %swap3A_1614 = tpu.vector_load %arg13[%swap3A_1612, %swap3A_1613] {strides = array<i32>} : memref<128x128xf32, #tpu.memory_space<vmem>>, vector<16xf32>,
        tpu.vector_store %arg13[%swap3A_1612, %swap3A_1613], %add3A_1609 {strides = array<i32>} : memref<128x128xf32, #tpu.memory_space<vmem>>, vector<16xf32>,
        %sub3A_1615 = arith.subf %gather3A_1346, %add3A_1548 : vector<16xf32>
        %mul3A_1616 = arith.mulf %gather3A_1558, %sub3A_1615 : vector<16xf32>
        %add3A_1617 = arith.addf %add3A_1548, %mul3A_1616 : vector<16xf32>
        %add3A_1618 = arith.constant 11 : i32
        %add3A_1619 = arith.addi %mul3A_351, %add3A_1618 : i32
        %swap3A_1620 = arith.index_cast %add3A_1619 : i32 to index
        %swap3A_1621 = arith.constant 112 : index
        %swap3A_1622 = tpu.vector_load %arg13[%swap3A_1620, %swap3A_1621] {strides = array<i32>} : memref<128x128xf32, #tpu.memory_space<vmem>>, vector<16xf32>,
        tpu.vector_store %arg13[%swap3A_1620, %swap3A_1621], %add3A_1617 {strides = array<i32>} : memref<128x128xf32, #tpu.memory_space<vmem>>, vector<16xf32>,
        %broadcast_in_dim3A_1623 = arith.constant 12 : i32
        %broadcast_in_dim3A_1624 = vector.broadcast %broadcast_in_dim3A_1623 : i32 to vector<16xi32>
        %broadcast_in_dim3A_1625 = vector.shape_cast %broadcast_in_dim3A_1624 : vector<16xi32> to vector<16x1xi32>
        %gather3A_1626 = vector.shape_cast %broadcast_in_dim3A_1625 : vector<16x1xi32> to vector<16xi32>
        %gather3A_1627 = tpu.dynamic_gather %select_n3A_349[%gather3A_1626] in [0] : vector<16xi32>, vector<16xi32> -> vector<16xi32>
        %add3A_1628 = arith.constant 0 : i32
        %add3A_1629 = vector.broadcast %add3A_1628 : i32 to vector<16xi32>
        %add3A_1630 = arith.addi %iota3A, %add3A_1629 : vector<16xi32>
        %gather3A_1631 = tpu.vector_load_idx %arg11[%gather3A_1627, %add3A_1630] : memref<137x128xf32, #tpu.memory_space<vmem>>[vector<16xi32>, vector<16xi32>], vector<16xf32>,
        %add3A_1632 = arith.constant 16 : i32
        %add3A_1633 = vector.broadcast %add3A_1632 : i32 to vector<16xi32>
        %add3A_1634 = arith.addi %iota3A, %add3A_1633 : vector<16xi32>
        %gather3A_1635 = tpu.vector_load_idx %arg11[%gather3A_1627, %add3A_1634] : memref<137x128xf32, #tpu.memory_space<vmem>>[vector<16xi32>, vector<16xi32>], vector<16xf32>,
        %add3A_1636 = arith.constant 32 : i32
        %add3A_1637 = vector.broadcast %add3A_1636 : i32 to vector<16xi32>
        %add3A_1638 = arith.addi %iota3A, %add3A_1637 : vector<16xi32>
        %gather3A_1639 = tpu.vector_load_idx %arg11[%gather3A_1627, %add3A_1638] : memref<137x128xf32, #tpu.memory_space<vmem>>[vector<16xi32>, vector<16xi32>], vector<16xf32>,
        %add3A_1640 = arith.constant 48 : i32
        %add3A_1641 = vector.broadcast %add3A_1640 : i32 to vector<16xi32>
        %add3A_1642 = arith.addi %iota3A, %add3A_1641 : vector<16xi32>
        %gather3A_1643 = tpu.vector_load_idx %arg11[%gather3A_1627, %add3A_1642] : memref<137x128xf32, #tpu.memory_space<vmem>>[vector<16xi32>, vector<16xi32>], vector<16xf32>,
        %add3A_1644 = arith.constant 64 : i32
        %add3A_1645 = vector.broadcast %add3A_1644 : i32 to vector<16xi32>
        %add3A_1646 = arith.addi %iota3A, %add3A_1645 : vector<16xi32>
        %gather3A_1647 = tpu.vector_load_idx %arg11[%gather3A_1627, %add3A_1646] : memref<137x128xf32, #tpu.memory_space<vmem>>[vector<16xi32>, vector<16xi32>], vector<16xf32>,
        %add3A_1648 = arith.constant 80 : i32
        %add3A_1649 = vector.broadcast %add3A_1648 : i32 to vector<16xi32>
        %add3A_1650 = arith.addi %iota3A, %add3A_1649 : vector<16xi32>
        %gather3A_1651 = tpu.vector_load_idx %arg11[%gather3A_1627, %add3A_1650] : memref<137x128xf32, #tpu.memory_space<vmem>>[vector<16xi32>, vector<16xi32>], vector<16xf32>,
        %add3A_1652 = arith.constant 96 : i32
        %add3A_1653 = vector.broadcast %add3A_1652 : i32 to vector<16xi32>
        %add3A_1654 = arith.addi %iota3A, %add3A_1653 : vector<16xi32>
        %gather3A_1655 = tpu.vector_load_idx %arg11[%gather3A_1627, %add3A_1654] : memref<137x128xf32, #tpu.memory_space<vmem>>[vector<16xi32>, vector<16xi32>], vector<16xf32>,
        %add3A_1656 = arith.constant 112 : i32
        %add3A_1657 = vector.broadcast %add3A_1656 : i32 to vector<16xi32>
        %add3A_1658 = arith.addi %iota3A, %add3A_1657 : vector<16xi32>
        %gather3A_1659 = tpu.vector_load_idx %arg11[%gather3A_1627, %add3A_1658] : memref<137x128xf32, #tpu.memory_space<vmem>>[vector<16xi32>, vector<16xi32>], vector<16xf32>,
        %broadcast_in_dim3A_1660 = arith.constant 13 : i32
        %broadcast_in_dim3A_1661 = vector.broadcast %broadcast_in_dim3A_1660 : i32 to vector<16xi32>
        %broadcast_in_dim3A_1662 = vector.shape_cast %broadcast_in_dim3A_1661 : vector<16xi32> to vector<16x1xi32>
        %gather3A_1663 = vector.shape_cast %broadcast_in_dim3A_1662 : vector<16x1xi32> to vector<16xi32>
        %gather3A_1664 = tpu.dynamic_gather %select_n3A_349[%gather3A_1663] in [0] : vector<16xi32>, vector<16xi32> -> vector<16xi32>
        %add3A_1665 = arith.constant 0 : i32
        %add3A_1666 = vector.broadcast %add3A_1665 : i32 to vector<16xi32>
        %add3A_1667 = arith.addi %iota3A, %add3A_1666 : vector<16xi32>
        %gather3A_1668 = tpu.vector_load_idx %arg11[%gather3A_1664, %add3A_1667] : memref<137x128xf32, #tpu.memory_space<vmem>>[vector<16xi32>, vector<16xi32>], vector<16xf32>,
        %add3A_1669 = arith.constant 16 : i32
        %add3A_1670 = vector.broadcast %add3A_1669 : i32 to vector<16xi32>
        %add3A_1671 = arith.addi %iota3A, %add3A_1670 : vector<16xi32>
        %gather3A_1672 = tpu.vector_load_idx %arg11[%gather3A_1664, %add3A_1671] : memref<137x128xf32, #tpu.memory_space<vmem>>[vector<16xi32>, vector<16xi32>], vector<16xf32>,
        %add3A_1673 = arith.constant 32 : i32
        %add3A_1674 = vector.broadcast %add3A_1673 : i32 to vector<16xi32>
        %add3A_1675 = arith.addi %iota3A, %add3A_1674 : vector<16xi32>
        %gather3A_1676 = tpu.vector_load_idx %arg11[%gather3A_1664, %add3A_1675] : memref<137x128xf32, #tpu.memory_space<vmem>>[vector<16xi32>, vector<16xi32>], vector<16xf32>,
        %add3A_1677 = arith.constant 48 : i32
        %add3A_1678 = vector.broadcast %add3A_1677 : i32 to vector<16xi32>
        %add3A_1679 = arith.addi %iota3A, %add3A_1678 : vector<16xi32>
        %gather3A_1680 = tpu.vector_load_idx %arg11[%gather3A_1664, %add3A_1679] : memref<137x128xf32, #tpu.memory_space<vmem>>[vector<16xi32>, vector<16xi32>], vector<16xf32>,
        %add3A_1681 = arith.constant 64 : i32
        %add3A_1682 = vector.broadcast %add3A_1681 : i32 to vector<16xi32>
        %add3A_1683 = arith.addi %iota3A, %add3A_1682 : vector<16xi32>
        %gather3A_1684 = tpu.vector_load_idx %arg11[%gather3A_1664, %add3A_1683] : memref<137x128xf32, #tpu.memory_space<vmem>>[vector<16xi32>, vector<16xi32>], vector<16xf32>,
        %add3A_1685 = arith.constant 80 : i32
        %add3A_1686 = vector.broadcast %add3A_1685 : i32 to vector<16xi32>
        %add3A_1687 = arith.addi %iota3A, %add3A_1686 : vector<16xi32>
        %gather3A_1688 = tpu.vector_load_idx %arg11[%gather3A_1664, %add3A_1687] : memref<137x128xf32, #tpu.memory_space<vmem>>[vector<16xi32>, vector<16xi32>], vector<16xf32>,
        %add3A_1689 = arith.constant 96 : i32
        %add3A_1690 = vector.broadcast %add3A_1689 : i32 to vector<16xi32>
        %add3A_1691 = arith.addi %iota3A, %add3A_1690 : vector<16xi32>
        %gather3A_1692 = tpu.vector_load_idx %arg11[%gather3A_1664, %add3A_1691] : memref<137x128xf32, #tpu.memory_space<vmem>>[vector<16xi32>, vector<16xi32>], vector<16xf32>,
        %add3A_1693 = arith.constant 112 : i32
        %add3A_1694 = vector.broadcast %add3A_1693 : i32 to vector<16xi32>
        %add3A_1695 = arith.addi %iota3A, %add3A_1694 : vector<16xi32>
        %gather3A_1696 = tpu.vector_load_idx %arg11[%gather3A_1664, %add3A_1695] : memref<137x128xf32, #tpu.memory_space<vmem>>[vector<16xi32>, vector<16xi32>], vector<16xf32>,
        %broadcast_in_dim3A_1697 = arith.constant 14 : i32
        %broadcast_in_dim3A_1698 = vector.broadcast %broadcast_in_dim3A_1697 : i32 to vector<16xi32>
        %broadcast_in_dim3A_1699 = vector.shape_cast %broadcast_in_dim3A_1698 : vector<16xi32> to vector<16x1xi32>
        %gather3A_1700 = vector.shape_cast %broadcast_in_dim3A_1699 : vector<16x1xi32> to vector<16xi32>
        %gather3A_1701 = tpu.dynamic_gather %select_n3A_349[%gather3A_1700] in [0] : vector<16xi32>, vector<16xi32> -> vector<16xi32>
        %add3A_1702 = arith.constant 0 : i32
        %add3A_1703 = vector.broadcast %add3A_1702 : i32 to vector<16xi32>
        %add3A_1704 = arith.addi %iota3A, %add3A_1703 : vector<16xi32>
        %gather3A_1705 = tpu.vector_load_idx %arg11[%gather3A_1701, %add3A_1704] : memref<137x128xf32, #tpu.memory_space<vmem>>[vector<16xi32>, vector<16xi32>], vector<16xf32>,
        %add3A_1706 = arith.constant 16 : i32
        %add3A_1707 = vector.broadcast %add3A_1706 : i32 to vector<16xi32>
        %add3A_1708 = arith.addi %iota3A, %add3A_1707 : vector<16xi32>
        %gather3A_1709 = tpu.vector_load_idx %arg11[%gather3A_1701, %add3A_1708] : memref<137x128xf32, #tpu.memory_space<vmem>>[vector<16xi32>, vector<16xi32>], vector<16xf32>,
        %add3A_1710 = arith.constant 32 : i32
        %add3A_1711 = vector.broadcast %add3A_1710 : i32 to vector<16xi32>
        %add3A_1712 = arith.addi %iota3A, %add3A_1711 : vector<16xi32>
        %gather3A_1713 = tpu.vector_load_idx %arg11[%gather3A_1701, %add3A_1712] : memref<137x128xf32, #tpu.memory_space<vmem>>[vector<16xi32>, vector<16xi32>], vector<16xf32>,
        %add3A_1714 = arith.constant 48 : i32
        %add3A_1715 = vector.broadcast %add3A_1714 : i32 to vector<16xi32>
        %add3A_1716 = arith.addi %iota3A, %add3A_1715 : vector<16xi32>
        %gather3A_1717 = tpu.vector_load_idx %arg11[%gather3A_1701, %add3A_1716] : memref<137x128xf32, #tpu.memory_space<vmem>>[vector<16xi32>, vector<16xi32>], vector<16xf32>,
        %add3A_1718 = arith.constant 64 : i32
        %add3A_1719 = vector.broadcast %add3A_1718 : i32 to vector<16xi32>
        %add3A_1720 = arith.addi %iota3A, %add3A_1719 : vector<16xi32>
        %gather3A_1721 = tpu.vector_load_idx %arg11[%gather3A_1701, %add3A_1720] : memref<137x128xf32, #tpu.memory_space<vmem>>[vector<16xi32>, vector<16xi32>], vector<16xf32>,
        %add3A_1722 = arith.constant 80 : i32
        %add3A_1723 = vector.broadcast %add3A_1722 : i32 to vector<16xi32>
        %add3A_1724 = arith.addi %iota3A, %add3A_1723 : vector<16xi32>
        %gather3A_1725 = tpu.vector_load_idx %arg11[%gather3A_1701, %add3A_1724] : memref<137x128xf32, #tpu.memory_space<vmem>>[vector<16xi32>, vector<16xi32>], vector<16xf32>,
        %add3A_1726 = arith.constant 96 : i32
        %add3A_1727 = vector.broadcast %add3A_1726 : i32 to vector<16xi32>
        %add3A_1728 = arith.addi %iota3A, %add3A_1727 : vector<16xi32>
        %gather3A_1729 = tpu.vector_load_idx %arg11[%gather3A_1701, %add3A_1728] : memref<137x128xf32, #tpu.memory_space<vmem>>[vector<16xi32>, vector<16xi32>], vector<16xf32>,
        %add3A_1730 = arith.constant 112 : i32
        %add3A_1731 = vector.broadcast %add3A_1730 : i32 to vector<16xi32>
        %add3A_1732 = arith.addi %iota3A, %add3A_1731 : vector<16xi32>
        %gather3A_1733 = tpu.vector_load_idx %arg11[%gather3A_1701, %add3A_1732] : memref<137x128xf32, #tpu.memory_space<vmem>>[vector<16xi32>, vector<16xi32>], vector<16xf32>,
        %broadcast_in_dim3A_1734 = arith.constant 15 : i32
        %broadcast_in_dim3A_1735 = vector.broadcast %broadcast_in_dim3A_1734 : i32 to vector<16xi32>
        %broadcast_in_dim3A_1736 = vector.shape_cast %broadcast_in_dim3A_1735 : vector<16xi32> to vector<16x1xi32>
        %gather3A_1737 = vector.shape_cast %broadcast_in_dim3A_1736 : vector<16x1xi32> to vector<16xi32>
        %gather3A_1738 = tpu.dynamic_gather %select_n3A_349[%gather3A_1737] in [0] : vector<16xi32>, vector<16xi32> -> vector<16xi32>
        %add3A_1739 = arith.constant 0 : i32
        %add3A_1740 = vector.broadcast %add3A_1739 : i32 to vector<16xi32>
        %add3A_1741 = arith.addi %iota3A, %add3A_1740 : vector<16xi32>
        %gather3A_1742 = tpu.vector_load_idx %arg11[%gather3A_1738, %add3A_1741] : memref<137x128xf32, #tpu.memory_space<vmem>>[vector<16xi32>, vector<16xi32>], vector<16xf32>,
        %add3A_1743 = arith.constant 16 : i32
        %add3A_1744 = vector.broadcast %add3A_1743 : i32 to vector<16xi32>
        %add3A_1745 = arith.addi %iota3A, %add3A_1744 : vector<16xi32>
        %gather3A_1746 = tpu.vector_load_idx %arg11[%gather3A_1738, %add3A_1745] : memref<137x128xf32, #tpu.memory_space<vmem>>[vector<16xi32>, vector<16xi32>], vector<16xf32>,
        %add3A_1747 = arith.constant 32 : i32
        %add3A_1748 = vector.broadcast %add3A_1747 : i32 to vector<16xi32>
        %add3A_1749 = arith.addi %iota3A, %add3A_1748 : vector<16xi32>
        %gather3A_1750 = tpu.vector_load_idx %arg11[%gather3A_1738, %add3A_1749] : memref<137x128xf32, #tpu.memory_space<vmem>>[vector<16xi32>, vector<16xi32>], vector<16xf32>,
        %add3A_1751 = arith.constant 48 : i32
        %add3A_1752 = vector.broadcast %add3A_1751 : i32 to vector<16xi32>
        %add3A_1753 = arith.addi %iota3A, %add3A_1752 : vector<16xi32>
        %gather3A_1754 = tpu.vector_load_idx %arg11[%gather3A_1738, %add3A_1753] : memref<137x128xf32, #tpu.memory_space<vmem>>[vector<16xi32>, vector<16xi32>], vector<16xf32>,
        %add3A_1755 = arith.constant 64 : i32
        %add3A_1756 = vector.broadcast %add3A_1755 : i32 to vector<16xi32>
        %add3A_1757 = arith.addi %iota3A, %add3A_1756 : vector<16xi32>
        %gather3A_1758 = tpu.vector_load_idx %arg11[%gather3A_1738, %add3A_1757] : memref<137x128xf32, #tpu.memory_space<vmem>>[vector<16xi32>, vector<16xi32>], vector<16xf32>,
        %add3A_1759 = arith.constant 80 : i32
        %add3A_1760 = vector.broadcast %add3A_1759 : i32 to vector<16xi32>
        %add3A_1761 = arith.addi %iota3A, %add3A_1760 : vector<16xi32>
        %gather3A_1762 = tpu.vector_load_idx %arg11[%gather3A_1738, %add3A_1761] : memref<137x128xf32, #tpu.memory_space<vmem>>[vector<16xi32>, vector<16xi32>], vector<16xf32>,
        %add3A_1763 = arith.constant 96 : i32
        %add3A_1764 = vector.broadcast %add3A_1763 : i32 to vector<16xi32>
        %add3A_1765 = arith.addi %iota3A, %add3A_1764 : vector<16xi32>
        %gather3A_1766 = tpu.vector_load_idx %arg11[%gather3A_1738, %add3A_1765] : memref<137x128xf32, #tpu.memory_space<vmem>>[vector<16xi32>, vector<16xi32>], vector<16xf32>,
        %add3A_1767 = arith.constant 112 : i32
        %add3A_1768 = vector.broadcast %add3A_1767 : i32 to vector<16xi32>
        %add3A_1769 = arith.addi %iota3A, %add3A_1768 : vector<16xi32>
        %gather3A_1770 = tpu.vector_load_idx %arg11[%gather3A_1738, %add3A_1769] : memref<137x128xf32, #tpu.memory_space<vmem>>[vector<16xi32>, vector<16xi32>], vector<16xf32>,
        %broadcast_in_dim3A_1771 = arith.constant 12 : i32
        %broadcast_in_dim3A_1772 = vector.broadcast %broadcast_in_dim3A_1771 : i32 to vector<16xi32>
        %broadcast_in_dim3A_1773 = vector.shape_cast %broadcast_in_dim3A_1772 : vector<16xi32> to vector<16x1xi32>
        %gather3A_1774 = vector.shape_cast %broadcast_in_dim3A_1773 : vector<16x1xi32> to vector<16xi32>
        %gather3A_1775 = tpu.dynamic_gather %select_n3A_342[%gather3A_1774] in [0] : vector<16xf32>, vector<16xi32> -> vector<16xf32>
        %sub3A_1776 = arith.subf %gather3A_1631, %add3A_1561 : vector<16xf32>
        %mul3A_1777 = arith.mulf %gather3A_1775, %sub3A_1776 : vector<16xf32>
        %add3A_1778 = arith.addf %add3A_1561, %mul3A_1777 : vector<16xf32>
        %add3A_1779 = arith.constant 12 : i32
        %add3A_1780 = arith.addi %mul3A_351, %add3A_1779 : i32
        %swap3A_1781 = arith.index_cast %add3A_1780 : i32 to index
        %swap3A_1782 = arith.constant 0 : index
        %swap3A_1783 = tpu.vector_load %arg13[%swap3A_1781, %swap3A_1782] {strides = array<i32>} : memref<128x128xf32, #tpu.memory_space<vmem>>, vector<16xf32>,
        tpu.vector_store %arg13[%swap3A_1781, %swap3A_1782], %add3A_1778 {strides = array<i32>} : memref<128x128xf32, #tpu.memory_space<vmem>>, vector<16xf32>,
        %sub3A_1784 = arith.subf %gather3A_1635, %add3A_1569 : vector<16xf32>
        %mul3A_1785 = arith.mulf %gather3A_1775, %sub3A_1784 : vector<16xf32>
        %add3A_1786 = arith.addf %add3A_1569, %mul3A_1785 : vector<16xf32>
        %add3A_1787 = arith.constant 12 : i32
        %add3A_1788 = arith.addi %mul3A_351, %add3A_1787 : i32
        %swap3A_1789 = arith.index_cast %add3A_1788 : i32 to index
        %swap3A_1790 = arith.constant 16 : index
        %swap3A_1791 = tpu.vector_load %arg13[%swap3A_1789, %swap3A_1790] {strides = array<i32>} : memref<128x128xf32, #tpu.memory_space<vmem>>, vector<16xf32>,
        tpu.vector_store %arg13[%swap3A_1789, %swap3A_1790], %add3A_1786 {strides = array<i32>} : memref<128x128xf32, #tpu.memory_space<vmem>>, vector<16xf32>,
        %sub3A_1792 = arith.subf %gather3A_1639, %add3A_1577 : vector<16xf32>
        %mul3A_1793 = arith.mulf %gather3A_1775, %sub3A_1792 : vector<16xf32>
        %add3A_1794 = arith.addf %add3A_1577, %mul3A_1793 : vector<16xf32>
        %add3A_1795 = arith.constant 12 : i32
        %add3A_1796 = arith.addi %mul3A_351, %add3A_1795 : i32
        %swap3A_1797 = arith.index_cast %add3A_1796 : i32 to index
        %swap3A_1798 = arith.constant 32 : index
        %swap3A_1799 = tpu.vector_load %arg13[%swap3A_1797, %swap3A_1798] {strides = array<i32>} : memref<128x128xf32, #tpu.memory_space<vmem>>, vector<16xf32>,
        tpu.vector_store %arg13[%swap3A_1797, %swap3A_1798], %add3A_1794 {strides = array<i32>} : memref<128x128xf32, #tpu.memory_space<vmem>>, vector<16xf32>,
        %sub3A_1800 = arith.subf %gather3A_1643, %add3A_1585 : vector<16xf32>
        %mul3A_1801 = arith.mulf %gather3A_1775, %sub3A_1800 : vector<16xf32>
        %add3A_1802 = arith.addf %add3A_1585, %mul3A_1801 : vector<16xf32>
        %add3A_1803 = arith.constant 12 : i32
        %add3A_1804 = arith.addi %mul3A_351, %add3A_1803 : i32
        %swap3A_1805 = arith.index_cast %add3A_1804 : i32 to index
        %swap3A_1806 = arith.constant 48 : index
        %swap3A_1807 = tpu.vector_load %arg13[%swap3A_1805, %swap3A_1806] {strides = array<i32>} : memref<128x128xf32, #tpu.memory_space<vmem>>, vector<16xf32>,
        tpu.vector_store %arg13[%swap3A_1805, %swap3A_1806], %add3A_1802 {strides = array<i32>} : memref<128x128xf32, #tpu.memory_space<vmem>>, vector<16xf32>,
        %sub3A_1808 = arith.subf %gather3A_1647, %add3A_1593 : vector<16xf32>
        %mul3A_1809 = arith.mulf %gather3A_1775, %sub3A_1808 : vector<16xf32>
        %add3A_1810 = arith.addf %add3A_1593, %mul3A_1809 : vector<16xf32>
        %add3A_1811 = arith.constant 12 : i32
        %add3A_1812 = arith.addi %mul3A_351, %add3A_1811 : i32
        %swap3A_1813 = arith.index_cast %add3A_1812 : i32 to index
        %swap3A_1814 = arith.constant 64 : index
        %swap3A_1815 = tpu.vector_load %arg13[%swap3A_1813, %swap3A_1814] {strides = array<i32>} : memref<128x128xf32, #tpu.memory_space<vmem>>, vector<16xf32>,
        tpu.vector_store %arg13[%swap3A_1813, %swap3A_1814], %add3A_1810 {strides = array<i32>} : memref<128x128xf32, #tpu.memory_space<vmem>>, vector<16xf32>,
        %sub3A_1816 = arith.subf %gather3A_1651, %add3A_1601 : vector<16xf32>
        %mul3A_1817 = arith.mulf %gather3A_1775, %sub3A_1816 : vector<16xf32>
        %add3A_1818 = arith.addf %add3A_1601, %mul3A_1817 : vector<16xf32>
        %add3A_1819 = arith.constant 12 : i32
        %add3A_1820 = arith.addi %mul3A_351, %add3A_1819 : i32
        %swap3A_1821 = arith.index_cast %add3A_1820 : i32 to index
        %swap3A_1822 = arith.constant 80 : index
        %swap3A_1823 = tpu.vector_load %arg13[%swap3A_1821, %swap3A_1822] {strides = array<i32>} : memref<128x128xf32, #tpu.memory_space<vmem>>, vector<16xf32>,
        tpu.vector_store %arg13[%swap3A_1821, %swap3A_1822], %add3A_1818 {strides = array<i32>} : memref<128x128xf32, #tpu.memory_space<vmem>>, vector<16xf32>,
        %sub3A_1824 = arith.subf %gather3A_1655, %add3A_1609 : vector<16xf32>
        %mul3A_1825 = arith.mulf %gather3A_1775, %sub3A_1824 : vector<16xf32>
        %add3A_1826 = arith.addf %add3A_1609, %mul3A_1825 : vector<16xf32>
        %add3A_1827 = arith.constant 12 : i32
        %add3A_1828 = arith.addi %mul3A_351, %add3A_1827 : i32
        %swap3A_1829 = arith.index_cast %add3A_1828 : i32 to index
        %swap3A_1830 = arith.constant 96 : index
        %swap3A_1831 = tpu.vector_load %arg13[%swap3A_1829, %swap3A_1830] {strides = array<i32>} : memref<128x128xf32, #tpu.memory_space<vmem>>, vector<16xf32>,
        tpu.vector_store %arg13[%swap3A_1829, %swap3A_1830], %add3A_1826 {strides = array<i32>} : memref<128x128xf32, #tpu.memory_space<vmem>>, vector<16xf32>,
        %sub3A_1832 = arith.subf %gather3A_1659, %add3A_1617 : vector<16xf32>
        %mul3A_1833 = arith.mulf %gather3A_1775, %sub3A_1832 : vector<16xf32>
        %add3A_1834 = arith.addf %add3A_1617, %mul3A_1833 : vector<16xf32>
        %add3A_1835 = arith.constant 12 : i32
        %add3A_1836 = arith.addi %mul3A_351, %add3A_1835 : i32
        %swap3A_1837 = arith.index_cast %add3A_1836 : i32 to index
        %swap3A_1838 = arith.constant 112 : index
        %swap3A_1839 = tpu.vector_load %arg13[%swap3A_1837, %swap3A_1838] {strides = array<i32>} : memref<128x128xf32, #tpu.memory_space<vmem>>, vector<16xf32>,
        tpu.vector_store %arg13[%swap3A_1837, %swap3A_1838], %add3A_1834 {strides = array<i32>} : memref<128x128xf32, #tpu.memory_space<vmem>>, vector<16xf32>,
        %broadcast_in_dim3A_1840 = arith.constant 13 : i32
        %broadcast_in_dim3A_1841 = vector.broadcast %broadcast_in_dim3A_1840 : i32 to vector<16xi32>
        %broadcast_in_dim3A_1842 = vector.shape_cast %broadcast_in_dim3A_1841 : vector<16xi32> to vector<16x1xi32>
        %gather3A_1843 = vector.shape_cast %broadcast_in_dim3A_1842 : vector<16x1xi32> to vector<16xi32>
        %gather3A_1844 = tpu.dynamic_gather %select_n3A_342[%gather3A_1843] in [0] : vector<16xf32>, vector<16xi32> -> vector<16xf32>
        %sub3A_1845 = arith.subf %gather3A_1668, %add3A_1778 : vector<16xf32>
        %mul3A_1846 = arith.mulf %gather3A_1844, %sub3A_1845 : vector<16xf32>
        %add3A_1847 = arith.addf %add3A_1778, %mul3A_1846 : vector<16xf32>
        %add3A_1848 = arith.constant 13 : i32
        %add3A_1849 = arith.addi %mul3A_351, %add3A_1848 : i32
        %swap3A_1850 = arith.index_cast %add3A_1849 : i32 to index
        %swap3A_1851 = arith.constant 0 : index
        %swap3A_1852 = tpu.vector_load %arg13[%swap3A_1850, %swap3A_1851] {strides = array<i32>} : memref<128x128xf32, #tpu.memory_space<vmem>>, vector<16xf32>,
        tpu.vector_store %arg13[%swap3A_1850, %swap3A_1851], %add3A_1847 {strides = array<i32>} : memref<128x128xf32, #tpu.memory_space<vmem>>, vector<16xf32>,
        %sub3A_1853 = arith.subf %gather3A_1672, %add3A_1786 : vector<16xf32>
        %mul3A_1854 = arith.mulf %gather3A_1844, %sub3A_1853 : vector<16xf32>
        %add3A_1855 = arith.addf %add3A_1786, %mul3A_1854 : vector<16xf32>
        %add3A_1856 = arith.constant 13 : i32
        %add3A_1857 = arith.addi %mul3A_351, %add3A_1856 : i32
        %swap3A_1858 = arith.index_cast %add3A_1857 : i32 to index
        %swap3A_1859 = arith.constant 16 : index
        %swap3A_1860 = tpu.vector_load %arg13[%swap3A_1858, %swap3A_1859] {strides = array<i32>} : memref<128x128xf32, #tpu.memory_space<vmem>>, vector<16xf32>,
        tpu.vector_store %arg13[%swap3A_1858, %swap3A_1859], %add3A_1855 {strides = array<i32>} : memref<128x128xf32, #tpu.memory_space<vmem>>, vector<16xf32>,
        %sub3A_1861 = arith.subf %gather3A_1676, %add3A_1794 : vector<16xf32>
        %mul3A_1862 = arith.mulf %gather3A_1844, %sub3A_1861 : vector<16xf32>
        %add3A_1863 = arith.addf %add3A_1794, %mul3A_1862 : vector<16xf32>
        %add3A_1864 = arith.constant 13 : i32
        %add3A_1865 = arith.addi %mul3A_351, %add3A_1864 : i32
        %swap3A_1866 = arith.index_cast %add3A_1865 : i32 to index
        %swap3A_1867 = arith.constant 32 : index
        %swap3A_1868 = tpu.vector_load %arg13[%swap3A_1866, %swap3A_1867] {strides = array<i32>} : memref<128x128xf32, #tpu.memory_space<vmem>>, vector<16xf32>,
        tpu.vector_store %arg13[%swap3A_1866, %swap3A_1867], %add3A_1863 {strides = array<i32>} : memref<128x128xf32, #tpu.memory_space<vmem>>, vector<16xf32>,
        %sub3A_1869 = arith.subf %gather3A_1680, %add3A_1802 : vector<16xf32>
        %mul3A_1870 = arith.mulf %gather3A_1844, %sub3A_1869 : vector<16xf32>
        %add3A_1871 = arith.addf %add3A_1802, %mul3A_1870 : vector<16xf32>
        %add3A_1872 = arith.constant 13 : i32
        %add3A_1873 = arith.addi %mul3A_351, %add3A_1872 : i32
        %swap3A_1874 = arith.index_cast %add3A_1873 : i32 to index
        %swap3A_1875 = arith.constant 48 : index
        %swap3A_1876 = tpu.vector_load %arg13[%swap3A_1874, %swap3A_1875] {strides = array<i32>} : memref<128x128xf32, #tpu.memory_space<vmem>>, vector<16xf32>,
        tpu.vector_store %arg13[%swap3A_1874, %swap3A_1875], %add3A_1871 {strides = array<i32>} : memref<128x128xf32, #tpu.memory_space<vmem>>, vector<16xf32>,
        %sub3A_1877 = arith.subf %gather3A_1684, %add3A_1810 : vector<16xf32>
        %mul3A_1878 = arith.mulf %gather3A_1844, %sub3A_1877 : vector<16xf32>
        %add3A_1879 = arith.addf %add3A_1810, %mul3A_1878 : vector<16xf32>
        %add3A_1880 = arith.constant 13 : i32
        %add3A_1881 = arith.addi %mul3A_351, %add3A_1880 : i32
        %swap3A_1882 = arith.index_cast %add3A_1881 : i32 to index
        %swap3A_1883 = arith.constant 64 : index
        %swap3A_1884 = tpu.vector_load %arg13[%swap3A_1882, %swap3A_1883] {strides = array<i32>} : memref<128x128xf32, #tpu.memory_space<vmem>>, vector<16xf32>,
        tpu.vector_store %arg13[%swap3A_1882, %swap3A_1883], %add3A_1879 {strides = array<i32>} : memref<128x128xf32, #tpu.memory_space<vmem>>, vector<16xf32>,
        %sub3A_1885 = arith.subf %gather3A_1688, %add3A_1818 : vector<16xf32>
        %mul3A_1886 = arith.mulf %gather3A_1844, %sub3A_1885 : vector<16xf32>
        %add3A_1887 = arith.addf %add3A_1818, %mul3A_1886 : vector<16xf32>
        %add3A_1888 = arith.constant 13 : i32
        %add3A_1889 = arith.addi %mul3A_351, %add3A_1888 : i32
        %swap3A_1890 = arith.index_cast %add3A_1889 : i32 to index
        %swap3A_1891 = arith.constant 80 : index
        %swap3A_1892 = tpu.vector_load %arg13[%swap3A_1890, %swap3A_1891] {strides = array<i32>} : memref<128x128xf32, #tpu.memory_space<vmem>>, vector<16xf32>,
        tpu.vector_store %arg13[%swap3A_1890, %swap3A_1891], %add3A_1887 {strides = array<i32>} : memref<128x128xf32, #tpu.memory_space<vmem>>, vector<16xf32>,
        %sub3A_1893 = arith.subf %gather3A_1692, %add3A_1826 : vector<16xf32>
        %mul3A_1894 = arith.mulf %gather3A_1844, %sub3A_1893 : vector<16xf32>
        %add3A_1895 = arith.addf %add3A_1826, %mul3A_1894 : vector<16xf32>
        %add3A_1896 = arith.constant 13 : i32
        %add3A_1897 = arith.addi %mul3A_351, %add3A_1896 : i32
        %swap3A_1898 = arith.index_cast %add3A_1897 : i32 to index
        %swap3A_1899 = arith.constant 96 : index
        %swap3A_1900 = tpu.vector_load %arg13[%swap3A_1898, %swap3A_1899] {strides = array<i32>} : memref<128x128xf32, #tpu.memory_space<vmem>>, vector<16xf32>,
        tpu.vector_store %arg13[%swap3A_1898, %swap3A_1899], %add3A_1895 {strides = array<i32>} : memref<128x128xf32, #tpu.memory_space<vmem>>, vector<16xf32>,
        %sub3A_1901 = arith.subf %gather3A_1696, %add3A_1834 : vector<16xf32>
        %mul3A_1902 = arith.mulf %gather3A_1844, %sub3A_1901 : vector<16xf32>
        %add3A_1903 = arith.addf %add3A_1834, %mul3A_1902 : vector<16xf32>
        %add3A_1904 = arith.constant 13 : i32
        %add3A_1905 = arith.addi %mul3A_351, %add3A_1904 : i32
        %swap3A_1906 = arith.index_cast %add3A_1905 : i32 to index
        %swap3A_1907 = arith.constant 112 : index
        %swap3A_1908 = tpu.vector_load %arg13[%swap3A_1906, %swap3A_1907] {strides = array<i32>} : memref<128x128xf32, #tpu.memory_space<vmem>>, vector<16xf32>,
        tpu.vector_store %arg13[%swap3A_1906, %swap3A_1907], %add3A_1903 {strides = array<i32>} : memref<128x128xf32, #tpu.memory_space<vmem>>, vector<16xf32>,
        %broadcast_in_dim3A_1909 = arith.constant 14 : i32
        %broadcast_in_dim3A_1910 = vector.broadcast %broadcast_in_dim3A_1909 : i32 to vector<16xi32>
        %broadcast_in_dim3A_1911 = vector.shape_cast %broadcast_in_dim3A_1910 : vector<16xi32> to vector<16x1xi32>
        %gather3A_1912 = vector.shape_cast %broadcast_in_dim3A_1911 : vector<16x1xi32> to vector<16xi32>
        %gather3A_1913 = tpu.dynamic_gather %select_n3A_342[%gather3A_1912] in [0] : vector<16xf32>, vector<16xi32> -> vector<16xf32>
        %sub3A_1914 = arith.subf %gather3A_1705, %add3A_1847 : vector<16xf32>
        %mul3A_1915 = arith.mulf %gather3A_1913, %sub3A_1914 : vector<16xf32>
        %add3A_1916 = arith.addf %add3A_1847, %mul3A_1915 : vector<16xf32>
        %add3A_1917 = arith.constant 14 : i32
        %add3A_1918 = arith.addi %mul3A_351, %add3A_1917 : i32
        %swap3A_1919 = arith.index_cast %add3A_1918 : i32 to index
        %swap3A_1920 = arith.constant 0 : index
        %swap3A_1921 = tpu.vector_load %arg13[%swap3A_1919, %swap3A_1920] {strides = array<i32>} : memref<128x128xf32, #tpu.memory_space<vmem>>, vector<16xf32>,
        tpu.vector_store %arg13[%swap3A_1919, %swap3A_1920], %add3A_1916 {strides = array<i32>} : memref<128x128xf32, #tpu.memory_space<vmem>>, vector<16xf32>,
        %sub3A_1922 = arith.subf %gather3A_1709, %add3A_1855 : vector<16xf32>
        %mul3A_1923 = arith.mulf %gather3A_1913, %sub3A_1922 : vector<16xf32>
        %add3A_1924 = arith.addf %add3A_1855, %mul3A_1923 : vector<16xf32>
        %add3A_1925 = arith.constant 14 : i32
        %add3A_1926 = arith.addi %mul3A_351, %add3A_1925 : i32
        %swap3A_1927 = arith.index_cast %add3A_1926 : i32 to index
        %swap3A_1928 = arith.constant 16 : index
        %swap3A_1929 = tpu.vector_load %arg13[%swap3A_1927, %swap3A_1928] {strides = array<i32>} : memref<128x128xf32, #tpu.memory_space<vmem>>, vector<16xf32>,
        tpu.vector_store %arg13[%swap3A_1927, %swap3A_1928], %add3A_1924 {strides = array<i32>} : memref<128x128xf32, #tpu.memory_space<vmem>>, vector<16xf32>,
        %sub3A_1930 = arith.subf %gather3A_1713, %add3A_1863 : vector<16xf32>
        %mul3A_1931 = arith.mulf %gather3A_1913, %sub3A_1930 : vector<16xf32>
        %add3A_1932 = arith.addf %add3A_1863, %mul3A_1931 : vector<16xf32>
        %add3A_1933 = arith.constant 14 : i32
        %add3A_1934 = arith.addi %mul3A_351, %add3A_1933 : i32
        %swap3A_1935 = arith.index_cast %add3A_1934 : i32 to index
        %swap3A_1936 = arith.constant 32 : index
        %swap3A_1937 = tpu.vector_load %arg13[%swap3A_1935, %swap3A_1936] {strides = array<i32>} : memref<128x128xf32, #tpu.memory_space<vmem>>, vector<16xf32>,
        tpu.vector_store %arg13[%swap3A_1935, %swap3A_1936], %add3A_1932 {strides = array<i32>} : memref<128x128xf32, #tpu.memory_space<vmem>>, vector<16xf32>,
        %sub3A_1938 = arith.subf %gather3A_1717, %add3A_1871 : vector<16xf32>
        %mul3A_1939 = arith.mulf %gather3A_1913, %sub3A_1938 : vector<16xf32>
        %add3A_1940 = arith.addf %add3A_1871, %mul3A_1939 : vector<16xf32>
        %add3A_1941 = arith.constant 14 : i32
        %add3A_1942 = arith.addi %mul3A_351, %add3A_1941 : i32
        %swap3A_1943 = arith.index_cast %add3A_1942 : i32 to index
        %swap3A_1944 = arith.constant 48 : index
        %swap3A_1945 = tpu.vector_load %arg13[%swap3A_1943, %swap3A_1944] {strides = array<i32>} : memref<128x128xf32, #tpu.memory_space<vmem>>, vector<16xf32>,
        tpu.vector_store %arg13[%swap3A_1943, %swap3A_1944], %add3A_1940 {strides = array<i32>} : memref<128x128xf32, #tpu.memory_space<vmem>>, vector<16xf32>,
        %sub3A_1946 = arith.subf %gather3A_1721, %add3A_1879 : vector<16xf32>
        %mul3A_1947 = arith.mulf %gather3A_1913, %sub3A_1946 : vector<16xf32>
        %add3A_1948 = arith.addf %add3A_1879, %mul3A_1947 : vector<16xf32>
        %add3A_1949 = arith.constant 14 : i32
        %add3A_1950 = arith.addi %mul3A_351, %add3A_1949 : i32
        %swap3A_1951 = arith.index_cast %add3A_1950 : i32 to index
        %swap3A_1952 = arith.constant 64 : index
        %swap3A_1953 = tpu.vector_load %arg13[%swap3A_1951, %swap3A_1952] {strides = array<i32>} : memref<128x128xf32, #tpu.memory_space<vmem>>, vector<16xf32>,
        tpu.vector_store %arg13[%swap3A_1951, %swap3A_1952], %add3A_1948 {strides = array<i32>} : memref<128x128xf32, #tpu.memory_space<vmem>>, vector<16xf32>,
        %sub3A_1954 = arith.subf %gather3A_1725, %add3A_1887 : vector<16xf32>
        %mul3A_1955 = arith.mulf %gather3A_1913, %sub3A_1954 : vector<16xf32>
        %add3A_1956 = arith.addf %add3A_1887, %mul3A_1955 : vector<16xf32>
        %add3A_1957 = arith.constant 14 : i32
        %add3A_1958 = arith.addi %mul3A_351, %add3A_1957 : i32
        %swap3A_1959 = arith.index_cast %add3A_1958 : i32 to index
        %swap3A_1960 = arith.constant 80 : index
        %swap3A_1961 = tpu.vector_load %arg13[%swap3A_1959, %swap3A_1960] {strides = array<i32>} : memref<128x128xf32, #tpu.memory_space<vmem>>, vector<16xf32>,
        tpu.vector_store %arg13[%swap3A_1959, %swap3A_1960], %add3A_1956 {strides = array<i32>} : memref<128x128xf32, #tpu.memory_space<vmem>>, vector<16xf32>,
        %sub3A_1962 = arith.subf %gather3A_1729, %add3A_1895 : vector<16xf32>
        %mul3A_1963 = arith.mulf %gather3A_1913, %sub3A_1962 : vector<16xf32>
        %add3A_1964 = arith.addf %add3A_1895, %mul3A_1963 : vector<16xf32>
        %add3A_1965 = arith.constant 14 : i32
        %add3A_1966 = arith.addi %mul3A_351, %add3A_1965 : i32
        %swap3A_1967 = arith.index_cast %add3A_1966 : i32 to index
        %swap3A_1968 = arith.constant 96 : index
        %swap3A_1969 = tpu.vector_load %arg13[%swap3A_1967, %swap3A_1968] {strides = array<i32>} : memref<128x128xf32, #tpu.memory_space<vmem>>, vector<16xf32>,
        tpu.vector_store %arg13[%swap3A_1967, %swap3A_1968], %add3A_1964 {strides = array<i32>} : memref<128x128xf32, #tpu.memory_space<vmem>>, vector<16xf32>,
        %sub3A_1970 = arith.subf %gather3A_1733, %add3A_1903 : vector<16xf32>
        %mul3A_1971 = arith.mulf %gather3A_1913, %sub3A_1970 : vector<16xf32>
        %add3A_1972 = arith.addf %add3A_1903, %mul3A_1971 : vector<16xf32>
        %add3A_1973 = arith.constant 14 : i32
        %add3A_1974 = arith.addi %mul3A_351, %add3A_1973 : i32
        %swap3A_1975 = arith.index_cast %add3A_1974 : i32 to index
        %swap3A_1976 = arith.constant 112 : index
        %swap3A_1977 = tpu.vector_load %arg13[%swap3A_1975, %swap3A_1976] {strides = array<i32>} : memref<128x128xf32, #tpu.memory_space<vmem>>, vector<16xf32>,
        tpu.vector_store %arg13[%swap3A_1975, %swap3A_1976], %add3A_1972 {strides = array<i32>} : memref<128x128xf32, #tpu.memory_space<vmem>>, vector<16xf32>,
        %broadcast_in_dim3A_1978 = arith.constant 15 : i32
        %broadcast_in_dim3A_1979 = vector.broadcast %broadcast_in_dim3A_1978 : i32 to vector<16xi32>
        %broadcast_in_dim3A_1980 = vector.shape_cast %broadcast_in_dim3A_1979 : vector<16xi32> to vector<16x1xi32>
        %gather3A_1981 = vector.shape_cast %broadcast_in_dim3A_1980 : vector<16x1xi32> to vector<16xi32>
        %gather3A_1982 = tpu.dynamic_gather %select_n3A_342[%gather3A_1981] in [0] : vector<16xf32>, vector<16xi32> -> vector<16xf32>
        %sub3A_1983 = arith.subf %gather3A_1742, %add3A_1916 : vector<16xf32>
        %mul3A_1984 = arith.mulf %gather3A_1982, %sub3A_1983 : vector<16xf32>
        %add3A_1985 = arith.addf %add3A_1916, %mul3A_1984 : vector<16xf32>
        %add3A_1986 = arith.constant 15 : i32
        %add3A_1987 = arith.addi %mul3A_351, %add3A_1986 : i32
        %swap3A_1988 = arith.index_cast %add3A_1987 : i32 to index
        %swap3A_1989 = arith.constant 0 : index
        %swap3A_1990 = tpu.vector_load %arg13[%swap3A_1988, %swap3A_1989] {strides = array<i32>} : memref<128x128xf32, #tpu.memory_space<vmem>>, vector<16xf32>,
        tpu.vector_store %arg13[%swap3A_1988, %swap3A_1989], %add3A_1985 {strides = array<i32>} : memref<128x128xf32, #tpu.memory_space<vmem>>, vector<16xf32>,
        %sub3A_1991 = arith.subf %gather3A_1746, %add3A_1924 : vector<16xf32>
        %mul3A_1992 = arith.mulf %gather3A_1982, %sub3A_1991 : vector<16xf32>
        %add3A_1993 = arith.addf %add3A_1924, %mul3A_1992 : vector<16xf32>
        %add3A_1994 = arith.constant 15 : i32
        %add3A_1995 = arith.addi %mul3A_351, %add3A_1994 : i32
        %swap3A_1996 = arith.index_cast %add3A_1995 : i32 to index
        %swap3A_1997 = arith.constant 16 : index
        %swap3A_1998 = tpu.vector_load %arg13[%swap3A_1996, %swap3A_1997] {strides = array<i32>} : memref<128x128xf32, #tpu.memory_space<vmem>>, vector<16xf32>,
        tpu.vector_store %arg13[%swap3A_1996, %swap3A_1997], %add3A_1993 {strides = array<i32>} : memref<128x128xf32, #tpu.memory_space<vmem>>, vector<16xf32>,
        %sub3A_1999 = arith.subf %gather3A_1750, %add3A_1932 : vector<16xf32>
        %mul3A_2000 = arith.mulf %gather3A_1982, %sub3A_1999 : vector<16xf32>
        %add3A_2001 = arith.addf %add3A_1932, %mul3A_2000 : vector<16xf32>
        %add3A_2002 = arith.constant 15 : i32
        %add3A_2003 = arith.addi %mul3A_351, %add3A_2002 : i32
        %swap3A_2004 = arith.index_cast %add3A_2003 : i32 to index
        %swap3A_2005 = arith.constant 32 : index
        %swap3A_2006 = tpu.vector_load %arg13[%swap3A_2004, %swap3A_2005] {strides = array<i32>} : memref<128x128xf32, #tpu.memory_space<vmem>>, vector<16xf32>,
        tpu.vector_store %arg13[%swap3A_2004, %swap3A_2005], %add3A_2001 {strides = array<i32>} : memref<128x128xf32, #tpu.memory_space<vmem>>, vector<16xf32>,
        %sub3A_2007 = arith.subf %gather3A_1754, %add3A_1940 : vector<16xf32>
        %mul3A_2008 = arith.mulf %gather3A_1982, %sub3A_2007 : vector<16xf32>
        %add3A_2009 = arith.addf %add3A_1940, %mul3A_2008 : vector<16xf32>
        %add3A_2010 = arith.constant 15 : i32
        %add3A_2011 = arith.addi %mul3A_351, %add3A_2010 : i32
        %swap3A_2012 = arith.index_cast %add3A_2011 : i32 to index
        %swap3A_2013 = arith.constant 48 : index
        %swap3A_2014 = tpu.vector_load %arg13[%swap3A_2012, %swap3A_2013] {strides = array<i32>} : memref<128x128xf32, #tpu.memory_space<vmem>>, vector<16xf32>,
        tpu.vector_store %arg13[%swap3A_2012, %swap3A_2013], %add3A_2009 {strides = array<i32>} : memref<128x128xf32, #tpu.memory_space<vmem>>, vector<16xf32>,
        %sub3A_2015 = arith.subf %gather3A_1758, %add3A_1948 : vector<16xf32>
        %mul3A_2016 = arith.mulf %gather3A_1982, %sub3A_2015 : vector<16xf32>
        %add3A_2017 = arith.addf %add3A_1948, %mul3A_2016 : vector<16xf32>
        %add3A_2018 = arith.constant 15 : i32
        %add3A_2019 = arith.addi %mul3A_351, %add3A_2018 : i32
        %swap3A_2020 = arith.index_cast %add3A_2019 : i32 to index
        %swap3A_2021 = arith.constant 64 : index
        %swap3A_2022 = tpu.vector_load %arg13[%swap3A_2020, %swap3A_2021] {strides = array<i32>} : memref<128x128xf32, #tpu.memory_space<vmem>>, vector<16xf32>,
        tpu.vector_store %arg13[%swap3A_2020, %swap3A_2021], %add3A_2017 {strides = array<i32>} : memref<128x128xf32, #tpu.memory_space<vmem>>, vector<16xf32>,
        %sub3A_2023 = arith.subf %gather3A_1762, %add3A_1956 : vector<16xf32>
        %mul3A_2024 = arith.mulf %gather3A_1982, %sub3A_2023 : vector<16xf32>
        %add3A_2025 = arith.addf %add3A_1956, %mul3A_2024 : vector<16xf32>
        %add3A_2026 = arith.constant 15 : i32
        %add3A_2027 = arith.addi %mul3A_351, %add3A_2026 : i32
        %swap3A_2028 = arith.index_cast %add3A_2027 : i32 to index
        %swap3A_2029 = arith.constant 80 : index
        %swap3A_2030 = tpu.vector_load %arg13[%swap3A_2028, %swap3A_2029] {strides = array<i32>} : memref<128x128xf32, #tpu.memory_space<vmem>>, vector<16xf32>,
        tpu.vector_store %arg13[%swap3A_2028, %swap3A_2029], %add3A_2025 {strides = array<i32>} : memref<128x128xf32, #tpu.memory_space<vmem>>, vector<16xf32>,
        %sub3A_2031 = arith.subf %gather3A_1766, %add3A_1964 : vector<16xf32>
        %mul3A_2032 = arith.mulf %gather3A_1982, %sub3A_2031 : vector<16xf32>
        %add3A_2033 = arith.addf %add3A_1964, %mul3A_2032 : vector<16xf32>
        %add3A_2034 = arith.constant 15 : i32
        %add3A_2035 = arith.addi %mul3A_351, %add3A_2034 : i32
        %swap3A_2036 = arith.index_cast %add3A_2035 : i32 to index
        %swap3A_2037 = arith.constant 96 : index
        %swap3A_2038 = tpu.vector_load %arg13[%swap3A_2036, %swap3A_2037] {strides = array<i32>} : memref<128x128xf32, #tpu.memory_space<vmem>>, vector<16xf32>,
        tpu.vector_store %arg13[%swap3A_2036, %swap3A_2037], %add3A_2033 {strides = array<i32>} : memref<128x128xf32, #tpu.memory_space<vmem>>, vector<16xf32>,
        %sub3A_2039 = arith.subf %gather3A_1770, %add3A_1972 : vector<16xf32>
        %mul3A_2040 = arith.mulf %gather3A_1982, %sub3A_2039 : vector<16xf32>
        %add3A_2041 = arith.addf %add3A_1972, %mul3A_2040 : vector<16xf32>
        %add3A_2042 = arith.constant 15 : i32
        %add3A_2043 = arith.addi %mul3A_351, %add3A_2042 : i32
        %swap3A_2044 = arith.index_cast %add3A_2043 : i32 to index
        %swap3A_2045 = arith.constant 112 : index
        %swap3A_2046 = tpu.vector_load %arg13[%swap3A_2044, %swap3A_2045] {strides = array<i32>} : memref<128x128xf32, #tpu.memory_space<vmem>>, vector<16xf32>,
        tpu.vector_store %arg13[%swap3A_2044, %swap3A_2045], %add3A_2041 {strides = array<i32>} : memref<128x128xf32, #tpu.memory_space<vmem>>, vector<16xf32>,
        scf.yield %add3A_1985, %add3A_1993, %add3A_2001, %add3A_2009, %add3A_2017, %add3A_2025, %add3A_2033, %add3A_2041 : vector<16xf32>, vector<16xf32>, vector<16xf32>, vector<16xf32>, vector<16xf32>, vector<16xf32>, vector<16xf32>, vector<16xf32>
      }
      %scan3A_312 = arith.constant 8 : i32
      %dma_start3A_313 = tpu.memref_slice %arg5[%select_n3A, %mul3A_246, %mul3A_127] : memref<8x2048x512xf32, #tpu.memory_space<hbm>> -> memref<1x128x128xf32, #tpu.memory_space<hbm>>
      %dma_start3A_314 = tpu.memref_squeeze %dma_start3A_313 : memref<1x128x128xf32, #tpu.memory_space<hbm>> -> memref<128x128xf32, #tpu.memory_space<hbm>>
      %dma_start3A_315 = tpu.memref_slice %arg5[%select_n3A, %mul3A_246, %mul3A_127] : memref<8x2048x512xf32, #tpu.memory_space<hbm>> -> memref<1x128x128xf32, #tpu.memory_space<hbm>>
      %dma_start3A_316 = tpu.memref_squeeze %dma_start3A_315 : memref<1x128x128xf32, #tpu.memory_space<hbm>> -> memref<128x128xf32, #tpu.memory_space<hbm>>
      tpu.enqueue_dma source(%arg13 : memref<128x128xf32, #tpu.memory_space<vmem>>) target(%dma_start3A_316 : memref<128x128xf32, #tpu.memory_space<hbm>>) target_semaphore(%arg17 : memref<!tpu.dma_semaphore, #tpu.memory_space<semaphore_mem>>)
      scf.yield %scan3A_311#0, %scan3A_311#1, %scan3A_311#2, %scan3A_311#3, %scan3A_311#4, %scan3A_311#5, %scan3A_311#6, %scan3A_311#7 : vector<16xf32>, vector<16xf32>, vector<16xf32>, vector<16xf32>, vector<16xf32>, vector<16xf32>, vector<16xf32>, vector<16xf32>
    }
    %scan3A_149 = arith.constant 8 : i32
    %dma_wait3A = arith.constant 1792 : i32
    %dma_wait3A_150 = tpu.memref_slice %arg5[%select_n3A, %dma_wait3A, %mul3A_127] : memref<8x2048x512xf32, #tpu.memory_space<hbm>> -> memref<1x128x128xf32, #tpu.memory_space<hbm>>
    %dma_wait3A_151 = tpu.memref_squeeze %dma_wait3A_150 : memref<1x128x128xf32, #tpu.memory_space<hbm>> -> memref<128x128xf32, #tpu.memory_space<hbm>>
    %dma_wait3A_152 = arith.constant 1792 : i32
    %dma_wait3A_153 = tpu.memref_slice %arg5[%select_n3A, %dma_wait3A_152, %mul3A_127] : memref<8x2048x512xf32, #tpu.memory_space<hbm>> -> memref<1x128x128xf32, #tpu.memory_space<hbm>>
    %dma_wait3A_154 = tpu.memref_squeeze %dma_wait3A_153 : memref<1x128x128xf32, #tpu.memory_space<hbm>> -> memref<128x128xf32, #tpu.memory_space<hbm>>
    tpu.wait_dma2 semaphore(%arg16 : memref<!tpu.dma_semaphore, #tpu.memory_space<semaphore_mem>>) src(%arg12 : memref<128x128xf32, #tpu.memory_space<vmem>>) dst(%dma_wait3A_154 : memref<128x128xf32, #tpu.memory_space<hbm>>)
    %dma_wait3A_155 = arith.constant 1920 : i32
    %dma_wait3A_156 = tpu.memref_slice %arg5[%select_n3A, %dma_wait3A_155, %mul3A_127] : memref<8x2048x512xf32, #tpu.memory_space<hbm>> -> memref<1x128x128xf32, #tpu.memory_space<hbm>>
    %dma_wait3A_157 = tpu.memref_squeeze %dma_wait3A_156 : memref<1x128x128xf32, #tpu.memory_space<hbm>> -> memref<128x128xf32, #tpu.memory_space<hbm>>
    %dma_wait3A_158 = arith.constant 1920 : i32
    %dma_wait3A_159 = tpu.memref_slice %arg5[%select_n3A, %dma_wait3A_158, %mul3A_127] : memref<8x2048x512xf32, #tpu.memory_space<hbm>> -> memref<1x128x128xf32, #tpu.memory_space<hbm>>
    %dma_wait3A_160 = tpu.memref_squeeze %dma_wait3A_159 : memref<1x128x128xf32, #tpu.memory_space<hbm>> -> memref<128x128xf32, #tpu.memory_space<hbm>>
    tpu.wait_dma2 semaphore(%arg17 : memref<!tpu.dma_semaphore, #tpu.memory_space<semaphore_mem>>) src(%arg13 : memref<128x128xf32, #tpu.memory_space<vmem>>) dst(%dma_wait3A_160 : memref<128x128xf32, #tpu.memory_space<hbm>>)
    return
  }
}

</mosaic_0001>

<sc_bundles>
// kernel: kernel.3.cloned.1.call-start
scs
__scs_entry_jumppad:
0x0: {  	(pc) =	sbr.rel $0x88, $3  }
0x1: {  	(tag) =	ssettag $0x0;
	lr =	simm.s32 $0x1  }
0x2: {  	[smem:$0x3F9E] =	sst lr;
	_ =	strace $0xD0000000  }
0x3: {  	_ = 	snop  }
0x4: {  	_ = 	snop  }
0x5: {  	_ = 	snop  }
0x6: {  	_ = 	snop  }
0x7: {  	_ = 	snop  }
__scs_overlays_trampoline_lowered:
0x8: {  	[smem:$0x3FAD] =	sst s0  }
0x9: {  	[smem:$0x3FAE] =	sst s1  }
0xa: {  	[smem:$0x3FAF] =	sst s2  }
0xb: {  	[smem:$0x3FB0] =	sst s3  }
0xc: {  	[smem:$0x3FB1] =	sst s4  }
0xd: {  	[smem:$0x3FB2] =	sst s5  }
0xe: {  	[smem:$0x3FB3] =	sst s6  }
0xf: {  	[smem:$0x3FB4] =	sst s7  }
0x10: {  	[smem:$0x3FB5] =	sst s8  }
0x11: {  	[smem:$0x3FB6] =	sst s9;
	s0 =	simm.s32 @!p0 $0x0  }
0x12: {  	s1 =	sld [smem:$0x3F9C];
	s0 =	simm.s32 @p0 $0x1  }
0x13: {  	[smem:$0x3FB7] =	sst s0;
	s0 =	simm.s32 @!p1 $0x0  }
0x14: {  	s2 =	sld [smem:$0x3F9B];
	s0 =	simm.s32 @p1 $0x1  }
0x15: {  	[smem:$0x3FB8] =	sst s0;
	s0 =	simm.s32 @!p2 $0x0  }
0x16: {  	s3 =	sld [smem:$0x3FDB];
	s0 =	simm.s32 @p2 $0x1  }
0x17: {  	s4 =	simm.s32 $0x1BF5;
	[smem:$0x3FBA] =	sst s0  }
0x18: {  	s0 =	sld [smem:$0x3F9D];
	_ =	swait.ge [sflag:s4], $0x0  }
0x19: {  	s7 =	sld [smem:$0x3F9E]  }
0x1a: {  	s8 =	sadd.s32 $0xFFFFE003, lr  }
0x1b: {  	s9 =	sadd.s32 $0xFFFFFEF7, lr;
	s5 =	simm.s32 $0xFFFFFFFF;
	p2 =	slt.u32 s8, $0xFFFFF086  }
0x1c: {  	p1 =	slt.u32 s9, $0xF7A;
	s5 =	simm.s32 @!p2 $0x0  }
0x1d: {  	s5 =	simm.s32 @p1 $0x1;
	p0 =	seq.s32 s7, s2  }
0x1e: {  	s7 =	smul.u32 @!p0 $0xF7A, s2;
	p2 =	seq.s32 @!p0 s5, $0x0  }
0x1f: {  	s9 =	smul.u32 $0xF7A, s1;
	s8 =	simm.s32 @!p0 $0x1BF5;
	p2 =	por !p2, p0  }
0x20: {  	[sflag:s8] =	ssyncset.s32 @!p0 $0xFFFFF086;
	s6 =	sadd.s32 @!p0 s3, s7;
	s7 =	simm.s32 @!p0 $0x108  }
0x21: {  	s3 =	sadd.s32 s3, s9;
	s6 =	sadd.s32 @!p0 $0x88, s6;
	s7 =	simm.s32 @p2 $0x1082  }
0x22: {  	[simem:s7], [sflag:s8] =	dma.local @!p0 [hbm:s6], $0xF7A  }
0x23: {  	s9 =	sor.u32 $0xD0000000, s2;
	s6 =	simm.s32 $0x108;
	_ =	swait.ge @!p0 [sflag:s8], $0x0  }
0x24: {  	s3 =	sadd.s32 $0x88, s3;
	s6 =	simm.s32 @!p1 $0x1082;
	[sflag:s4] =	ssyncset.s32 $0xFFFFF086  }
0x25: {  	[simem:s6], [sflag:s4] =	dma.local [hbm:s3], $0xF7A  }
0x26: {  	[smem:$0x3F9E] =	sst s1;
	(tag) =	ssettag s2;
	_ =	strace s9  }
0x27: {  	s1 =	sld [smem:$0x3FAE]  }
0x28: {  	s2 =	sld [smem:$0x3FAF]  }
0x29: {  	s4 =	sld [smem:$0x3FB1]  }
0x2a: {  	p0 =	seq.s32 s5, $0x0;
	s5 =	sld [smem:$0x3FB2]  }
0x2b: {  	s6 =	sld [smem:$0x3FB3]  }
0x2c: {  	s7 =	sld [smem:$0x3FB4]  }
0x2d: {  	s3 =	simm.s32 $0x108;
	s8 =	sld [smem:$0x3FB5]  }
0x2e: {  	s3 =	simm.s32 @!p0 $0x1082;
	s9 =	sld [smem:$0x3FB6]  }
0x2f: {  	lr =	sadd.s32 s0, s3;
	s0 =	sld [smem:$0x3FAD]  }
0x30: {  	s3 =	sld [smem:$0x3FB0]  }
0x31: {  	[smem:$0x3FB9] =	sst s10  }
0x32: {  	s10 =	sld [smem:$0x3FB7];
	_ =	sdelay $0x3  }
0x33: {  	p0 =	seq.s32 s10, $0x1;
	s10 =	sld [smem:$0x3FB9];
	_ =	sdelay $0x3  }
0x34: {  	[smem:$0x3FB9] =	sst s10  }
0x35: {  	s10 =	sld [smem:$0x3FB8];
	_ =	sdelay $0x3  }
0x36: {  	p1 =	seq.s32 s10, $0x1;
	s10 =	sld [smem:$0x3FB9];
	_ =	sdelay $0x3  }
0x37: {  	[smem:$0x3FB9] =	sst s10  }
0x38: {  	s10 =	sld [smem:$0x3FBA]  }
0x39: {  	_ = 	snop;
	(pc) =	sbr.ind lr, $3  }
0x3a: {  	_ = 	snop  }
0x3b: {  	_ = 	snop  }
0x3c: {  	p2 =	seq.s32 s10, $0x1;
	s10 =	sld [smem:$0x3FB9]  }
0x3d: {  	_ =	shalt  }
0x3e: {  	_ =	shalt  }
0x3f: {  	_ =	shalt  }
0x40: {  	_ =	shalt  }
0x41: {  	_ =	shalt  }
0x42: {  	_ =	shalt  }
0x43: {  	_ =	shalt  }
0x44: {  	_ =	shalt  }
0x45: {  	_ =	shalt  }
0x46: {  	_ =	shalt  }
0x47: {  	_ =	shalt  }
0x48: {  	_ =	shalt  }
0x49: {  	_ =	shalt  }
0x4a: {  	_ =	shalt  }
0x4b: {  	_ =	shalt  }
0x4c: {  	_ =	shalt  }
0x4d: {  	_ =	shalt  }
0x4e: {  	_ =	shalt  }
0x4f: {  	_ =	shalt  }
0x50: {  	_ =	shalt  }
0x51: {  	_ =	shalt  }
0x52: {  	_ =	shalt  }
0x53: {  	_ =	shalt  }
0x54: {  	_ =	shalt  }
0x55: {  	_ =	shalt  }
0x56: {  	_ =	shalt  }
0x57: {  	_ =	shalt  }
0x58: {  	_ =	shalt  }
0x59: {  	_ =	shalt  }
0x5a: {  	_ =	shalt  }
0x5b: {  	_ =	shalt  }
0x5c: {  	_ =	shalt  }
0x5d: {  	_ =	shalt  }
0x5e: {  	_ =	shalt  }
0x5f: {  	_ =	shalt  }
0x60: {  	_ =	shalt  }
0x61: {  	_ =	shalt  }
0x62: {  	_ =	shalt  }
0x63: {  	_ =	shalt  }
0x64: {  	_ =	shalt  }
0x65: {  	_ =	shalt  }
0x66: {  	_ =	shalt  }
0x67: {  	_ =	shalt  }
0x68: {  	_ =	shalt  }
0x69: {  	_ =	shalt  }
0x6a: {  	_ =	shalt  }
0x6b: {  	_ =	shalt  }
0x6c: {  	_ =	shalt  }
0x6d: {  	_ =	shalt  }
0x6e: {  	_ =	shalt  }
0x6f: {  	_ =	shalt  }
0x70: {  	_ =	shalt  }
0x71: {  	_ =	shalt  }
0x72: {  	_ =	shalt  }
0x73: {  	_ =	shalt  }
0x74: {  	_ =	shalt  }
0x75: {  	_ =	shalt  }
0x76: {  	_ =	shalt  }
0x77: {  	_ =	shalt  }
0x78: {  	_ =	shalt  }
0x79: {  	_ =	shalt  }
0x7a: {  	_ =	shalt  }
0x7b: {  	_ =	shalt  }
0x7c: {  	_ =	shalt  }
0x7d: {  	_ =	shalt  }
0x7e: {  	_ =	shalt  }
0x7f: {  	_ =	shalt  }
0x80: {  	_ =	shalt  }
0x81: {  	_ =	shalt  }
0x82: {  	_ =	shalt  }
0x83: {  	_ =	shalt  }
0x84: {  	_ =	shalt  }
0x85: {  	_ =	shalt  }
0x86: {  	_ =	shalt  }
0x87: {  	_ =	shalt  }
.Lfunc_end0:
.L_simem_size_0:
called_computation_lowered:
.L_overlay_start_0:
0x88: {  	s2 =	sld [smem:$0x3FD9]  }
0x89: {  	s3 =	sld [smem:$0x3FFE];
	_ =	sdelay $0x1  }
0x8a: {  	s1 =	srdreg.scid  }
0x8b: {  	s0 =	sand.u32 $0x1, s1  }
0x8c: {  	s17 =	sshll.u32 s0, $0xA;
	s2 =	sadd.s32 s3, s2  }
0x8d: {  	s2 =	sadd.s32 s2, s17  }
0x8e: {  	[smem:$0x3FC5] =	sst s2  }
0x8f: {  	_ = 	snop  }
0x90: {  	s2 =	sld [smem:$0x3FC9]  }
0x91: {  	s18 =	sld [smem:$0x3FC8]  }
0x92: {  	s4 =	sld [smem:$0x3FD0];
	(tm) =	ssettm $0x1  }
0x93: {  	s5 =	sld [smem:$0x3FFB];
	_ =	sdelay $0x3  }
0x94: {  	_ =	strace s5  }
0x95: {  	s5 =	sld [smem:$0x3FFC];
	_ =	sdelay $0x3  }
0x96: {  	_ =	strace s5  }
0x97: {  	s5 =	sld [smem:$0x3FFD];
	_ =	sdelay $0x3  }
0x98: {  	_ =	strace s5  }
0x99: {  	_ =	strace $0x8FFFFFFF  }
0x9a: {  	s19 =	sld [smem:$0x3FDB];
	_ =	sdelay $0x1  }
0x9b: {  	s6 =	simm.s32 $_scs_section_size  }
0x9c: {  	s7 =	simm.s32 $_size__tile_overlayer_lowered;
	s8 =	simm.s32 $_tile_overlayer_lowered  }
0x9d: {  	s22 =	simm.s32 $0x1BFF;
	s21 =	sshll.u32 s8, $0x1;
	s5 =	sadd.s32 s6, s19  }
0x9e: {  	s9 =	simm.s32 $0x0;
	s20 =	sshll.u32 s7, $0x1;
	s7 =	sadd.s32 s21, s5  }
0x9f: {  	[timem:s9], [sflag:s22] =	dma.local [hbm:s7], s20  }
0xa0: {  	_ =	swait.ge [sflag:s22], s20  }
0xa1: {  	s6 =	ssub.s32 $0x0, s20;
	[sflag:s22] =	ssyncset.done $0x0  }
0xa2: {  	[sflag:s22] =	ssyncadd.s32 s6;
	_ =	sdelay $0x1  }
0xa3: {  	s23 =	simm.s32 $0x1B8B  }
0xa4: {  	_ =	swait.ge [sflag:s23], $0x1  }
0xa5: {  	[sflag:s23] =	ssyncset.done $0x0  }
0xa6: {  	s25 =	simm.s32 $0x1B8E;
	s24 =	sld [smem:$0x3FFE];
	[sflag:s23] =	ssyncadd.s32 $0xFFFFFFFF  }
0xa7: {  	s26 =	simm.s32 $execute0_lowered;
	[smem:$0x3FD2] =	sst s25  }
0xa8: {  	s7 =	sshll.u32 s26, $0x1;
	_ =	strace $0x80000046;
	[dreg:$0x1] =	wrdreg $0xFFFFFFFF  }
0xa9: {  	s28 =	simm.s32 $_size_execute0_lowered;
	s5 =	sadd.s32 s5, s7;
	[dreg:$0x0] =	wrdreg $0x0  }
0xaa: {  	s7 =	sshll.u32 s28, $0x1;
	[dreg:$0x2] =	wrdreg s5  }
0xab: {  	[dreg:$0x3] =	wrdreg s7  }
0xac: {  	[dreg:$0x4] =	wrdreg $0xC0  }
0xad: {  	_ =	task [dreg:s9], $0x5FFFF  }
0xae: {  	[dreg:$0x1] =	wrdreg $0xFFFFFFFF  }
0xaf: {  	[dreg:$0x0] =	wrdreg $0x60  }
0xb0: {  	[dreg:$0x2] =	wrdreg s2  }
0xb1: {  	[dreg:$0x3] =	wrdreg s18  }
0xb2: {  	[dreg:$0x4] =	wrdreg s24  }
0xb3: {  	[dreg:$0x5] =	wrdreg s4  }
0xb4: {  	[dreg:$0x6] =	wrdreg $0x9  }
0xb5: {  	_ =	task.clear_ibuf [dreg:s9], $0x7FFFF;
	_ =	strace $0x90000046  }
0xb6: {  	s29 =	simm.s32 $0x9;
	_ =	strace $0x80000048  }
0xb7: {  	_ =	swait.ge [sflag:s29], $0x1  }
0xb8: {  	[sflag:s29] =	ssyncadd.s32 $0xFFFFFFFF  }
0xb9: {  	_ =	strace $0x90000048  }
0xba: {  	_ =	sfence  }
0xbb: {  	s30 =	sld [smem:$0x0];
	_ =	sdelay $0x2  }
0xbc: {  	s31 =	sshll.u32 s1, $0xD;
	s1 =	sshrl.u32 s1, $0x2  }
0xbd: {  	s3 =	sand.u32 $0x4000, s31;
	s1 =	sadd.s32 s1, s30  }
0xbe: {  	s0 =	sor.u32 s3, s0;
	s1 =	sshll.u32 s1, $0x11  }
0xbf: {  	s0 =	sor.u32 s1, s0  }
0xc0: {  	s0 =	sadd.s32 $0x8F2B, s0  }
0xc1: {  	[sflag:s0] =	ssyncadd.remote.s32 $0x1  }
0xc2: {  	_ =	sfence.sel $0xFFFF  }
0xc3: {  	[dreg:$0x0] =	wrdreg $0xFFFFFFFF;
	(pc) =	sbr.abs _section_cstart, $3  }
0xc4: {  	[dreg:$0x1] =	wrdreg $0xFFFFFFFF  }
0xc5: {  	_ =	task.clear_ibuf [dreg:s9], $0x2FFFF;
	_ =	strace $0x9FFFFFFF  }
0xc6: {  	(tm) =	ssettm $0x7FFFFFFF  }
0xc7: {  	_ =	shalt  }
tec
execute0_lowered:
.L_overlay_start_1:
0x0: {  	(tag) =	ssettag $0x1  }
0x1: {  	s0 =	rddreg [dreg:$0x0]  }
0x2: {  	s1 =	rddreg [dreg:$0x1]  }
0x3: {  	s3 =	rddreg [dreg:$0x2]  }
0x4: {  	s2 =	rddreg [dreg:$0x3]  }
0x5: {  	s4 =	simm.s32 $0x0;
	s7 =	stileid.u32;
	s26 =	srdreg.scid  }
0x6: {  	s11 =	simm.s32 $0x400;
	s12 =	simm.s32 $0x1000;
	s13 =	simm.s32 $0x1880  }
0x7: {  	s15 =	simm.s32 $0x5;
	s17 =	simm.s32 $0x1;
	s18 =	simm.s32 $0x6080  }
0x8: {  	vm0 =	vcmask $0xF0C;
	vm1 =	vcmask $0x704;
	v0 =	vimm.s32 $0x0;
	s19 =	simm.s32 $0xA880;
	s20 =	simm.s32 $0x2;
	s21 =	simm.s32 $0xE880  }
0x9: {  	v1 =	vlaneseq.u32;
	s22 =	simm.s32 $0x3;
	s23 =	simm.s32 $0x4;
	s24 =	simm.s32 $0x0;
	v15 =	vimm.s32 $0xA;
	v16 =	vimm.s32 $0xB  }
0xa: {  	v17 =	vimm.s32 $0xC;
	v18 =	vimm.s32 $0xD;
	v19 =	vimm.s32 $0xE;
	[smem:$0x7FF] =	sst s4;
	s5 =	sshll.u32 s7, $0x1;
	s4 =	sand.u32 $0x1, s26  }
0xb: {  	v20 =	vimm.s32 $0xF;
	vm0 =	vmor vm1, vm0;
	vm1 =	vcmask $0x1714;
	s7 =	sshrl.u32 s7, $0x1;
	s3 =	sadd.s32 $0x400, s3;
	s5 =	sand.u32 $0x2, s5  }
0xc: {  	v3 =	vor.u32 $0x10, v1;
	vm0 =	vmor vm0, vm1;
	vm1 =	vcmask $0x1F1C;
	_ =	strace $0x80000047;
	s6 =	ssub.s32 $0x2, s4;
	s4 =	sor.u32 s4, s5  }
0xd: {  	v4 =	vor.u32 $0x20, v1;
	s8 =	sshll.u32 s7, $0x13;
	vm0 =	vmor vm0, vm1;
	vm1 =	vcmask $0x2724;
	s28 =	sshrl.u32 s6, $0x1;
	s4 =	sshll.u32 s4, $0xA  }
0xe: {  	v5 =	vor.u32 $0x30, v1;
	s31 =	sshll.u32 s7, $0x4;
	vm0 =	vmor vm0, vm1;
	vm1 =	vcmask $0x2F2C;
	s29 =	ssub.s32 s6, s28;
	s6 =	sor.u32 s8, s4  }
0xf: {  	v6 =	vor.u32 $0x40, v1;
	[dreg:$0x5] =	wrdreg s3;
	s1 =	sadd.s32 s1, s31;
	vm0 =	vmor vm0, vm1;
	vm1 =	vcmask $0x3734;
	s30 =	sshrl.u32 s6, $0x3  }
0x10: {  	v7 =	vor.u32 $0x50, v1;
	s7 =	sshll.u32 s7, $0x14;
	[dreg:$0x7] =	wrdreg s1;
	vm0 =	vmor vm0, vm1;
	vm1 =	vcmask $0x3F3C;
	s5 =	sadd.s32 s0, s30  }
0x11: {  	v8 =	vor.u32 $0x60, v1;
	v9 =	vor.u32 $0x70, v1;
	s9 =	sor.u32 s4, s7;
	s10 =	smax.u32 s29, $0x1;
	vm0 =	vmor vm0, vm1;
	[dreg:$0x6] =	wrdreg s5  }
.LBB2_1:
0x12: {  	s1 =	rddreg [dreg:$0x6]  }
0x13: {  	[tilespmem:s13], [sflag:$0x1] =	stream.strided.gather [hbm4b:s1+s11], $0x4400, s12, s11, $0x38;
	[tilespmem:$0x12880] =	vst v63  }
0x14: {  	s29 =	simm.s32 $0x0;
	s3 =	rddreg [dreg:$0x7];
	s4 =	simm.s32 $0x80  }
0x15: {  	[tilespmem:s29], [sflag:$0x5] =	stream.strided.gather [hbm4b:s3+s4], $0x800, s11, s4, $0x38;
	[tilespmem:$0x12880] =	vst v63  }
0x16: {  	_ =	swait.ge [sflag:s15], $0x800  }
0x17: {  	[sflag:s15] =	ssyncset.done $0x0  }
0x18: {  	s31 =	simm.s32 $0x1800;
	s30 =	rddreg [dreg:$0x5];
	[sflag:s15] =	ssyncadd.s32 $0xFFFFF800  }
0x19: {  	[tilespmem:s31], [sflag:$0x5] =	stream.linear.gather [hbm4b:s30+s29], $0x80, $0x38;
	[tilespmem:$0x12880] =	vst v63  }
0x1a: {  	_ =	swait.ge [sflag:s15], $0x80  }
0x1b: {  	[sflag:s15] =	ssyncset.done $0x0  }
0x1c: {  	s5 =	simm.s32 $0x0;
	[sflag:s15] =	ssyncadd.s32 $0xFFFFFF80  }
0x1d: {  	v24 =	vld [tilespmem:s5+$0x0];
	_ =	sdelay $0x4  }
0x1e: {  	vm2 =	vgt.f32 v24, $5.000000000e-01  }
0x1f: {  	v24 =	vsel vm2, $0x1, v0  }
0x20: {  	s1 =	simm.s32 $0x10;
	(xrf0) =	vadd.scan.msk.s32 $0xffff, v24  }
0x21: {  	v25 =	vld [tilespmem:s1+$0x0];
	_ =	sdelay $0x4  }
0x22: {  	s3 =	simm.s32 $0x20;
	vm1 =	vgt.f32 v25, $5.000000000e-01;
	v26, _, _ =	vpop (xrf0)  }
0x23: {  	v27 =	vsel vm1, $0x1, v0;
	v25 =	vadd.s32 v26, v0;
	v26 =	vld [tilespmem:s3+$0x0]  }
0x24: {  	(xrf0) =	vadd.scan.msk.s32 $0xffff, v27;
	_ =	sdelay $0x1  }
0x25: {  	v25 =	vadd.s32 $0xFFFFFFFF, v25  }
0x26: {  	s4 =	simm.s32 $0xC0;
	vm2 =	vmmov vm2;
	v24 =	vld [tilespmem:$0x1800];
	[tilespmem:s5+$0x800] =	vst v25;
	v25 =	vimm.s32 $0x0  }
.LBB2_2:
0x27: {  	s5 =	sshra.s32 s4, $0x2;
	p0 =	sne.s32 s4, $0x1FC0;
	s4 =	sadd.s32 $0x40, s4;
	v27 =	vmpcnt.ones.xlane vm2;
	vm2 =	vmmov vm1;
	vm1 =	vgt.f32 v26, $5.000000000e-01  }
.Ltmp0:
0x28: {  	v26 =	vld [tilespmem:s5+$0x0];
	v2 =	vsel vm1, $0x1, v0;
	(pc) =	sbr.rel @p0 .LBB2_2-.Ltmp0, $4  }
0x29: {  	(xrf0) =	vadd.scan.msk.s32 $0xffff, v2;
	v28, _, _ =	vpop (xrf0);
	v25 =	vadd.s32 v25, v27  }
0x2a: {  	v27 =	vadd.s32 v28, v25  }
0x2b: {  	v27 =	vadd.s32 $0xFFFFFFFF, v27  }
0x2c: {  	[tilespmem:s1+$0x800] =	vst v27;
	s1 =	smov.u32 s3;
	s3 =	smov.u32 s5  }
0x2d: {  	vm3 =	vgt.f32 v26, $5.000000000e-01  }
0x2e: {  	v26 =	vsel vm3, $0x1, v0  }
0x2f: {  	(xrf0) =	vadd.scan.msk.s32 $0xffff, v26;
	_ =	sdelay $0x2  }
0x30: {  	vm1 =	vmmov vm1;
	v26 =	vmpcnt.ones.xlane vm2  }
0x31: {  	v27 =	vmpcnt.ones.xlane vm1  }
0x32: {  	v28, _, _ =	vpop (xrf0);
	v25 =	vadd.s32 v25, v26  }
0x33: {  	v26 =	vadd.s32 v28, v25;
	v25 =	vadd.s32 v25, v27;
	v60, _, _ =	vpop (xrf0)  }
0x34: {  	v26 =	vadd.s32 $0xFFFFFFFF, v26;
	v27 =	vadd.s32 v60, v25  }
0x35: {  	[tilespmem:s1+$0x800] =	vst v26;
	v26 =	vadd.s32 $0xFFFFFFFF, v27  }
0x36: {  	s30 =	simm.s32 $0x800;
	[tilespmem:s3+$0x800] =	vst v26  }
0x37: {  	v26 =	vld [tilespmem:s30+$0x0]  }
0x38: {  	s31 =	simm.s32 $0x0;
	vm1 =	vmmov vm3  }
0x39: {  	v61 =	vmov s31;
	v27 =	vmpcnt.ones.xlane vm1  }
0x3a: {  	vm1 =	veq.s32 v61, v1  }
0x3b: {  	vm1 =	vmand vm1, vm0;
	v25 =	vadd.s32 v25, v27;
	v27 =	vor.u32 s31, v1  }
0x3c: {  	v29 =	vsel vm1, $0xFFFFFFFF, v0;
	v62 =	vshrl.u32 v27, $0x1;
	vm2 =	vgt.s32 v26, $0x0  }
0x3d: {  	vm1 =	vlt.s32 v25, $0x1;
	v25 =	vadd.s32 v29, v62;
	v63 =	vnsel vm2, $0x0, v26  }
0x3e: {  	vm2 =	vlt.u32 v26, $0x400;
	v25 =	vsel vm1, v25, v63  }
0x3f: {  	vm4 =	vlt.s32 v27, v24;
	vm2 =	vmor vm1, vm2;
	vm3 =	vlt.s32 v25, $0x3FF  }
0x40: {  	vm2 =	vmand vm4, vm2;
	v25 =	vnsel vm3, $0x3FF, v25  }
0x41: {  	s1 =	simm.s32 $0x1000;
	[tilespmem:s30+$0x0] =	vst v25;
	v25 =	vsel vm2, $0x1, v0  }
0x42: {  	s3 =	simm.s32 $0x810;
	[tilespmem:s1+$0x0] =	vst v25  }
0x43: {  	v25 =	vld [tilespmem:s3+$0x0]  }
0x44: {  	s4 =	simm.s32 $0x10;
	s5 =	simm.s32 $0x20  }
.LBB2_4:
0x45: {  	p0 =	sne.s32 s5, $0x7F0;
	v26 =	vmov s4  }
0x46: {  	v27 =	vor.u32 s4, v1;
	s4 =	smov.u32 s5;
	vm2 =	veq.s32 v26, v1  }
0x47: {  	v26 =	vshrl.u32 v27, $0x1;
	vm2 =	vmand vm2, vm0  }
0x48: {  	v28 =	vsel vm2, $0xFFFFFFFF, v0;
	vm2 =	vlt.u32 v25, $0x400;
	vm3 =	vgt.s32 v25, $0x0  }
0x49: {  	v26 =	vadd.s32 v28, v26;
	v25 =	vnsel vm3, $0x0, v25  }
0x4a: {  	v25 =	vsel vm1, v26, v25  }
0x4b: {  	vm4 =	vlt.s32 v27, v24;
	vm2 =	vmor vm1, vm2;
	vm3 =	vlt.s32 v25, $0x3FF  }
.Ltmp1:
0x4c: {  	vm2 =	vmand vm4, vm2;
	v25 =	vnsel vm3, $0x3FF, v25;
	(pc) =	sbr.rel @p0 .LBB2_4-.Ltmp1, $4  }
0x4d: {  	s1 =	sadd.s32 $0x10, s1;
	[tilespmem:s3+$0x0] =	vst v25;
	v25 =	vsel vm2, $0x1, v0  }
0x4e: {  	s3 =	sadd.s32 $0x10, s3;
	[tilespmem:s1+$0x0] =	vst v25  }
0x4f: {  	v25 =	vld [tilespmem:s3+$0x0]  }
0x50: {  	s5 =	sadd.s32 $0x10, s5  }
0x51: {  	v26 =	vmov s4  }
0x52: {  	vm2 =	veq.s32 v26, v1  }
0x53: {  	v60 =	vor.u32 s4, v1;
	vm2 =	vmand vm2, vm0  }
0x54: {  	v27 =	vshrl.u32 v60, $0x1;
	v28 =	vsel vm2, $0xFFFFFFFF, v0;
	vm2 =	vgt.s32 v25, $0x0  }
0x55: {  	v27 =	vadd.s32 v28, v27;
	v28 =	vnsel vm2, $0x0, v25  }
0x56: {  	vm2 =	vlt.u32 v25, $0x400;
	v61 =	vsel vm1, v27, v28  }
0x57: {  	vm1 =	vmor vm1, vm2;
	vm2 =	vlt.s32 v60, v24;
	vm3 =	vlt.s32 v61, $0x3FF  }
0x58: {  	vm1 =	vmand vm2, vm1;
	v62 =	vnsel vm3, $0x3FF, v61  }
0x59: {  	s1 =	sadd.s32 $0x10, s1;
	v63 =	vsel vm1, $0x1, v0;
	[tilespmem:s3+$0x0] =	vst v62  }
0x5a: {  	v30 =	vimm.f32 $0.0e+00;
	[tilespmem:s1+$0x0] =	vst v63  }
0x5b: {  	[tilespmem:$0x5C80] =	vst v30  }
0x5c: {  	[tilespmem:$0xA480] =	vst v30  }
0x5d: {  	[tilespmem:$0x5C90] =	vst v30  }
0x5e: {  	[tilespmem:$0xA490] =	vst v30  }
0x5f: {  	[tilespmem:$0x5CA0] =	vst v30  }
0x60: {  	[tilespmem:$0xA4A0] =	vst v30  }
0x61: {  	[tilespmem:$0x5CB0] =	vst v30  }
0x62: {  	[tilespmem:$0xA4B0] =	vst v30  }
0x63: {  	[tilespmem:$0x5CC0] =	vst v30  }
0x64: {  	[tilespmem:$0xA4C0] =	vst v30  }
0x65: {  	[tilespmem:$0x5CD0] =	vst v30  }
0x66: {  	[tilespmem:$0xA4D0] =	vst v30  }
0x67: {  	[tilespmem:$0x5CE0] =	vst v30  }
0x68: {  	s5 =	simm.s32 $0x0;
	s26 =	simm.s32 $0x800;
	v31 =	vimm.f32 $0.0e+00;
	[tilespmem:$0xA4E0] =	vst v30  }
0x69: {  	s28 =	simm.s32 $0x1000;
	s29 =	simm.s32 $0x80;
	s30 =	simm.s32 $0x1080;
	v34 =	vimm.f32 $0.0e+00;
	v32 =	vimm.f32 $0.0e+00;
	v33 =	vimm.f32 $0.0e+00;
	[tilespmem:$0x5CF0] =	vst v30  }
0x6a: {  	s31 =	simm.s32 $0x880;
	v36 =	vimm.f32 $0.0e+00;
	v35 =	vimm.f32 $0.0e+00;
	v37 =	vimm.f32 $0.0e+00;
	s3 =	simm.s32 $0x0;
	s1 =	simm.s32 $0x0;
	[tilespmem:$0xA4F0] =	vst v30  }
.LBB2_6:
0x6b: {  	s4 =	sshll.u32 s3, $0x8  }
0x6c: {  	s14 =	sand.u32 $0x3FFFFF00, s4  }
0x6d: {  	v24 =	vld [tilespmem:s14+$0x880];
	_ =	sdelay $0x4  }
0x6e: {  	v24 =	vxor.u32 $0x80000000, v24  }
0x6f: {  	(xrf0) =	vmin.scan.msk.u32 $0xffff, v24;
	_ =	sdelay $0x5  }
0x70: {  	v24, _, _ =	vpop (xrf0)  }
0x71: {  	(v2sf) =	vpush v24, $0xF;
	_ =	sdelay $0xe  }
0x72: {  	s7 =	spop (v2sf)  }
0x73: {  	s16 =	sxor.u32 $0x80000000, s7  }
0x74: {  	p0 =	sgt.s32 s7, $0xFFFFFFFF;
	s7 =	sand.u32 $0x7, s7;
	p1 =	slt.s32 s16, $0x1  }
0x75: {  	s25 =	sshra.s32 s16, $0x1F;
	p3 =	sne.s32 s7, $0x0;
	p0 =	por p0, p1  }
0x76: {  	s8 =	sshrl.u32 s25, $0x1D;
	p0 =	por !p3, !p0  }
0x77: {  	s7 =	sadd.s32 s8, s16;
	s16 =	simm.s32 $0x1;
	p0 =	por !p0, !p0  }
0x78: {  	s7 =	sshrl.u32 s7, $0x3;
	s16 =	simm.s32 @!p0 $0x0  }
0x79: {  	s7 =	ssub.s32 s7, s16  }
0x7a: {  	s7 =	sshll.u32 s7, $0x3  }
0x7b: {  	p0 =	slt.s32 s7, $0x378  }
0x7c: {  	s7 =	simm.s32 @!p0 $0x378  }
0x7d: {  	s7 =	sshll.u32 s7, $0x9  }
0x7e: {  	s7 =	sadd.s32 s6, s7  }
0x7f: {  	s7 =	sshrl.u32 s7, $0x3  }
0x80: {  	s7 =	sadd.s32 s0, s7  }
0x81: {  	[tilespmem:s18], [sflag:$0x2] =	stream.strided.gather [hbm4b:s7+s11], $0x4400, s12, s11, $0x38;
	[tilespmem:$0x12880] =	vst v63  }
0x82: {  	v24 =	vld [tilespmem:s4+$0x800];
	_ =	sdelay $0x4  }
0x83: {  	v24 =	vxor.u32 $0x80000000, v24  }
0x84: {  	(xrf0) =	vmin.scan.msk.u32 $0xffff, v24;
	_ =	sdelay $0x5  }
0x85: {  	v24, _, _ =	vpop (xrf0)  }
0x86: {  	(v2sf) =	vpush v24, $0xF;
	_ =	sdelay $0xe  }
0x87: {  	s25 =	spop (v2sf)  }
0x88: {  	s7 =	sxor.u32 $0x80000000, s25  }
0x89: {  	p5 =	sgt.s32 s25, $0xFFFFFFFF;
	s4 =	sand.u32 $0x7, s25;
	p4 =	slt.s32 s7, $0x1  }
0x8a: {  	s8 =	sshra.s32 s7, $0x1F;
	p6 =	sne.s32 s4, $0x0;
	p0 =	por p5, p4  }
0x8b: {  	s25 =	sshrl.u32 s8, $0x1D;
	p0 =	por !p6, !p0  }
0x8c: {  	s4 =	sadd.s32 s25, s7;
	s7 =	simm.s32 $0x1;
	p0 =	por !p0, !p0  }
0x8d: {  	_ =	swait.ge [sflag:s17], $0x4400;
	s4 =	sshrl.u32 s4, $0x3;
	s7 =	simm.s32 @!p0 $0x0  }
0x8e: {  	[sflag:s17] =	ssyncset.done $0x0;
	p0 =	seq.s32 s3, $0x0;
	s4 =	ssub.s32 s4, s7  }
0x8f: {  	v25 =	vmov s26;
	[sflag:s17] =	ssyncadd.s32 $0xFFFFBC00;
	s7 =	simm.s32 @!p0 $0x3;
	s4 =	sshll.u32 s4, $0x3  }
0x90: {  	v26 =	vmov s28;
	s16 =	sshll.u32 s3, $0x1;
	_ =	swait.ge @!p0 [sflag:s7], $0x4000;
	p1 =	slt.s32 s4, $0x378  }
0x91: {  	s25 =	smov.u32 s5;
	[sflag:s7] =	ssyncset.done @!p0 $0x0;
	s4 =	simm.s32 @!p1 $0x378  }
0x92: {  	v27 =	vmov s1;
	v21 =	vimm.s32 $0x1;
	[sflag:s7] =	ssyncadd.s32 @!p0 $0xFFFFC000;
	s7 =	simm.s32 $0x0;
	v24 =	vmov s4;
	s4 =	simm.s32 $0xAC80  }
.LBB2_7:
0x93: {  	s8 =	sshra.s32 s7, $0x2  }
0x94: {  	v28 =	vld.idx.msk [tilespmem:v25+s8+$0x0 ss:$0x1], $0xffff  }
0x95: {  	v29 =	vld.idx.msk [tilespmem:v26+s8+$0x0 ss:$0x1], $0xffff;
	_ =	sdelay $0x4  }
0x96: {  	vm1 =	vgt.s32 v29, $0x0;
	v28 =	vsub.s32 v28, v24  }
0x97: {  	v29 =	vnsel vm1, $0x88, v28  }
0x98: {  	v28 =	vperm.xlane v29, v0;
	_ =	sdelay $0x1  }
0x99: {  	v28 =	vshll.u32 v28, $0x7  }
0x9a: {  	v38 =	vor.u32 v1, v28  }
0x9b: {  	v39 =	vor.u32 v3, v28  }
0x9c: {  	v40 =	vor.u32 v4, v28  }
0x9d: {  	v41 =	vor.u32 v5, v28  }
0x9e: {  	v42 =	vld.idx.msk [tilespmem:v27+s8+$0x0 ss:$0x1], $0xffff;
	v43 =	vor.u32 v6, v28  }
0x9f: {  	v45 =	vperm.xlane v29, v21;
	v44 =	vor.u32 v7, v28;
	v38 =	vld.idx.msk [tilespmem:v38+s13+$0x0], $0xffff  }
0xa0: {  	v46 =	vor.u32 v8, v28;
	v39 =	vld.idx.msk [tilespmem:v39+s13+$0x0], $0xffff  }
0xa1: {  	v45 =	vshll.u32 v45, $0x7;
	v28 =	vor.u32 v9, v28;
	v40 =	vld.idx.msk [tilespmem:v40+s13+$0x0], $0xffff  }
0xa2: {  	v47 =	vor.u32 v1, v45;
	v41 =	vld.idx.msk [tilespmem:v41+s13+$0x0], $0xffff  }
0xa3: {  	v48 =	vor.u32 v3, v45;
	v43 =	vld.idx.msk [tilespmem:v43+s13+$0x0], $0xffff  }
0xa4: {  	v22 =	vimm.s32 $0x2;
	v49 =	vor.u32 v4, v45;
	v44 =	vld.idx.msk [tilespmem:v44+s13+$0x0], $0xffff  }
0xa5: {  	v53 =	vperm.xlane v29, v22;
	v50 =	vor.u32 v5, v45;
	v46 =	vld.idx.msk [tilespmem:v46+s13+$0x0], $0xffff  }
0xa6: {  	v52 =	vor.u32 v7, v45;
	v51 =	vld.idx.msk [tilespmem:v28+s13+$0x0], $0xffff  }
0xa7: {  	v53 =	vshll.u32 v53, $0x7;
	v54 =	vor.u32 v8, v45;
	v47 =	vld.idx.msk [tilespmem:v47+s13+$0x0], $0xffff  }
0xa8: {  	v55 =	vor.u32 v1, v53;
	v48 =	vld.idx.msk [tilespmem:v48+s13+$0x0], $0xffff  }
0xa9: {  	v28 =	vor.u32 v6, v45;
	v49 =	vld.idx.msk [tilespmem:v49+s13+$0x0], $0xffff  }
0xaa: {  	v57 =	vor.u32 v4, v53;
	v50 =	vld.idx.msk [tilespmem:v50+s13+$0x0], $0xffff  }
0xab: {  	v2 =	vimm.s32 $0x3;
	v59 =	vor.u32 v6, v53;
	v52 =	vld.idx.msk [tilespmem:v52+s13+$0x0], $0xffff  }
0xac: {  	v61 =	vperm.xlane v29, v2;
	v60 =	vor.u32 v7, v53;
	v54 =	vld.idx.msk [tilespmem:v54+s13+$0x0], $0xffff  }
0xad: {  	v2 =	vor.u32 v8, v53;
	v55 =	vld.idx.msk [tilespmem:v55+s13+$0x0], $0xffff  }
0xae: {  	v61 =	vshll.u32 v61, $0x7;
	v56 =	vld.idx.msk [tilespmem:v28+s13+$0x0], $0xffff;
	v28 =	vor.u32 v3, v53  }
0xaf: {  	v11 =	vor.u32 v4, v61;
	v57 =	vld.idx.msk [tilespmem:v57+s13+$0x0], $0xffff  }
0xb0: {  	v12 =	vor.u32 v5, v61;
	v59 =	vld.idx.msk [tilespmem:v59+s13+$0x0], $0xffff  }
0xb1: {  	v62 =	vmov s25;
	v13 =	vor.u32 v6, v61;
	v60 =	vld.idx.msk [tilespmem:v60+s13+$0x0], $0xffff  }
0xb2: {  	vm1 =	veq.s32 v62, v1;
	v58 =	vor.u32 v5, v53;
	v2 =	vld.idx.msk [tilespmem:v2+s13+$0x0], $0xffff  }
0xb3: {  	v62 =	vor.u32 v3, v61;
	v63 =	vld.idx.msk [tilespmem:v28+s13+$0x0], $0xffff;
	v28 =	vsel vm1, $0x3F800000, v42  }
0xb4: {  	v14 =	vor.u32 v7, v61;
	v11 =	vld.idx.msk [tilespmem:v11+s13+$0x0], $0xffff;
	v38 =	vsub.f32 v38, v37;
	v10 =	vperm.xlane v28, v0  }
0xb5: {  	v45 =	vor.u32 v9, v45;
	v12 =	vld.idx.msk [tilespmem:v12+s13+$0x0], $0xffff;
	v40 =	vsub.f32 v40, v36  }
0xb6: {  	v13 =	vld.idx.msk [tilespmem:v13+s13+$0x0], $0xffff;
	v53 =	vor.u32 v9, v53;
	v39 =	vsub.f32 v39, v35;
	v38 =	vmul.f32 v10, v38  }
0xb7: {  	v41 =	vsub.f32 v41, v33;
	v42 =	vld.idx.msk [tilespmem:v58+s13+$0x0], $0xffff;
	v58 =	vor.u32 v1, v61;
	v40 =	vmul.f32 v10, v40  }
0xb8: {  	v37 =	vadd.f32 v38, v37;
	v38 =	vmul.f32 v10, v39;
	v39 =	vld.idx.msk [tilespmem:v62+s13+$0x0], $0xffff;
	v62 =	vor.u32 v8, v61  }
0xb9: {  	v14 =	vld.idx.msk [tilespmem:v14+s13+$0x0], $0xffff;
	v61 =	vor.u32 v9, v61  }
0xba: {  	v45 =	vld.idx.msk [tilespmem:v45+s13+$0x0], $0xffff;
	v36 =	vadd.f32 v40, v36;
	v40 =	vmul.f32 v10, v41;
	v41 =	vsub.f32 v44, v34  }
0xbb: {  	v53 =	vld.idx.msk [tilespmem:v53+s13+$0x0], $0xffff;
	v44 =	vsub.f32 v51, v30;
	v35 =	vadd.f32 v38, v35  }
0xbc: {  	v58 =	vld.idx.msk [tilespmem:v58+s13+$0x0], $0xffff;
	v38 =	vsub.f32 v43, v32;
	v43 =	vsub.f32 v46, v31;
	v41 =	vmul.f32 v10, v41  }
0xbd: {  	v46 =	vperm.xlane v28, v21;
	v47 =	vsub.f32 v47, v37;
	v33 =	vadd.f32 v40, v33;
	v51 =	vld.idx.msk [tilespmem:v62+s13+$0x0], $0xffff  }
0xbe: {  	v49 =	vsub.f32 v49, v36;
	v62 =	vmul.f32 v10, v43;
	v43 =	vld.idx.msk [tilespmem:v61+s13+$0x0], $0xffff;
	[tilespmem:s4+$0xFFFFFC00] =	vst v37  }
0xbf: {  	v38 =	vmul.f32 v10, v38;
	v34 =	vadd.f32 v41, v34;
	v47 =	vmul.f32 v46, v47;
	[tilespmem:s4+$0xFFFFFC10] =	vst v35  }
0xc0: {  	v48 =	vsub.f32 v48, v35;
	v10 =	vmul.f32 v10, v44;
	[tilespmem:s4+$0xFFFFFC20] =	vst v36;
	v61 =	vsub.f32 v50, v33  }
0xc1: {  	v21 =	vimm.s32 $0x3;
	[tilespmem:s4+$0xFFFFFC30] =	vst v33;
	v32 =	vadd.f32 v38, v32;
	v31 =	vadd.f32 v62, v31  }
0xc2: {  	v38 =	vmul.f32 v46, v49;
	[tilespmem:s4+$0xFFFFFC50] =	vst v34;
	v10 =	vadd.f32 v10, v30;
	v30 =	vadd.f32 v47, v37  }
0xc3: {  	v37 =	vmul.f32 v46, v48;
	v48 =	vsub.f32 v52, v34;
	v40 =	vmul.f32 v46, v61;
	[tilespmem:s4+$0xFFFFFC40] =	vst v32  }
0xc4: {  	v61 =	vperm.xlane v28, v22;
	v62 =	vsub.f32 v56, v32;
	v36 =	vadd.f32 v38, v36;
	[tilespmem:s4+$0xFFFFFC60] =	vst v31  }
0xc5: {  	v22 =	vimm.s32 $0x4;
	v49 =	vsub.f32 v54, v31;
	v35 =	vadd.f32 v37, v35;
	[tilespmem:s4+$0xFFFFFC70] =	vst v10  }
0xc6: {  	v52 =	vmul.f32 v46, v48;
	v33 =	vadd.f32 v40, v33;
	[tilespmem:s4+$0xFFFFFC80] =	vst v30;
	v56 =	vsub.f32 v45, v10  }
0xc7: {  	v50 =	vmul.f32 v46, v62;
	v62 =	vsub.f32 v55, v30;
	[tilespmem:s4+$0xFFFFFCA0] =	vst v36;
	v48 =	vsub.f32 v57, v36  }
0xc8: {  	v54 =	vmul.f32 v46, v49;
	v34 =	vadd.f32 v52, v34;
	[tilespmem:s4+$0xFFFFFC90] =	vst v35;
	v63 =	vsub.f32 v63, v35  }
0xc9: {  	v37 =	vmul.f32 v46, v56;
	v42 =	vsub.f32 v42, v33;
	[tilespmem:s4+$0xFFFFFCB0] =	vst v33;
	v32 =	vadd.f32 v50, v32  }
0xca: {  	v56 =	vperm.xlane v28, v21;
	v40 =	vmul.f32 v61, v62;
	v31 =	vadd.f32 v54, v31;
	[tilespmem:s4+$0xFFFFFCD0] =	vst v34  }
0xcb: {  	v50 =	vmul.f32 v61, v48;
	v41 =	vmul.f32 v61, v63;
	v10 =	vadd.f32 v37, v10;
	[tilespmem:s4+$0xFFFFFCC0] =	vst v32  }
0xcc: {  	v42 =	vmul.f32 v61, v42;
	v54 =	vsub.f32 v60, v34;
	v30 =	vadd.f32 v40, v30;
	[tilespmem:s4+$0xFFFFFCE0] =	vst v31  }
0xcd: {  	v60 =	vperm.xlane v29, v22;
	v49 =	vsub.f32 v59, v32;
	v36 =	vadd.f32 v50, v36;
	[tilespmem:s4+$0xFFFFFCF0] =	vst v10  }
0xce: {  	v35 =	vadd.f32 v41, v35;
	v2 =	vsub.f32 v2, v31;
	v37 =	vmul.f32 v61, v54;
	[tilespmem:s4+$0xFFFFFD00] =	vst v30  }
0xcf: {  	v33 =	vadd.f32 v42, v33;
	v55 =	vsub.f32 v53, v10;
	v52 =	vmul.f32 v61, v49;
	[tilespmem:s4+$0xFFFFFD20] =	vst v36  }
0xd0: {  	v57 =	vsub.f32 v58, v30;
	[tilespmem:s4+$0xFFFFFD10] =	vst v35;
	v2 =	vmul.f32 v61, v2;
	v34 =	vadd.f32 v37, v34  }
0xd1: {  	v11 =	vsub.f32 v11, v36;
	v38 =	vmul.f32 v61, v55;
	[tilespmem:s4+$0xFFFFFD30] =	vst v33;
	v32 =	vadd.f32 v52, v32  }
0xd2: {  	v39 =	vsub.f32 v39, v35;
	v58 =	vmul.f32 v56, v57;
	v2 =	vadd.f32 v2, v31;
	[tilespmem:s4+$0xFFFFFD50] =	vst v34  }
0xd3: {  	v12 =	vsub.f32 v12, v33;
	v11 =	vmul.f32 v56, v11;
	v10 =	vadd.f32 v38, v10;
	[tilespmem:s4+$0xFFFFFD40] =	vst v32  }
0xd4: {  	v31 =	vmul.f32 v56, v39;
	v14 =	vsub.f32 v14, v34;
	v30 =	vadd.f32 v58, v30;
	[tilespmem:s4+$0xFFFFFD60] =	vst v2  }
0xd5: {  	v12 =	vmul.f32 v56, v12;
	v13 =	vsub.f32 v13, v32;
	v11 =	vadd.f32 v11, v36;
	[tilespmem:s4+$0xFFFFFD70] =	vst v10  }
0xd6: {  	v31 =	vadd.f32 v31, v35;
	v59 =	vsub.f32 v51, v2;
	v14 =	vmul.f32 v56, v14;
	[tilespmem:s4+$0xFFFFFD80] =	vst v30  }
0xd7: {  	v12 =	vadd.f32 v12, v33;
	v61 =	vsub.f32 v43, v10;
	v13 =	vmul.f32 v56, v13;
	[tilespmem:s4+$0xFFFFFDA0] =	vst v11  }
0xd8: {  	v63 =	vshll.u32 v60, $0x7;
	[tilespmem:s4+$0xFFFFFD90] =	vst v31;
	v62 =	vmul.f32 v56, v59;
	v14 =	vadd.f32 v14, v34  }
0xd9: {  	v43 =	vor.u32 v1, v63;
	[tilespmem:s4+$0xFFFFFDB0] =	vst v12;
	v33 =	vmul.f32 v56, v61;
	v13 =	vadd.f32 v13, v32  }
0xda: {  	v44 =	vor.u32 v3, v63;
	v2 =	vadd.f32 v62, v2;
	[tilespmem:s4+$0xFFFFFDD0] =	vst v14  }
0xdb: {  	v45 =	vor.u32 v4, v63;
	v10 =	vadd.f32 v33, v10;
	[tilespmem:s4+$0xFFFFFDC0] =	vst v13  }
0xdc: {  	v36 =	vor.u32 v5, v63;
	[tilespmem:s4+$0xFFFFFDE0] =	vst v2  }
0xdd: {  	v23 =	vimm.s32 $0x5;
	v46 =	vor.u32 v6, v63;
	[tilespmem:s4+$0xFFFFFDF0] =	vst v10  }
0xde: {  	v48 =	vperm.xlane v29, v23;
	v47 =	vor.u32 v7, v63;
	v34 =	vld.idx.msk [tilespmem:v43+s13+$0x0], $0xffff  }
0xdf: {  	v49 =	vor.u32 v8, v63;
	v32 =	vld.idx.msk [tilespmem:v44+s13+$0x0], $0xffff  }
0xe0: {  	v39 =	vshll.u32 v48, $0x7;
	v35 =	vor.u32 v9, v63;
	v33 =	vld.idx.msk [tilespmem:v45+s13+$0x0], $0xffff  }
0xe1: {  	v50 =	vor.u32 v1, v39;
	v36 =	vld.idx.msk [tilespmem:v36+s13+$0x0], $0xffff  }
0xe2: {  	v51 =	vor.u32 v3, v39;
	v37 =	vld.idx.msk [tilespmem:v46+s13+$0x0], $0xffff  }
0xe3: {  	v52 =	vor.u32 v4, v39;
	v38 =	vld.idx.msk [tilespmem:v47+s13+$0x0], $0xffff  }
0xe4: {  	v53 =	vor.u32 v5, v39;
	v40 =	vld.idx.msk [tilespmem:v49+s13+$0x0], $0xffff  }
0xe5: {  	v23 =	vimm.s32 $0x6;
	v54 =	vor.u32 v6, v39;
	v35 =	vld.idx.msk [tilespmem:v35+s13+$0x0], $0xffff  }
0xe6: {  	v55 =	vor.u32 v7, v39;
	v56 =	vperm.xlane v29, v23;
	v41 =	vld.idx.msk [tilespmem:v50+s13+$0x0], $0xffff  }
0xe7: {  	v57 =	vor.u32 v8, v39;
	v42 =	vld.idx.msk [tilespmem:v51+s13+$0x0], $0xffff  }
0xe8: {  	v39 =	vor.u32 v9, v39;
	v43 =	vld.idx.msk [tilespmem:v52+s13+$0x0], $0xffff;
	v47 =	vshll.u32 v56, $0x7  }
0xe9: {  	v44 =	vld.idx.msk [tilespmem:v53+s13+$0x0], $0xffff;
	v58 =	vor.u32 v1, v47  }
0xea: {  	v45 =	vld.idx.msk [tilespmem:v54+s13+$0x0], $0xffff;
	v59 =	vor.u32 v3, v47  }
0xeb: {  	v46 =	vld.idx.msk [tilespmem:v55+s13+$0x0], $0xffff;
	v51 =	vor.u32 v4, v47  }
0xec: {  	v48 =	vld.idx.msk [tilespmem:v57+s13+$0x0], $0xffff;
	v63 =	vor.u32 v5, v47  }
0xed: {  	v21 =	vimm.s32 $0x7;
	v39 =	vld.idx.msk [tilespmem:v39+s13+$0x0], $0xffff;
	v60 =	vor.u32 v6, v47  }
0xee: {  	v62 =	vperm.xlane v29, v21;
	v61 =	vor.u32 v7, v47;
	v49 =	vld.idx.msk [tilespmem:v58+s13+$0x0], $0xffff  }
0xef: {  	v56 =	vor.u32 v8, v47;
	v50 =	vld.idx.msk [tilespmem:v59+s13+$0x0], $0xffff  }
0xf0: {  	v55 =	vshll.u32 v62, $0x7;
	v47 =	vor.u32 v9, v47;
	v51 =	vld.idx.msk [tilespmem:v51+s13+$0x0], $0xffff  }
0xf1: {  	v57 =	vor.u32 v1, v55;
	v52 =	vld.idx.msk [tilespmem:v63+s13+$0x0], $0xffff  }
0xf2: {  	v62 =	vor.u32 v6, v55;
	v53 =	vld.idx.msk [tilespmem:v60+s13+$0x0], $0xffff;
	v58 =	vor.u32 v3, v55  }
0xf3: {  	v34 =	vsub.f32 v34, v30;
	v33 =	vsub.f32 v33, v11;
	v59 =	vperm.xlane v28, v22;
	v54 =	vld.idx.msk [tilespmem:v61+s13+$0x0], $0xffff  }
0xf4: {  	v32 =	vsub.f32 v32, v31;
	v36 =	vsub.f32 v36, v12;
	v60 =	vor.u32 v4, v55;
	v56 =	vld.idx.msk [tilespmem:v56+s13+$0x0], $0xffff  }
0xf5: {  	v61 =	vor.u32 v5, v55;
	v47 =	vld.idx.msk [tilespmem:v47+s13+$0x0], $0xffff;
	v34 =	vmul.f32 v59, v34;
	v33 =	vmul.f32 v59, v33  }
0xf6: {  	v35 =	vsub.f32 v35, v10;
	v57 =	vld.idx.msk [tilespmem:v57+s13+$0x0], $0xffff;
	v63 =	vor.u32 v7, v55;
	v32 =	vmul.f32 v59, v32  }
0xf7: {  	v30 =	vadd.f32 v34, v30;
	v11 =	vadd.f32 v33, v11;
	v34 =	vld.idx.msk [tilespmem:v58+s13+$0x0], $0xffff;
	v58 =	vor.u32 v8, v55  }
0xf8: {  	v33 =	vmul.f32 v59, v36;
	v36 =	vsub.f32 v38, v14;
	v38 =	vld.idx.msk [tilespmem:v62+s13+$0x0], $0xffff;
	v55 =	vor.u32 v9, v55  }
0xf9: {  	v40 =	vsub.f32 v40, v2;
	v60 =	vld.idx.msk [tilespmem:v60+s13+$0x0], $0xffff  }
0xfa: {  	v35 =	vmul.f32 v59, v35;
	v31 =	vadd.f32 v32, v31;
	v32 =	vsub.f32 v37, v13;
	v37 =	vld.idx.msk [tilespmem:v61+s13+$0x0], $0xffff  }
0xfb: {  	v61 =	vld.idx.msk [tilespmem:v63+s13+$0x0], $0xffff  }
0xfc: {  	v10 =	vadd.f32 v35, v10;
	v63 =	vmul.f32 v59, v40;
	v58 =	vld.idx.msk [tilespmem:v58+s13+$0x0], $0xffff  }
0xfd: {  	v22 =	vimm.s32 $0x5;
	v32 =	vmul.f32 v59, v32;
	v12 =	vadd.f32 v33, v12;
	v40 =	vld.idx.msk [tilespmem:v55+s13+$0x0], $0xffff;
	[tilespmem:s4+$0xFFFFFE00] =	vst v30  }
0xfe: {  	v36 =	vmul.f32 v59, v36;
	v59 =	vsub.f32 v42, v31;
	v2 =	vadd.f32 v63, v2;
	[tilespmem:s4+$0xFFFFFE10] =	vst v31  }
0xff: {  	v62 =	vperm.xlane v28, v22;
	v63 =	vsub.f32 v43, v11;
	v13 =	vadd.f32 v32, v13;
	[tilespmem:s4+$0xFFFFFE20] =	vst v11  }
0x100: {  	v22 =	vimm.s32 $0x8;
	v41 =	vsub.f32 v41, v30;
	v14 =	vadd.f32 v36, v14;
	[tilespmem:s4+$0xFFFFFE30] =	vst v12  }
0x101: {  	v44 =	vsub.f32 v44, v12;
	v32 =	vmul.f32 v62, v59;
	v33 =	vmul.f32 v62, v63;
	[tilespmem:s4+$0xFFFFFE40] =	vst v13  }
0x102: {  	v63 =	vsub.f32 v48, v2;
	v48 =	vsub.f32 v39, v10;
	v55 =	vmul.f32 v62, v41;
	[tilespmem:s4+$0xFFFFFE50] =	vst v14  }
0x103: {  	v59 =	vsub.f32 v46, v14;
	v35 =	vmul.f32 v62, v44;
	v31 =	vadd.f32 v32, v31;
	[tilespmem:s4+$0xFFFFFE60] =	vst v2  }
0x104: {  	[tilespmem:s4+$0xFFFFFE70] =	vst v10;
	v11 =	vadd.f32 v33, v11;
	v46 =	vmul.f32 v62, v63;
	v33 =	vperm.xlane v28, v23  }
0x105: {  	v32 =	vmul.f32 v62, v48;
	v30 =	vadd.f32 v55, v30;
	v55 =	vsub.f32 v45, v13;
	[tilespmem:s4+$0xFFFFFE90] =	vst v31  }
0x106: {  	v45 =	vmul.f32 v62, v59;
	v12 =	vadd.f32 v35, v12;
	v50 =	vsub.f32 v50, v31;
	[tilespmem:s4+$0xFFFFFEA0] =	vst v11  }
0x107: {  	v48 =	vperm.xlane v28, v21;
	v2 =	vadd.f32 v46, v2;
	v10 =	vadd.f32 v32, v10;
	[tilespmem:s4+$0xFFFFFE80] =	vst v30  }
0x108: {  	v44 =	vmul.f32 v62, v55;
	v14 =	vadd.f32 v45, v14;
	v49 =	vsub.f32 v49, v30;
	[tilespmem:s4+$0xFFFFFEB0] =	vst v12  }
0x109: {  	v55 =	vsub.f32 v51, v11;
	v59 =	vsub.f32 v52, v12;
	v36 =	vmul.f32 v33, v50;
	[tilespmem:s4+$0xFFFFFEE0] =	vst v2  }
0x10a: {  	[tilespmem:s4+$0xFFFFFEF0] =	vst v10;
	v46 =	vsub.f32 v56, v2;
	v13 =	vadd.f32 v44, v13;
	v35 =	vmul.f32 v33, v49  }
0x10b: {  	v63 =	vmul.f32 v33, v55;
	[tilespmem:s4+$0xFFFFFED0] =	vst v14;
	v31 =	vadd.f32 v36, v31;
	v45 =	vsub.f32 v54, v14  }
0x10c: {  	v47 =	vsub.f32 v47, v10;
	v43 =	vmul.f32 v33, v59;
	[tilespmem:s4+$0xFFFFFEC0] =	vst v13;
	v30 =	vadd.f32 v35, v30  }
0x10d: {  	v62 =	vsub.f32 v53, v13;
	v11 =	vadd.f32 v63, v11;
	[tilespmem:s4+$0xFFFFFF10] =	vst v31;
	v32 =	vmul.f32 v33, v45  }
0x10e: {  	v59 =	vperm.xlane v29, v22;
	v12 =	vadd.f32 v43, v12;
	v35 =	vmul.f32 v33, v46;
	[tilespmem:s4+$0xFFFFFF00] =	vst v30  }
0x10f: {  	v34 =	vsub.f32 v34, v31;
	v44 =	vmul.f32 v33, v62;
	[tilespmem:s4+$0xFFFFFF20] =	vst v11;
	v14 =	vadd.f32 v32, v14  }
0x110: {  	v49 =	vsub.f32 v57, v30;
	v33 =	vmul.f32 v33, v47;
	[tilespmem:s4+$0xFFFFFF30] =	vst v12;
	v2 =	vadd.f32 v35, v2  }
0x111: {  	v51 =	vsub.f32 v60, v11;
	v52 =	vmul.f32 v48, v34;
	v13 =	vadd.f32 v44, v13;
	[tilespmem:s4+$0xFFFFFF50] =	vst v14  }
0x112: {  	v54 =	vsub.f32 v37, v12;
	v50 =	vmul.f32 v48, v49;
	v10 =	vadd.f32 v33, v10;
	[tilespmem:s4+$0xFFFFFF60] =	vst v2  }
0x113: {  	v53 =	vmul.f32 v48, v51;
	v31 =	vadd.f32 v52, v31;
	v57 =	vsub.f32 v61, v14;
	[tilespmem:s4+$0xFFFFFF40] =	vst v13  }
0x114: {  	v56 =	vmul.f32 v48, v54;
	v35 =	vsub.f32 v58, v2;
	v30 =	vadd.f32 v50, v30;
	[tilespmem:s4+$0xFFFFFF70] =	vst v10  }
0x115: {  	v55 =	vsub.f32 v38, v13;
	v11 =	vadd.f32 v53, v11;
	[tilespmem:s4+$0xFFFFFF90] =	vst v31;
	v60 =	vmul.f32 v48, v57  }
0x116: {  	v12 =	vadd.f32 v56, v12;
	v61 =	vsub.f32 v40, v10;
	v62 =	vmul.f32 v48, v35;
	[tilespmem:s4+$0xFFFFFF80] =	vst v30  }
0x117: {  	v63 =	vshll.u32 v59, $0x7;
	v33 =	vmul.f32 v48, v55;
	[tilespmem:s4+$0xFFFFFFA0] =	vst v11;
	v14 =	vadd.f32 v60, v14  }
0x118: {  	v43 =	vor.u32 v1, v63;
	[tilespmem:s4+$0xFFFFFFB0] =	vst v12;
	v42 =	vmul.f32 v48, v61;
	v2 =	vadd.f32 v62, v2  }
0x119: {  	v44 =	vor.u32 v3, v63;
	v13 =	vadd.f32 v33, v13;
	[tilespmem:s4+$0xFFFFFFD0] =	vst v14  }
0x11a: {  	v45 =	vor.u32 v4, v63;
	v10 =	vadd.f32 v42, v10;
	[tilespmem:s4+$0xFFFFFFE0] =	vst v2  }
0x11b: {  	v36 =	vor.u32 v5, v63;
	[tilespmem:s4+$0xFFFFFFC0] =	vst v13  }
0x11c: {  	v23 =	vimm.s32 $0x9;
	v46 =	vor.u32 v6, v63;
	[tilespmem:s4+$0xFFFFFFF0] =	vst v10  }
0x11d: {  	v47 =	vor.u32 v7, v63;
	v48 =	vperm.xlane v29, v23;
	v34 =	vld.idx.msk [tilespmem:v43+s13+$0x0], $0xffff  }
0x11e: {  	v49 =	vor.u32 v8, v63;
	v33 =	vld.idx.msk [tilespmem:v44+s13+$0x0], $0xffff  }
0x11f: {  	v35 =	vor.u32 v9, v63;
	v39 =	vshll.u32 v48, $0x7;
	v32 =	vld.idx.msk [tilespmem:v45+s13+$0x0], $0xffff  }
0x120: {  	v50 =	vor.u32 v1, v39;
	v36 =	vld.idx.msk [tilespmem:v36+s13+$0x0], $0xffff  }
0x121: {  	v51 =	vor.u32 v3, v39;
	v37 =	vld.idx.msk [tilespmem:v46+s13+$0x0], $0xffff  }
0x122: {  	v52 =	vor.u32 v4, v39;
	v38 =	vld.idx.msk [tilespmem:v47+s13+$0x0], $0xffff  }
0x123: {  	v53 =	vor.u32 v5, v39;
	v40 =	vld.idx.msk [tilespmem:v49+s13+$0x0], $0xffff  }
0x124: {  	v54 =	vor.u32 v6, v39;
	v35 =	vld.idx.msk [tilespmem:v35+s13+$0x0], $0xffff  }
0x125: {  	v56 =	vperm.xlane v29, v15;
	v55 =	vor.u32 v7, v39;
	v41 =	vld.idx.msk [tilespmem:v50+s13+$0x0], $0xffff  }
0x126: {  	v57 =	vor.u32 v8, v39;
	v42 =	vld.idx.msk [tilespmem:v51+s13+$0x0], $0xffff  }
0x127: {  	v39 =	vor.u32 v9, v39;
	v47 =	vshll.u32 v56, $0x7;
	v43 =	vld.idx.msk [tilespmem:v52+s13+$0x0], $0xffff  }
0x128: {  	v58 =	vor.u32 v1, v47;
	v44 =	vld.idx.msk [tilespmem:v53+s13+$0x0], $0xffff  }
0x129: {  	v59 =	vor.u32 v3, v47;
	v45 =	vld.idx.msk [tilespmem:v54+s13+$0x0], $0xffff  }
0x12a: {  	v63 =	vor.u32 v5, v47;
	v46 =	vld.idx.msk [tilespmem:v55+s13+$0x0], $0xffff  }
0x12b: {  	v60 =	vor.u32 v6, v47;
	v48 =	vld.idx.msk [tilespmem:v57+s13+$0x0], $0xffff  }
0x12c: {  	v61 =	vor.u32 v7, v47;
	v39 =	vld.idx.msk [tilespmem:v39+s13+$0x0], $0xffff  }
0x12d: {  	v62 =	vperm.xlane v29, v16;
	v56 =	vor.u32 v8, v47;
	v49 =	vld.idx.msk [tilespmem:v58+s13+$0x0], $0xffff  }
0x12e: {  	v51 =	vor.u32 v4, v47;
	v50 =	vld.idx.msk [tilespmem:v59+s13+$0x0], $0xffff  }
0x12f: {  	v47 =	vor.u32 v9, v47;
	v55 =	vshll.u32 v62, $0x7;
	v52 =	vld.idx.msk [tilespmem:v63+s13+$0x0], $0xffff  }
0x130: {  	v57 =	vor.u32 v1, v55;
	v53 =	vld.idx.msk [tilespmem:v60+s13+$0x0], $0xffff  }
0x131: {  	v62 =	vor.u32 v6, v55;
	v58 =	vor.u32 v3, v55;
	v54 =	vld.idx.msk [tilespmem:v61+s13+$0x0], $0xffff  }
0x132: {  	v34 =	vsub.f32 v34, v30;
	v32 =	vsub.f32 v32, v11;
	v59 =	vperm.xlane v28, v22;
	v56 =	vld.idx.msk [tilespmem:v56+s13+$0x0], $0xffff  }
0x133: {  	v33 =	vsub.f32 v33, v31;
	v36 =	vsub.f32 v36, v12;
	v60 =	vor.u32 v4, v55;
	v51 =	vld.idx.msk [tilespmem:v51+s13+$0x0], $0xffff  }
0x134: {  	v61 =	vor.u32 v5, v55;
	v34 =	vmul.f32 v59, v34;
	v47 =	vld.idx.msk [tilespmem:v47+s13+$0x0], $0xffff;
	v32 =	vmul.f32 v59, v32  }
0x135: {  	v35 =	vsub.f32 v35, v10;
	v63 =	vor.u32 v7, v55;
	v33 =	vmul.f32 v59, v33;
	v57 =	vld.idx.msk [tilespmem:v57+s13+$0x0], $0xffff  }
0x136: {  	v30 =	vadd.f32 v34, v30;
	v11 =	vadd.f32 v32, v11;
	v34 =	vld.idx.msk [tilespmem:v58+s13+$0x0], $0xffff;
	v58 =	vor.u32 v8, v55  }
0x137: {  	v32 =	vmul.f32 v59, v36;
	v36 =	vsub.f32 v38, v14;
	v38 =	vld.idx.msk [tilespmem:v62+s13+$0x0], $0xffff;
	v55 =	vor.u32 v9, v55  }
0x138: {  	v40 =	vsub.f32 v40, v2;
	v60 =	vld.idx.msk [tilespmem:v60+s13+$0x0], $0xffff  }
0x139: {  	v35 =	vmul.f32 v59, v35;
	v31 =	vadd.f32 v33, v31;
	v33 =	vsub.f32 v37, v13;
	v37 =	vld.idx.msk [tilespmem:v61+s13+$0x0], $0xffff  }
0x13a: {  	v61 =	vld.idx.msk [tilespmem:v63+s13+$0x0], $0xffff  }
0x13b: {  	v62 =	vperm.xlane v28, v23;
	v10 =	vadd.f32 v35, v10;
	v63 =	vmul.f32 v59, v40;
	v58 =	vld.idx.msk [tilespmem:v58+s13+$0x0], $0xffff  }
0x13c: {  	v33 =	vmul.f32 v59, v33;
	v41 =	vsub.f32 v41, v30;
	v40 =	vld.idx.msk [tilespmem:v55+s13+$0x0], $0xffff;
	[tilespmem:s4+$0x0] =	vst v30  }
0x13d: {  	v36 =	vmul.f32 v59, v36;
	v12 =	vadd.f32 v32, v12;
	v42 =	vsub.f32 v42, v31;
	[tilespmem:s4+$0x10] =	vst v31  }
0x13e: {  	v2 =	vadd.f32 v63, v2;
	v13 =	vadd.f32 v33, v13;
	v41 =	vmul.f32 v62, v41;
	[tilespmem:s4+$0x20] =	vst v11  }
0x13f: {  	v14 =	vadd.f32 v36, v14;
	v33 =	vsub.f32 v43, v11;
	[tilespmem:s4+$0x30] =	vst v12  }
0x140: {  	v32 =	vmul.f32 v62, v42;
	v30 =	vadd.f32 v41, v30;
	v55 =	vsub.f32 v44, v12;
	[tilespmem:s4+$0x40] =	vst v13  }
0x141: {  	v59 =	vsub.f32 v45, v13;
	v63 =	vsub.f32 v46, v14;
	v33 =	vmul.f32 v62, v33;
	[tilespmem:s4+$0x50] =	vst v14  }
0x142: {  	v45 =	vsub.f32 v48, v2;
	v31 =	vadd.f32 v32, v31;
	[tilespmem:s4+$0x60] =	vst v2;
	v35 =	vmul.f32 v62, v55  }
0x143: {  	[tilespmem:s4+$0x70] =	vst v10;
	v46 =	vmul.f32 v62, v59;
	v48 =	vmul.f32 v62, v63;
	v11 =	vadd.f32 v33, v11  }
0x144: {  	v55 =	vmul.f32 v62, v45;
	[tilespmem:s4+$0x80] =	vst v30;
	v59 =	vsub.f32 v39, v10;
	v45 =	vsub.f32 v49, v30  }
0x145: {  	[tilespmem:s4+$0x90] =	vst v31;
	v12 =	vadd.f32 v35, v12;
	v13 =	vadd.f32 v46, v13  }
0x146: {  	v63 =	vperm.xlane v28, v15;
	v14 =	vadd.f32 v48, v14;
	v2 =	vadd.f32 v55, v2;
	[tilespmem:s4+$0xA0] =	vst v11  }
0x147: {  	v46 =	vsub.f32 v50, v31;
	v32 =	vmul.f32 v62, v59;
	v48 =	vsub.f32 v51, v11;
	[tilespmem:s4+$0xB0] =	vst v12  }
0x148: {  	v35 =	vmul.f32 v63, v45;
	v59 =	vperm.xlane v28, v16;
	v49 =	vsub.f32 v52, v12;
	[tilespmem:s4+$0xC0] =	vst v13  }
0x149: {  	v36 =	vmul.f32 v63, v46;
	v50 =	vsub.f32 v53, v13;
	v10 =	vadd.f32 v32, v10;
	[tilespmem:s4+$0xD0] =	vst v14  }
0x14a: {  	v51 =	vmul.f32 v63, v48;
	v30 =	vadd.f32 v35, v30;
	[tilespmem:s4+$0xE0] =	vst v2;
	v54 =	vsub.f32 v54, v14  }
0x14b: {  	v55 =	vsub.f32 v56, v2;
	v52 =	vmul.f32 v63, v49;
	v31 =	vadd.f32 v36, v31;
	[tilespmem:s4+$0xF0] =	vst v10  }
0x14c: {  	v48 =	vperm.xlane v29, v17;
	v53 =	vmul.f32 v63, v50;
	v11 =	vadd.f32 v51, v11;
	[tilespmem:s4+$0x100] =	vst v30  }
0x14d: {  	v56 =	vsub.f32 v47, v10;
	v32 =	vmul.f32 v63, v54;
	v12 =	vadd.f32 v52, v12;
	[tilespmem:s4+$0x110] =	vst v31  }
0x14e: {  	v62 =	vsub.f32 v57, v30;
	v35 =	vmul.f32 v63, v55;
	v13 =	vadd.f32 v53, v13;
	[tilespmem:s4+$0x120] =	vst v11  }
0x14f: {  	v33 =	vmul.f32 v63, v56;
	v34 =	vsub.f32 v34, v31;
	v14 =	vadd.f32 v32, v14;
	[tilespmem:s4+$0x130] =	vst v12  }
0x150: {  	v63 =	vmul.f32 v59, v62;
	v41 =	vsub.f32 v60, v11;
	v2 =	vadd.f32 v35, v2;
	[tilespmem:s4+$0x140] =	vst v13  }
0x151: {  	v10 =	vadd.f32 v33, v10;
	v42 =	vmul.f32 v59, v34;
	[tilespmem:s4+$0x150] =	vst v14;
	v44 =	vsub.f32 v37, v12  }
0x152: {  	v30 =	vadd.f32 v63, v30;
	v43 =	vmul.f32 v59, v41;
	[tilespmem:s4+$0x160] =	vst v2;
	v45 =	vsub.f32 v38, v13  }
0x153: {  	v47 =	vsub.f32 v61, v14;
	v31 =	vadd.f32 v42, v31;
	[tilespmem:s4+$0x170] =	vst v10;
	v46 =	vmul.f32 v59, v44  }
0x154: {  	v35 =	vsub.f32 v58, v2;
	v11 =	vadd.f32 v43, v11;
	[tilespmem:s4+$0x180] =	vst v30;
	v33 =	vmul.f32 v59, v45  }
0x155: {  	v49 =	vmul.f32 v59, v47;
	v50 =	vsub.f32 v40, v10;
	[tilespmem:s4+$0x190] =	vst v31;
	v12 =	vadd.f32 v46, v12  }
0x156: {  	v52 =	vshll.u32 v48, $0x7;
	v51 =	vmul.f32 v59, v35;
	[tilespmem:s4+$0x1A0] =	vst v11;
	v13 =	vadd.f32 v33, v13  }
0x157: {  	v54 =	vor.u32 v1, v52;
	v14 =	vadd.f32 v49, v14;
	v53 =	vmul.f32 v59, v50;
	[tilespmem:s4+$0x1B0] =	vst v12  }
0x158: {  	v55 =	vor.u32 v3, v52;
	v2 =	vadd.f32 v51, v2;
	[tilespmem:s4+$0x1C0] =	vst v13  }
0x159: {  	v56 =	vor.u32 v4, v52;
	[tilespmem:s4+$0x1D0] =	vst v14;
	v10 =	vadd.f32 v53, v10  }
0x15a: {  	v36 =	vor.u32 v5, v52;
	[tilespmem:s4+$0x1E0] =	vst v2  }
0x15b: {  	v57 =	vor.u32 v6, v52;
	[tilespmem:s4+$0x1F0] =	vst v10  }
0x15c: {  	v58 =	vor.u32 v7, v52;
	v59 =	vperm.xlane v29, v18;
	v34 =	vld.idx.msk [tilespmem:v54+s13+$0x0], $0xffff  }
0x15d: {  	v60 =	vor.u32 v8, v52;
	v33 =	vld.idx.msk [tilespmem:v55+s13+$0x0], $0xffff  }
0x15e: {  	v35 =	vor.u32 v9, v52;
	v39 =	vshll.u32 v59, $0x7;
	v32 =	vld.idx.msk [tilespmem:v56+s13+$0x0], $0xffff  }
0x15f: {  	v61 =	vor.u32 v1, v39;
	v36 =	vld.idx.msk [tilespmem:v36+s13+$0x0], $0xffff  }
0x160: {  	v62 =	vor.u32 v3, v39;
	v37 =	vld.idx.msk [tilespmem:v57+s13+$0x0], $0xffff  }
0x161: {  	v63 =	vor.u32 v4, v39;
	v38 =	vld.idx.msk [tilespmem:v58+s13+$0x0], $0xffff  }
0x162: {  	v52 =	vor.u32 v5, v39;
	v40 =	vld.idx.msk [tilespmem:v60+s13+$0x0], $0xffff  }
0x163: {  	v53 =	vor.u32 v6, v39;
	v35 =	vld.idx.msk [tilespmem:v35+s13+$0x0], $0xffff  }
0x164: {  	v54 =	vor.u32 v7, v39;
	v55 =	vperm.xlane v29, v19;
	v41 =	vld.idx.msk [tilespmem:v61+s13+$0x0], $0xffff  }
0x165: {  	v56 =	vor.u32 v8, v39;
	v42 =	vld.idx.msk [tilespmem:v62+s13+$0x0], $0xffff  }
0x166: {  	v39 =	vor.u32 v9, v39;
	v47 =	vshll.u32 v55, $0x7;
	v43 =	vld.idx.msk [tilespmem:v63+s13+$0x0], $0xffff  }
0x167: {  	v44 =	vld.idx.msk [tilespmem:v52+s13+$0x0], $0xffff;
	v57 =	vor.u32 v1, v47  }
0x168: {  	v45 =	vld.idx.msk [tilespmem:v53+s13+$0x0], $0xffff;
	v58 =	vor.u32 v3, v47  }
0x169: {  	v59 =	vor.u32 v4, v47;
	v46 =	vld.idx.msk [tilespmem:v54+s13+$0x0], $0xffff  }
0x16a: {  	v62 =	vor.u32 v5, v47;
	v48 =	vld.idx.msk [tilespmem:v56+s13+$0x0], $0xffff  }
0x16b: {  	v63 =	vor.u32 v6, v47;
	v39 =	vld.idx.msk [tilespmem:v39+s13+$0x0], $0xffff  }
0x16c: {  	v29 =	vperm.xlane v29, v20;
	v60 =	vor.u32 v7, v47;
	v49 =	vld.idx.msk [tilespmem:v57+s13+$0x0], $0xffff  }
0x16d: {  	v61 =	vor.u32 v8, v47;
	v50 =	vld.idx.msk [tilespmem:v58+s13+$0x0], $0xffff  }
0x16e: {  	v29 =	vshll.u32 v29, $0x7;
	v47 =	vor.u32 v9, v47;
	v51 =	vld.idx.msk [tilespmem:v59+s13+$0x0], $0xffff  }
0x16f: {  	v56 =	vor.u32 v1, v29;
	v52 =	vld.idx.msk [tilespmem:v62+s13+$0x0], $0xffff  }
0x170: {  	v53 =	vld.idx.msk [tilespmem:v63+s13+$0x0], $0xffff;
	v57 =	vor.u32 v3, v29  }
0x171: {  	v54 =	vld.idx.msk [tilespmem:v60+s13+$0x0], $0xffff;
	v58 =	vor.u32 v4, v29  }
0x172: {  	v34 =	vsub.f32 v34, v30;
	v55 =	vld.idx.msk [tilespmem:v61+s13+$0x0], $0xffff;
	v59 =	vor.u32 v5, v29;
	v60 =	vperm.xlane v28, v17  }
0x173: {  	v47 =	vld.idx.msk [tilespmem:v47+s13+$0x0], $0xffff;
	v61 =	vor.u32 v6, v29  }
0x174: {  	v62 =	vor.u32 v7, v29;
	v56 =	vld.idx.msk [tilespmem:v56+s13+$0x0], $0xffff;
	v34 =	vmul.f32 v60, v34  }
0x175: {  	v33 =	vsub.f32 v33, v31;
	v32 =	vsub.f32 v32, v11;
	v63 =	vor.u32 v8, v29;
	v57 =	vld.idx.msk [tilespmem:v57+s13+$0x0], $0xffff  }
0x176: {  	v29 =	vor.u32 v9, v29;
	v30 =	vadd.f32 v34, v30;
	v34 =	vld.idx.msk [tilespmem:v58+s13+$0x0], $0xffff  }
0x177: {  	v36 =	vsub.f32 v36, v12;
	v33 =	vmul.f32 v60, v33;
	v32 =	vmul.f32 v60, v32;
	v58 =	vld.idx.msk [tilespmem:v59+s13+$0x0], $0xffff  }
0x178: {  	v37 =	vsub.f32 v37, v13;
	v38 =	vsub.f32 v38, v14;
	v59 =	vld.idx.msk [tilespmem:v61+s13+$0x0], $0xffff  }
0x179: {  	v31 =	vadd.f32 v33, v31;
	v11 =	vadd.f32 v32, v11;
	v33 =	vmul.f32 v60, v36;
	v32 =	vld.idx.msk [tilespmem:v62+s13+$0x0], $0xffff  }
0x17a: {  	v36 =	vmul.f32 v60, v37;
	v37 =	vmul.f32 v60, v38;
	v61 =	vld.idx.msk [tilespmem:v63+s13+$0x0], $0xffff;
	v62 =	vsub.f32 v40, v2  }
0x17b: {  	v29 =	vld.idx.msk [tilespmem:v29+s13+$0x0], $0xffff;
	v63 =	vsub.f32 v35, v10;
	v12 =	vadd.f32 v33, v12;
	[tilespmem:s4+$0x200] =	vst v30  }
0x17c: {  	v13 =	vadd.f32 v36, v13;
	v14 =	vadd.f32 v37, v14;
	[tilespmem:s4+$0x210] =	vst v31;
	v36 =	vperm.xlane v28, v18  }
0x17d: {  	[tilespmem:s4+$0x220] =	vst v11;
	v40 =	vmul.f32 v60, v62;
	v33 =	vmul.f32 v60, v63;
	v60 =	vsub.f32 v41, v30  }
0x17e: {  	v37 =	vperm.xlane v28, v19;
	v62 =	vsub.f32 v42, v31;
	v63 =	vsub.f32 v43, v11;
	[tilespmem:s4+$0x230] =	vst v12  }
0x17f: {  	[tilespmem:s4+$0x240] =	vst v13;
	v2 =	vadd.f32 v40, v2;
	v10 =	vadd.f32 v33, v10;
	v33 =	vmul.f32 v36, v60  }
0x180: {  	v28 =	vperm.xlane v28, v20;
	[tilespmem:s4+$0x250] =	vst v14;
	v41 =	vsub.f32 v46, v14;
	v35 =	vmul.f32 v36, v62  }
0x181: {  	v60 =	vsub.f32 v44, v12;
	v63 =	vmul.f32 v36, v63;
	v30 =	vadd.f32 v33, v30;
	[tilespmem:s4+$0x260] =	vst v2  }
0x182: {  	v62 =	vsub.f32 v45, v13;
	v44 =	vmul.f32 v36, v41;
	v31 =	vadd.f32 v35, v31;
	[tilespmem:s4+$0x270] =	vst v10  }
0x183: {  	v42 =	vmul.f32 v36, v60;
	v11 =	vadd.f32 v63, v11;
	v45 =	vsub.f32 v48, v2;
	[tilespmem:s4+$0x280] =	vst v30  }
0x184: {  	v43 =	vmul.f32 v36, v62;
	v48 =	vsub.f32 v39, v10;
	v14 =	vadd.f32 v44, v14;
	[tilespmem:s4+$0x290] =	vst v31  }
0x185: {  	v12 =	vadd.f32 v42, v12;
	v46 =	vmul.f32 v36, v45;
	[tilespmem:s4+$0x2A0] =	vst v11;
	v49 =	vsub.f32 v49, v30  }
0x186: {  	v13 =	vadd.f32 v43, v13;
	v50 =	vsub.f32 v50, v31;
	v60 =	vmul.f32 v36, v48;
	[tilespmem:s4+$0x2D0] =	vst v14  }
0x187: {  	v62 =	vsub.f32 v51, v11;
	v2 =	vadd.f32 v46, v2;
	[tilespmem:s4+$0x2B0] =	vst v12;
	v63 =	vmul.f32 v37, v49  }
0x188: {  	[tilespmem:s4+$0x2C0] =	vst v13;
	v42 =	vmul.f32 v37, v50;
	v43 =	vsub.f32 v52, v12;
	v10 =	vadd.f32 v60, v10  }
0x189: {  	v44 =	vmul.f32 v37, v62;
	v45 =	vsub.f32 v53, v13;
	v30 =	vadd.f32 v63, v30;
	[tilespmem:s4+$0x2E0] =	vst v2  }
0x18a: {  	v50 =	vsub.f32 v54, v14;
	v31 =	vadd.f32 v42, v31;
	v46 =	vmul.f32 v37, v43;
	[tilespmem:s4+$0x2F0] =	vst v10  }
0x18b: {  	v11 =	vadd.f32 v44, v11;
	v49 =	vmul.f32 v37, v45;
	v51 =	vsub.f32 v55, v2;
	[tilespmem:s4+$0x300] =	vst v30  }
0x18c: {  	v52 =	vmul.f32 v37, v50;
	v53 =	vsub.f32 v47, v10;
	v12 =	vadd.f32 v46, v12;
	[tilespmem:s4+$0x310] =	vst v31  }
0x18d: {  	v13 =	vadd.f32 v49, v13;
	[tilespmem:s4+$0x320] =	vst v11;
	v36 =	vmul.f32 v37, v51;
	v54 =	vsub.f32 v56, v30  }
0x18e: {  	v14 =	vadd.f32 v52, v14;
	v55 =	vmul.f32 v37, v53;
	v56 =	vsub.f32 v57, v31;
	[tilespmem:s4+$0x330] =	vst v12  }
0x18f: {  	v34 =	vsub.f32 v34, v11;
	v2 =	vadd.f32 v36, v2;
	[tilespmem:s4+$0x340] =	vst v13;
	v57 =	vmul.f32 v28, v54  }
0x190: {  	v10 =	vadd.f32 v55, v10;
	[tilespmem:s4+$0x350] =	vst v14;
	v60 =	vmul.f32 v28, v56;
	v62 =	vsub.f32 v58, v12  }
0x191: {  	v63 =	vsub.f32 v59, v13;
	v37 =	vadd.f32 v57, v30;
	[tilespmem:s4+$0x360] =	vst v2;
	v30 =	vmul.f32 v28, v34  }
0x192: {  	v32 =	vsub.f32 v32, v14;
	v35 =	vadd.f32 v60, v31;
	[tilespmem:s4+$0x370] =	vst v10;
	v31 =	vmul.f32 v28, v62  }
0x193: {  	v36 =	vadd.f32 v30, v11;
	[tilespmem:s4+$0x380] =	vst v37;
	v11 =	vmul.f32 v28, v63;
	v30 =	vsub.f32 v61, v2  }
0x194: {  	v29 =	vsub.f32 v29, v10;
	v33 =	vadd.f32 v31, v12;
	[tilespmem:s4+$0x390] =	vst v35;
	v12 =	vmul.f32 v28, v32  }
0x195: {  	p1 =	sne.s32 s7, $0x1C0;
	v32 =	vadd.f32 v11, v13;
	[tilespmem:s4+$0x3A0] =	vst v36;
	v11 =	vmul.f32 v28, v30  }
.Ltmp2:
0x196: {  	v34 =	vadd.f32 v12, v14;
	v12 =	vmul.f32 v28, v29;
	[tilespmem:s4+$0x3B0] =	vst v33;
	(pc) =	sbr.rel @p1 .LBB2_7-.Ltmp2, $4  }
0x197: {  	v31 =	vadd.f32 v11, v2;
	[tilespmem:s4+$0x3C0] =	vst v32  }
0x198: {  	v30 =	vadd.f32 v12, v10;
	[tilespmem:s4+$0x3D0] =	vst v34  }
0x199: {  	[tilespmem:s4+$0x3E0] =	vst v31  }
0x19a: {  	s25 =	sadd.s32 $0x10, s25;
	s7 =	sadd.s32 $0x40, s7;
	v21 =	vimm.s32 $0x1;
	v48 =	vimm.s32 $0x2;
	[tilespmem:s4+$0x3F0] =	vst v30;
	s4 =	sadd.s32 $0x800, s4  }
0x19b: {  	s4 =	sshll.u32 s3, $0x11  }
0x19c: {  	s4 =	sadd.s32 s9, s4  }
0x19d: {  	s16 =	sor.u32 $0x1, s16;
	s4 =	sshrl.u32 s4, $0x3  }
0x19e: {  	p1 =	sgt.u32 s16, $0xE;
	s4 =	sadd.s32 s2, s4  }
0x19f: {  	[hbm4b:s4+s11] =	stream.strided.scatter [tilespmem:s19], [sflag:$0x3], $0x4000, s12, s11, $0x38;
	[tilespmem:$0x12880] =	vst v63  }
0x1a0: {  	v2 =	vld @!p1 [tilespmem:s14+$0x900];
	_ =	sdelay $0x4  }
0x1a1: {  	v2 =	vxor.u32 @!p1 $0x80000000, v2  }
0x1a2: {  	(xrf0) =	vmin.scan.msk.u32 @!p1 $0xffff, v2;
	_ =	sdelay $0x5  }
0x1a3: {  	v2, _, _ =	vpop @!p1 (xrf0)  }
0x1a4: {  	(v2sf) =	vpush @!p1 v2, $0xF;
	_ =	sdelay $0xe  }
0x1a5: {  	s4 =	spop @!p1 (v2sf)  }
0x1a6: {  	s7 =	sxor.u32 @!p1 $0x80000000, s4  }
0x1a7: {  	p2 =	sgt.s32 @!p1 s4, $0xFFFFFFFF;
	s4 =	sand.u32 @!p1 $0x7, s4;
	p3 =	slt.s32 @!p1 s7, $0x1  }
0x1a8: {  	p2 =	por @!p1 p2, p3;
	p3 =	sne.s32 @!p1 s4, $0x0  }
0x1a9: {  	s4 =	sshra.s32 @!p1 s7, $0x1F;
	p2 =	por @!p1 !p3, !p2  }
0x1aa: {  	s4 =	sshrl.u32 @!p1 s4, $0x1D;
	p2 =	por @!p1 !p2, !p2  }
0x1ab: {  	s4 =	sadd.s32 @!p1 s4, s7;
	s7 =	simm.s32 @!p1 $0x1;
	p2 =	por !p2, p1  }
0x1ac: {  	s4 =	sshrl.u32 @!p1 s4, $0x3;
	s7 =	simm.s32 @p2 $0x0  }
0x1ad: {  	s4 =	ssub.s32 @!p1 s4, s7  }
0x1ae: {  	s4 =	sshll.u32 @!p1 s4, $0x3  }
0x1af: {  	p2 =	slt.s32 @!p1 s4, $0x378  }
0x1b0: {  	p2 =	por !p2, p1  }
0x1b1: {  	s4 =	simm.s32 @p2 $0x378  }
0x1b2: {  	s4 =	sshll.u32 @!p1 s4, $0x9  }
0x1b3: {  	s4 =	sadd.s32 @!p1 s6, s4  }
0x1b4: {  	s8 =	simm.s32 @!p1 $0x1000;
	s4 =	sshrl.u32 @!p1 s4, $0x3  }
0x1b5: {  	s14 =	simm.s32 @!p1 $0x1880;
	s7 =	simm.s32 @!p1 $0x400;
	s4 =	sadd.s32 @!p1 s0, s4  }
0x1b6: {  	[tilespmem:s14], [sflag:$0x1] =	stream.strided.gather @!p1 [hbm4b:s4+s7], $0x4400, s8, s7, $0x38;
	[tilespmem:$0x12880] =	vst v63  }
0x1b7: {  	s7 =	sshll.u32 s16, $0x7  }
0x1b8: {  	s4 =	sand.u32 $0x3FFFFF80, s7  }
0x1b9: {  	v2 =	vld [tilespmem:s4+$0x800];
	_ =	sdelay $0x4  }
0x1ba: {  	v2 =	vxor.u32 $0x80000000, v2  }
0x1bb: {  	(xrf0) =	vmin.scan.msk.u32 $0xffff, v2;
	_ =	sdelay $0x5  }
0x1bc: {  	v2, _, _ =	vpop (xrf0)  }
0x1bd: {  	(v2sf) =	vpush v2, $0xF;
	_ =	sdelay $0xe  }
0x1be: {  	s8 =	spop (v2sf)  }
0x1bf: {  	s7 =	sxor.u32 $0x80000000, s8  }
0x1c0: {  	p5 =	sgt.s32 s8, $0xFFFFFFFF;
	s4 =	sand.u32 $0x7, s8;
	p4 =	slt.s32 s7, $0x1  }
0x1c1: {  	s14 =	sshra.s32 s7, $0x1F;
	p6 =	sne.s32 s4, $0x0;
	p1 =	por p5, p4  }
0x1c2: {  	s25 =	sshrl.u32 s14, $0x1D;
	p1 =	por !p6, !p1  }
0x1c3: {  	s4 =	sadd.s32 s25, s7;
	s7 =	simm.s32 $0x1;
	p1 =	por !p1, !p1  }
0x1c4: {  	_ =	swait.ge [sflag:s20], $0x4400;
	s4 =	sshrl.u32 s4, $0x3;
	s7 =	simm.s32 @!p1 $0x0  }
0x1c5: {  	[sflag:s20] =	ssyncset.done $0x0;
	s4 =	ssub.s32 s4, s7  }
0x1c6: {  	v25 =	vmov s31;
	[sflag:s20] =	ssyncadd.s32 $0xFFFFBC00;
	s7 =	simm.s32 @!p0 $0x4;
	s4 =	sshll.u32 s4, $0x3  }
0x1c7: {  	v26 =	vmov s30;
	_ =	swait.ge @!p0 [sflag:s7], $0x4000;
	p1 =	slt.s32 s4, $0x378  }
0x1c8: {  	[sflag:s7] =	ssyncset.done @!p0 $0x0;
	s4 =	simm.s32 @!p1 $0x378  }
0x1c9: {  	v27 =	vmov s29;
	[sflag:s7] =	ssyncadd.s32 @!p0 $0xFFFFC000;
	s7 =	simm.s32 $0xEC80;
	v24 =	vmov s4;
	s4 =	simm.s32 $0x0  }
.LBB2_9:
0x1ca: {  	s8 =	sshra.s32 s4, $0x2  }
0x1cb: {  	v2 =	vld.idx.msk [tilespmem:v25+s8+$0x0 ss:$0x1], $0xffff  }
0x1cc: {  	v10 =	vld.idx.msk [tilespmem:v26+s8+$0x0 ss:$0x1], $0xffff;
	_ =	sdelay $0x4  }
0x1cd: {  	vm1 =	vgt.s32 v10, $0x0;
	v2 =	vsub.s32 v2, v24  }
0x1ce: {  	v29 =	vnsel vm1, $0x88, v2  }
0x1cf: {  	v2 =	vperm.xlane v29, v0;
	_ =	sdelay $0x1  }
0x1d0: {  	v2 =	vshll.u32 v2, $0x7  }
0x1d1: {  	v10 =	vor.u32 v1, v2  }
0x1d2: {  	v11 =	vor.u32 v3, v2  }
0x1d3: {  	v12 =	vor.u32 v4, v2  }
0x1d4: {  	v13 =	vor.u32 v5, v2  }
0x1d5: {  	v28 =	vld.idx.msk [tilespmem:v27+s8+$0x0 ss:$0x1], $0xffff;
	v14 =	vor.u32 v6, v2  }
0x1d6: {  	v39 =	vperm.xlane v29, v21;
	v38 =	vor.u32 v7, v2;
	v10 =	vld.idx.msk [tilespmem:v10+s18+$0x0], $0xffff  }
0x1d7: {  	v40 =	vor.u32 v8, v2;
	v11 =	vld.idx.msk [tilespmem:v11+s18+$0x0], $0xffff  }
0x1d8: {  	v39 =	vshll.u32 v39, $0x7;
	v2 =	vor.u32 v9, v2;
	v12 =	vld.idx.msk [tilespmem:v12+s18+$0x0], $0xffff  }
0x1d9: {  	v41 =	vor.u32 v1, v39;
	v13 =	vld.idx.msk [tilespmem:v13+s18+$0x0], $0xffff  }
0x1da: {  	v42 =	vor.u32 v3, v39;
	v14 =	vld.idx.msk [tilespmem:v14+s18+$0x0], $0xffff  }
0x1db: {  	v43 =	vor.u32 v4, v39;
	v38 =	vld.idx.msk [tilespmem:v38+s18+$0x0], $0xffff  }
0x1dc: {  	v44 =	vor.u32 v5, v39;
	v40 =	vld.idx.msk [tilespmem:v40+s18+$0x0], $0xffff  }
0x1dd: {  	v45 =	vor.u32 v6, v39;
	v2 =	vld.idx.msk [tilespmem:v2+s18+$0x0], $0xffff  }
0x1de: {  	v47 =	vperm.xlane v29, v48;
	v46 =	vor.u32 v7, v39;
	v41 =	vld.idx.msk [tilespmem:v41+s18+$0x0], $0xffff  }
0x1df: {  	v62 =	vor.u32 v8, v39;
	v42 =	vld.idx.msk [tilespmem:v42+s18+$0x0], $0xffff  }
0x1e0: {  	v47 =	vshll.u32 v47, $0x7;
	v39 =	vor.u32 v9, v39;
	v43 =	vld.idx.msk [tilespmem:v43+s18+$0x0], $0xffff  }
0x1e1: {  	v49 =	vor.u32 v1, v47;
	v44 =	vld.idx.msk [tilespmem:v44+s18+$0x0], $0xffff  }
0x1e2: {  	v50 =	vor.u32 v3, v47;
	v45 =	vld.idx.msk [tilespmem:v45+s18+$0x0], $0xffff  }
0x1e3: {  	v51 =	vor.u32 v4, v47;
	v46 =	vld.idx.msk [tilespmem:v46+s18+$0x0], $0xffff  }
0x1e4: {  	v52 =	vor.u32 v5, v47;
	v48 =	vld.idx.msk [tilespmem:v62+s18+$0x0], $0xffff  }
0x1e5: {  	v55 =	vimm.s32 $0x3;
	v53 =	vor.u32 v6, v47;
	v39 =	vld.idx.msk [tilespmem:v39+s18+$0x0], $0xffff  }
0x1e6: {  	v55 =	vperm.xlane v29, v55;
	v54 =	vor.u32 v7, v47;
	v49 =	vld.idx.msk [tilespmem:v49+s18+$0x0], $0xffff  }
0x1e7: {  	v56 =	vor.u32 v8, v47;
	v50 =	vld.idx.msk [tilespmem:v50+s18+$0x0], $0xffff  }
0x1e8: {  	v55 =	vshll.u32 v55, $0x7;
	v47 =	vor.u32 v9, v47;
	v51 =	vld.idx.msk [tilespmem:v51+s18+$0x0], $0xffff  }
0x1e9: {  	v57 =	vor.u32 v1, v55;
	v52 =	vld.idx.msk [tilespmem:v52+s18+$0x0], $0xffff  }
0x1ea: {  	v58 =	vor.u32 v3, v55;
	v53 =	vld.idx.msk [tilespmem:v53+s18+$0x0], $0xffff  }
0x1eb: {  	v59 =	vperm.xlane v28, v0;
	v60 =	vor.u32 v4, v55;
	v54 =	vld.idx.msk [tilespmem:v54+s18+$0x0], $0xffff;
	v10 =	vsub.f32 v10, v37  }
0x1ec: {  	v61 =	vor.u32 v5, v55;
	v56 =	vld.idx.msk [tilespmem:v56+s18+$0x0], $0xffff;
	v62 =	vor.u32 v6, v55  }
0x1ed: {  	v47 =	vld.idx.msk [tilespmem:v47+s18+$0x0], $0xffff;
	v11 =	vsub.f32 v11, v35;
	v12 =	vsub.f32 v12, v36;
	v10 =	vmul.f32 v59, v10  }
0x1ee: {  	v63 =	vor.u32 v7, v55;
	v57 =	vld.idx.msk [tilespmem:v57+s18+$0x0], $0xffff;
	v13 =	vsub.f32 v13, v33;
	v14 =	vsub.f32 v14, v32  }
0x1ef: {  	v11 =	vmul.f32 v59, v11;
	v10 =	vadd.f32 v10, v37;
	v37 =	vld.idx.msk [tilespmem:v58+s18+$0x0], $0xffff;
	v58 =	vor.u32 v8, v55  }
0x1f0: {  	v60 =	vld.idx.msk [tilespmem:v60+s18+$0x0], $0xffff;
	v40 =	vsub.f32 v40, v31;
	v12 =	vmul.f32 v59, v12;
	v55 =	vor.u32 v9, v55  }
0x1f1: {  	v2 =	vsub.f32 v2, v30;
	v11 =	vadd.f32 v11, v35;
	v35 =	vld.idx.msk [tilespmem:v61+s18+$0x0], $0xffff  }
0x1f2: {  	v13 =	vmul.f32 v59, v13;
	v12 =	vadd.f32 v12, v36;
	v36 =	vsub.f32 v38, v34;
	v38 =	vld.idx.msk [tilespmem:v62+s18+$0x0], $0xffff  }
0x1f3: {  	v14 =	vmul.f32 v59, v14;
	v2 =	vmul.f32 v59, v2;
	v61 =	vld.idx.msk [tilespmem:v63+s18+$0x0], $0xffff  }
0x1f4: {  	v62 =	vperm.xlane v28, v21;
	v13 =	vadd.f32 v13, v33;
	v63 =	vmul.f32 v59, v40;
	v58 =	vld.idx.msk [tilespmem:v58+s18+$0x0], $0xffff  }
0x1f5: {  	v14 =	vadd.f32 v14, v32;
	v2 =	vadd.f32 v2, v30;
	v40 =	vld.idx.msk [tilespmem:v55+s18+$0x0], $0xffff;
	[tilespmem:s7+$0xFFFFFC00] =	vst v10  }
0x1f6: {  	v36 =	vmul.f32 v59, v36;
	v41 =	vsub.f32 v41, v10;
	v31 =	vadd.f32 v63, v31;
	[tilespmem:s7+$0xFFFFFC10] =	vst v11  }
0x1f7: {  	v22 =	vimm.s32 $0x2;
	v30 =	vsub.f32 v42, v11;
	v63 =	vsub.f32 v43, v12;
	[tilespmem:s7+$0xFFFFFC20] =	vst v12  }
0x1f8: {  	v44 =	vsub.f32 v44, v13;
	v32 =	vadd.f32 v36, v34;
	v59 =	vmul.f32 v62, v41;
	[tilespmem:s7+$0xFFFFFC30] =	vst v13  }
0x1f9: {  	v30 =	vmul.f32 v62, v30;
	v33 =	vmul.f32 v62, v63;
	v63 =	vsub.f32 v48, v31;
	[tilespmem:s7+$0xFFFFFC40] =	vst v14  }
0x1fa: {  	v34 =	vmul.f32 v62, v44;
	v48 =	vsub.f32 v39, v2;
	v55 =	vsub.f32 v45, v14;
	[tilespmem:s7+$0xFFFFFC60] =	vst v31  }
0x1fb: {  	[tilespmem:s7+$0xFFFFFC70] =	vst v2;
	v10 =	vadd.f32 v59, v10;
	v59 =	vsub.f32 v46, v32;
	v46 =	vmul.f32 v62, v63  }
0x1fc: {  	v21 =	vimm.s32 $0x3;
	[tilespmem:s7+$0xFFFFFC50] =	vst v32;
	v11 =	vadd.f32 v30, v11;
	v12 =	vadd.f32 v33, v12  }
0x1fd: {  	v13 =	vadd.f32 v34, v13;
	v30 =	vmul.f32 v62, v55;
	[tilespmem:s7+$0xFFFFFC80] =	vst v10;
	v31 =	vadd.f32 v46, v31  }
0x1fe: {  	v45 =	vmul.f32 v62, v59;
	[tilespmem:s7+$0xFFFFFC90] =	vst v11;
	v49 =	vsub.f32 v49, v10;
	v50 =	vsub.f32 v50, v11  }
0x1ff: {  	v33 =	vperm.xlane v28, v22;
	[tilespmem:s7+$0xFFFFFCA0] =	vst v12;
	v51 =	vsub.f32 v51, v12;
	v55 =	vsub.f32 v52, v13  }
0x200: {  	[tilespmem:s7+$0xFFFFFCB0] =	vst v13;
	v14 =	vadd.f32 v30, v14;
	v30 =	vadd.f32 v45, v32;
	v32 =	vmul.f32 v62, v48  }
0x201: {  	v34 =	vmul.f32 v33, v49;
	v36 =	vmul.f32 v33, v50;
	[tilespmem:s7+$0xFFFFFCE0] =	vst v31;
	v45 =	vsub.f32 v56, v31  }
0x202: {  	v62 =	vmul.f32 v33, v51;
	v59 =	vsub.f32 v53, v14;
	[tilespmem:s7+$0xFFFFFCC0] =	vst v14;
	v2 =	vadd.f32 v32, v2  }
0x203: {  	v63 =	vmul.f32 v33, v55;
	[tilespmem:s7+$0xFFFFFCD0] =	vst v30;
	v10 =	vadd.f32 v34, v10;
	v11 =	vadd.f32 v36, v11  }
0x204: {  	v22 =	vimm.s32 $0x4;
	v12 =	vadd.f32 v62, v12;
	v44 =	vsub.f32 v54, v30;
	[tilespmem:s7+$0xFFFFFCF0] =	vst v2  }
0x205: {  	v13 =	vadd.f32 v63, v13;
	v34 =	vmul.f32 v33, v45;
	v43 =	vmul.f32 v33, v59;
	[tilespmem:s7+$0xFFFFFD00] =	vst v10  }
0x206: {  	v59 =	vperm.xlane v29, v22;
	v46 =	vsub.f32 v47, v2;
	[tilespmem:s7+$0xFFFFFD10] =	vst v11;
	v32 =	vmul.f32 v33, v44  }
0x207: {  	v47 =	vperm.xlane v28, v21;
	v48 =	vsub.f32 v57, v10;
	[tilespmem:s7+$0xFFFFFD20] =	vst v12;
	v31 =	vadd.f32 v34, v31  }
0x208: {  	v49 =	vsub.f32 v37, v11;
	[tilespmem:s7+$0xFFFFFD30] =	vst v13;
	v14 =	vadd.f32 v43, v14;
	v33 =	vmul.f32 v33, v46  }
0x209: {  	v51 =	vsub.f32 v60, v12;
	v30 =	vadd.f32 v32, v30;
	v50 =	vmul.f32 v47, v48;
	[tilespmem:s7+$0xFFFFFD60] =	vst v31  }
0x20a: {  	v54 =	vsub.f32 v35, v13;
	v52 =	vmul.f32 v47, v49;
	[tilespmem:s7+$0xFFFFFD40] =	vst v14;
	v2 =	vadd.f32 v33, v2  }
0x20b: {  	v53 =	vmul.f32 v47, v51;
	v58 =	vsub.f32 v58, v31;
	[tilespmem:s7+$0xFFFFFD50] =	vst v30;
	v10 =	vadd.f32 v50, v10  }
0x20c: {  	v56 =	vmul.f32 v47, v54;
	v55 =	vsub.f32 v38, v14;
	v11 =	vadd.f32 v52, v11;
	[tilespmem:s7+$0xFFFFFD70] =	vst v2  }
0x20d: {  	v12 =	vadd.f32 v53, v12;
	v57 =	vsub.f32 v61, v30;
	v62 =	vmul.f32 v47, v58;
	[tilespmem:s7+$0xFFFFFD80] =	vst v10  }
0x20e: {  	v13 =	vadd.f32 v56, v13;
	v33 =	vmul.f32 v47, v55;
	[tilespmem:s7+$0xFFFFFD90] =	vst v11;
	v61 =	vsub.f32 v40, v2  }
0x20f: {  	v63 =	vshll.u32 v59, $0x7;
	v60 =	vmul.f32 v47, v57;
	[tilespmem:s7+$0xFFFFFDA0] =	vst v12;
	v31 =	vadd.f32 v62, v31  }
0x210: {  	v43 =	vor.u32 v1, v63;
	[tilespmem:s7+$0xFFFFFDB0] =	vst v13;
	v14 =	vadd.f32 v33, v14;
	v42 =	vmul.f32 v47, v61  }
0x211: {  	v44 =	vor.u32 v3, v63;
	v30 =	vadd.f32 v60, v30;
	[tilespmem:s7+$0xFFFFFDE0] =	vst v31  }
0x212: {  	v45 =	vor.u32 v4, v63;
	[tilespmem:s7+$0xFFFFFDC0] =	vst v14;
	v2 =	vadd.f32 v42, v2  }
0x213: {  	v36 =	vor.u32 v5, v63;
	[tilespmem:s7+$0xFFFFFDD0] =	vst v30  }
0x214: {  	v23 =	vimm.s32 $0x5;
	v46 =	vor.u32 v6, v63;
	[tilespmem:s7+$0xFFFFFDF0] =	vst v2  }
0x215: {  	v48 =	vperm.xlane v29, v23;
	v47 =	vor.u32 v7, v63;
	v34 =	vld.idx.msk [tilespmem:v43+s18+$0x0], $0xffff  }
0x216: {  	v49 =	vor.u32 v8, v63;
	v33 =	vld.idx.msk [tilespmem:v44+s18+$0x0], $0xffff  }
0x217: {  	v35 =	vor.u32 v9, v63;
	v39 =	vshll.u32 v48, $0x7;
	v32 =	vld.idx.msk [tilespmem:v45+s18+$0x0], $0xffff  }
0x218: {  	v50 =	vor.u32 v1, v39;
	v36 =	vld.idx.msk [tilespmem:v36+s18+$0x0], $0xffff  }
0x219: {  	v51 =	vor.u32 v3, v39;
	v37 =	vld.idx.msk [tilespmem:v46+s18+$0x0], $0xffff  }
0x21a: {  	v52 =	vor.u32 v4, v39;
	v38 =	vld.idx.msk [tilespmem:v47+s18+$0x0], $0xffff  }
0x21b: {  	v53 =	vor.u32 v5, v39;
	v40 =	vld.idx.msk [tilespmem:v49+s18+$0x0], $0xffff  }
0x21c: {  	v23 =	vimm.s32 $0x6;
	v54 =	vor.u32 v6, v39;
	v35 =	vld.idx.msk [tilespmem:v35+s18+$0x0], $0xffff  }
0x21d: {  	v56 =	vperm.xlane v29, v23;
	v55 =	vor.u32 v7, v39;
	v41 =	vld.idx.msk [tilespmem:v50+s18+$0x0], $0xffff  }
0x21e: {  	v57 =	vor.u32 v8, v39;
	v42 =	vld.idx.msk [tilespmem:v51+s18+$0x0], $0xffff  }
0x21f: {  	v39 =	vor.u32 v9, v39;
	v43 =	vld.idx.msk [tilespmem:v52+s18+$0x0], $0xffff;
	v47 =	vshll.u32 v56, $0x7  }
0x220: {  	v44 =	vld.idx.msk [tilespmem:v53+s18+$0x0], $0xffff;
	v58 =	vor.u32 v1, v47  }
0x221: {  	v45 =	vld.idx.msk [tilespmem:v54+s18+$0x0], $0xffff;
	v59 =	vor.u32 v3, v47  }
0x222: {  	v46 =	vld.idx.msk [tilespmem:v55+s18+$0x0], $0xffff;
	v51 =	vor.u32 v4, v47  }
0x223: {  	v48 =	vld.idx.msk [tilespmem:v57+s18+$0x0], $0xffff;
	v63 =	vor.u32 v5, v47  }
0x224: {  	v21 =	vimm.s32 $0x7;
	v39 =	vld.idx.msk [tilespmem:v39+s18+$0x0], $0xffff;
	v60 =	vor.u32 v6, v47  }
0x225: {  	v62 =	vperm.xlane v29, v21;
	v61 =	vor.u32 v7, v47;
	v49 =	vld.idx.msk [tilespmem:v58+s18+$0x0], $0xffff  }
0x226: {  	v56 =	vor.u32 v8, v47;
	v50 =	vld.idx.msk [tilespmem:v59+s18+$0x0], $0xffff  }
0x227: {  	v55 =	vshll.u32 v62, $0x7;
	v47 =	vor.u32 v9, v47;
	v51 =	vld.idx.msk [tilespmem:v51+s18+$0x0], $0xffff  }
0x228: {  	v57 =	vor.u32 v1, v55;
	v52 =	vld.idx.msk [tilespmem:v63+s18+$0x0], $0xffff  }
0x229: {  	v62 =	vor.u32 v6, v55;
	v53 =	vld.idx.msk [tilespmem:v60+s18+$0x0], $0xffff;
	v58 =	vor.u32 v3, v55  }
0x22a: {  	v34 =	vsub.f32 v34, v10;
	v32 =	vsub.f32 v32, v12;
	v59 =	vperm.xlane v28, v22;
	v54 =	vld.idx.msk [tilespmem:v61+s18+$0x0], $0xffff  }
0x22b: {  	v33 =	vsub.f32 v33, v11;
	v36 =	vsub.f32 v36, v13;
	v60 =	vor.u32 v4, v55;
	v56 =	vld.idx.msk [tilespmem:v56+s18+$0x0], $0xffff  }
0x22c: {  	v61 =	vor.u32 v5, v55;
	v47 =	vld.idx.msk [tilespmem:v47+s18+$0x0], $0xffff;
	v34 =	vmul.f32 v59, v34;
	v32 =	vmul.f32 v59, v32  }
0x22d: {  	v35 =	vsub.f32 v35, v2;
	v57 =	vld.idx.msk [tilespmem:v57+s18+$0x0], $0xffff;
	v63 =	vor.u32 v7, v55;
	v33 =	vmul.f32 v59, v33  }
0x22e: {  	v10 =	vadd.f32 v34, v10;
	v12 =	vadd.f32 v32, v12;
	v34 =	vld.idx.msk [tilespmem:v58+s18+$0x0], $0xffff;
	v58 =	vor.u32 v8, v55  }
0x22f: {  	v32 =	vmul.f32 v59, v36;
	v36 =	vsub.f32 v38, v30;
	v38 =	vld.idx.msk [tilespmem:v62+s18+$0x0], $0xffff;
	v55 =	vor.u32 v9, v55  }
0x230: {  	v40 =	vsub.f32 v40, v31;
	v60 =	vld.idx.msk [tilespmem:v60+s18+$0x0], $0xffff  }
0x231: {  	v35 =	vmul.f32 v59, v35;
	v11 =	vadd.f32 v33, v11;
	v33 =	vsub.f32 v37, v14;
	v37 =	vld.idx.msk [tilespmem:v61+s18+$0x0], $0xffff  }
0x232: {  	v61 =	vld.idx.msk [tilespmem:v63+s18+$0x0], $0xffff  }
0x233: {  	v2 =	vadd.f32 v35, v2;
	v63 =	vmul.f32 v59, v40;
	v58 =	vld.idx.msk [tilespmem:v58+s18+$0x0], $0xffff  }
0x234: {  	v22 =	vimm.s32 $0x5;
	v33 =	vmul.f32 v59, v33;
	v13 =	vadd.f32 v32, v13;
	v40 =	vld.idx.msk [tilespmem:v55+s18+$0x0], $0xffff;
	[tilespmem:s7+$0xFFFFFE00] =	vst v10  }
0x235: {  	v36 =	vmul.f32 v59, v36;
	v59 =	vsub.f32 v42, v11;
	v31 =	vadd.f32 v63, v31;
	[tilespmem:s7+$0xFFFFFE10] =	vst v11  }
0x236: {  	v62 =	vperm.xlane v28, v22;
	v63 =	vsub.f32 v43, v12;
	v14 =	vadd.f32 v33, v14;
	[tilespmem:s7+$0xFFFFFE20] =	vst v12  }
0x237: {  	v22 =	vimm.s32 $0x8;
	v41 =	vsub.f32 v41, v10;
	v30 =	vadd.f32 v36, v30;
	[tilespmem:s7+$0xFFFFFE30] =	vst v13  }
0x238: {  	v44 =	vsub.f32 v44, v13;
	v32 =	vmul.f32 v62, v59;
	v33 =	vmul.f32 v62, v63;
	[tilespmem:s7+$0xFFFFFE40] =	vst v14  }
0x239: {  	v63 =	vsub.f32 v48, v31;
	v48 =	vsub.f32 v39, v2;
	v55 =	vmul.f32 v62, v41;
	[tilespmem:s7+$0xFFFFFE50] =	vst v30  }
0x23a: {  	v59 =	vsub.f32 v46, v30;
	v35 =	vmul.f32 v62, v44;
	v11 =	vadd.f32 v32, v11;
	[tilespmem:s7+$0xFFFFFE60] =	vst v31  }
0x23b: {  	[tilespmem:s7+$0xFFFFFE70] =	vst v2;
	v12 =	vadd.f32 v33, v12;
	v46 =	vmul.f32 v62, v63;
	v33 =	vperm.xlane v28, v23  }
0x23c: {  	v32 =	vmul.f32 v62, v48;
	v10 =	vadd.f32 v55, v10;
	v55 =	vsub.f32 v45, v14;
	[tilespmem:s7+$0xFFFFFE90] =	vst v11  }
0x23d: {  	v45 =	vmul.f32 v62, v59;
	v13 =	vadd.f32 v35, v13;
	v50 =	vsub.f32 v50, v11;
	[tilespmem:s7+$0xFFFFFEA0] =	vst v12  }
0x23e: {  	v48 =	vperm.xlane v28, v21;
	v31 =	vadd.f32 v46, v31;
	v2 =	vadd.f32 v32, v2;
	[tilespmem:s7+$0xFFFFFE80] =	vst v10  }
0x23f: {  	v44 =	vmul.f32 v62, v55;
	v30 =	vadd.f32 v45, v30;
	v49 =	vsub.f32 v49, v10;
	[tilespmem:s7+$0xFFFFFEB0] =	vst v13  }
0x240: {  	v55 =	vsub.f32 v51, v12;
	v59 =	vsub.f32 v52, v13;
	v36 =	vmul.f32 v33, v50;
	[tilespmem:s7+$0xFFFFFEE0] =	vst v31  }
0x241: {  	[tilespmem:s7+$0xFFFFFEF0] =	vst v2;
	v46 =	vsub.f32 v56, v31;
	v14 =	vadd.f32 v44, v14;
	v35 =	vmul.f32 v33, v49  }
0x242: {  	v63 =	vmul.f32 v33, v55;
	[tilespmem:s7+$0xFFFFFED0] =	vst v30;
	v11 =	vadd.f32 v36, v11;
	v45 =	vsub.f32 v54, v30  }
0x243: {  	v47 =	vsub.f32 v47, v2;
	v43 =	vmul.f32 v33, v59;
	[tilespmem:s7+$0xFFFFFEC0] =	vst v14;
	v10 =	vadd.f32 v35, v10  }
0x244: {  	v62 =	vsub.f32 v53, v14;
	v12 =	vadd.f32 v63, v12;
	[tilespmem:s7+$0xFFFFFF10] =	vst v11;
	v32 =	vmul.f32 v33, v45  }
0x245: {  	v59 =	vperm.xlane v29, v22;
	v13 =	vadd.f32 v43, v13;
	v35 =	vmul.f32 v33, v46;
	[tilespmem:s7+$0xFFFFFF00] =	vst v10  }
0x246: {  	v34 =	vsub.f32 v34, v11;
	v44 =	vmul.f32 v33, v62;
	[tilespmem:s7+$0xFFFFFF20] =	vst v12;
	v30 =	vadd.f32 v32, v30  }
0x247: {  	v49 =	vsub.f32 v57, v10;
	v33 =	vmul.f32 v33, v47;
	[tilespmem:s7+$0xFFFFFF30] =	vst v13;
	v31 =	vadd.f32 v35, v31  }
0x248: {  	v51 =	vsub.f32 v60, v12;
	v52 =	vmul.f32 v48, v34;
	v14 =	vadd.f32 v44, v14;
	[tilespmem:s7+$0xFFFFFF50] =	vst v30  }
0x249: {  	v54 =	vsub.f32 v37, v13;
	v50 =	vmul.f32 v48, v49;
	v2 =	vadd.f32 v33, v2;
	[tilespmem:s7+$0xFFFFFF60] =	vst v31  }
0x24a: {  	v53 =	vmul.f32 v48, v51;
	v11 =	vadd.f32 v52, v11;
	v57 =	vsub.f32 v61, v30;
	[tilespmem:s7+$0xFFFFFF40] =	vst v14  }
0x24b: {  	v56 =	vmul.f32 v48, v54;
	v35 =	vsub.f32 v58, v31;
	v10 =	vadd.f32 v50, v10;
	[tilespmem:s7+$0xFFFFFF70] =	vst v2  }
0x24c: {  	v55 =	vsub.f32 v38, v14;
	v12 =	vadd.f32 v53, v12;
	[tilespmem:s7+$0xFFFFFF90] =	vst v11;
	v60 =	vmul.f32 v48, v57  }
0x24d: {  	v13 =	vadd.f32 v56, v13;
	v61 =	vsub.f32 v40, v2;
	v62 =	vmul.f32 v48, v35;
	[tilespmem:s7+$0xFFFFFF80] =	vst v10  }
0x24e: {  	v63 =	vshll.u32 v59, $0x7;
	v33 =	vmul.f32 v48, v55;
	[tilespmem:s7+$0xFFFFFFA0] =	vst v12;
	v30 =	vadd.f32 v60, v30  }
0x24f: {  	v43 =	vor.u32 v1, v63;
	[tilespmem:s7+$0xFFFFFFB0] =	vst v13;
	v42 =	vmul.f32 v48, v61;
	v31 =	vadd.f32 v62, v31  }
0x250: {  	v44 =	vor.u32 v3, v63;
	v14 =	vadd.f32 v33, v14;
	[tilespmem:s7+$0xFFFFFFD0] =	vst v30  }
0x251: {  	v45 =	vor.u32 v4, v63;
	v2 =	vadd.f32 v42, v2;
	[tilespmem:s7+$0xFFFFFFE0] =	vst v31  }
0x252: {  	v36 =	vor.u32 v5, v63;
	[tilespmem:s7+$0xFFFFFFC0] =	vst v14  }
0x253: {  	v23 =	vimm.s32 $0x9;
	v46 =	vor.u32 v6, v63;
	[tilespmem:s7+$0xFFFFFFF0] =	vst v2  }
0x254: {  	v47 =	vor.u32 v7, v63;
	v48 =	vperm.xlane v29, v23;
	v34 =	vld.idx.msk [tilespmem:v43+s18+$0x0], $0xffff  }
0x255: {  	v49 =	vor.u32 v8, v63;
	v33 =	vld.idx.msk [tilespmem:v44+s18+$0x0], $0xffff  }
0x256: {  	v35 =	vor.u32 v9, v63;
	v39 =	vshll.u32 v48, $0x7;
	v32 =	vld.idx.msk [tilespmem:v45+s18+$0x0], $0xffff  }
0x257: {  	v50 =	vor.u32 v1, v39;
	v36 =	vld.idx.msk [tilespmem:v36+s18+$0x0], $0xffff  }
0x258: {  	v51 =	vor.u32 v3, v39;
	v37 =	vld.idx.msk [tilespmem:v46+s18+$0x0], $0xffff  }
0x259: {  	v52 =	vor.u32 v4, v39;
	v38 =	vld.idx.msk [tilespmem:v47+s18+$0x0], $0xffff  }
0x25a: {  	v53 =	vor.u32 v5, v39;
	v40 =	vld.idx.msk [tilespmem:v49+s18+$0x0], $0xffff  }
0x25b: {  	v54 =	vor.u32 v6, v39;
	v35 =	vld.idx.msk [tilespmem:v35+s18+$0x0], $0xffff  }
0x25c: {  	v56 =	vperm.xlane v29, v15;
	v55 =	vor.u32 v7, v39;
	v41 =	vld.idx.msk [tilespmem:v50+s18+$0x0], $0xffff  }
0x25d: {  	v57 =	vor.u32 v8, v39;
	v42 =	vld.idx.msk [tilespmem:v51+s18+$0x0], $0xffff  }
0x25e: {  	v39 =	vor.u32 v9, v39;
	v47 =	vshll.u32 v56, $0x7;
	v43 =	vld.idx.msk [tilespmem:v52+s18+$0x0], $0xffff  }
0x25f: {  	v58 =	vor.u32 v1, v47;
	v44 =	vld.idx.msk [tilespmem:v53+s18+$0x0], $0xffff  }
0x260: {  	v59 =	vor.u32 v3, v47;
	v45 =	vld.idx.msk [tilespmem:v54+s18+$0x0], $0xffff  }
0x261: {  	v63 =	vor.u32 v5, v47;
	v46 =	vld.idx.msk [tilespmem:v55+s18+$0x0], $0xffff  }
0x262: {  	v60 =	vor.u32 v6, v47;
	v48 =	vld.idx.msk [tilespmem:v57+s18+$0x0], $0xffff  }
0x263: {  	v61 =	vor.u32 v7, v47;
	v39 =	vld.idx.msk [tilespmem:v39+s18+$0x0], $0xffff  }
0x264: {  	v62 =	vperm.xlane v29, v16;
	v56 =	vor.u32 v8, v47;
	v49 =	vld.idx.msk [tilespmem:v58+s18+$0x0], $0xffff  }
0x265: {  	v51 =	vor.u32 v4, v47;
	v50 =	vld.idx.msk [tilespmem:v59+s18+$0x0], $0xffff  }
0x266: {  	v47 =	vor.u32 v9, v47;
	v55 =	vshll.u32 v62, $0x7;
	v52 =	vld.idx.msk [tilespmem:v63+s18+$0x0], $0xffff  }
0x267: {  	v57 =	vor.u32 v1, v55;
	v53 =	vld.idx.msk [tilespmem:v60+s18+$0x0], $0xffff  }
0x268: {  	v62 =	vor.u32 v6, v55;
	v58 =	vor.u32 v3, v55;
	v54 =	vld.idx.msk [tilespmem:v61+s18+$0x0], $0xffff  }
0x269: {  	v34 =	vsub.f32 v34, v10;
	v32 =	vsub.f32 v32, v12;
	v59 =	vperm.xlane v28, v22;
	v56 =	vld.idx.msk [tilespmem:v56+s18+$0x0], $0xffff  }
0x26a: {  	v33 =	vsub.f32 v33, v11;
	v36 =	vsub.f32 v36, v13;
	v60 =	vor.u32 v4, v55;
	v51 =	vld.idx.msk [tilespmem:v51+s18+$0x0], $0xffff  }
0x26b: {  	v61 =	vor.u32 v5, v55;
	v34 =	vmul.f32 v59, v34;
	v47 =	vld.idx.msk [tilespmem:v47+s18+$0x0], $0xffff;
	v32 =	vmul.f32 v59, v32  }
0x26c: {  	v35 =	vsub.f32 v35, v2;
	v63 =	vor.u32 v7, v55;
	v33 =	vmul.f32 v59, v33;
	v57 =	vld.idx.msk [tilespmem:v57+s18+$0x0], $0xffff  }
0x26d: {  	v10 =	vadd.f32 v34, v10;
	v12 =	vadd.f32 v32, v12;
	v34 =	vld.idx.msk [tilespmem:v58+s18+$0x0], $0xffff;
	v58 =	vor.u32 v8, v55  }
0x26e: {  	v32 =	vmul.f32 v59, v36;
	v36 =	vsub.f32 v38, v30;
	v38 =	vld.idx.msk [tilespmem:v62+s18+$0x0], $0xffff;
	v55 =	vor.u32 v9, v55  }
0x26f: {  	v40 =	vsub.f32 v40, v31;
	v60 =	vld.idx.msk [tilespmem:v60+s18+$0x0], $0xffff  }
0x270: {  	v35 =	vmul.f32 v59, v35;
	v11 =	vadd.f32 v33, v11;
	v33 =	vsub.f32 v37, v14;
	v37 =	vld.idx.msk [tilespmem:v61+s18+$0x0], $0xffff  }
0x271: {  	v61 =	vld.idx.msk [tilespmem:v63+s18+$0x0], $0xffff  }
0x272: {  	v62 =	vperm.xlane v28, v23;
	v2 =	vadd.f32 v35, v2;
	v63 =	vmul.f32 v59, v40;
	v58 =	vld.idx.msk [tilespmem:v58+s18+$0x0], $0xffff  }
0x273: {  	v33 =	vmul.f32 v59, v33;
	v41 =	vsub.f32 v41, v10;
	v40 =	vld.idx.msk [tilespmem:v55+s18+$0x0], $0xffff;
	[tilespmem:s7+$0x0] =	vst v10  }
0x274: {  	v36 =	vmul.f32 v59, v36;
	v13 =	vadd.f32 v32, v13;
	v42 =	vsub.f32 v42, v11;
	[tilespmem:s7+$0x10] =	vst v11  }
0x275: {  	v31 =	vadd.f32 v63, v31;
	v14 =	vadd.f32 v33, v14;
	v41 =	vmul.f32 v62, v41;
	[tilespmem:s7+$0x20] =	vst v12  }
0x276: {  	v30 =	vadd.f32 v36, v30;
	v33 =	vsub.f32 v43, v12;
	[tilespmem:s7+$0x30] =	vst v13  }
0x277: {  	v32 =	vmul.f32 v62, v42;
	v10 =	vadd.f32 v41, v10;
	v55 =	vsub.f32 v44, v13;
	[tilespmem:s7+$0x40] =	vst v14  }
0x278: {  	v59 =	vsub.f32 v45, v14;
	v63 =	vsub.f32 v46, v30;
	v33 =	vmul.f32 v62, v33;
	[tilespmem:s7+$0x50] =	vst v30  }
0x279: {  	v45 =	vsub.f32 v48, v31;
	v11 =	vadd.f32 v32, v11;
	[tilespmem:s7+$0x60] =	vst v31;
	v35 =	vmul.f32 v62, v55  }
0x27a: {  	[tilespmem:s7+$0x70] =	vst v2;
	v46 =	vmul.f32 v62, v59;
	v48 =	vmul.f32 v62, v63;
	v12 =	vadd.f32 v33, v12  }
0x27b: {  	v55 =	vmul.f32 v62, v45;
	[tilespmem:s7+$0x80] =	vst v10;
	v59 =	vsub.f32 v39, v2;
	v45 =	vsub.f32 v49, v10  }
0x27c: {  	[tilespmem:s7+$0x90] =	vst v11;
	v13 =	vadd.f32 v35, v13;
	v14 =	vadd.f32 v46, v14  }
0x27d: {  	v63 =	vperm.xlane v28, v15;
	v30 =	vadd.f32 v48, v30;
	v31 =	vadd.f32 v55, v31;
	[tilespmem:s7+$0xA0] =	vst v12  }
0x27e: {  	v46 =	vsub.f32 v50, v11;
	v32 =	vmul.f32 v62, v59;
	v48 =	vsub.f32 v51, v12;
	[tilespmem:s7+$0xB0] =	vst v13  }
0x27f: {  	v35 =	vmul.f32 v63, v45;
	v59 =	vperm.xlane v28, v16;
	v49 =	vsub.f32 v52, v13;
	[tilespmem:s7+$0xC0] =	vst v14  }
0x280: {  	v36 =	vmul.f32 v63, v46;
	v50 =	vsub.f32 v53, v14;
	v2 =	vadd.f32 v32, v2;
	[tilespmem:s7+$0xD0] =	vst v30  }
0x281: {  	v51 =	vmul.f32 v63, v48;
	v10 =	vadd.f32 v35, v10;
	[tilespmem:s7+$0xE0] =	vst v31;
	v54 =	vsub.f32 v54, v30  }
0x282: {  	v55 =	vsub.f32 v56, v31;
	v52 =	vmul.f32 v63, v49;
	v11 =	vadd.f32 v36, v11;
	[tilespmem:s7+$0xF0] =	vst v2  }
0x283: {  	v48 =	vperm.xlane v29, v17;
	v53 =	vmul.f32 v63, v50;
	v12 =	vadd.f32 v51, v12;
	[tilespmem:s7+$0x100] =	vst v10  }
0x284: {  	v56 =	vsub.f32 v47, v2;
	v32 =	vmul.f32 v63, v54;
	v13 =	vadd.f32 v52, v13;
	[tilespmem:s7+$0x110] =	vst v11  }
0x285: {  	v62 =	vsub.f32 v57, v10;
	v35 =	vmul.f32 v63, v55;
	v14 =	vadd.f32 v53, v14;
	[tilespmem:s7+$0x120] =	vst v12  }
0x286: {  	v33 =	vmul.f32 v63, v56;
	v34 =	vsub.f32 v34, v11;
	v30 =	vadd.f32 v32, v30;
	[tilespmem:s7+$0x130] =	vst v13  }
0x287: {  	v63 =	vmul.f32 v59, v62;
	v41 =	vsub.f32 v60, v12;
	v31 =	vadd.f32 v35, v31;
	[tilespmem:s7+$0x140] =	vst v14  }
0x288: {  	v2 =	vadd.f32 v33, v2;
	v42 =	vmul.f32 v59, v34;
	[tilespmem:s7+$0x150] =	vst v30;
	v44 =	vsub.f32 v37, v13  }
0x289: {  	v10 =	vadd.f32 v63, v10;
	v43 =	vmul.f32 v59, v41;
	[tilespmem:s7+$0x160] =	vst v31;
	v45 =	vsub.f32 v38, v14  }
0x28a: {  	v47 =	vsub.f32 v61, v30;
	v11 =	vadd.f32 v42, v11;
	[tilespmem:s7+$0x170] =	vst v2;
	v46 =	vmul.f32 v59, v44  }
0x28b: {  	v35 =	vsub.f32 v58, v31;
	v12 =	vadd.f32 v43, v12;
	[tilespmem:s7+$0x180] =	vst v10;
	v33 =	vmul.f32 v59, v45  }
0x28c: {  	v49 =	vmul.f32 v59, v47;
	v50 =	vsub.f32 v40, v2;
	[tilespmem:s7+$0x190] =	vst v11;
	v13 =	vadd.f32 v46, v13  }
0x28d: {  	v52 =	vshll.u32 v48, $0x7;
	v51 =	vmul.f32 v59, v35;
	[tilespmem:s7+$0x1A0] =	vst v12;
	v14 =	vadd.f32 v33, v14  }
0x28e: {  	v54 =	vor.u32 v1, v52;
	v30 =	vadd.f32 v49, v30;
	v53 =	vmul.f32 v59, v50;
	[tilespmem:s7+$0x1B0] =	vst v13  }
0x28f: {  	v55 =	vor.u32 v3, v52;
	v31 =	vadd.f32 v51, v31;
	[tilespmem:s7+$0x1C0] =	vst v14  }
0x290: {  	v56 =	vor.u32 v4, v52;
	[tilespmem:s7+$0x1D0] =	vst v30;
	v2 =	vadd.f32 v53, v2  }
0x291: {  	v36 =	vor.u32 v5, v52;
	[tilespmem:s7+$0x1E0] =	vst v31  }
0x292: {  	v57 =	vor.u32 v6, v52;
	[tilespmem:s7+$0x1F0] =	vst v2  }
0x293: {  	v58 =	vor.u32 v7, v52;
	v59 =	vperm.xlane v29, v18;
	v34 =	vld.idx.msk [tilespmem:v54+s18+$0x0], $0xffff  }
0x294: {  	v60 =	vor.u32 v8, v52;
	v33 =	vld.idx.msk [tilespmem:v55+s18+$0x0], $0xffff  }
0x295: {  	v35 =	vor.u32 v9, v52;
	v39 =	vshll.u32 v59, $0x7;
	v32 =	vld.idx.msk [tilespmem:v56+s18+$0x0], $0xffff  }
0x296: {  	v61 =	vor.u32 v1, v39;
	v36 =	vld.idx.msk [tilespmem:v36+s18+$0x0], $0xffff  }
0x297: {  	v62 =	vor.u32 v3, v39;
	v37 =	vld.idx.msk [tilespmem:v57+s18+$0x0], $0xffff  }
0x298: {  	v63 =	vor.u32 v4, v39;
	v38 =	vld.idx.msk [tilespmem:v58+s18+$0x0], $0xffff  }
0x299: {  	v52 =	vor.u32 v5, v39;
	v40 =	vld.idx.msk [tilespmem:v60+s18+$0x0], $0xffff  }
0x29a: {  	v53 =	vor.u32 v6, v39;
	v35 =	vld.idx.msk [tilespmem:v35+s18+$0x0], $0xffff  }
0x29b: {  	v54 =	vor.u32 v7, v39;
	v55 =	vperm.xlane v29, v19;
	v41 =	vld.idx.msk [tilespmem:v61+s18+$0x0], $0xffff  }
0x29c: {  	v56 =	vor.u32 v8, v39;
	v42 =	vld.idx.msk [tilespmem:v62+s18+$0x0], $0xffff  }
0x29d: {  	v39 =	vor.u32 v9, v39;
	v47 =	vshll.u32 v55, $0x7;
	v43 =	vld.idx.msk [tilespmem:v63+s18+$0x0], $0xffff  }
0x29e: {  	v44 =	vld.idx.msk [tilespmem:v52+s18+$0x0], $0xffff;
	v57 =	vor.u32 v1, v47  }
0x29f: {  	v45 =	vld.idx.msk [tilespmem:v53+s18+$0x0], $0xffff;
	v58 =	vor.u32 v3, v47  }
0x2a0: {  	v59 =	vor.u32 v4, v47;
	v46 =	vld.idx.msk [tilespmem:v54+s18+$0x0], $0xffff  }
0x2a1: {  	v62 =	vor.u32 v5, v47;
	v48 =	vld.idx.msk [tilespmem:v56+s18+$0x0], $0xffff  }
0x2a2: {  	v63 =	vor.u32 v6, v47;
	v39 =	vld.idx.msk [tilespmem:v39+s18+$0x0], $0xffff  }
0x2a3: {  	v29 =	vperm.xlane v29, v20;
	v60 =	vor.u32 v7, v47;
	v49 =	vld.idx.msk [tilespmem:v57+s18+$0x0], $0xffff  }
0x2a4: {  	v61 =	vor.u32 v8, v47;
	v50 =	vld.idx.msk [tilespmem:v58+s18+$0x0], $0xffff  }
0x2a5: {  	v29 =	vshll.u32 v29, $0x7;
	v47 =	vor.u32 v9, v47;
	v51 =	vld.idx.msk [tilespmem:v59+s18+$0x0], $0xffff  }
0x2a6: {  	v56 =	vor.u32 v1, v29;
	v52 =	vld.idx.msk [tilespmem:v62+s18+$0x0], $0xffff  }
0x2a7: {  	v53 =	vld.idx.msk [tilespmem:v63+s18+$0x0], $0xffff;
	v57 =	vor.u32 v3, v29  }
0x2a8: {  	v54 =	vld.idx.msk [tilespmem:v60+s18+$0x0], $0xffff;
	v58 =	vor.u32 v4, v29  }
0x2a9: {  	v34 =	vsub.f32 v34, v10;
	v55 =	vld.idx.msk [tilespmem:v61+s18+$0x0], $0xffff;
	v59 =	vor.u32 v5, v29;
	v60 =	vperm.xlane v28, v17  }
0x2aa: {  	v47 =	vld.idx.msk [tilespmem:v47+s18+$0x0], $0xffff;
	v61 =	vor.u32 v6, v29  }
0x2ab: {  	v62 =	vor.u32 v7, v29;
	v56 =	vld.idx.msk [tilespmem:v56+s18+$0x0], $0xffff;
	v34 =	vmul.f32 v60, v34  }
0x2ac: {  	v33 =	vsub.f32 v33, v11;
	v32 =	vsub.f32 v32, v12;
	v63 =	vor.u32 v8, v29;
	v57 =	vld.idx.msk [tilespmem:v57+s18+$0x0], $0xffff  }
0x2ad: {  	v29 =	vor.u32 v9, v29;
	v10 =	vadd.f32 v34, v10;
	v34 =	vld.idx.msk [tilespmem:v58+s18+$0x0], $0xffff  }
0x2ae: {  	v36 =	vsub.f32 v36, v13;
	v33 =	vmul.f32 v60, v33;
	v32 =	vmul.f32 v60, v32;
	v58 =	vld.idx.msk [tilespmem:v59+s18+$0x0], $0xffff  }
0x2af: {  	v37 =	vsub.f32 v37, v14;
	v38 =	vsub.f32 v38, v30;
	v59 =	vld.idx.msk [tilespmem:v61+s18+$0x0], $0xffff  }
0x2b0: {  	v11 =	vadd.f32 v33, v11;
	v12 =	vadd.f32 v32, v12;
	v33 =	vmul.f32 v60, v36;
	v32 =	vld.idx.msk [tilespmem:v62+s18+$0x0], $0xffff  }
0x2b1: {  	v36 =	vmul.f32 v60, v37;
	v37 =	vmul.f32 v60, v38;
	v61 =	vld.idx.msk [tilespmem:v63+s18+$0x0], $0xffff;
	v62 =	vsub.f32 v40, v31  }
0x2b2: {  	v29 =	vld.idx.msk [tilespmem:v29+s18+$0x0], $0xffff;
	v63 =	vsub.f32 v35, v2;
	v13 =	vadd.f32 v33, v13;
	[tilespmem:s7+$0x200] =	vst v10  }
0x2b3: {  	v14 =	vadd.f32 v36, v14;
	v30 =	vadd.f32 v37, v30;
	[tilespmem:s7+$0x210] =	vst v11;
	v36 =	vperm.xlane v28, v18  }
0x2b4: {  	[tilespmem:s7+$0x220] =	vst v12;
	v40 =	vmul.f32 v60, v62;
	v33 =	vmul.f32 v60, v63;
	v60 =	vsub.f32 v41, v10  }
0x2b5: {  	v37 =	vperm.xlane v28, v19;
	v62 =	vsub.f32 v42, v11;
	v63 =	vsub.f32 v43, v12;
	[tilespmem:s7+$0x230] =	vst v13  }
0x2b6: {  	[tilespmem:s7+$0x240] =	vst v14;
	v31 =	vadd.f32 v40, v31;
	v2 =	vadd.f32 v33, v2;
	v33 =	vmul.f32 v36, v60  }
0x2b7: {  	v28 =	vperm.xlane v28, v20;
	[tilespmem:s7+$0x250] =	vst v30;
	v41 =	vsub.f32 v46, v30;
	v35 =	vmul.f32 v36, v62  }
0x2b8: {  	v60 =	vsub.f32 v44, v13;
	v63 =	vmul.f32 v36, v63;
	v10 =	vadd.f32 v33, v10;
	[tilespmem:s7+$0x260] =	vst v31  }
0x2b9: {  	v62 =	vsub.f32 v45, v14;
	v44 =	vmul.f32 v36, v41;
	v11 =	vadd.f32 v35, v11;
	[tilespmem:s7+$0x270] =	vst v2  }
0x2ba: {  	v42 =	vmul.f32 v36, v60;
	v12 =	vadd.f32 v63, v12;
	v45 =	vsub.f32 v48, v31;
	[tilespmem:s7+$0x280] =	vst v10  }
0x2bb: {  	v43 =	vmul.f32 v36, v62;
	v48 =	vsub.f32 v39, v2;
	v30 =	vadd.f32 v44, v30;
	[tilespmem:s7+$0x290] =	vst v11  }
0x2bc: {  	v13 =	vadd.f32 v42, v13;
	v46 =	vmul.f32 v36, v45;
	[tilespmem:s7+$0x2A0] =	vst v12;
	v49 =	vsub.f32 v49, v10  }
0x2bd: {  	v14 =	vadd.f32 v43, v14;
	v50 =	vsub.f32 v50, v11;
	v60 =	vmul.f32 v36, v48;
	[tilespmem:s7+$0x2D0] =	vst v30  }
0x2be: {  	v62 =	vsub.f32 v51, v12;
	v31 =	vadd.f32 v46, v31;
	[tilespmem:s7+$0x2B0] =	vst v13;
	v63 =	vmul.f32 v37, v49  }
0x2bf: {  	[tilespmem:s7+$0x2C0] =	vst v14;
	v42 =	vmul.f32 v37, v50;
	v43 =	vsub.f32 v52, v13;
	v2 =	vadd.f32 v60, v2  }
0x2c0: {  	v44 =	vmul.f32 v37, v62;
	v45 =	vsub.f32 v53, v14;
	v10 =	vadd.f32 v63, v10;
	[tilespmem:s7+$0x2E0] =	vst v31  }
0x2c1: {  	v50 =	vsub.f32 v54, v30;
	v11 =	vadd.f32 v42, v11;
	v46 =	vmul.f32 v37, v43;
	[tilespmem:s7+$0x2F0] =	vst v2  }
0x2c2: {  	v12 =	vadd.f32 v44, v12;
	v49 =	vmul.f32 v37, v45;
	v51 =	vsub.f32 v55, v31;
	[tilespmem:s7+$0x300] =	vst v10  }
0x2c3: {  	v52 =	vmul.f32 v37, v50;
	v53 =	vsub.f32 v47, v2;
	v13 =	vadd.f32 v46, v13;
	[tilespmem:s7+$0x310] =	vst v11  }
0x2c4: {  	v14 =	vadd.f32 v49, v14;
	[tilespmem:s7+$0x320] =	vst v12;
	v36 =	vmul.f32 v37, v51;
	v54 =	vsub.f32 v56, v10  }
0x2c5: {  	v30 =	vadd.f32 v52, v30;
	v55 =	vmul.f32 v37, v53;
	v56 =	vsub.f32 v57, v11;
	[tilespmem:s7+$0x330] =	vst v13  }
0x2c6: {  	v34 =	vsub.f32 v34, v12;
	v31 =	vadd.f32 v36, v31;
	[tilespmem:s7+$0x340] =	vst v14;
	v57 =	vmul.f32 v28, v54  }
0x2c7: {  	v2 =	vadd.f32 v55, v2;
	[tilespmem:s7+$0x350] =	vst v30;
	v60 =	vmul.f32 v28, v56;
	v62 =	vsub.f32 v58, v13  }
0x2c8: {  	v63 =	vsub.f32 v59, v14;
	v37 =	vadd.f32 v57, v10;
	[tilespmem:s7+$0x360] =	vst v31;
	v10 =	vmul.f32 v28, v34  }
0x2c9: {  	v32 =	vsub.f32 v32, v30;
	v35 =	vadd.f32 v60, v11;
	[tilespmem:s7+$0x370] =	vst v2;
	v11 =	vmul.f32 v28, v62  }
0x2ca: {  	v36 =	vadd.f32 v10, v12;
	[tilespmem:s7+$0x380] =	vst v37;
	v10 =	vmul.f32 v28, v63;
	v12 =	vsub.f32 v61, v31  }
0x2cb: {  	v33 =	vadd.f32 v11, v13;
	[tilespmem:s7+$0x390] =	vst v35;
	v11 =	vmul.f32 v28, v32;
	v13 =	vsub.f32 v29, v2  }
0x2cc: {  	p0 =	sne.s32 s4, $0x1C0;
	v32 =	vadd.f32 v10, v14;
	[tilespmem:s7+$0x3A0] =	vst v36;
	v10 =	vmul.f32 v28, v12  }
.Ltmp3:
0x2cd: {  	v34 =	vadd.f32 v11, v30;
	v11 =	vmul.f32 v28, v13;
	[tilespmem:s7+$0x3B0] =	vst v33;
	(pc) =	sbr.rel @p0 .LBB2_9-.Ltmp3, $4  }
0x2ce: {  	v31 =	vadd.f32 v10, v31;
	[tilespmem:s7+$0x3C0] =	vst v32  }
0x2cf: {  	v30 =	vadd.f32 v11, v2;
	[tilespmem:s7+$0x3D0] =	vst v34  }
0x2d0: {  	[tilespmem:s7+$0x3E0] =	vst v31  }
0x2d1: {  	s4 =	sadd.s32 $0x40, s4;
	v21 =	vimm.s32 $0x1;
	v48 =	vimm.s32 $0x2;
	[tilespmem:s7+$0x3F0] =	vst v30;
	s7 =	sadd.s32 $0x800, s7  }
0x2d2: {  	s3 =	sadd.s32 $0x1, s3  }
0x2d3: {  	p0 =	sne.s32 s3, $0x8  }
.Ltmp4:
0x2d4: {  	s4 =	sshll.u32 s16, $0x10;
	s5 =	sadd.s32 $0x100, s5;
	(pc) =	sbr.rel @p0 .LBB2_6-.Ltmp4, $4  }
0x2d5: {  	s26 =	sadd.s32 $0x100, s26;
	s28 =	sadd.s32 $0x100, s28;
	s4 =	sadd.s32 s9, s4  }
0x2d6: {  	s1 =	sadd.s32 $0x100, s1;
	s29 =	sadd.s32 $0x100, s29;
	s4 =	sshrl.u32 s4, $0x3  }
0x2d7: {  	s30 =	sadd.s32 $0x100, s30;
	s31 =	sadd.s32 $0x100, s31;
	s4 =	sadd.s32 s2, s4  }
0x2d8: {  	[hbm4b:s4+s11] =	stream.strided.scatter [tilespmem:s21], [sflag:$0x4], $0x4000, s12, s11, $0x38;
	[tilespmem:$0x12880] =	vst v63  }
0x2d9: {  	s24 =	sadd.s32 $0x1, s24  }
0x2da: {  	_ =	swait.ge [sflag:s22], $0x4000;
	p0 =	sne.s32 s24, s10  }
.Ltmp5:
0x2db: {  	[sflag:s22] =	ssyncset.done $0x0;
	(pc) =	sbr.rel @p0 .LBB2_1-.Ltmp5, $4  }
0x2dc: {  	[sflag:s22] =	ssyncadd.s32 $0xFFFFC000  }
0x2dd: {  	_ =	swait.ge [sflag:s23], $0x4000  }
0x2de: {  	[sflag:s23] =	ssyncset.done $0x0  }
0x2df: {  	[sflag:s23] =	ssyncadd.s32 $0xFFFFC000  }
0x2e0: {  	_ =	sfence.sel $0x180000  }
0x2e1: {  	[bflag:$0x0] =	sbarrier.arrive $0xFFFF  }
0x2e2: {  	_ =	strace $0x90000047  }
0x2e3: {  	s0 =	stileid.u32;
	[bflag:$0x2] =	sbarrier.arrive $0xFFFF  }
0x2e4: {  	p0 =	sne.s32 s0, $0x0;
	s0 =	rddreg [dreg:$0x4]  }
0x2e5: {  	s0 =	sadd.s32 @!p0 $0x100000, s0  }
0x2e6: {  	[sflag:s0] =	ssyncadd.tile.s32 @!p0 $0x1;
	_ =	shalt  }
.Lfunc_end2:
_tile_overlayer_lowered:
.L_overlay_start_2:
0x2e7: {  	(tag) =	ssettag $0x2  }
0x2e8: {  	s0 =	rddreg [dreg:$0x0];
	s2 =	stileid.u32  }
0x2e9: {  	s1 =	rddreg [dreg:$0x1];
	p0 =	sne.s32 s2, $0x0  }
0x2ea: {  	s3 =	rddreg [dreg:$0x2];
	[bflag:$0x3] =	sbarrier.arrive $0xFFFF;
	s2 =	simm.s32 @!p0 $0x1C05  }
0x2eb: {  	[timem:s3], [sflag:s2] =	dma.local @!p0 [hbm:s0], s1  }
0x2ec: {  	s0 =	simm.s32 @!p0 $0x5  }
0x2ed: {  	_ =	swait.ge @!p0 [sflag:s0], s1  }
0x2ee: {  	s1 =	ssub.s32 @!p0 $0x0, s1;
	[sflag:s0] =	ssyncset.done @!p0 $0x0  }
0x2ef: {  	[sflag:s0] =	ssyncadd.s32 @!p0 s1  }
0x2f0: {  	[bflag:$0x3] =	sbarrier.arrive $0xFFFF  }
0x2f1: {  	_ =	shalt  }

</sc_bundles>
